<compile_context>
chip_gen: v7x
topology: tpu7x:2x2x1
jax: 0.10.2.dev20260603
libtpu: 0.0.44.dev20260713+nightly
codegen_flags: <defaults>
</compile_context>

<pallas_src>
import functools

import jax
import jax.numpy as jnp
from jax import lax
from jax.experimental import pallas as pl
from jax.experimental.pallas import tpu as pltpu
from jax.experimental.pallas import tpu_sc as plsc

NQ = 4
K = 8192
D = 256
TOK = 16 * 576
T = 1024
KT = 2048
_HI = jax.lax.Precision.HIGHEST


def _compute_c2(cb_ref, c2_ref):
    ones = jnp.ones((1, D), jnp.float32)
    for t in range(K // KT):
        c = cb_ref[t * KT:(t + 1) * KT, :]
        c2_ref[:, t * KT:(t + 1) * KT] = jax.lax.dot_general(
            ones, c * c, (((1,), (1,)), ((), ())), precision=_HI,
            preferred_element_type=jnp.float32)


def _argmin_tiles(res, cb_bf_ref, c2_ref):
    r2 = jnp.sum(res * res, axis=1, keepdims=True)
    rb = (res * jnp.float32(-2.0)).astype(jnp.bfloat16)
    run_min = jnp.full((T, 128), jnp.inf, jnp.float32)
    run_col = jnp.zeros((T, 128), jnp.float32)
    ncol = KT // 128
    for t in range(K // KT):
        cb = cb_bf_ref[t * KT:(t + 1) * KT, :]
        e2 = jax.lax.dot_general(
            rb, cb, (((1,), (1,)), ((), ())),
            preferred_element_type=jnp.float32)
        for c in range(ncol):
            lo = c * 128
            d_c = (r2 + e2[:, lo:lo + 128]) + c2_ref[:, t * KT + lo:t * KT + lo + 128]
            mask = d_c < run_min
            run_min = jnp.minimum(run_min, d_c)
            run_col = jnp.where(mask, jnp.float32(t * ncol + c), run_col)
    m = jnp.min(run_min, axis=1, keepdims=True)
    lane = jax.lax.broadcasted_iota(jnp.int32, (T, 128), 1).astype(jnp.float32)
    kc = run_col * jnp.float32(128.0) + lane
    cand = jnp.min(jnp.where(run_min == m, kc, jnp.float32(1e9)),
                   axis=1, keepdims=True)
    return cand.astype(jnp.int32)


def _dist_first_body(z_ref, cb_bf_ref, cb_ref, idx_ref, c2_ref):
    @pl.when(pl.program_id(0) == 0)
    def _():
        _compute_c2(cb_ref, c2_ref)

    idx_ref[...] = _argmin_tiles(z_ref[...], cb_bf_ref, c2_ref)


def _dist_body(r_ref, q_ref, cb_bf_ref, cb_ref, res_ref, idx_ref, c2_ref):
    @pl.when(pl.program_id(0) == 0)
    def _():
        _compute_c2(cb_ref, c2_ref)

    res = r_ref[...] - q_ref[...]
    res_ref[...] = res
    idx_ref[...] = _argmin_tiles(res, cb_bf_ref, c2_ref)


def _dist_first(zf, cb_bf, cbq):
    return pl.pallas_call(
        _dist_first_body,
        grid=(TOK // T,),
        in_specs=[
            pl.BlockSpec((T, D), lambda i: (i, 0)),
            pl.BlockSpec((K, D), lambda i: (0, 0)),
            pl.BlockSpec((K, D), lambda i: (0, 0)),
        ],
        out_specs=pl.BlockSpec((T, 1), lambda i: (i, 0)),
        out_shape=jax.ShapeDtypeStruct((TOK, 1), jnp.int32),
        scratch_shapes=[pltpu.VMEM((1, K), jnp.float32)],
    )(zf, cb_bf, cbq)


def _dist_next(rprev, qprev, cb_bf, cbq):
    return pl.pallas_call(
        _dist_body,
        grid=(TOK // T,),
        in_specs=[
            pl.BlockSpec((T, D), lambda i: (i, 0)),
            pl.BlockSpec((T, D), lambda i: (i, 0)),
            pl.BlockSpec((K, D), lambda i: (0, 0)),
            pl.BlockSpec((K, D), lambda i: (0, 0)),
        ],
        out_specs=[
            pl.BlockSpec((T, D), lambda i: (i, 0)),
            pl.BlockSpec((T, 1), lambda i: (i, 0)),
        ],
        out_shape=[
            jax.ShapeDtypeStruct((TOK, D), jnp.float32),
            jax.ShapeDtypeStruct((TOK, 1), jnp.int32),
        ],
        scratch_shapes=[pltpu.VMEM((1, K), jnp.float32)],
    )(rprev, qprev, cb_bf, cbq)


def _sc_gather(table, idx):
    info = plsc.get_sparse_core_info()
    nc, ns = info.num_cores, info.num_subcores
    nw = nc * ns
    b_per_w = TOK // nw
    nch = -(-b_per_w // 96)
    ch = b_per_w // nch
    assert ch * nch == b_per_w and ch % 8 == 0 and ch <= 128
    mesh = plsc.VectorSubcoreMesh(core_axis_name="c", subcore_axis_name="s")

    @functools.partial(
        pl.kernel, mesh=mesh,
        out_type=jax.ShapeDtypeStruct((TOK, D), jnp.float32),
        scratch_types=[
            pltpu.VMEM((nch, ch), jnp.int32),
            pltpu.VMEM((b_per_w, D), jnp.float32),
            pltpu.SemaphoreType.DMA,
        ],
    )
    def k(table_hbm, idx_hbm, out_hbm, idx_v, rows_v, sem):
        wid = lax.axis_index("s") * nc + lax.axis_index("c")
        base = wid * b_per_w
        copies = []
        for j in range(nch):
            pltpu.sync_copy(idx_hbm.at[pl.ds(base + j * ch, ch)], idx_v.at[j])
            copies.append(pltpu.async_copy(
                table_hbm.at[idx_v.at[j]], rows_v.at[pl.ds(j * ch, ch)], sem))
        for c in copies:
            c.wait()
        pltpu.sync_copy(rows_v, out_hbm.at[pl.ds(base, b_per_w)])

    return k(table, idx)


def _epilogue_body(z_ref, r_ref, q_ref, out_ref, loss_ref):
    i = pl.program_id(0)
    z = z_ref[...]
    res = r_ref[...] - q_ref[...]
    qsum = z - res
    out_ref[...] = z + (qsum - z)
    part = jnp.sum(res * res).reshape(1, 1)

    @pl.when(i == 0)
    def _():
        loss_ref[...] = jnp.zeros((1, 1), jnp.float32)

    loss_ref[...] += part


def _epilogue(zf, r3, q3):
    return pl.pallas_call(
        _epilogue_body,
        grid=(TOK // T,),
        in_specs=[
            pl.BlockSpec((T, D), lambda i: (i, 0)),
            pl.BlockSpec((T, D), lambda i: (i, 0)),
            pl.BlockSpec((T, D), lambda i: (i, 0)),
        ],
        out_specs=[
            pl.BlockSpec((T, D), lambda i: (i, 0)),
            pl.BlockSpec((1, 1), lambda i: (0, 0)),
        ],
        out_shape=[
            jax.ShapeDtypeStruct((TOK, D), jnp.float32),
            jax.ShapeDtypeStruct((1, 1), jnp.float32),
        ],
    )(zf, r3, q3)


def kernel(z, codebooks):
    B, N = z.shape[0], z.shape[1]
    zf = z.reshape(TOK, D)
    cb_bf = codebooks.astype(jnp.bfloat16)

    idxs = []
    rprev = zf
    qprev = None
    for q in range(NQ):
        if q == 0:
            idxq = _dist_first(zf, cb_bf[0], codebooks[0])
        else:
            rprev, idxq = _dist_next(rprev, qprev, cb_bf[q], codebooks[q])
        idxs.append(idxq)
        qprev = _sc_gather(codebooks[q], idxq.reshape(TOK))

    out, losssum = _epilogue(zf, rprev, qprev)
    indices = jnp.concatenate(idxs, axis=1).reshape(B, N, NQ)
    m = losssum[0, 0] / (TOK * D)
    loss = 0.25 * m + m
    return out.reshape(B, N, D), indices, loss

# --- scband reference (transcript-rebuilt; emitter-appended) ---
"""Pipeline reference for scband-rvq-gcn-47072841564920 (READ-ONLY COPY).

The authoritative reference and input builder live on the scoring server;
editing this copy changes nothing except your own understanding.
"""

import jax, jax.numpy as jnp
import numpy as np

NUM_Q = 4
K = 8192
D = 256
B = 16
N = 576


def setup_inputs(seed: int = 0) -> dict:
    key = jax.random.key(seed)
    k1, k2 = jax.random.split(key)
    z = jax.random.normal(k1, (B, N, D), dtype=jnp.float32)
    codebooks = jax.random.normal(k2, (NUM_Q, K, D), dtype=jnp.float32) * 0.02
    return {"z": z, "codebooks": codebooks}


def reference(z, codebooks):
    # Residual vector quantization (Algorithm 1, SoundStream / RVQ).
    # z: [B, N, D] encoder output tokens; codebooks: [NUM_Q, K, D].
    residual = z
    quantized_out = jnp.zeros_like(z)
    all_indices = []
    num_q = codebooks.shape[0]
    for q in range(num_q):
        cb = codebooks[q]  # [K, D]
        # squared euclidean distance: ||r||^2 - 2 r.c + ||c||^2
        dist = (
            jnp.sum(residual ** 2, axis=-1, keepdims=True)
            - 2.0 * jnp.einsum("bnd,kd->bnk", residual, cb)
            + jnp.sum(cb ** 2, axis=-1)[None, None, :]
        )  # [B, N, K]
        idx = jnp.argmin(dist, axis=-1)  # [B, N]
        quant = jnp.take(cb, idx, axis=0)  # gather -> [B, N, D]
        residual = residual - jax.lax.stop_gradient(quant)
        quantized_out = quantized_out + quant
        all_indices.append(idx)
    # straight-through estimator on the summed quantized output
    out = z + jax.lax.stop_gradient(quantized_out - z)
    indices = jnp.stack(all_indices, axis=-1)  # [B, N, NUM_Q]
    # commitment loss (beta) + codebook loss, summed over quantizers implicitly via quantized_out
    beta = 0.25
    commit_loss = beta * jnp.mean((z - jax.lax.stop_gradient(quantized_out)) ** 2)
    codebook_loss = jnp.mean((jax.lax.stop_gradient(z) - quantized_out) ** 2)
    loss = commit_loss + codebook_loss
    return out, indices, loss

if __name__ == "__main__":
    import jax
    _d = setup_inputs()
    print(jax.jit(kernel)(*tuple(_d.values())))

</pallas_src>

<mosaic_0001>
#map = affine_map<(d0, d1) -> (0, 0)>
#map1 = affine_map<(d0, d1) -> (0)>
module attributes {stable_mosaic.version = 14 : i64} {
  func.func @k(%arg0: i32, %arg1: i32, %arg2: memref<8192x256xf32, #tpu.memory_space<hbm>>, %arg3: memref<9216xi32, #tpu.memory_space<hbm>>, %arg4: memref<9216x256xf32, #tpu.memory_space<hbm>>, %arg5: memref<3x96xi32, #tpu.memory_space<vmem>>, %arg6: memref<288x256xf32, #tpu.memory_space<vmem>>, %arg7: memref<!tpu.dma_semaphore, #tpu.memory_space<semaphore_mem>>) attributes {dimension_semantics = [#tpu.dimension_semantics<core_parallel>, #tpu.dimension_semantics<subcore_parallel>], iteration_bounds = array<i64: 2, 16>, scalar_prefetch = 0 : i64, scratch_operands = 3 : i64, tpu.core_type = #tpu.core_type<sc_vector_subcore>, window_params = [{transform_indices = #map}, {transform_indices = #map1}, {transform_indices = #map}]} {
    %mul3A = arith.constant 2 : i32
    %mul3A_0 = arith.muli %arg1, %mul3A : i32
    %add3A = arith.addi %mul3A_0, %arg0 : i32
    %mul3A_1 = arith.constant 288 : i32
    %mul3A_2 = arith.muli %add3A, %mul3A_1 : i32
    %add3A_3 = arith.constant 0 : i32
    %add3A_4 = arith.addi %mul3A_2, %add3A_3 : i32
    %run_scoped3A = arith.constant 0 : i32
    "tpu.region"() ({
      %run_scoped3A_69 = tpu.sem_alloc : memref<!tpu.dma_semaphore, #tpu.memory_space<semaphore_mem>>
      %dma_start3A_70 = arith.constant 0 : i32
      %dma_start3A_71 = tpu.memref_slice %arg5[%run_scoped3A, %dma_start3A_70] : memref<3x96xi32, #tpu.memory_space<vmem>> -> memref<1x96xi32, #tpu.memory_space<vmem>>
      %dma_start3A_72 = tpu.memref_squeeze %dma_start3A_71 : memref<1x96xi32, #tpu.memory_space<vmem>> -> memref<96xi32, #tpu.memory_space<vmem>>
      %dma_start3A_73 = tpu.memref_slice %arg3[%add3A_4] : memref<9216xi32, #tpu.memory_space<hbm>> -> memref<96xi32, #tpu.memory_space<hbm>>
      %dma_start3A_74 = arith.constant 0 : i32
      %dma_start3A_75 = tpu.memref_slice %arg5[%run_scoped3A, %dma_start3A_74] : memref<3x96xi32, #tpu.memory_space<vmem>> -> memref<1x96xi32, #tpu.memory_space<vmem>>
      %dma_start3A_76 = tpu.memref_squeeze %dma_start3A_75 : memref<1x96xi32, #tpu.memory_space<vmem>> -> memref<96xi32, #tpu.memory_space<vmem>>
      %dma_start3A_77 = tpu.memref_slice %arg3[%add3A_4] : memref<9216xi32, #tpu.memory_space<hbm>> -> memref<96xi32, #tpu.memory_space<hbm>>
      tpu.enqueue_dma source(%dma_start3A_77 : memref<96xi32, #tpu.memory_space<hbm>>) target(%dma_start3A_76 : memref<96xi32, #tpu.memory_space<vmem>>) target_semaphore(%run_scoped3A_69 : memref<!tpu.dma_semaphore, #tpu.memory_space<semaphore_mem>>)
      %dma_wait3A_78 = arith.constant 0 : i32
      %dma_wait3A_79 = tpu.memref_slice %arg5[%run_scoped3A, %dma_wait3A_78] : memref<3x96xi32, #tpu.memory_space<vmem>> -> memref<1x96xi32, #tpu.memory_space<vmem>>
      %dma_wait3A_80 = tpu.memref_squeeze %dma_wait3A_79 : memref<1x96xi32, #tpu.memory_space<vmem>> -> memref<96xi32, #tpu.memory_space<vmem>>
      %dma_wait3A_81 = tpu.memref_slice %arg3[%add3A_4] : memref<9216xi32, #tpu.memory_space<hbm>> -> memref<96xi32, #tpu.memory_space<hbm>>
      %dma_wait3A_82 = arith.constant 0 : i32
      %dma_wait3A_83 = tpu.memref_slice %arg5[%run_scoped3A, %dma_wait3A_82] : memref<3x96xi32, #tpu.memory_space<vmem>> -> memref<1x96xi32, #tpu.memory_space<vmem>>
      %dma_wait3A_84 = tpu.memref_squeeze %dma_wait3A_83 : memref<1x96xi32, #tpu.memory_space<vmem>> -> memref<96xi32, #tpu.memory_space<vmem>>
      %dma_wait3A_85 = tpu.memref_slice %arg3[%add3A_4] : memref<9216xi32, #tpu.memory_space<hbm>> -> memref<96xi32, #tpu.memory_space<hbm>>
      tpu.wait_dma2 semaphore(%run_scoped3A_69 : memref<!tpu.dma_semaphore, #tpu.memory_space<semaphore_mem>>) src(%dma_wait3A_85 : memref<96xi32, #tpu.memory_space<hbm>>) dst(%dma_wait3A_84 : memref<96xi32, #tpu.memory_space<vmem>>)
      tpu.yield
    }) : () -> ()
    %dma_start3A = arith.constant 0 : i32
    %dma_start3A_5 = arith.constant 0 : i32
    %dma_start3A_6 = arith.constant 0 : i32
    %dma_start3A_7 = tpu.memref_slice %arg6[%dma_start3A_5, %dma_start3A_6] : memref<288x256xf32, #tpu.memory_space<vmem>> -> memref<96x256xf32, #tpu.memory_space<vmem>>
    %dma_start3A_8 = arith.constant 0 : i32
    %dma_start3A_9 = tpu.memref_slice %arg5[%dma_start3A, %dma_start3A_8] : memref<3x96xi32, #tpu.memory_space<vmem>> -> memref<1x96xi32, #tpu.memory_space<vmem>>
    %dma_start3A_10 = tpu.memref_squeeze %dma_start3A_9 : memref<1x96xi32, #tpu.memory_space<vmem>> -> memref<96xi32, #tpu.memory_space<vmem>>
    %dma_start3A_11 = arith.constant 0 : i32
    %dma_start3A_12 = arith.constant 0 : i32
    %dma_start3A_13 = tpu.memref_slice %arg2[%dma_start3A_11, %dma_start3A_12] : memref<8192x256xf32, #tpu.memory_space<hbm>> -> memref<8192x256xf32, #tpu.memory_space<hbm>>
    tpu.enqueue_indirect_dma source(%dma_start3A_13 : memref<8192x256xf32, #tpu.memory_space<hbm>>) target(%dma_start3A_7 : memref<96x256xf32, #tpu.memory_space<vmem>>) offsets(%dma_start3A_10 : memref<96xi32, #tpu.memory_space<vmem>>) semaphore(%arg7 : memref<!tpu.dma_semaphore, #tpu.memory_space<semaphore_mem>>)
    %add3A_14 = arith.constant 96 : i32
    %add3A_15 = arith.addi %mul3A_2, %add3A_14 : i32
    %run_scoped3A_16 = arith.constant 1 : i32
    "tpu.region"() ({
      %run_scoped3A_69 = tpu.sem_alloc : memref<!tpu.dma_semaphore, #tpu.memory_space<semaphore_mem>>
      %dma_start3A_70 = arith.constant 0 : i32
      %dma_start3A_71 = tpu.memref_slice %arg5[%run_scoped3A_16, %dma_start3A_70] : memref<3x96xi32, #tpu.memory_space<vmem>> -> memref<1x96xi32, #tpu.memory_space<vmem>>
      %dma_start3A_72 = tpu.memref_squeeze %dma_start3A_71 : memref<1x96xi32, #tpu.memory_space<vmem>> -> memref<96xi32, #tpu.memory_space<vmem>>
      %dma_start3A_73 = tpu.memref_slice %arg3[%add3A_15] : memref<9216xi32, #tpu.memory_space<hbm>> -> memref<96xi32, #tpu.memory_space<hbm>>
      %dma_start3A_74 = arith.constant 0 : i32
      %dma_start3A_75 = tpu.memref_slice %arg5[%run_scoped3A_16, %dma_start3A_74] : memref<3x96xi32, #tpu.memory_space<vmem>> -> memref<1x96xi32, #tpu.memory_space<vmem>>
      %dma_start3A_76 = tpu.memref_squeeze %dma_start3A_75 : memref<1x96xi32, #tpu.memory_space<vmem>> -> memref<96xi32, #tpu.memory_space<vmem>>
      %dma_start3A_77 = tpu.memref_slice %arg3[%add3A_15] : memref<9216xi32, #tpu.memory_space<hbm>> -> memref<96xi32, #tpu.memory_space<hbm>>
      tpu.enqueue_dma source(%dma_start3A_77 : memref<96xi32, #tpu.memory_space<hbm>>) target(%dma_start3A_76 : memref<96xi32, #tpu.memory_space<vmem>>) target_semaphore(%run_scoped3A_69 : memref<!tpu.dma_semaphore, #tpu.memory_space<semaphore_mem>>)
      %dma_wait3A_78 = arith.constant 0 : i32
      %dma_wait3A_79 = tpu.memref_slice %arg5[%run_scoped3A_16, %dma_wait3A_78] : memref<3x96xi32, #tpu.memory_space<vmem>> -> memref<1x96xi32, #tpu.memory_space<vmem>>
      %dma_wait3A_80 = tpu.memref_squeeze %dma_wait3A_79 : memref<1x96xi32, #tpu.memory_space<vmem>> -> memref<96xi32, #tpu.memory_space<vmem>>
      %dma_wait3A_81 = tpu.memref_slice %arg3[%add3A_15] : memref<9216xi32, #tpu.memory_space<hbm>> -> memref<96xi32, #tpu.memory_space<hbm>>
      %dma_wait3A_82 = arith.constant 0 : i32
      %dma_wait3A_83 = tpu.memref_slice %arg5[%run_scoped3A_16, %dma_wait3A_82] : memref<3x96xi32, #tpu.memory_space<vmem>> -> memref<1x96xi32, #tpu.memory_space<vmem>>
      %dma_wait3A_84 = tpu.memref_squeeze %dma_wait3A_83 : memref<1x96xi32, #tpu.memory_space<vmem>> -> memref<96xi32, #tpu.memory_space<vmem>>
      %dma_wait3A_85 = tpu.memref_slice %arg3[%add3A_15] : memref<9216xi32, #tpu.memory_space<hbm>> -> memref<96xi32, #tpu.memory_space<hbm>>
      tpu.wait_dma2 semaphore(%run_scoped3A_69 : memref<!tpu.dma_semaphore, #tpu.memory_space<semaphore_mem>>) src(%dma_wait3A_85 : memref<96xi32, #tpu.memory_space<hbm>>) dst(%dma_wait3A_84 : memref<96xi32, #tpu.memory_space<vmem>>)
      tpu.yield
    }) : () -> ()
    %dma_start3A_17 = arith.constant 1 : i32
    %dma_start3A_18 = arith.constant 96 : i32
    %dma_start3A_19 = arith.constant 0 : i32
    %dma_start3A_20 = tpu.memref_slice %arg6[%dma_start3A_18, %dma_start3A_19] : memref<288x256xf32, #tpu.memory_space<vmem>> -> memref<96x256xf32, #tpu.memory_space<vmem>>
    %dma_start3A_21 = arith.constant 0 : i32
    %dma_start3A_22 = tpu.memref_slice %arg5[%dma_start3A_17, %dma_start3A_21] : memref<3x96xi32, #tpu.memory_space<vmem>> -> memref<1x96xi32, #tpu.memory_space<vmem>>
    %dma_start3A_23 = tpu.memref_squeeze %dma_start3A_22 : memref<1x96xi32, #tpu.memory_space<vmem>> -> memref<96xi32, #tpu.memory_space<vmem>>
    %dma_start3A_24 = arith.constant 0 : i32
    %dma_start3A_25 = arith.constant 0 : i32
    %dma_start3A_26 = tpu.memref_slice %arg2[%dma_start3A_24, %dma_start3A_25] : memref<8192x256xf32, #tpu.memory_space<hbm>> -> memref<8192x256xf32, #tpu.memory_space<hbm>>
    tpu.enqueue_indirect_dma source(%dma_start3A_26 : memref<8192x256xf32, #tpu.memory_space<hbm>>) target(%dma_start3A_20 : memref<96x256xf32, #tpu.memory_space<vmem>>) offsets(%dma_start3A_23 : memref<96xi32, #tpu.memory_space<vmem>>) semaphore(%arg7 : memref<!tpu.dma_semaphore, #tpu.memory_space<semaphore_mem>>)
    %add3A_27 = arith.constant 192 : i32
    %add3A_28 = arith.addi %mul3A_2, %add3A_27 : i32
    %run_scoped3A_29 = arith.constant 2 : i32
    "tpu.region"() ({
      %run_scoped3A_69 = tpu.sem_alloc : memref<!tpu.dma_semaphore, #tpu.memory_space<semaphore_mem>>
      %dma_start3A_70 = arith.constant 0 : i32
      %dma_start3A_71 = tpu.memref_slice %arg5[%run_scoped3A_29, %dma_start3A_70] : memref<3x96xi32, #tpu.memory_space<vmem>> -> memref<1x96xi32, #tpu.memory_space<vmem>>
      %dma_start3A_72 = tpu.memref_squeeze %dma_start3A_71 : memref<1x96xi32, #tpu.memory_space<vmem>> -> memref<96xi32, #tpu.memory_space<vmem>>
      %dma_start3A_73 = tpu.memref_slice %arg3[%add3A_28] : memref<9216xi32, #tpu.memory_space<hbm>> -> memref<96xi32, #tpu.memory_space<hbm>>
      %dma_start3A_74 = arith.constant 0 : i32
      %dma_start3A_75 = tpu.memref_slice %arg5[%run_scoped3A_29, %dma_start3A_74] : memref<3x96xi32, #tpu.memory_space<vmem>> -> memref<1x96xi32, #tpu.memory_space<vmem>>
      %dma_start3A_76 = tpu.memref_squeeze %dma_start3A_75 : memref<1x96xi32, #tpu.memory_space<vmem>> -> memref<96xi32, #tpu.memory_space<vmem>>
      %dma_start3A_77 = tpu.memref_slice %arg3[%add3A_28] : memref<9216xi32, #tpu.memory_space<hbm>> -> memref<96xi32, #tpu.memory_space<hbm>>
      tpu.enqueue_dma source(%dma_start3A_77 : memref<96xi32, #tpu.memory_space<hbm>>) target(%dma_start3A_76 : memref<96xi32, #tpu.memory_space<vmem>>) target_semaphore(%run_scoped3A_69 : memref<!tpu.dma_semaphore, #tpu.memory_space<semaphore_mem>>)
      %dma_wait3A_78 = arith.constant 0 : i32
      %dma_wait3A_79 = tpu.memref_slice %arg5[%run_scoped3A_29, %dma_wait3A_78] : memref<3x96xi32, #tpu.memory_space<vmem>> -> memref<1x96xi32, #tpu.memory_space<vmem>>
      %dma_wait3A_80 = tpu.memref_squeeze %dma_wait3A_79 : memref<1x96xi32, #tpu.memory_space<vmem>> -> memref<96xi32, #tpu.memory_space<vmem>>
      %dma_wait3A_81 = tpu.memref_slice %arg3[%add3A_28] : memref<9216xi32, #tpu.memory_space<hbm>> -> memref<96xi32, #tpu.memory_space<hbm>>
      %dma_wait3A_82 = arith.constant 0 : i32
      %dma_wait3A_83 = tpu.memref_slice %arg5[%run_scoped3A_29, %dma_wait3A_82] : memref<3x96xi32, #tpu.memory_space<vmem>> -> memref<1x96xi32, #tpu.memory_space<vmem>>
      %dma_wait3A_84 = tpu.memref_squeeze %dma_wait3A_83 : memref<1x96xi32, #tpu.memory_space<vmem>> -> memref<96xi32, #tpu.memory_space<vmem>>
      %dma_wait3A_85 = tpu.memref_slice %arg3[%add3A_28] : memref<9216xi32, #tpu.memory_space<hbm>> -> memref<96xi32, #tpu.memory_space<hbm>>
      tpu.wait_dma2 semaphore(%run_scoped3A_69 : memref<!tpu.dma_semaphore, #tpu.memory_space<semaphore_mem>>) src(%dma_wait3A_85 : memref<96xi32, #tpu.memory_space<hbm>>) dst(%dma_wait3A_84 : memref<96xi32, #tpu.memory_space<vmem>>)
      tpu.yield
    }) : () -> ()
    %dma_start3A_30 = arith.constant 2 : i32
    %dma_start3A_31 = arith.constant 192 : i32
    %dma_start3A_32 = arith.constant 0 : i32
    %dma_start3A_33 = tpu.memref_slice %arg6[%dma_start3A_31, %dma_start3A_32] : memref<288x256xf32, #tpu.memory_space<vmem>> -> memref<96x256xf32, #tpu.memory_space<vmem>>
    %dma_start3A_34 = arith.constant 0 : i32
    %dma_start3A_35 = tpu.memref_slice %arg5[%dma_start3A_30, %dma_start3A_34] : memref<3x96xi32, #tpu.memory_space<vmem>> -> memref<1x96xi32, #tpu.memory_space<vmem>>
    %dma_start3A_36 = tpu.memref_squeeze %dma_start3A_35 : memref<1x96xi32, #tpu.memory_space<vmem>> -> memref<96xi32, #tpu.memory_space<vmem>>
    %dma_start3A_37 = arith.constant 0 : i32
    %dma_start3A_38 = arith.constant 0 : i32
    %dma_start3A_39 = tpu.memref_slice %arg2[%dma_start3A_37, %dma_start3A_38] : memref<8192x256xf32, #tpu.memory_space<hbm>> -> memref<8192x256xf32, #tpu.memory_space<hbm>>
    tpu.enqueue_indirect_dma source(%dma_start3A_39 : memref<8192x256xf32, #tpu.memory_space<hbm>>) target(%dma_start3A_33 : memref<96x256xf32, #tpu.memory_space<vmem>>) offsets(%dma_start3A_36 : memref<96xi32, #tpu.memory_space<vmem>>) semaphore(%arg7 : memref<!tpu.dma_semaphore, #tpu.memory_space<semaphore_mem>>)
    %dma_wait3A = arith.constant 0 : i32
    %dma_wait3A_40 = arith.constant 0 : i32
    %dma_wait3A_41 = arith.constant 0 : i32
    %dma_wait3A_42 = tpu.memref_slice %arg6[%dma_wait3A_40, %dma_wait3A_41] : memref<288x256xf32, #tpu.memory_space<vmem>> -> memref<96x256xf32, #tpu.memory_space<vmem>>
    %dma_wait3A_43 = arith.constant 0 : i32
    %dma_wait3A_44 = tpu.memref_slice %arg5[%dma_wait3A, %dma_wait3A_43] : memref<3x96xi32, #tpu.memory_space<vmem>> -> memref<1x96xi32, #tpu.memory_space<vmem>>
    %dma_wait3A_45 = tpu.memref_squeeze %dma_wait3A_44 : memref<1x96xi32, #tpu.memory_space<vmem>> -> memref<96xi32, #tpu.memory_space<vmem>>
    %dma_wait3A_46 = arith.constant 0 : i32
    %dma_wait3A_47 = arith.constant 0 : i32
    %dma_wait3A_48 = tpu.memref_slice %arg2[%dma_wait3A_46, %dma_wait3A_47] : memref<8192x256xf32, #tpu.memory_space<hbm>> -> memref<8192x256xf32, #tpu.memory_space<hbm>>
    tpu.wait_indirect_dma semaphore(%arg7 : memref<!tpu.dma_semaphore, #tpu.memory_space<semaphore_mem>>) src(%dma_wait3A_48 : memref<8192x256xf32, #tpu.memory_space<hbm>>) dst(%dma_wait3A_42 : memref<96x256xf32, #tpu.memory_space<vmem>>)
    %dma_wait3A_49 = arith.constant 1 : i32
    %dma_wait3A_50 = arith.constant 96 : i32
    %dma_wait3A_51 = arith.constant 0 : i32
    %dma_wait3A_52 = tpu.memref_slice %arg6[%dma_wait3A_50, %dma_wait3A_51] : memref<288x256xf32, #tpu.memory_space<vmem>> -> memref<96x256xf32, #tpu.memory_space<vmem>>
    %dma_wait3A_53 = arith.constant 0 : i32
    %dma_wait3A_54 = tpu.memref_slice %arg5[%dma_wait3A_49, %dma_wait3A_53] : memref<3x96xi32, #tpu.memory_space<vmem>> -> memref<1x96xi32, #tpu.memory_space<vmem>>
    %dma_wait3A_55 = tpu.memref_squeeze %dma_wait3A_54 : memref<1x96xi32, #tpu.memory_space<vmem>> -> memref<96xi32, #tpu.memory_space<vmem>>
    %dma_wait3A_56 = arith.constant 0 : i32
    %dma_wait3A_57 = arith.constant 0 : i32
    %dma_wait3A_58 = tpu.memref_slice %arg2[%dma_wait3A_56, %dma_wait3A_57] : memref<8192x256xf32, #tpu.memory_space<hbm>> -> memref<8192x256xf32, #tpu.memory_space<hbm>>
    tpu.wait_indirect_dma semaphore(%arg7 : memref<!tpu.dma_semaphore, #tpu.memory_space<semaphore_mem>>) src(%dma_wait3A_58 : memref<8192x256xf32, #tpu.memory_space<hbm>>) dst(%dma_wait3A_52 : memref<96x256xf32, #tpu.memory_space<vmem>>)
    %dma_wait3A_59 = arith.constant 2 : i32
    %dma_wait3A_60 = arith.constant 192 : i32
    %dma_wait3A_61 = arith.constant 0 : i32
    %dma_wait3A_62 = tpu.memref_slice %arg6[%dma_wait3A_60, %dma_wait3A_61] : memref<288x256xf32, #tpu.memory_space<vmem>> -> memref<96x256xf32, #tpu.memory_space<vmem>>
    %dma_wait3A_63 = arith.constant 0 : i32
    %dma_wait3A_64 = tpu.memref_slice %arg5[%dma_wait3A_59, %dma_wait3A_63] : memref<3x96xi32, #tpu.memory_space<vmem>> -> memref<1x96xi32, #tpu.memory_space<vmem>>
    %dma_wait3A_65 = tpu.memref_squeeze %dma_wait3A_64 : memref<1x96xi32, #tpu.memory_space<vmem>> -> memref<96xi32, #tpu.memory_space<vmem>>
    %dma_wait3A_66 = arith.constant 0 : i32
    %dma_wait3A_67 = arith.constant 0 : i32
    %dma_wait3A_68 = tpu.memref_slice %arg2[%dma_wait3A_66, %dma_wait3A_67] : memref<8192x256xf32, #tpu.memory_space<hbm>> -> memref<8192x256xf32, #tpu.memory_space<hbm>>
    tpu.wait_indirect_dma semaphore(%arg7 : memref<!tpu.dma_semaphore, #tpu.memory_space<semaphore_mem>>) src(%dma_wait3A_68 : memref<8192x256xf32, #tpu.memory_space<hbm>>) dst(%dma_wait3A_62 : memref<96x256xf32, #tpu.memory_space<vmem>>)
    "tpu.region"() ({
      %run_scoped3A_69 = tpu.sem_alloc : memref<!tpu.dma_semaphore, #tpu.memory_space<semaphore_mem>>
      %dma_start3A_70 = arith.constant 0 : i32
      %dma_start3A_71 = tpu.memref_slice %arg4[%mul3A_2, %dma_start3A_70] : memref<9216x256xf32, #tpu.memory_space<hbm>> -> memref<288x256xf32, #tpu.memory_space<hbm>>
      %dma_start3A_72 = arith.constant 0 : i32
      %dma_start3A_73 = tpu.memref_slice %arg4[%mul3A_2, %dma_start3A_72] : memref<9216x256xf32, #tpu.memory_space<hbm>> -> memref<288x256xf32, #tpu.memory_space<hbm>>
      tpu.enqueue_dma source(%arg6 : memref<288x256xf32, #tpu.memory_space<vmem>>) target(%dma_start3A_73 : memref<288x256xf32, #tpu.memory_space<hbm>>) target_semaphore(%run_scoped3A_69 : memref<!tpu.dma_semaphore, #tpu.memory_space<semaphore_mem>>)
      %dma_wait3A_74 = arith.constant 0 : i32
      %dma_wait3A_75 = tpu.memref_slice %arg4[%mul3A_2, %dma_wait3A_74] : memref<9216x256xf32, #tpu.memory_space<hbm>> -> memref<288x256xf32, #tpu.memory_space<hbm>>
      %dma_wait3A_76 = arith.constant 0 : i32
      %dma_wait3A_77 = tpu.memref_slice %arg4[%mul3A_2, %dma_wait3A_76] : memref<9216x256xf32, #tpu.memory_space<hbm>> -> memref<288x256xf32, #tpu.memory_space<hbm>>
      tpu.wait_dma2 semaphore(%run_scoped3A_69 : memref<!tpu.dma_semaphore, #tpu.memory_space<semaphore_mem>>) src(%arg6 : memref<288x256xf32, #tpu.memory_space<vmem>>) dst(%dma_wait3A_77 : memref<288x256xf32, #tpu.memory_space<hbm>>)
      tpu.yield
    }) : () -> ()
    return
  }
}

#map = affine_map<(d0, d1) -> (0, 0)>
#map1 = affine_map<(d0, d1) -> (0)>
module attributes {stable_mosaic.version = 14 : i64} {
  func.func @k(%arg0: i32, %arg1: i32, %arg2: memref<8192x256xf32, #tpu.memory_space<hbm>>, %arg3: memref<9216xi32, #tpu.memory_space<hbm>>, %arg4: memref<9216x256xf32, #tpu.memory_space<hbm>>, %arg5: memref<3x96xi32, #tpu.memory_space<vmem>>, %arg6: memref<288x256xf32, #tpu.memory_space<vmem>>, %arg7: memref<!tpu.dma_semaphore, #tpu.memory_space<semaphore_mem>>) attributes {dimension_semantics = [#tpu.dimension_semantics<core_parallel>, #tpu.dimension_semantics<subcore_parallel>], iteration_bounds = array<i64: 2, 16>, scalar_prefetch = 0 : i64, scratch_operands = 3 : i64, tpu.core_type = #tpu.core_type<sc_vector_subcore>, window_params = [{transform_indices = #map}, {transform_indices = #map1}, {transform_indices = #map}]} {
    %mul3A = arith.constant 2 : i32
    %mul3A_0 = arith.muli %arg1, %mul3A : i32
    %add3A = arith.addi %mul3A_0, %arg0 : i32
    %mul3A_1 = arith.constant 288 : i32
    %mul3A_2 = arith.muli %add3A, %mul3A_1 : i32
    %add3A_3 = arith.constant 0 : i32
    %add3A_4 = arith.addi %mul3A_2, %add3A_3 : i32
    %run_scoped3A = arith.constant 0 : i32
    "tpu.region"() ({
      %run_scoped3A_69 = tpu.sem_alloc : memref<!tpu.dma_semaphore, #tpu.memory_space<semaphore_mem>>
      %dma_start3A_70 = arith.constant 0 : i32
      %dma_start3A_71 = tpu.memref_slice %arg5[%run_scoped3A, %dma_start3A_70] : memref<3x96xi32, #tpu.memory_space<vmem>> -> memref<1x96xi32, #tpu.memory_space<vmem>>
      %dma_start3A_72 = tpu.memref_squeeze %dma_start3A_71 : memref<1x96xi32, #tpu.memory_space<vmem>> -> memref<96xi32, #tpu.memory_space<vmem>>
      %dma_start3A_73 = tpu.memref_slice %arg3[%add3A_4] : memref<9216xi32, #tpu.memory_space<hbm>> -> memref<96xi32, #tpu.memory_space<hbm>>
      %dma_start3A_74 = arith.constant 0 : i32
      %dma_start3A_75 = tpu.memref_slice %arg5[%run_scoped3A, %dma_start3A_74] : memref<3x96xi32, #tpu.memory_space<vmem>> -> memref<1x96xi32, #tpu.memory_space<vmem>>
      %dma_start3A_76 = tpu.memref_squeeze %dma_start3A_75 : memref<1x96xi32, #tpu.memory_space<vmem>> -> memref<96xi32, #tpu.memory_space<vmem>>
      %dma_start3A_77 = tpu.memref_slice %arg3[%add3A_4] : memref<9216xi32, #tpu.memory_space<hbm>> -> memref<96xi32, #tpu.memory_space<hbm>>
      tpu.enqueue_dma source(%dma_start3A_77 : memref<96xi32, #tpu.memory_space<hbm>>) target(%dma_start3A_76 : memref<96xi32, #tpu.memory_space<vmem>>) target_semaphore(%run_scoped3A_69 : memref<!tpu.dma_semaphore, #tpu.memory_space<semaphore_mem>>)
      %dma_wait3A_78 = arith.constant 0 : i32
      %dma_wait3A_79 = tpu.memref_slice %arg5[%run_scoped3A, %dma_wait3A_78] : memref<3x96xi32, #tpu.memory_space<vmem>> -> memref<1x96xi32, #tpu.memory_space<vmem>>
      %dma_wait3A_80 = tpu.memref_squeeze %dma_wait3A_79 : memref<1x96xi32, #tpu.memory_space<vmem>> -> memref<96xi32, #tpu.memory_space<vmem>>
      %dma_wait3A_81 = tpu.memref_slice %arg3[%add3A_4] : memref<9216xi32, #tpu.memory_space<hbm>> -> memref<96xi32, #tpu.memory_space<hbm>>
      %dma_wait3A_82 = arith.constant 0 : i32
      %dma_wait3A_83 = tpu.memref_slice %arg5[%run_scoped3A, %dma_wait3A_82] : memref<3x96xi32, #tpu.memory_space<vmem>> -> memref<1x96xi32, #tpu.memory_space<vmem>>
      %dma_wait3A_84 = tpu.memref_squeeze %dma_wait3A_83 : memref<1x96xi32, #tpu.memory_space<vmem>> -> memref<96xi32, #tpu.memory_space<vmem>>
      %dma_wait3A_85 = tpu.memref_slice %arg3[%add3A_4] : memref<9216xi32, #tpu.memory_space<hbm>> -> memref<96xi32, #tpu.memory_space<hbm>>
      tpu.wait_dma2 semaphore(%run_scoped3A_69 : memref<!tpu.dma_semaphore, #tpu.memory_space<semaphore_mem>>) src(%dma_wait3A_85 : memref<96xi32, #tpu.memory_space<hbm>>) dst(%dma_wait3A_84 : memref<96xi32, #tpu.memory_space<vmem>>)
      tpu.yield
    }) : () -> ()
    %dma_start3A = arith.constant 0 : i32
    %dma_start3A_5 = arith.constant 0 : i32
    %dma_start3A_6 = arith.constant 0 : i32
    %dma_start3A_7 = tpu.memref_slice %arg6[%dma_start3A_5, %dma_start3A_6] : memref<288x256xf32, #tpu.memory_space<vmem>> -> memref<96x256xf32, #tpu.memory_space<vmem>>
    %dma_start3A_8 = arith.constant 0 : i32
    %dma_start3A_9 = tpu.memref_slice %arg5[%dma_start3A, %dma_start3A_8] : memref<3x96xi32, #tpu.memory_space<vmem>> -> memref<1x96xi32, #tpu.memory_space<vmem>>
    %dma_start3A_10 = tpu.memref_squeeze %dma_start3A_9 : memref<1x96xi32, #tpu.memory_space<vmem>> -> memref<96xi32, #tpu.memory_space<vmem>>
    %dma_start3A_11 = arith.constant 0 : i32
    %dma_start3A_12 = arith.constant 0 : i32
    %dma_start3A_13 = tpu.memref_slice %arg2[%dma_start3A_11, %dma_start3A_12] : memref<8192x256xf32, #tpu.memory_space<hbm>> -> memref<8192x256xf32, #tpu.memory_space<hbm>>
    tpu.enqueue_indirect_dma source(%dma_start3A_13 : memref<8192x256xf32, #tpu.memory_space<hbm>>) target(%dma_start3A_7 : memref<96x256xf32, #tpu.memory_space<vmem>>) offsets(%dma_start3A_10 : memref<96xi32, #tpu.memory_space<vmem>>) semaphore(%arg7 : memref<!tpu.dma_semaphore, #tpu.memory_space<semaphore_mem>>)
    %add3A_14 = arith.constant 96 : i32
    %add3A_15 = arith.addi %mul3A_2, %add3A_14 : i32
    %run_scoped3A_16 = arith.constant 1 : i32
    "tpu.region"() ({
      %run_scoped3A_69 = tpu.sem_alloc : memref<!tpu.dma_semaphore, #tpu.memory_space<semaphore_mem>>
      %dma_start3A_70 = arith.constant 0 : i32
      %dma_start3A_71 = tpu.memref_slice %arg5[%run_scoped3A_16, %dma_start3A_70] : memref<3x96xi32, #tpu.memory_space<vmem>> -> memref<1x96xi32, #tpu.memory_space<vmem>>
      %dma_start3A_72 = tpu.memref_squeeze %dma_start3A_71 : memref<1x96xi32, #tpu.memory_space<vmem>> -> memref<96xi32, #tpu.memory_space<vmem>>
      %dma_start3A_73 = tpu.memref_slice %arg3[%add3A_15] : memref<9216xi32, #tpu.memory_space<hbm>> -> memref<96xi32, #tpu.memory_space<hbm>>
      %dma_start3A_74 = arith.constant 0 : i32
      %dma_start3A_75 = tpu.memref_slice %arg5[%run_scoped3A_16, %dma_start3A_74] : memref<3x96xi32, #tpu.memory_space<vmem>> -> memref<1x96xi32, #tpu.memory_space<vmem>>
      %dma_start3A_76 = tpu.memref_squeeze %dma_start3A_75 : memref<1x96xi32, #tpu.memory_space<vmem>> -> memref<96xi32, #tpu.memory_space<vmem>>
      %dma_start3A_77 = tpu.memref_slice %arg3[%add3A_15] : memref<9216xi32, #tpu.memory_space<hbm>> -> memref<96xi32, #tpu.memory_space<hbm>>
      tpu.enqueue_dma source(%dma_start3A_77 : memref<96xi32, #tpu.memory_space<hbm>>) target(%dma_start3A_76 : memref<96xi32, #tpu.memory_space<vmem>>) target_semaphore(%run_scoped3A_69 : memref<!tpu.dma_semaphore, #tpu.memory_space<semaphore_mem>>)
      %dma_wait3A_78 = arith.constant 0 : i32
      %dma_wait3A_79 = tpu.memref_slice %arg5[%run_scoped3A_16, %dma_wait3A_78] : memref<3x96xi32, #tpu.memory_space<vmem>> -> memref<1x96xi32, #tpu.memory_space<vmem>>
      %dma_wait3A_80 = tpu.memref_squeeze %dma_wait3A_79 : memref<1x96xi32, #tpu.memory_space<vmem>> -> memref<96xi32, #tpu.memory_space<vmem>>
      %dma_wait3A_81 = tpu.memref_slice %arg3[%add3A_15] : memref<9216xi32, #tpu.memory_space<hbm>> -> memref<96xi32, #tpu.memory_space<hbm>>
      %dma_wait3A_82 = arith.constant 0 : i32
      %dma_wait3A_83 = tpu.memref_slice %arg5[%run_scoped3A_16, %dma_wait3A_82] : memref<3x96xi32, #tpu.memory_space<vmem>> -> memref<1x96xi32, #tpu.memory_space<vmem>>
      %dma_wait3A_84 = tpu.memref_squeeze %dma_wait3A_83 : memref<1x96xi32, #tpu.memory_space<vmem>> -> memref<96xi32, #tpu.memory_space<vmem>>
      %dma_wait3A_85 = tpu.memref_slice %arg3[%add3A_15] : memref<9216xi32, #tpu.memory_space<hbm>> -> memref<96xi32, #tpu.memory_space<hbm>>
      tpu.wait_dma2 semaphore(%run_scoped3A_69 : memref<!tpu.dma_semaphore, #tpu.memory_space<semaphore_mem>>) src(%dma_wait3A_85 : memref<96xi32, #tpu.memory_space<hbm>>) dst(%dma_wait3A_84 : memref<96xi32, #tpu.memory_space<vmem>>)
      tpu.yield
    }) : () -> ()
    %dma_start3A_17 = arith.constant 1 : i32
    %dma_start3A_18 = arith.constant 96 : i32
    %dma_start3A_19 = arith.constant 0 : i32
    %dma_start3A_20 = tpu.memref_slice %arg6[%dma_start3A_18, %dma_start3A_19] : memref<288x256xf32, #tpu.memory_space<vmem>> -> memref<96x256xf32, #tpu.memory_space<vmem>>
    %dma_start3A_21 = arith.constant 0 : i32
    %dma_start3A_22 = tpu.memref_slice %arg5[%dma_start3A_17, %dma_start3A_21] : memref<3x96xi32, #tpu.memory_space<vmem>> -> memref<1x96xi32, #tpu.memory_space<vmem>>
    %dma_start3A_23 = tpu.memref_squeeze %dma_start3A_22 : memref<1x96xi32, #tpu.memory_space<vmem>> -> memref<96xi32, #tpu.memory_space<vmem>>
    %dma_start3A_24 = arith.constant 0 : i32
    %dma_start3A_25 = arith.constant 0 : i32
    %dma_start3A_26 = tpu.memref_slice %arg2[%dma_start3A_24, %dma_start3A_25] : memref<8192x256xf32, #tpu.memory_space<hbm>> -> memref<8192x256xf32, #tpu.memory_space<hbm>>
    tpu.enqueue_indirect_dma source(%dma_start3A_26 : memref<8192x256xf32, #tpu.memory_space<hbm>>) target(%dma_start3A_20 : memref<96x256xf32, #tpu.memory_space<vmem>>) offsets(%dma_start3A_23 : memref<96xi32, #tpu.memory_space<vmem>>) semaphore(%arg7 : memref<!tpu.dma_semaphore, #tpu.memory_space<semaphore_mem>>)
    %add3A_27 = arith.constant 192 : i32
    %add3A_28 = arith.addi %mul3A_2, %add3A_27 : i32
    %run_scoped3A_29 = arith.constant 2 : i32
    "tpu.region"() ({
      %run_scoped3A_69 = tpu.sem_alloc : memref<!tpu.dma_semaphore, #tpu.memory_space<semaphore_mem>>
      %dma_start3A_70 = arith.constant 0 : i32
      %dma_start3A_71 = tpu.memref_slice %arg5[%run_scoped3A_29, %dma_start3A_70] : memref<3x96xi32, #tpu.memory_space<vmem>> -> memref<1x96xi32, #tpu.memory_space<vmem>>
      %dma_start3A_72 = tpu.memref_squeeze %dma_start3A_71 : memref<1x96xi32, #tpu.memory_space<vmem>> -> memref<96xi32, #tpu.memory_space<vmem>>
      %dma_start3A_73 = tpu.memref_slice %arg3[%add3A_28] : memref<9216xi32, #tpu.memory_space<hbm>> -> memref<96xi32, #tpu.memory_space<hbm>>
      %dma_start3A_74 = arith.constant 0 : i32
      %dma_start3A_75 = tpu.memref_slice %arg5[%run_scoped3A_29, %dma_start3A_74] : memref<3x96xi32, #tpu.memory_space<vmem>> -> memref<1x96xi32, #tpu.memory_space<vmem>>
      %dma_start3A_76 = tpu.memref_squeeze %dma_start3A_75 : memref<1x96xi32, #tpu.memory_space<vmem>> -> memref<96xi32, #tpu.memory_space<vmem>>
      %dma_start3A_77 = tpu.memref_slice %arg3[%add3A_28] : memref<9216xi32, #tpu.memory_space<hbm>> -> memref<96xi32, #tpu.memory_space<hbm>>
      tpu.enqueue_dma source(%dma_start3A_77 : memref<96xi32, #tpu.memory_space<hbm>>) target(%dma_start3A_76 : memref<96xi32, #tpu.memory_space<vmem>>) target_semaphore(%run_scoped3A_69 : memref<!tpu.dma_semaphore, #tpu.memory_space<semaphore_mem>>)
      %dma_wait3A_78 = arith.constant 0 : i32
      %dma_wait3A_79 = tpu.memref_slice %arg5[%run_scoped3A_29, %dma_wait3A_78] : memref<3x96xi32, #tpu.memory_space<vmem>> -> memref<1x96xi32, #tpu.memory_space<vmem>>
      %dma_wait3A_80 = tpu.memref_squeeze %dma_wait3A_79 : memref<1x96xi32, #tpu.memory_space<vmem>> -> memref<96xi32, #tpu.memory_space<vmem>>
      %dma_wait3A_81 = tpu.memref_slice %arg3[%add3A_28] : memref<9216xi32, #tpu.memory_space<hbm>> -> memref<96xi32, #tpu.memory_space<hbm>>
      %dma_wait3A_82 = arith.constant 0 : i32
      %dma_wait3A_83 = tpu.memref_slice %arg5[%run_scoped3A_29, %dma_wait3A_82] : memref<3x96xi32, #tpu.memory_space<vmem>> -> memref<1x96xi32, #tpu.memory_space<vmem>>
      %dma_wait3A_84 = tpu.memref_squeeze %dma_wait3A_83 : memref<1x96xi32, #tpu.memory_space<vmem>> -> memref<96xi32, #tpu.memory_space<vmem>>
      %dma_wait3A_85 = tpu.memref_slice %arg3[%add3A_28] : memref<9216xi32, #tpu.memory_space<hbm>> -> memref<96xi32, #tpu.memory_space<hbm>>
      tpu.wait_dma2 semaphore(%run_scoped3A_69 : memref<!tpu.dma_semaphore, #tpu.memory_space<semaphore_mem>>) src(%dma_wait3A_85 : memref<96xi32, #tpu.memory_space<hbm>>) dst(%dma_wait3A_84 : memref<96xi32, #tpu.memory_space<vmem>>)
      tpu.yield
    }) : () -> ()
    %dma_start3A_30 = arith.constant 2 : i32
    %dma_start3A_31 = arith.constant 192 : i32
    %dma_start3A_32 = arith.constant 0 : i32
    %dma_start3A_33 = tpu.memref_slice %arg6[%dma_start3A_31, %dma_start3A_32] : memref<288x256xf32, #tpu.memory_space<vmem>> -> memref<96x256xf32, #tpu.memory_space<vmem>>
    %dma_start3A_34 = arith.constant 0 : i32
    %dma_start3A_35 = tpu.memref_slice %arg5[%dma_start3A_30, %dma_start3A_34] : memref<3x96xi32, #tpu.memory_space<vmem>> -> memref<1x96xi32, #tpu.memory_space<vmem>>
    %dma_start3A_36 = tpu.memref_squeeze %dma_start3A_35 : memref<1x96xi32, #tpu.memory_space<vmem>> -> memref<96xi32, #tpu.memory_space<vmem>>
    %dma_start3A_37 = arith.constant 0 : i32
    %dma_start3A_38 = arith.constant 0 : i32
    %dma_start3A_39 = tpu.memref_slice %arg2[%dma_start3A_37, %dma_start3A_38] : memref<8192x256xf32, #tpu.memory_space<hbm>> -> memref<8192x256xf32, #tpu.memory_space<hbm>>
    tpu.enqueue_indirect_dma source(%dma_start3A_39 : memref<8192x256xf32, #tpu.memory_space<hbm>>) target(%dma_start3A_33 : memref<96x256xf32, #tpu.memory_space<vmem>>) offsets(%dma_start3A_36 : memref<96xi32, #tpu.memory_space<vmem>>) semaphore(%arg7 : memref<!tpu.dma_semaphore, #tpu.memory_space<semaphore_mem>>)
    %dma_wait3A = arith.constant 0 : i32
    %dma_wait3A_40 = arith.constant 0 : i32
    %dma_wait3A_41 = arith.constant 0 : i32
    %dma_wait3A_42 = tpu.memref_slice %arg6[%dma_wait3A_40, %dma_wait3A_41] : memref<288x256xf32, #tpu.memory_space<vmem>> -> memref<96x256xf32, #tpu.memory_space<vmem>>
    %dma_wait3A_43 = arith.constant 0 : i32
    %dma_wait3A_44 = tpu.memref_slice %arg5[%dma_wait3A, %dma_wait3A_43] : memref<3x96xi32, #tpu.memory_space<vmem>> -> memref<1x96xi32, #tpu.memory_space<vmem>>
    %dma_wait3A_45 = tpu.memref_squeeze %dma_wait3A_44 : memref<1x96xi32, #tpu.memory_space<vmem>> -> memref<96xi32, #tpu.memory_space<vmem>>
    %dma_wait3A_46 = arith.constant 0 : i32
    %dma_wait3A_47 = arith.constant 0 : i32
    %dma_wait3A_48 = tpu.memref_slice %arg2[%dma_wait3A_46, %dma_wait3A_47] : memref<8192x256xf32, #tpu.memory_space<hbm>> -> memref<8192x256xf32, #tpu.memory_space<hbm>>
    tpu.wait_indirect_dma semaphore(%arg7 : memref<!tpu.dma_semaphore, #tpu.memory_space<semaphore_mem>>) src(%dma_wait3A_48 : memref<8192x256xf32, #tpu.memory_space<hbm>>) dst(%dma_wait3A_42 : memref<96x256xf32, #tpu.memory_space<vmem>>)
    %dma_wait3A_49 = arith.constant 1 : i32
    %dma_wait3A_50 = arith.constant 96 : i32
    %dma_wait3A_51 = arith.constant 0 : i32
    %dma_wait3A_52 = tpu.memref_slice %arg6[%dma_wait3A_50, %dma_wait3A_51] : memref<288x256xf32, #tpu.memory_space<vmem>> -> memref<96x256xf32, #tpu.memory_space<vmem>>
    %dma_wait3A_53 = arith.constant 0 : i32
    %dma_wait3A_54 = tpu.memref_slice %arg5[%dma_wait3A_49, %dma_wait3A_53] : memref<3x96xi32, #tpu.memory_space<vmem>> -> memref<1x96xi32, #tpu.memory_space<vmem>>
    %dma_wait3A_55 = tpu.memref_squeeze %dma_wait3A_54 : memref<1x96xi32, #tpu.memory_space<vmem>> -> memref<96xi32, #tpu.memory_space<vmem>>
    %dma_wait3A_56 = arith.constant 0 : i32
    %dma_wait3A_57 = arith.constant 0 : i32
    %dma_wait3A_58 = tpu.memref_slice %arg2[%dma_wait3A_56, %dma_wait3A_57] : memref<8192x256xf32, #tpu.memory_space<hbm>> -> memref<8192x256xf32, #tpu.memory_space<hbm>>
    tpu.wait_indirect_dma semaphore(%arg7 : memref<!tpu.dma_semaphore, #tpu.memory_space<semaphore_mem>>) src(%dma_wait3A_58 : memref<8192x256xf32, #tpu.memory_space<hbm>>) dst(%dma_wait3A_52 : memref<96x256xf32, #tpu.memory_space<vmem>>)
    %dma_wait3A_59 = arith.constant 2 : i32
    %dma_wait3A_60 = arith.constant 192 : i32
    %dma_wait3A_61 = arith.constant 0 : i32
    %dma_wait3A_62 = tpu.memref_slice %arg6[%dma_wait3A_60, %dma_wait3A_61] : memref<288x256xf32, #tpu.memory_space<vmem>> -> memref<96x256xf32, #tpu.memory_space<vmem>>
    %dma_wait3A_63 = arith.constant 0 : i32
    %dma_wait3A_64 = tpu.memref_slice %arg5[%dma_wait3A_59, %dma_wait3A_63] : memref<3x96xi32, #tpu.memory_space<vmem>> -> memref<1x96xi32, #tpu.memory_space<vmem>>
    %dma_wait3A_65 = tpu.memref_squeeze %dma_wait3A_64 : memref<1x96xi32, #tpu.memory_space<vmem>> -> memref<96xi32, #tpu.memory_space<vmem>>
    %dma_wait3A_66 = arith.constant 0 : i32
    %dma_wait3A_67 = arith.constant 0 : i32
    %dma_wait3A_68 = tpu.memref_slice %arg2[%dma_wait3A_66, %dma_wait3A_67] : memref<8192x256xf32, #tpu.memory_space<hbm>> -> memref<8192x256xf32, #tpu.memory_space<hbm>>
    tpu.wait_indirect_dma semaphore(%arg7 : memref<!tpu.dma_semaphore, #tpu.memory_space<semaphore_mem>>) src(%dma_wait3A_68 : memref<8192x256xf32, #tpu.memory_space<hbm>>) dst(%dma_wait3A_62 : memref<96x256xf32, #tpu.memory_space<vmem>>)
    "tpu.region"() ({
      %run_scoped3A_69 = tpu.sem_alloc : memref<!tpu.dma_semaphore, #tpu.memory_space<semaphore_mem>>
      %dma_start3A_70 = arith.constant 0 : i32
      %dma_start3A_71 = tpu.memref_slice %arg4[%mul3A_2, %dma_start3A_70] : memref<9216x256xf32, #tpu.memory_space<hbm>> -> memref<288x256xf32, #tpu.memory_space<hbm>>
      %dma_start3A_72 = arith.constant 0 : i32
      %dma_start3A_73 = tpu.memref_slice %arg4[%mul3A_2, %dma_start3A_72] : memref<9216x256xf32, #tpu.memory_space<hbm>> -> memref<288x256xf32, #tpu.memory_space<hbm>>
      tpu.enqueue_dma source(%arg6 : memref<288x256xf32, #tpu.memory_space<vmem>>) target(%dma_start3A_73 : memref<288x256xf32, #tpu.memory_space<hbm>>) target_semaphore(%run_scoped3A_69 : memref<!tpu.dma_semaphore, #tpu.memory_space<semaphore_mem>>)
      %dma_wait3A_74 = arith.constant 0 : i32
      %dma_wait3A_75 = tpu.memref_slice %arg4[%mul3A_2, %dma_wait3A_74] : memref<9216x256xf32, #tpu.memory_space<hbm>> -> memref<288x256xf32, #tpu.memory_space<hbm>>
      %dma_wait3A_76 = arith.constant 0 : i32
      %dma_wait3A_77 = tpu.memref_slice %arg4[%mul3A_2, %dma_wait3A_76] : memref<9216x256xf32, #tpu.memory_space<hbm>> -> memref<288x256xf32, #tpu.memory_space<hbm>>
      tpu.wait_dma2 semaphore(%run_scoped3A_69 : memref<!tpu.dma_semaphore, #tpu.memory_space<semaphore_mem>>) src(%arg6 : memref<288x256xf32, #tpu.memory_space<vmem>>) dst(%dma_wait3A_77 : memref<288x256xf32, #tpu.memory_space<hbm>>)
      tpu.yield
    }) : () -> ()
    return
  }
}

#map = affine_map<(d0, d1) -> (0, 0)>
#map1 = affine_map<(d0, d1) -> (0)>
module attributes {stable_mosaic.version = 14 : i64} {
  func.func @k(%arg0: i32, %arg1: i32, %arg2: memref<8192x256xf32, #tpu.memory_space<hbm>>, %arg3: memref<9216xi32, #tpu.memory_space<hbm>>, %arg4: memref<9216x256xf32, #tpu.memory_space<hbm>>, %arg5: memref<3x96xi32, #tpu.memory_space<vmem>>, %arg6: memref<288x256xf32, #tpu.memory_space<vmem>>, %arg7: memref<!tpu.dma_semaphore, #tpu.memory_space<semaphore_mem>>) attributes {dimension_semantics = [#tpu.dimension_semantics<core_parallel>, #tpu.dimension_semantics<subcore_parallel>], iteration_bounds = array<i64: 2, 16>, scalar_prefetch = 0 : i64, scratch_operands = 3 : i64, tpu.core_type = #tpu.core_type<sc_vector_subcore>, window_params = [{transform_indices = #map}, {transform_indices = #map1}, {transform_indices = #map}]} {
    %mul3A = arith.constant 2 : i32
    %mul3A_0 = arith.muli %arg1, %mul3A : i32
    %add3A = arith.addi %mul3A_0, %arg0 : i32
    %mul3A_1 = arith.constant 288 : i32
    %mul3A_2 = arith.muli %add3A, %mul3A_1 : i32
    %add3A_3 = arith.constant 0 : i32
    %add3A_4 = arith.addi %mul3A_2, %add3A_3 : i32
    %run_scoped3A = arith.constant 0 : i32
    "tpu.region"() ({
      %run_scoped3A_69 = tpu.sem_alloc : memref<!tpu.dma_semaphore, #tpu.memory_space<semaphore_mem>>
      %dma_start3A_70 = arith.constant 0 : i32
      %dma_start3A_71 = tpu.memref_slice %arg5[%run_scoped3A, %dma_start3A_70] : memref<3x96xi32, #tpu.memory_space<vmem>> -> memref<1x96xi32, #tpu.memory_space<vmem>>
      %dma_start3A_72 = tpu.memref_squeeze %dma_start3A_71 : memref<1x96xi32, #tpu.memory_space<vmem>> -> memref<96xi32, #tpu.memory_space<vmem>>
      %dma_start3A_73 = tpu.memref_slice %arg3[%add3A_4] : memref<9216xi32, #tpu.memory_space<hbm>> -> memref<96xi32, #tpu.memory_space<hbm>>
      %dma_start3A_74 = arith.constant 0 : i32
      %dma_start3A_75 = tpu.memref_slice %arg5[%run_scoped3A, %dma_start3A_74] : memref<3x96xi32, #tpu.memory_space<vmem>> -> memref<1x96xi32, #tpu.memory_space<vmem>>
      %dma_start3A_76 = tpu.memref_squeeze %dma_start3A_75 : memref<1x96xi32, #tpu.memory_space<vmem>> -> memref<96xi32, #tpu.memory_space<vmem>>
      %dma_start3A_77 = tpu.memref_slice %arg3[%add3A_4] : memref<9216xi32, #tpu.memory_space<hbm>> -> memref<96xi32, #tpu.memory_space<hbm>>
      tpu.enqueue_dma source(%dma_start3A_77 : memref<96xi32, #tpu.memory_space<hbm>>) target(%dma_start3A_76 : memref<96xi32, #tpu.memory_space<vmem>>) target_semaphore(%run_scoped3A_69 : memref<!tpu.dma_semaphore, #tpu.memory_space<semaphore_mem>>)
      %dma_wait3A_78 = arith.constant 0 : i32
      %dma_wait3A_79 = tpu.memref_slice %arg5[%run_scoped3A, %dma_wait3A_78] : memref<3x96xi32, #tpu.memory_space<vmem>> -> memref<1x96xi32, #tpu.memory_space<vmem>>
      %dma_wait3A_80 = tpu.memref_squeeze %dma_wait3A_79 : memref<1x96xi32, #tpu.memory_space<vmem>> -> memref<96xi32, #tpu.memory_space<vmem>>
      %dma_wait3A_81 = tpu.memref_slice %arg3[%add3A_4] : memref<9216xi32, #tpu.memory_space<hbm>> -> memref<96xi32, #tpu.memory_space<hbm>>
      %dma_wait3A_82 = arith.constant 0 : i32
      %dma_wait3A_83 = tpu.memref_slice %arg5[%run_scoped3A, %dma_wait3A_82] : memref<3x96xi32, #tpu.memory_space<vmem>> -> memref<1x96xi32, #tpu.memory_space<vmem>>
      %dma_wait3A_84 = tpu.memref_squeeze %dma_wait3A_83 : memref<1x96xi32, #tpu.memory_space<vmem>> -> memref<96xi32, #tpu.memory_space<vmem>>
      %dma_wait3A_85 = tpu.memref_slice %arg3[%add3A_4] : memref<9216xi32, #tpu.memory_space<hbm>> -> memref<96xi32, #tpu.memory_space<hbm>>
      tpu.wait_dma2 semaphore(%run_scoped3A_69 : memref<!tpu.dma_semaphore, #tpu.memory_space<semaphore_mem>>) src(%dma_wait3A_85 : memref<96xi32, #tpu.memory_space<hbm>>) dst(%dma_wait3A_84 : memref<96xi32, #tpu.memory_space<vmem>>)
      tpu.yield
    }) : () -> ()
    %dma_start3A = arith.constant 0 : i32
    %dma_start3A_5 = arith.constant 0 : i32
    %dma_start3A_6 = arith.constant 0 : i32
    %dma_start3A_7 = tpu.memref_slice %arg6[%dma_start3A_5, %dma_start3A_6] : memref<288x256xf32, #tpu.memory_space<vmem>> -> memref<96x256xf32, #tpu.memory_space<vmem>>
    %dma_start3A_8 = arith.constant 0 : i32
    %dma_start3A_9 = tpu.memref_slice %arg5[%dma_start3A, %dma_start3A_8] : memref<3x96xi32, #tpu.memory_space<vmem>> -> memref<1x96xi32, #tpu.memory_space<vmem>>
    %dma_start3A_10 = tpu.memref_squeeze %dma_start3A_9 : memref<1x96xi32, #tpu.memory_space<vmem>> -> memref<96xi32, #tpu.memory_space<vmem>>
    %dma_start3A_11 = arith.constant 0 : i32
    %dma_start3A_12 = arith.constant 0 : i32
    %dma_start3A_13 = tpu.memref_slice %arg2[%dma_start3A_11, %dma_start3A_12] : memref<8192x256xf32, #tpu.memory_space<hbm>> -> memref<8192x256xf32, #tpu.memory_space<hbm>>
    tpu.enqueue_indirect_dma source(%dma_start3A_13 : memref<8192x256xf32, #tpu.memory_space<hbm>>) target(%dma_start3A_7 : memref<96x256xf32, #tpu.memory_space<vmem>>) offsets(%dma_start3A_10 : memref<96xi32, #tpu.memory_space<vmem>>) semaphore(%arg7 : memref<!tpu.dma_semaphore, #tpu.memory_space<semaphore_mem>>)
    %add3A_14 = arith.constant 96 : i32
    %add3A_15 = arith.addi %mul3A_2, %add3A_14 : i32
    %run_scoped3A_16 = arith.constant 1 : i32
    "tpu.region"() ({
      %run_scoped3A_69 = tpu.sem_alloc : memref<!tpu.dma_semaphore, #tpu.memory_space<semaphore_mem>>
      %dma_start3A_70 = arith.constant 0 : i32
      %dma_start3A_71 = tpu.memref_slice %arg5[%run_scoped3A_16, %dma_start3A_70] : memref<3x96xi32, #tpu.memory_space<vmem>> -> memref<1x96xi32, #tpu.memory_space<vmem>>
      %dma_start3A_72 = tpu.memref_squeeze %dma_start3A_71 : memref<1x96xi32, #tpu.memory_space<vmem>> -> memref<96xi32, #tpu.memory_space<vmem>>
      %dma_start3A_73 = tpu.memref_slice %arg3[%add3A_15] : memref<9216xi32, #tpu.memory_space<hbm>> -> memref<96xi32, #tpu.memory_space<hbm>>
      %dma_start3A_74 = arith.constant 0 : i32
      %dma_start3A_75 = tpu.memref_slice %arg5[%run_scoped3A_16, %dma_start3A_74] : memref<3x96xi32, #tpu.memory_space<vmem>> -> memref<1x96xi32, #tpu.memory_space<vmem>>
      %dma_start3A_76 = tpu.memref_squeeze %dma_start3A_75 : memref<1x96xi32, #tpu.memory_space<vmem>> -> memref<96xi32, #tpu.memory_space<vmem>>
      %dma_start3A_77 = tpu.memref_slice %arg3[%add3A_15] : memref<9216xi32, #tpu.memory_space<hbm>> -> memref<96xi32, #tpu.memory_space<hbm>>
      tpu.enqueue_dma source(%dma_start3A_77 : memref<96xi32, #tpu.memory_space<hbm>>) target(%dma_start3A_76 : memref<96xi32, #tpu.memory_space<vmem>>) target_semaphore(%run_scoped3A_69 : memref<!tpu.dma_semaphore, #tpu.memory_space<semaphore_mem>>)
      %dma_wait3A_78 = arith.constant 0 : i32
      %dma_wait3A_79 = tpu.memref_slice %arg5[%run_scoped3A_16, %dma_wait3A_78] : memref<3x96xi32, #tpu.memory_space<vmem>> -> memref<1x96xi32, #tpu.memory_space<vmem>>
      %dma_wait3A_80 = tpu.memref_squeeze %dma_wait3A_79 : memref<1x96xi32, #tpu.memory_space<vmem>> -> memref<96xi32, #tpu.memory_space<vmem>>
      %dma_wait3A_81 = tpu.memref_slice %arg3[%add3A_15] : memref<9216xi32, #tpu.memory_space<hbm>> -> memref<96xi32, #tpu.memory_space<hbm>>
      %dma_wait3A_82 = arith.constant 0 : i32
      %dma_wait3A_83 = tpu.memref_slice %arg5[%run_scoped3A_16, %dma_wait3A_82] : memref<3x96xi32, #tpu.memory_space<vmem>> -> memref<1x96xi32, #tpu.memory_space<vmem>>
      %dma_wait3A_84 = tpu.memref_squeeze %dma_wait3A_83 : memref<1x96xi32, #tpu.memory_space<vmem>> -> memref<96xi32, #tpu.memory_space<vmem>>
      %dma_wait3A_85 = tpu.memref_slice %arg3[%add3A_15] : memref<9216xi32, #tpu.memory_space<hbm>> -> memref<96xi32, #tpu.memory_space<hbm>>
      tpu.wait_dma2 semaphore(%run_scoped3A_69 : memref<!tpu.dma_semaphore, #tpu.memory_space<semaphore_mem>>) src(%dma_wait3A_85 : memref<96xi32, #tpu.memory_space<hbm>>) dst(%dma_wait3A_84 : memref<96xi32, #tpu.memory_space<vmem>>)
      tpu.yield
    }) : () -> ()
    %dma_start3A_17 = arith.constant 1 : i32
    %dma_start3A_18 = arith.constant 96 : i32
    %dma_start3A_19 = arith.constant 0 : i32
    %dma_start3A_20 = tpu.memref_slice %arg6[%dma_start3A_18, %dma_start3A_19] : memref<288x256xf32, #tpu.memory_space<vmem>> -> memref<96x256xf32, #tpu.memory_space<vmem>>
    %dma_start3A_21 = arith.constant 0 : i32
    %dma_start3A_22 = tpu.memref_slice %arg5[%dma_start3A_17, %dma_start3A_21] : memref<3x96xi32, #tpu.memory_space<vmem>> -> memref<1x96xi32, #tpu.memory_space<vmem>>
    %dma_start3A_23 = tpu.memref_squeeze %dma_start3A_22 : memref<1x96xi32, #tpu.memory_space<vmem>> -> memref<96xi32, #tpu.memory_space<vmem>>
    %dma_start3A_24 = arith.constant 0 : i32
    %dma_start3A_25 = arith.constant 0 : i32
    %dma_start3A_26 = tpu.memref_slice %arg2[%dma_start3A_24, %dma_start3A_25] : memref<8192x256xf32, #tpu.memory_space<hbm>> -> memref<8192x256xf32, #tpu.memory_space<hbm>>
    tpu.enqueue_indirect_dma source(%dma_start3A_26 : memref<8192x256xf32, #tpu.memory_space<hbm>>) target(%dma_start3A_20 : memref<96x256xf32, #tpu.memory_space<vmem>>) offsets(%dma_start3A_23 : memref<96xi32, #tpu.memory_space<vmem>>) semaphore(%arg7 : memref<!tpu.dma_semaphore, #tpu.memory_space<semaphore_mem>>)
    %add3A_27 = arith.constant 192 : i32
    %add3A_28 = arith.addi %mul3A_2, %add3A_27 : i32
    %run_scoped3A_29 = arith.constant 2 : i32
    "tpu.region"() ({
      %run_scoped3A_69 = tpu.sem_alloc : memref<!tpu.dma_semaphore, #tpu.memory_space<semaphore_mem>>
      %dma_start3A_70 = arith.constant 0 : i32
      %dma_start3A_71 = tpu.memref_slice %arg5[%run_scoped3A_29, %dma_start3A_70] : memref<3x96xi32, #tpu.memory_space<vmem>> -> memref<1x96xi32, #tpu.memory_space<vmem>>
      %dma_start3A_72 = tpu.memref_squeeze %dma_start3A_71 : memref<1x96xi32, #tpu.memory_space<vmem>> -> memref<96xi32, #tpu.memory_space<vmem>>
      %dma_start3A_73 = tpu.memref_slice %arg3[%add3A_28] : memref<9216xi32, #tpu.memory_space<hbm>> -> memref<96xi32, #tpu.memory_space<hbm>>
      %dma_start3A_74 = arith.constant 0 : i32
      %dma_start3A_75 = tpu.memref_slice %arg5[%run_scoped3A_29, %dma_start3A_74] : memref<3x96xi32, #tpu.memory_space<vmem>> -> memref<1x96xi32, #tpu.memory_space<vmem>>
      %dma_start3A_76 = tpu.memref_squeeze %dma_start3A_75 : memref<1x96xi32, #tpu.memory_space<vmem>> -> memref<96xi32, #tpu.memory_space<vmem>>
      %dma_start3A_77 = tpu.memref_slice %arg3[%add3A_28] : memref<9216xi32, #tpu.memory_space<hbm>> -> memref<96xi32, #tpu.memory_space<hbm>>
      tpu.enqueue_dma source(%dma_start3A_77 : memref<96xi32, #tpu.memory_space<hbm>>) target(%dma_start3A_76 : memref<96xi32, #tpu.memory_space<vmem>>) target_semaphore(%run_scoped3A_69 : memref<!tpu.dma_semaphore, #tpu.memory_space<semaphore_mem>>)
      %dma_wait3A_78 = arith.constant 0 : i32
      %dma_wait3A_79 = tpu.memref_slice %arg5[%run_scoped3A_29, %dma_wait3A_78] : memref<3x96xi32, #tpu.memory_space<vmem>> -> memref<1x96xi32, #tpu.memory_space<vmem>>
      %dma_wait3A_80 = tpu.memref_squeeze %dma_wait3A_79 : memref<1x96xi32, #tpu.memory_space<vmem>> -> memref<96xi32, #tpu.memory_space<vmem>>
      %dma_wait3A_81 = tpu.memref_slice %arg3[%add3A_28] : memref<9216xi32, #tpu.memory_space<hbm>> -> memref<96xi32, #tpu.memory_space<hbm>>
      %dma_wait3A_82 = arith.constant 0 : i32
      %dma_wait3A_83 = tpu.memref_slice %arg5[%run_scoped3A_29, %dma_wait3A_82] : memref<3x96xi32, #tpu.memory_space<vmem>> -> memref<1x96xi32, #tpu.memory_space<vmem>>
      %dma_wait3A_84 = tpu.memref_squeeze %dma_wait3A_83 : memref<1x96xi32, #tpu.memory_space<vmem>> -> memref<96xi32, #tpu.memory_space<vmem>>
      %dma_wait3A_85 = tpu.memref_slice %arg3[%add3A_28] : memref<9216xi32, #tpu.memory_space<hbm>> -> memref<96xi32, #tpu.memory_space<hbm>>
      tpu.wait_dma2 semaphore(%run_scoped3A_69 : memref<!tpu.dma_semaphore, #tpu.memory_space<semaphore_mem>>) src(%dma_wait3A_85 : memref<96xi32, #tpu.memory_space<hbm>>) dst(%dma_wait3A_84 : memref<96xi32, #tpu.memory_space<vmem>>)
      tpu.yield
    }) : () -> ()
    %dma_start3A_30 = arith.constant 2 : i32
    %dma_start3A_31 = arith.constant 192 : i32
    %dma_start3A_32 = arith.constant 0 : i32
    %dma_start3A_33 = tpu.memref_slice %arg6[%dma_start3A_31, %dma_start3A_32] : memref<288x256xf32, #tpu.memory_space<vmem>> -> memref<96x256xf32, #tpu.memory_space<vmem>>
    %dma_start3A_34 = arith.constant 0 : i32
    %dma_start3A_35 = tpu.memref_slice %arg5[%dma_start3A_30, %dma_start3A_34] : memref<3x96xi32, #tpu.memory_space<vmem>> -> memref<1x96xi32, #tpu.memory_space<vmem>>
    %dma_start3A_36 = tpu.memref_squeeze %dma_start3A_35 : memref<1x96xi32, #tpu.memory_space<vmem>> -> memref<96xi32, #tpu.memory_space<vmem>>
    %dma_start3A_37 = arith.constant 0 : i32
    %dma_start3A_38 = arith.constant 0 : i32
    %dma_start3A_39 = tpu.memref_slice %arg2[%dma_start3A_37, %dma_start3A_38] : memref<8192x256xf32, #tpu.memory_space<hbm>> -> memref<8192x256xf32, #tpu.memory_space<hbm>>
    tpu.enqueue_indirect_dma source(%dma_start3A_39 : memref<8192x256xf32, #tpu.memory_space<hbm>>) target(%dma_start3A_33 : memref<96x256xf32, #tpu.memory_space<vmem>>) offsets(%dma_start3A_36 : memref<96xi32, #tpu.memory_space<vmem>>) semaphore(%arg7 : memref<!tpu.dma_semaphore, #tpu.memory_space<semaphore_mem>>)
    %dma_wait3A = arith.constant 0 : i32
    %dma_wait3A_40 = arith.constant 0 : i32
    %dma_wait3A_41 = arith.constant 0 : i32
    %dma_wait3A_42 = tpu.memref_slice %arg6[%dma_wait3A_40, %dma_wait3A_41] : memref<288x256xf32, #tpu.memory_space<vmem>> -> memref<96x256xf32, #tpu.memory_space<vmem>>
    %dma_wait3A_43 = arith.constant 0 : i32
    %dma_wait3A_44 = tpu.memref_slice %arg5[%dma_wait3A, %dma_wait3A_43] : memref<3x96xi32, #tpu.memory_space<vmem>> -> memref<1x96xi32, #tpu.memory_space<vmem>>
    %dma_wait3A_45 = tpu.memref_squeeze %dma_wait3A_44 : memref<1x96xi32, #tpu.memory_space<vmem>> -> memref<96xi32, #tpu.memory_space<vmem>>
    %dma_wait3A_46 = arith.constant 0 : i32
    %dma_wait3A_47 = arith.constant 0 : i32
    %dma_wait3A_48 = tpu.memref_slice %arg2[%dma_wait3A_46, %dma_wait3A_47] : memref<8192x256xf32, #tpu.memory_space<hbm>> -> memref<8192x256xf32, #tpu.memory_space<hbm>>
    tpu.wait_indirect_dma semaphore(%arg7 : memref<!tpu.dma_semaphore, #tpu.memory_space<semaphore_mem>>) src(%dma_wait3A_48 : memref<8192x256xf32, #tpu.memory_space<hbm>>) dst(%dma_wait3A_42 : memref<96x256xf32, #tpu.memory_space<vmem>>)
    %dma_wait3A_49 = arith.constant 1 : i32
    %dma_wait3A_50 = arith.constant 96 : i32
    %dma_wait3A_51 = arith.constant 0 : i32
    %dma_wait3A_52 = tpu.memref_slice %arg6[%dma_wait3A_50, %dma_wait3A_51] : memref<288x256xf32, #tpu.memory_space<vmem>> -> memref<96x256xf32, #tpu.memory_space<vmem>>
    %dma_wait3A_53 = arith.constant 0 : i32
    %dma_wait3A_54 = tpu.memref_slice %arg5[%dma_wait3A_49, %dma_wait3A_53] : memref<3x96xi32, #tpu.memory_space<vmem>> -> memref<1x96xi32, #tpu.memory_space<vmem>>
    %dma_wait3A_55 = tpu.memref_squeeze %dma_wait3A_54 : memref<1x96xi32, #tpu.memory_space<vmem>> -> memref<96xi32, #tpu.memory_space<vmem>>
    %dma_wait3A_56 = arith.constant 0 : i32
    %dma_wait3A_57 = arith.constant 0 : i32
    %dma_wait3A_58 = tpu.memref_slice %arg2[%dma_wait3A_56, %dma_wait3A_57] : memref<8192x256xf32, #tpu.memory_space<hbm>> -> memref<8192x256xf32, #tpu.memory_space<hbm>>
    tpu.wait_indirect_dma semaphore(%arg7 : memref<!tpu.dma_semaphore, #tpu.memory_space<semaphore_mem>>) src(%dma_wait3A_58 : memref<8192x256xf32, #tpu.memory_space<hbm>>) dst(%dma_wait3A_52 : memref<96x256xf32, #tpu.memory_space<vmem>>)
    %dma_wait3A_59 = arith.constant 2 : i32
    %dma_wait3A_60 = arith.constant 192 : i32
    %dma_wait3A_61 = arith.constant 0 : i32
    %dma_wait3A_62 = tpu.memref_slice %arg6[%dma_wait3A_60, %dma_wait3A_61] : memref<288x256xf32, #tpu.memory_space<vmem>> -> memref<96x256xf32, #tpu.memory_space<vmem>>
    %dma_wait3A_63 = arith.constant 0 : i32
    %dma_wait3A_64 = tpu.memref_slice %arg5[%dma_wait3A_59, %dma_wait3A_63] : memref<3x96xi32, #tpu.memory_space<vmem>> -> memref<1x96xi32, #tpu.memory_space<vmem>>
    %dma_wait3A_65 = tpu.memref_squeeze %dma_wait3A_64 : memref<1x96xi32, #tpu.memory_space<vmem>> -> memref<96xi32, #tpu.memory_space<vmem>>
    %dma_wait3A_66 = arith.constant 0 : i32
    %dma_wait3A_67 = arith.constant 0 : i32
    %dma_wait3A_68 = tpu.memref_slice %arg2[%dma_wait3A_66, %dma_wait3A_67] : memref<8192x256xf32, #tpu.memory_space<hbm>> -> memref<8192x256xf32, #tpu.memory_space<hbm>>
    tpu.wait_indirect_dma semaphore(%arg7 : memref<!tpu.dma_semaphore, #tpu.memory_space<semaphore_mem>>) src(%dma_wait3A_68 : memref<8192x256xf32, #tpu.memory_space<hbm>>) dst(%dma_wait3A_62 : memref<96x256xf32, #tpu.memory_space<vmem>>)
    "tpu.region"() ({
      %run_scoped3A_69 = tpu.sem_alloc : memref<!tpu.dma_semaphore, #tpu.memory_space<semaphore_mem>>
      %dma_start3A_70 = arith.constant 0 : i32
      %dma_start3A_71 = tpu.memref_slice %arg4[%mul3A_2, %dma_start3A_70] : memref<9216x256xf32, #tpu.memory_space<hbm>> -> memref<288x256xf32, #tpu.memory_space<hbm>>
      %dma_start3A_72 = arith.constant 0 : i32
      %dma_start3A_73 = tpu.memref_slice %arg4[%mul3A_2, %dma_start3A_72] : memref<9216x256xf32, #tpu.memory_space<hbm>> -> memref<288x256xf32, #tpu.memory_space<hbm>>
      tpu.enqueue_dma source(%arg6 : memref<288x256xf32, #tpu.memory_space<vmem>>) target(%dma_start3A_73 : memref<288x256xf32, #tpu.memory_space<hbm>>) target_semaphore(%run_scoped3A_69 : memref<!tpu.dma_semaphore, #tpu.memory_space<semaphore_mem>>)
      %dma_wait3A_74 = arith.constant 0 : i32
      %dma_wait3A_75 = tpu.memref_slice %arg4[%mul3A_2, %dma_wait3A_74] : memref<9216x256xf32, #tpu.memory_space<hbm>> -> memref<288x256xf32, #tpu.memory_space<hbm>>
      %dma_wait3A_76 = arith.constant 0 : i32
      %dma_wait3A_77 = tpu.memref_slice %arg4[%mul3A_2, %dma_wait3A_76] : memref<9216x256xf32, #tpu.memory_space<hbm>> -> memref<288x256xf32, #tpu.memory_space<hbm>>
      tpu.wait_dma2 semaphore(%run_scoped3A_69 : memref<!tpu.dma_semaphore, #tpu.memory_space<semaphore_mem>>) src(%arg6 : memref<288x256xf32, #tpu.memory_space<vmem>>) dst(%dma_wait3A_77 : memref<288x256xf32, #tpu.memory_space<hbm>>)
      tpu.yield
    }) : () -> ()
    return
  }
}

#map = affine_map<(d0, d1) -> (0, 0)>
#map1 = affine_map<(d0, d1) -> (0)>
module attributes {stable_mosaic.version = 14 : i64} {
  func.func @k(%arg0: i32, %arg1: i32, %arg2: memref<8192x256xf32, #tpu.memory_space<hbm>>, %arg3: memref<9216xi32, #tpu.memory_space<hbm>>, %arg4: memref<9216x256xf32, #tpu.memory_space<hbm>>, %arg5: memref<3x96xi32, #tpu.memory_space<vmem>>, %arg6: memref<288x256xf32, #tpu.memory_space<vmem>>, %arg7: memref<!tpu.dma_semaphore, #tpu.memory_space<semaphore_mem>>) attributes {dimension_semantics = [#tpu.dimension_semantics<core_parallel>, #tpu.dimension_semantics<subcore_parallel>], iteration_bounds = array<i64: 2, 16>, scalar_prefetch = 0 : i64, scratch_operands = 3 : i64, tpu.core_type = #tpu.core_type<sc_vector_subcore>, window_params = [{transform_indices = #map}, {transform_indices = #map1}, {transform_indices = #map}]} {
    %mul3A = arith.constant 2 : i32
    %mul3A_0 = arith.muli %arg1, %mul3A : i32
    %add3A = arith.addi %mul3A_0, %arg0 : i32
    %mul3A_1 = arith.constant 288 : i32
    %mul3A_2 = arith.muli %add3A, %mul3A_1 : i32
    %add3A_3 = arith.constant 0 : i32
    %add3A_4 = arith.addi %mul3A_2, %add3A_3 : i32
    %run_scoped3A = arith.constant 0 : i32
    "tpu.region"() ({
      %run_scoped3A_69 = tpu.sem_alloc : memref<!tpu.dma_semaphore, #tpu.memory_space<semaphore_mem>>
      %dma_start3A_70 = arith.constant 0 : i32
      %dma_start3A_71 = tpu.memref_slice %arg5[%run_scoped3A, %dma_start3A_70] : memref<3x96xi32, #tpu.memory_space<vmem>> -> memref<1x96xi32, #tpu.memory_space<vmem>>
      %dma_start3A_72 = tpu.memref_squeeze %dma_start3A_71 : memref<1x96xi32, #tpu.memory_space<vmem>> -> memref<96xi32, #tpu.memory_space<vmem>>
      %dma_start3A_73 = tpu.memref_slice %arg3[%add3A_4] : memref<9216xi32, #tpu.memory_space<hbm>> -> memref<96xi32, #tpu.memory_space<hbm>>
      %dma_start3A_74 = arith.constant 0 : i32
      %dma_start3A_75 = tpu.memref_slice %arg5[%run_scoped3A, %dma_start3A_74] : memref<3x96xi32, #tpu.memory_space<vmem>> -> memref<1x96xi32, #tpu.memory_space<vmem>>
      %dma_start3A_76 = tpu.memref_squeeze %dma_start3A_75 : memref<1x96xi32, #tpu.memory_space<vmem>> -> memref<96xi32, #tpu.memory_space<vmem>>
      %dma_start3A_77 = tpu.memref_slice %arg3[%add3A_4] : memref<9216xi32, #tpu.memory_space<hbm>> -> memref<96xi32, #tpu.memory_space<hbm>>
      tpu.enqueue_dma source(%dma_start3A_77 : memref<96xi32, #tpu.memory_space<hbm>>) target(%dma_start3A_76 : memref<96xi32, #tpu.memory_space<vmem>>) target_semaphore(%run_scoped3A_69 : memref<!tpu.dma_semaphore, #tpu.memory_space<semaphore_mem>>)
      %dma_wait3A_78 = arith.constant 0 : i32
      %dma_wait3A_79 = tpu.memref_slice %arg5[%run_scoped3A, %dma_wait3A_78] : memref<3x96xi32, #tpu.memory_space<vmem>> -> memref<1x96xi32, #tpu.memory_space<vmem>>
      %dma_wait3A_80 = tpu.memref_squeeze %dma_wait3A_79 : memref<1x96xi32, #tpu.memory_space<vmem>> -> memref<96xi32, #tpu.memory_space<vmem>>
      %dma_wait3A_81 = tpu.memref_slice %arg3[%add3A_4] : memref<9216xi32, #tpu.memory_space<hbm>> -> memref<96xi32, #tpu.memory_space<hbm>>
      %dma_wait3A_82 = arith.constant 0 : i32
      %dma_wait3A_83 = tpu.memref_slice %arg5[%run_scoped3A, %dma_wait3A_82] : memref<3x96xi32, #tpu.memory_space<vmem>> -> memref<1x96xi32, #tpu.memory_space<vmem>>
      %dma_wait3A_84 = tpu.memref_squeeze %dma_wait3A_83 : memref<1x96xi32, #tpu.memory_space<vmem>> -> memref<96xi32, #tpu.memory_space<vmem>>
      %dma_wait3A_85 = tpu.memref_slice %arg3[%add3A_4] : memref<9216xi32, #tpu.memory_space<hbm>> -> memref<96xi32, #tpu.memory_space<hbm>>
      tpu.wait_dma2 semaphore(%run_scoped3A_69 : memref<!tpu.dma_semaphore, #tpu.memory_space<semaphore_mem>>) src(%dma_wait3A_85 : memref<96xi32, #tpu.memory_space<hbm>>) dst(%dma_wait3A_84 : memref<96xi32, #tpu.memory_space<vmem>>)
      tpu.yield
    }) : () -> ()
    %dma_start3A = arith.constant 0 : i32
    %dma_start3A_5 = arith.constant 0 : i32
    %dma_start3A_6 = arith.constant 0 : i32
    %dma_start3A_7 = tpu.memref_slice %arg6[%dma_start3A_5, %dma_start3A_6] : memref<288x256xf32, #tpu.memory_space<vmem>> -> memref<96x256xf32, #tpu.memory_space<vmem>>
    %dma_start3A_8 = arith.constant 0 : i32
    %dma_start3A_9 = tpu.memref_slice %arg5[%dma_start3A, %dma_start3A_8] : memref<3x96xi32, #tpu.memory_space<vmem>> -> memref<1x96xi32, #tpu.memory_space<vmem>>
    %dma_start3A_10 = tpu.memref_squeeze %dma_start3A_9 : memref<1x96xi32, #tpu.memory_space<vmem>> -> memref<96xi32, #tpu.memory_space<vmem>>
    %dma_start3A_11 = arith.constant 0 : i32
    %dma_start3A_12 = arith.constant 0 : i32
    %dma_start3A_13 = tpu.memref_slice %arg2[%dma_start3A_11, %dma_start3A_12] : memref<8192x256xf32, #tpu.memory_space<hbm>> -> memref<8192x256xf32, #tpu.memory_space<hbm>>
    tpu.enqueue_indirect_dma source(%dma_start3A_13 : memref<8192x256xf32, #tpu.memory_space<hbm>>) target(%dma_start3A_7 : memref<96x256xf32, #tpu.memory_space<vmem>>) offsets(%dma_start3A_10 : memref<96xi32, #tpu.memory_space<vmem>>) semaphore(%arg7 : memref<!tpu.dma_semaphore, #tpu.memory_space<semaphore_mem>>)
    %add3A_14 = arith.constant 96 : i32
    %add3A_15 = arith.addi %mul3A_2, %add3A_14 : i32
    %run_scoped3A_16 = arith.constant 1 : i32
    "tpu.region"() ({
      %run_scoped3A_69 = tpu.sem_alloc : memref<!tpu.dma_semaphore, #tpu.memory_space<semaphore_mem>>
      %dma_start3A_70 = arith.constant 0 : i32
      %dma_start3A_71 = tpu.memref_slice %arg5[%run_scoped3A_16, %dma_start3A_70] : memref<3x96xi32, #tpu.memory_space<vmem>> -> memref<1x96xi32, #tpu.memory_space<vmem>>
      %dma_start3A_72 = tpu.memref_squeeze %dma_start3A_71 : memref<1x96xi32, #tpu.memory_space<vmem>> -> memref<96xi32, #tpu.memory_space<vmem>>
      %dma_start3A_73 = tpu.memref_slice %arg3[%add3A_15] : memref<9216xi32, #tpu.memory_space<hbm>> -> memref<96xi32, #tpu.memory_space<hbm>>
      %dma_start3A_74 = arith.constant 0 : i32
      %dma_start3A_75 = tpu.memref_slice %arg5[%run_scoped3A_16, %dma_start3A_74] : memref<3x96xi32, #tpu.memory_space<vmem>> -> memref<1x96xi32, #tpu.memory_space<vmem>>
      %dma_start3A_76 = tpu.memref_squeeze %dma_start3A_75 : memref<1x96xi32, #tpu.memory_space<vmem>> -> memref<96xi32, #tpu.memory_space<vmem>>
      %dma_start3A_77 = tpu.memref_slice %arg3[%add3A_15] : memref<9216xi32, #tpu.memory_space<hbm>> -> memref<96xi32, #tpu.memory_space<hbm>>
      tpu.enqueue_dma source(%dma_start3A_77 : memref<96xi32, #tpu.memory_space<hbm>>) target(%dma_start3A_76 : memref<96xi32, #tpu.memory_space<vmem>>) target_semaphore(%run_scoped3A_69 : memref<!tpu.dma_semaphore, #tpu.memory_space<semaphore_mem>>)
      %dma_wait3A_78 = arith.constant 0 : i32
      %dma_wait3A_79 = tpu.memref_slice %arg5[%run_scoped3A_16, %dma_wait3A_78] : memref<3x96xi32, #tpu.memory_space<vmem>> -> memref<1x96xi32, #tpu.memory_space<vmem>>
      %dma_wait3A_80 = tpu.memref_squeeze %dma_wait3A_79 : memref<1x96xi32, #tpu.memory_space<vmem>> -> memref<96xi32, #tpu.memory_space<vmem>>
      %dma_wait3A_81 = tpu.memref_slice %arg3[%add3A_15] : memref<9216xi32, #tpu.memory_space<hbm>> -> memref<96xi32, #tpu.memory_space<hbm>>
      %dma_wait3A_82 = arith.constant 0 : i32
      %dma_wait3A_83 = tpu.memref_slice %arg5[%run_scoped3A_16, %dma_wait3A_82] : memref<3x96xi32, #tpu.memory_space<vmem>> -> memref<1x96xi32, #tpu.memory_space<vmem>>
      %dma_wait3A_84 = tpu.memref_squeeze %dma_wait3A_83 : memref<1x96xi32, #tpu.memory_space<vmem>> -> memref<96xi32, #tpu.memory_space<vmem>>
      %dma_wait3A_85 = tpu.memref_slice %arg3[%add3A_15] : memref<9216xi32, #tpu.memory_space<hbm>> -> memref<96xi32, #tpu.memory_space<hbm>>
      tpu.wait_dma2 semaphore(%run_scoped3A_69 : memref<!tpu.dma_semaphore, #tpu.memory_space<semaphore_mem>>) src(%dma_wait3A_85 : memref<96xi32, #tpu.memory_space<hbm>>) dst(%dma_wait3A_84 : memref<96xi32, #tpu.memory_space<vmem>>)
      tpu.yield
    }) : () -> ()
    %dma_start3A_17 = arith.constant 1 : i32
    %dma_start3A_18 = arith.constant 96 : i32
    %dma_start3A_19 = arith.constant 0 : i32
    %dma_start3A_20 = tpu.memref_slice %arg6[%dma_start3A_18, %dma_start3A_19] : memref<288x256xf32, #tpu.memory_space<vmem>> -> memref<96x256xf32, #tpu.memory_space<vmem>>
    %dma_start3A_21 = arith.constant 0 : i32
    %dma_start3A_22 = tpu.memref_slice %arg5[%dma_start3A_17, %dma_start3A_21] : memref<3x96xi32, #tpu.memory_space<vmem>> -> memref<1x96xi32, #tpu.memory_space<vmem>>
    %dma_start3A_23 = tpu.memref_squeeze %dma_start3A_22 : memref<1x96xi32, #tpu.memory_space<vmem>> -> memref<96xi32, #tpu.memory_space<vmem>>
    %dma_start3A_24 = arith.constant 0 : i32
    %dma_start3A_25 = arith.constant 0 : i32
    %dma_start3A_26 = tpu.memref_slice %arg2[%dma_start3A_24, %dma_start3A_25] : memref<8192x256xf32, #tpu.memory_space<hbm>> -> memref<8192x256xf32, #tpu.memory_space<hbm>>
    tpu.enqueue_indirect_dma source(%dma_start3A_26 : memref<8192x256xf32, #tpu.memory_space<hbm>>) target(%dma_start3A_20 : memref<96x256xf32, #tpu.memory_space<vmem>>) offsets(%dma_start3A_23 : memref<96xi32, #tpu.memory_space<vmem>>) semaphore(%arg7 : memref<!tpu.dma_semaphore, #tpu.memory_space<semaphore_mem>>)
    %add3A_27 = arith.constant 192 : i32
    %add3A_28 = arith.addi %mul3A_2, %add3A_27 : i32
    %run_scoped3A_29 = arith.constant 2 : i32
    "tpu.region"() ({
      %run_scoped3A_69 = tpu.sem_alloc : memref<!tpu.dma_semaphore, #tpu.memory_space<semaphore_mem>>
      %dma_start3A_70 = arith.constant 0 : i32
      %dma_start3A_71 = tpu.memref_slice %arg5[%run_scoped3A_29, %dma_start3A_70] : memref<3x96xi32, #tpu.memory_space<vmem>> -> memref<1x96xi32, #tpu.memory_space<vmem>>
      %dma_start3A_72 = tpu.memref_squeeze %dma_start3A_71 : memref<1x96xi32, #tpu.memory_space<vmem>> -> memref<96xi32, #tpu.memory_space<vmem>>
      %dma_start3A_73 = tpu.memref_slice %arg3[%add3A_28] : memref<9216xi32, #tpu.memory_space<hbm>> -> memref<96xi32, #tpu.memory_space<hbm>>
      %dma_start3A_74 = arith.constant 0 : i32
      %dma_start3A_75 = tpu.memref_slice %arg5[%run_scoped3A_29, %dma_start3A_74] : memref<3x96xi32, #tpu.memory_space<vmem>> -> memref<1x96xi32, #tpu.memory_space<vmem>>
      %dma_start3A_76 = tpu.memref_squeeze %dma_start3A_75 : memref<1x96xi32, #tpu.memory_space<vmem>> -> memref<96xi32, #tpu.memory_space<vmem>>
      %dma_start3A_77 = tpu.memref_slice %arg3[%add3A_28] : memref<9216xi32, #tpu.memory_space<hbm>> -> memref<96xi32, #tpu.memory_space<hbm>>
      tpu.enqueue_dma source(%dma_start3A_77 : memref<96xi32, #tpu.memory_space<hbm>>) target(%dma_start3A_76 : memref<96xi32, #tpu.memory_space<vmem>>) target_semaphore(%run_scoped3A_69 : memref<!tpu.dma_semaphore, #tpu.memory_space<semaphore_mem>>)
      %dma_wait3A_78 = arith.constant 0 : i32
      %dma_wait3A_79 = tpu.memref_slice %arg5[%run_scoped3A_29, %dma_wait3A_78] : memref<3x96xi32, #tpu.memory_space<vmem>> -> memref<1x96xi32, #tpu.memory_space<vmem>>
      %dma_wait3A_80 = tpu.memref_squeeze %dma_wait3A_79 : memref<1x96xi32, #tpu.memory_space<vmem>> -> memref<96xi32, #tpu.memory_space<vmem>>
      %dma_wait3A_81 = tpu.memref_slice %arg3[%add3A_28] : memref<9216xi32, #tpu.memory_space<hbm>> -> memref<96xi32, #tpu.memory_space<hbm>>
      %dma_wait3A_82 = arith.constant 0 : i32
      %dma_wait3A_83 = tpu.memref_slice %arg5[%run_scoped3A_29, %dma_wait3A_82] : memref<3x96xi32, #tpu.memory_space<vmem>> -> memref<1x96xi32, #tpu.memory_space<vmem>>
      %dma_wait3A_84 = tpu.memref_squeeze %dma_wait3A_83 : memref<1x96xi32, #tpu.memory_space<vmem>> -> memref<96xi32, #tpu.memory_space<vmem>>
      %dma_wait3A_85 = tpu.memref_slice %arg3[%add3A_28] : memref<9216xi32, #tpu.memory_space<hbm>> -> memref<96xi32, #tpu.memory_space<hbm>>
      tpu.wait_dma2 semaphore(%run_scoped3A_69 : memref<!tpu.dma_semaphore, #tpu.memory_space<semaphore_mem>>) src(%dma_wait3A_85 : memref<96xi32, #tpu.memory_space<hbm>>) dst(%dma_wait3A_84 : memref<96xi32, #tpu.memory_space<vmem>>)
      tpu.yield
    }) : () -> ()
    %dma_start3A_30 = arith.constant 2 : i32
    %dma_start3A_31 = arith.constant 192 : i32
    %dma_start3A_32 = arith.constant 0 : i32
    %dma_start3A_33 = tpu.memref_slice %arg6[%dma_start3A_31, %dma_start3A_32] : memref<288x256xf32, #tpu.memory_space<vmem>> -> memref<96x256xf32, #tpu.memory_space<vmem>>
    %dma_start3A_34 = arith.constant 0 : i32
    %dma_start3A_35 = tpu.memref_slice %arg5[%dma_start3A_30, %dma_start3A_34] : memref<3x96xi32, #tpu.memory_space<vmem>> -> memref<1x96xi32, #tpu.memory_space<vmem>>
    %dma_start3A_36 = tpu.memref_squeeze %dma_start3A_35 : memref<1x96xi32, #tpu.memory_space<vmem>> -> memref<96xi32, #tpu.memory_space<vmem>>
    %dma_start3A_37 = arith.constant 0 : i32
    %dma_start3A_38 = arith.constant 0 : i32
    %dma_start3A_39 = tpu.memref_slice %arg2[%dma_start3A_37, %dma_start3A_38] : memref<8192x256xf32, #tpu.memory_space<hbm>> -> memref<8192x256xf32, #tpu.memory_space<hbm>>
    tpu.enqueue_indirect_dma source(%dma_start3A_39 : memref<8192x256xf32, #tpu.memory_space<hbm>>) target(%dma_start3A_33 : memref<96x256xf32, #tpu.memory_space<vmem>>) offsets(%dma_start3A_36 : memref<96xi32, #tpu.memory_space<vmem>>) semaphore(%arg7 : memref<!tpu.dma_semaphore, #tpu.memory_space<semaphore_mem>>)
    %dma_wait3A = arith.constant 0 : i32
    %dma_wait3A_40 = arith.constant 0 : i32
    %dma_wait3A_41 = arith.constant 0 : i32
    %dma_wait3A_42 = tpu.memref_slice %arg6[%dma_wait3A_40, %dma_wait3A_41] : memref<288x256xf32, #tpu.memory_space<vmem>> -> memref<96x256xf32, #tpu.memory_space<vmem>>
    %dma_wait3A_43 = arith.constant 0 : i32
    %dma_wait3A_44 = tpu.memref_slice %arg5[%dma_wait3A, %dma_wait3A_43] : memref<3x96xi32, #tpu.memory_space<vmem>> -> memref<1x96xi32, #tpu.memory_space<vmem>>
    %dma_wait3A_45 = tpu.memref_squeeze %dma_wait3A_44 : memref<1x96xi32, #tpu.memory_space<vmem>> -> memref<96xi32, #tpu.memory_space<vmem>>
    %dma_wait3A_46 = arith.constant 0 : i32
    %dma_wait3A_47 = arith.constant 0 : i32
    %dma_wait3A_48 = tpu.memref_slice %arg2[%dma_wait3A_46, %dma_wait3A_47] : memref<8192x256xf32, #tpu.memory_space<hbm>> -> memref<8192x256xf32, #tpu.memory_space<hbm>>
    tpu.wait_indirect_dma semaphore(%arg7 : memref<!tpu.dma_semaphore, #tpu.memory_space<semaphore_mem>>) src(%dma_wait3A_48 : memref<8192x256xf32, #tpu.memory_space<hbm>>) dst(%dma_wait3A_42 : memref<96x256xf32, #tpu.memory_space<vmem>>)
    %dma_wait3A_49 = arith.constant 1 : i32
    %dma_wait3A_50 = arith.constant 96 : i32
    %dma_wait3A_51 = arith.constant 0 : i32
    %dma_wait3A_52 = tpu.memref_slice %arg6[%dma_wait3A_50, %dma_wait3A_51] : memref<288x256xf32, #tpu.memory_space<vmem>> -> memref<96x256xf32, #tpu.memory_space<vmem>>
    %dma_wait3A_53 = arith.constant 0 : i32
    %dma_wait3A_54 = tpu.memref_slice %arg5[%dma_wait3A_49, %dma_wait3A_53] : memref<3x96xi32, #tpu.memory_space<vmem>> -> memref<1x96xi32, #tpu.memory_space<vmem>>
    %dma_wait3A_55 = tpu.memref_squeeze %dma_wait3A_54 : memref<1x96xi32, #tpu.memory_space<vmem>> -> memref<96xi32, #tpu.memory_space<vmem>>
    %dma_wait3A_56 = arith.constant 0 : i32
    %dma_wait3A_57 = arith.constant 0 : i32
    %dma_wait3A_58 = tpu.memref_slice %arg2[%dma_wait3A_56, %dma_wait3A_57] : memref<8192x256xf32, #tpu.memory_space<hbm>> -> memref<8192x256xf32, #tpu.memory_space<hbm>>
    tpu.wait_indirect_dma semaphore(%arg7 : memref<!tpu.dma_semaphore, #tpu.memory_space<semaphore_mem>>) src(%dma_wait3A_58 : memref<8192x256xf32, #tpu.memory_space<hbm>>) dst(%dma_wait3A_52 : memref<96x256xf32, #tpu.memory_space<vmem>>)
    %dma_wait3A_59 = arith.constant 2 : i32
    %dma_wait3A_60 = arith.constant 192 : i32
    %dma_wait3A_61 = arith.constant 0 : i32
    %dma_wait3A_62 = tpu.memref_slice %arg6[%dma_wait3A_60, %dma_wait3A_61] : memref<288x256xf32, #tpu.memory_space<vmem>> -> memref<96x256xf32, #tpu.memory_space<vmem>>
    %dma_wait3A_63 = arith.constant 0 : i32
    %dma_wait3A_64 = tpu.memref_slice %arg5[%dma_wait3A_59, %dma_wait3A_63] : memref<3x96xi32, #tpu.memory_space<vmem>> -> memref<1x96xi32, #tpu.memory_space<vmem>>
    %dma_wait3A_65 = tpu.memref_squeeze %dma_wait3A_64 : memref<1x96xi32, #tpu.memory_space<vmem>> -> memref<96xi32, #tpu.memory_space<vmem>>
    %dma_wait3A_66 = arith.constant 0 : i32
    %dma_wait3A_67 = arith.constant 0 : i32
    %dma_wait3A_68 = tpu.memref_slice %arg2[%dma_wait3A_66, %dma_wait3A_67] : memref<8192x256xf32, #tpu.memory_space<hbm>> -> memref<8192x256xf32, #tpu.memory_space<hbm>>
    tpu.wait_indirect_dma semaphore(%arg7 : memref<!tpu.dma_semaphore, #tpu.memory_space<semaphore_mem>>) src(%dma_wait3A_68 : memref<8192x256xf32, #tpu.memory_space<hbm>>) dst(%dma_wait3A_62 : memref<96x256xf32, #tpu.memory_space<vmem>>)
    "tpu.region"() ({
      %run_scoped3A_69 = tpu.sem_alloc : memref<!tpu.dma_semaphore, #tpu.memory_space<semaphore_mem>>
      %dma_start3A_70 = arith.constant 0 : i32
      %dma_start3A_71 = tpu.memref_slice %arg4[%mul3A_2, %dma_start3A_70] : memref<9216x256xf32, #tpu.memory_space<hbm>> -> memref<288x256xf32, #tpu.memory_space<hbm>>
      %dma_start3A_72 = arith.constant 0 : i32
      %dma_start3A_73 = tpu.memref_slice %arg4[%mul3A_2, %dma_start3A_72] : memref<9216x256xf32, #tpu.memory_space<hbm>> -> memref<288x256xf32, #tpu.memory_space<hbm>>
      tpu.enqueue_dma source(%arg6 : memref<288x256xf32, #tpu.memory_space<vmem>>) target(%dma_start3A_73 : memref<288x256xf32, #tpu.memory_space<hbm>>) target_semaphore(%run_scoped3A_69 : memref<!tpu.dma_semaphore, #tpu.memory_space<semaphore_mem>>)
      %dma_wait3A_74 = arith.constant 0 : i32
      %dma_wait3A_75 = tpu.memref_slice %arg4[%mul3A_2, %dma_wait3A_74] : memref<9216x256xf32, #tpu.memory_space<hbm>> -> memref<288x256xf32, #tpu.memory_space<hbm>>
      %dma_wait3A_76 = arith.constant 0 : i32
      %dma_wait3A_77 = tpu.memref_slice %arg4[%mul3A_2, %dma_wait3A_76] : memref<9216x256xf32, #tpu.memory_space<hbm>> -> memref<288x256xf32, #tpu.memory_space<hbm>>
      tpu.wait_dma2 semaphore(%run_scoped3A_69 : memref<!tpu.dma_semaphore, #tpu.memory_space<semaphore_mem>>) src(%arg6 : memref<288x256xf32, #tpu.memory_space<vmem>>) dst(%dma_wait3A_77 : memref<288x256xf32, #tpu.memory_space<hbm>>)
      tpu.yield
    }) : () -> ()
    return
  }
}

module attributes {stable_mosaic.version = 14 : i64} {
  func.func @_dist_first_body(%arg0: i32, %arg1: memref<1024x256xf32, #tpu.memory_space<vmem>>, %arg2: memref<8192x256xbf16, #tpu.memory_space<vmem>>, %arg3: memref<8192x256xf32, #tpu.memory_space<vmem>>, %arg4: memref<1024x1xi32, #tpu.memory_space<vmem>>, %arg5: memref<1x8192xf32, #tpu.memory_space<vmem>>) attributes {dimension_semantics = [#tpu.dimension_semantics<arbitrary>], iteration_bounds = array<i64: 9>, scalar_prefetch = 0 : i64, scratch_operands = 1 : i64, tpu.core_type = #tpu.core_type<tc>, window_params = [{transform_indices = @transform_0, window_bounds = array<i64: 1024, 256>}, {pipeline_mode = #tpu.pipeline_mode<synchronous>, transform_indices = @transform_1, window_bounds = array<i64: 8192, 256>}, {pipeline_mode = #tpu.pipeline_mode<synchronous>, transform_indices = @transform_2, window_bounds = array<i64: 8192, 256>}, {transform_indices = @transform_3, window_bounds = array<i64: 1024, 1>}]} {
    %eq3A = arith.constant 0 : i32
    %eq3A_0 = arith.cmpi eq, %arg0, %eq3A : i32
    %convert_element_type3A = arith.extui %eq3A_0 : i1 to i32
    %cond3A = arith.constant 0 : i32
    %cond3A_1 = arith.cmpi ne, %convert_element_type3A, %cond3A : i32
    scf.if %cond3A_1 {
      %broadcast_in_dim3A_876 = arith.constant 1.000000e+00 : f32
      %broadcast_in_dim3A_877 = vector.broadcast %broadcast_in_dim3A_876 : f32 to vector<1x256xf32>
      %get3A_878 = arith.constant 0 : index
      %get3A_879 = arith.constant 0 : index
      %get3A_880 = vector.load %arg3[%get3A_878, %get3A_879] : memref<8192x256xf32, #tpu.memory_space<vmem>>, vector<2048x256xf32>
      %mul3A_881 = arith.mulf %get3A_880, %get3A_880 : vector<2048x256xf32>
      %dot_general3A_882 = arith.constant dense<0.000000e+00> : vector<1x2048xf32>
      %dot_general3A_883 = tpu.matmul %broadcast_in_dim3A_877, %mul3A_881, %dot_general3A_882 {dimension_numbers = #tpu.dot_dimension_numbers<[1], [1], [0], [0], [0, 0, 1, 0], [], []>, precision = #tpu.contract_precision<fp32>, transpose_lhs_hint = false} : vector<1x256xf32>, vector<2048x256xf32>, vector<1x2048xf32> -> vector<1x2048xf32>
      %swap3A_884 = arith.constant 0 : index
      %swap3A_885 = arith.constant 0 : index
      %swap3A_886 = vector.load %arg5[%swap3A_884, %swap3A_885] : memref<1x8192xf32, #tpu.memory_space<vmem>>, vector<1x2048xf32>
      tpu.vector_store %arg5[%swap3A_884, %swap3A_885], %dot_general3A_883 {strides = array<i32>} : memref<1x8192xf32, #tpu.memory_space<vmem>>, vector<1x2048xf32>,
      %get3A_887 = arith.constant 2048 : index
      %get3A_888 = arith.constant 0 : index
      %get3A_889 = vector.load %arg3[%get3A_887, %get3A_888] : memref<8192x256xf32, #tpu.memory_space<vmem>>, vector<2048x256xf32>
      %mul3A_890 = arith.mulf %get3A_889, %get3A_889 : vector<2048x256xf32>
      %dot_general3A_891 = arith.constant dense<0.000000e+00> : vector<1x2048xf32>
      %dot_general3A_892 = tpu.matmul %broadcast_in_dim3A_877, %mul3A_890, %dot_general3A_891 {dimension_numbers = #tpu.dot_dimension_numbers<[1], [1], [0], [0], [0, 0, 1, 0], [], []>, precision = #tpu.contract_precision<fp32>, transpose_lhs_hint = false} : vector<1x256xf32>, vector<2048x256xf32>, vector<1x2048xf32> -> vector<1x2048xf32>
      %swap3A_893 = arith.constant 0 : index
      %swap3A_894 = arith.constant 2048 : index
      %swap3A_895 = vector.load %arg5[%swap3A_893, %swap3A_894] : memref<1x8192xf32, #tpu.memory_space<vmem>>, vector<1x2048xf32>
      tpu.vector_store %arg5[%swap3A_893, %swap3A_894], %dot_general3A_892 {strides = array<i32>} : memref<1x8192xf32, #tpu.memory_space<vmem>>, vector<1x2048xf32>,
      %get3A_896 = arith.constant 4096 : index
      %get3A_897 = arith.constant 0 : index
      %get3A_898 = vector.load %arg3[%get3A_896, %get3A_897] : memref<8192x256xf32, #tpu.memory_space<vmem>>, vector<2048x256xf32>
      %mul3A_899 = arith.mulf %get3A_898, %get3A_898 : vector<2048x256xf32>
      %dot_general3A_900 = arith.constant dense<0.000000e+00> : vector<1x2048xf32>
      %dot_general3A_901 = tpu.matmul %broadcast_in_dim3A_877, %mul3A_899, %dot_general3A_900 {dimension_numbers = #tpu.dot_dimension_numbers<[1], [1], [0], [0], [0, 0, 1, 0], [], []>, precision = #tpu.contract_precision<fp32>, transpose_lhs_hint = false} : vector<1x256xf32>, vector<2048x256xf32>, vector<1x2048xf32> -> vector<1x2048xf32>
      %swap3A_902 = arith.constant 0 : index
      %swap3A_903 = arith.constant 4096 : index
      %swap3A_904 = vector.load %arg5[%swap3A_902, %swap3A_903] : memref<1x8192xf32, #tpu.memory_space<vmem>>, vector<1x2048xf32>
      tpu.vector_store %arg5[%swap3A_902, %swap3A_903], %dot_general3A_901 {strides = array<i32>} : memref<1x8192xf32, #tpu.memory_space<vmem>>, vector<1x2048xf32>,
      %get3A_905 = arith.constant 6144 : index
      %get3A_906 = arith.constant 0 : index
      %get3A_907 = vector.load %arg3[%get3A_905, %get3A_906] : memref<8192x256xf32, #tpu.memory_space<vmem>>, vector<2048x256xf32>
      %mul3A_908 = arith.mulf %get3A_907, %get3A_907 : vector<2048x256xf32>
      %dot_general3A_909 = arith.constant dense<0.000000e+00> : vector<1x2048xf32>
      %dot_general3A_910 = tpu.matmul %broadcast_in_dim3A_877, %mul3A_908, %dot_general3A_909 {dimension_numbers = #tpu.dot_dimension_numbers<[1], [1], [0], [0], [0, 0, 1, 0], [], []>, precision = #tpu.contract_precision<fp32>, transpose_lhs_hint = false} : vector<1x256xf32>, vector<2048x256xf32>, vector<1x2048xf32> -> vector<1x2048xf32>
      %swap3A_911 = arith.constant 0 : index
      %swap3A_912 = arith.constant 6144 : index
      %swap3A_913 = vector.load %arg5[%swap3A_911, %swap3A_912] : memref<1x8192xf32, #tpu.memory_space<vmem>>, vector<1x2048xf32>
      tpu.vector_store %arg5[%swap3A_911, %swap3A_912], %dot_general3A_910 {strides = array<i32>} : memref<1x8192xf32, #tpu.memory_space<vmem>>, vector<1x2048xf32>,
    } else {
    }
    %get3A = arith.constant 0 : index
    %get3A_2 = arith.constant 0 : index
    %get3A_3 = vector.load %arg1[%get3A, %get3A_2] : memref<1024x256xf32, #tpu.memory_space<vmem>>, vector<1024x256xf32>
    %mul3A = arith.mulf %get3A_3, %get3A_3 : vector<1024x256xf32>
    %reduce_sum3A = arith.constant dense<0.000000e+00> : vector<1024xf32>
    %reduce_sum3A_4 = vector.multi_reduction <add>, %mul3A, %reduce_sum3A [1] : vector<1024x256xf32> to vector<1024xf32>
    %broadcast_in_dim3A = vector.shape_cast %reduce_sum3A_4 : vector<1024xf32> to vector<1024x1xf32>
    %mul3A_5 = arith.constant -2.000000e+00 : f32
    %mul3A_6 = vector.broadcast %mul3A_5 : f32 to vector<1024x256xf32>
    %mul3A_7 = arith.mulf %get3A_3, %mul3A_6 : vector<1024x256xf32>
    %convert_element_type3A_8 = arith.truncf %mul3A_7 : vector<1024x256xf32> to vector<1024x256xbf16>
    %broadcast_in_dim3A_9 = arith.constant 0x7F800000 : f32
    %broadcast_in_dim3A_10 = vector.broadcast %broadcast_in_dim3A_9 : f32 to vector<1024x128xf32>
    %broadcast_in_dim3A_11 = arith.constant 0.000000e+00 : f32
    %broadcast_in_dim3A_12 = vector.broadcast %broadcast_in_dim3A_11 : f32 to vector<1024x128xf32>
    %get3A_13 = arith.constant 0 : index
    %get3A_14 = arith.constant 0 : index
    %get3A_15 = vector.load %arg2[%get3A_13, %get3A_14] : memref<8192x256xbf16, #tpu.memory_space<vmem>>, vector<2048x256xbf16>
    %dot_general3A = arith.constant dense<0.000000e+00> : vector<1024x2048xf32>
    %dot_general3A_16 = tpu.matmul %convert_element_type3A_8, %get3A_15, %dot_general3A {dimension_numbers = #tpu.dot_dimension_numbers<[1], [1], [0], [0], [0, 0, 1, 0], [], []>, transpose_lhs_hint = false} : vector<1024x256xbf16>, vector<2048x256xbf16>, vector<1024x2048xf32> -> vector<1024x2048xf32>
    %slice3A = vector.extract_strided_slice %dot_general3A_16 {offsets = [0, 0], sizes = [1024, 128], strides = [1, 1]} : vector<1024x2048xf32> to vector<1024x128xf32>
    %add3A = vector.broadcast %broadcast_in_dim3A : vector<1024x1xf32> to vector<1024x128xf32>
    %add3A_17 = arith.addf %add3A, %slice3A : vector<1024x128xf32>
    %get3A_18 = arith.constant 0 : index
    %get3A_19 = arith.constant 0 : index
    %get3A_20 = vector.load %arg5[%get3A_18, %get3A_19] : memref<1x8192xf32, #tpu.memory_space<vmem>>, vector<1x128xf32>
    %add3A_21 = vector.broadcast %get3A_20 : vector<1x128xf32> to vector<1024x128xf32>
    %add3A_22 = arith.addf %add3A_17, %add3A_21 : vector<1024x128xf32>
    %lt3A = arith.cmpf olt, %add3A_22, %broadcast_in_dim3A_10 : vector<1024x128xf32>
    %min3A = arith.minimumf %broadcast_in_dim3A_10, %add3A_22 : vector<1024x128xf32>
    %jit3A = arith.constant 0.000000e+00 : f32
    %broadcast_in_dim3A_23 = vector.broadcast %jit3A : f32 to vector<1024x128xf32>
    %select_n3A = arith.select %lt3A, %broadcast_in_dim3A_23, %broadcast_in_dim3A_12 : vector<1024x128xi1>, vector<1024x128xf32>
    %slice3A_24 = vector.extract_strided_slice %dot_general3A_16 {offsets = [0, 128], sizes = [1024, 128], strides = [1, 1]} : vector<1024x2048xf32> to vector<1024x128xf32>
    %add3A_25 = vector.broadcast %broadcast_in_dim3A : vector<1024x1xf32> to vector<1024x128xf32>
    %add3A_26 = arith.addf %add3A_25, %slice3A_24 : vector<1024x128xf32>
    %get3A_27 = arith.constant 0 : index
    %get3A_28 = arith.constant 128 : index
    %get3A_29 = vector.load %arg5[%get3A_27, %get3A_28] : memref<1x8192xf32, #tpu.memory_space<vmem>>, vector<1x128xf32>
    %add3A_30 = vector.broadcast %get3A_29 : vector<1x128xf32> to vector<1024x128xf32>
    %add3A_31 = arith.addf %add3A_26, %add3A_30 : vector<1024x128xf32>
    %lt3A_32 = arith.cmpf olt, %add3A_31, %min3A : vector<1024x128xf32>
    %min3A_33 = arith.minimumf %min3A, %add3A_31 : vector<1024x128xf32>
    %jit3A_34 = arith.constant 1.000000e+00 : f32
    %broadcast_in_dim3A_35 = vector.broadcast %jit3A_34 : f32 to vector<1024x128xf32>
    %select_n3A_36 = arith.select %lt3A_32, %broadcast_in_dim3A_35, %select_n3A : vector<1024x128xi1>, vector<1024x128xf32>
    %slice3A_37 = vector.extract_strided_slice %dot_general3A_16 {offsets = [0, 256], sizes = [1024, 128], strides = [1, 1]} : vector<1024x2048xf32> to vector<1024x128xf32>
    %add3A_38 = vector.broadcast %broadcast_in_dim3A : vector<1024x1xf32> to vector<1024x128xf32>
    %add3A_39 = arith.addf %add3A_38, %slice3A_37 : vector<1024x128xf32>
    %get3A_40 = arith.constant 0 : index
    %get3A_41 = arith.constant 256 : index
    %get3A_42 = vector.load %arg5[%get3A_40, %get3A_41] : memref<1x8192xf32, #tpu.memory_space<vmem>>, vector<1x128xf32>
    %add3A_43 = vector.broadcast %get3A_42 : vector<1x128xf32> to vector<1024x128xf32>
    %add3A_44 = arith.addf %add3A_39, %add3A_43 : vector<1024x128xf32>
    %lt3A_45 = arith.cmpf olt, %add3A_44, %min3A_33 : vector<1024x128xf32>
    %min3A_46 = arith.minimumf %min3A_33, %add3A_44 : vector<1024x128xf32>
    %jit3A_47 = arith.constant 2.000000e+00 : f32
    %broadcast_in_dim3A_48 = vector.broadcast %jit3A_47 : f32 to vector<1024x128xf32>
    %select_n3A_49 = arith.select %lt3A_45, %broadcast_in_dim3A_48, %select_n3A_36 : vector<1024x128xi1>, vector<1024x128xf32>
    %slice3A_50 = vector.extract_strided_slice %dot_general3A_16 {offsets = [0, 384], sizes = [1024, 128], strides = [1, 1]} : vector<1024x2048xf32> to vector<1024x128xf32>
    %add3A_51 = vector.broadcast %broadcast_in_dim3A : vector<1024x1xf32> to vector<1024x128xf32>
    %add3A_52 = arith.addf %add3A_51, %slice3A_50 : vector<1024x128xf32>
    %get3A_53 = arith.constant 0 : index
    %get3A_54 = arith.constant 384 : index
    %get3A_55 = vector.load %arg5[%get3A_53, %get3A_54] : memref<1x8192xf32, #tpu.memory_space<vmem>>, vector<1x128xf32>
    %add3A_56 = vector.broadcast %get3A_55 : vector<1x128xf32> to vector<1024x128xf32>
    %add3A_57 = arith.addf %add3A_52, %add3A_56 : vector<1024x128xf32>
    %lt3A_58 = arith.cmpf olt, %add3A_57, %min3A_46 : vector<1024x128xf32>
    %min3A_59 = arith.minimumf %min3A_46, %add3A_57 : vector<1024x128xf32>
    %jit3A_60 = arith.constant 3.000000e+00 : f32
    %broadcast_in_dim3A_61 = vector.broadcast %jit3A_60 : f32 to vector<1024x128xf32>
    %select_n3A_62 = arith.select %lt3A_58, %broadcast_in_dim3A_61, %select_n3A_49 : vector<1024x128xi1>, vector<1024x128xf32>
    %slice3A_63 = vector.extract_strided_slice %dot_general3A_16 {offsets = [0, 512], sizes = [1024, 128], strides = [1, 1]} : vector<1024x2048xf32> to vector<1024x128xf32>
    %add3A_64 = vector.broadcast %broadcast_in_dim3A : vector<1024x1xf32> to vector<1024x128xf32>
    %add3A_65 = arith.addf %add3A_64, %slice3A_63 : vector<1024x128xf32>
    %get3A_66 = arith.constant 0 : index
    %get3A_67 = arith.constant 512 : index
    %get3A_68 = vector.load %arg5[%get3A_66, %get3A_67] : memref<1x8192xf32, #tpu.memory_space<vmem>>, vector<1x128xf32>
    %add3A_69 = vector.broadcast %get3A_68 : vector<1x128xf32> to vector<1024x128xf32>
    %add3A_70 = arith.addf %add3A_65, %add3A_69 : vector<1024x128xf32>
    %lt3A_71 = arith.cmpf olt, %add3A_70, %min3A_59 : vector<1024x128xf32>
    %min3A_72 = arith.minimumf %min3A_59, %add3A_70 : vector<1024x128xf32>
    %jit3A_73 = arith.constant 4.000000e+00 : f32
    %broadcast_in_dim3A_74 = vector.broadcast %jit3A_73 : f32 to vector<1024x128xf32>
    %select_n3A_75 = arith.select %lt3A_71, %broadcast_in_dim3A_74, %select_n3A_62 : vector<1024x128xi1>, vector<1024x128xf32>
    %slice3A_76 = vector.extract_strided_slice %dot_general3A_16 {offsets = [0, 640], sizes = [1024, 128], strides = [1, 1]} : vector<1024x2048xf32> to vector<1024x128xf32>
    %add3A_77 = vector.broadcast %broadcast_in_dim3A : vector<1024x1xf32> to vector<1024x128xf32>
    %add3A_78 = arith.addf %add3A_77, %slice3A_76 : vector<1024x128xf32>
    %get3A_79 = arith.constant 0 : index
    %get3A_80 = arith.constant 640 : index
    %get3A_81 = vector.load %arg5[%get3A_79, %get3A_80] : memref<1x8192xf32, #tpu.memory_space<vmem>>, vector<1x128xf32>
    %add3A_82 = vector.broadcast %get3A_81 : vector<1x128xf32> to vector<1024x128xf32>
    %add3A_83 = arith.addf %add3A_78, %add3A_82 : vector<1024x128xf32>
    %lt3A_84 = arith.cmpf olt, %add3A_83, %min3A_72 : vector<1024x128xf32>
    %min3A_85 = arith.minimumf %min3A_72, %add3A_83 : vector<1024x128xf32>
    %jit3A_86 = arith.constant 5.000000e+00 : f32
    %broadcast_in_dim3A_87 = vector.broadcast %jit3A_86 : f32 to vector<1024x128xf32>
    %select_n3A_88 = arith.select %lt3A_84, %broadcast_in_dim3A_87, %select_n3A_75 : vector<1024x128xi1>, vector<1024x128xf32>
    %slice3A_89 = vector.extract_strided_slice %dot_general3A_16 {offsets = [0, 768], sizes = [1024, 128], strides = [1, 1]} : vector<1024x2048xf32> to vector<1024x128xf32>
    %add3A_90 = vector.broadcast %broadcast_in_dim3A : vector<1024x1xf32> to vector<1024x128xf32>
    %add3A_91 = arith.addf %add3A_90, %slice3A_89 : vector<1024x128xf32>
    %get3A_92 = arith.constant 0 : index
    %get3A_93 = arith.constant 768 : index
    %get3A_94 = vector.load %arg5[%get3A_92, %get3A_93] : memref<1x8192xf32, #tpu.memory_space<vmem>>, vector<1x128xf32>
    %add3A_95 = vector.broadcast %get3A_94 : vector<1x128xf32> to vector<1024x128xf32>
    %add3A_96 = arith.addf %add3A_91, %add3A_95 : vector<1024x128xf32>
    %lt3A_97 = arith.cmpf olt, %add3A_96, %min3A_85 : vector<1024x128xf32>
    %min3A_98 = arith.minimumf %min3A_85, %add3A_96 : vector<1024x128xf32>
    %jit3A_99 = arith.constant 6.000000e+00 : f32
    %broadcast_in_dim3A_100 = vector.broadcast %jit3A_99 : f32 to vector<1024x128xf32>
    %select_n3A_101 = arith.select %lt3A_97, %broadcast_in_dim3A_100, %select_n3A_88 : vector<1024x128xi1>, vector<1024x128xf32>
    %slice3A_102 = vector.extract_strided_slice %dot_general3A_16 {offsets = [0, 896], sizes = [1024, 128], strides = [1, 1]} : vector<1024x2048xf32> to vector<1024x128xf32>
    %add3A_103 = vector.broadcast %broadcast_in_dim3A : vector<1024x1xf32> to vector<1024x128xf32>
    %add3A_104 = arith.addf %add3A_103, %slice3A_102 : vector<1024x128xf32>
    %get3A_105 = arith.constant 0 : index
    %get3A_106 = arith.constant 896 : index
    %get3A_107 = vector.load %arg5[%get3A_105, %get3A_106] : memref<1x8192xf32, #tpu.memory_space<vmem>>, vector<1x128xf32>
    %add3A_108 = vector.broadcast %get3A_107 : vector<1x128xf32> to vector<1024x128xf32>
    %add3A_109 = arith.addf %add3A_104, %add3A_108 : vector<1024x128xf32>
    %lt3A_110 = arith.cmpf olt, %add3A_109, %min3A_98 : vector<1024x128xf32>
    %min3A_111 = arith.minimumf %min3A_98, %add3A_109 : vector<1024x128xf32>
    %jit3A_112 = arith.constant 7.000000e+00 : f32
    %broadcast_in_dim3A_113 = vector.broadcast %jit3A_112 : f32 to vector<1024x128xf32>
    %select_n3A_114 = arith.select %lt3A_110, %broadcast_in_dim3A_113, %select_n3A_101 : vector<1024x128xi1>, vector<1024x128xf32>
    %slice3A_115 = vector.extract_strided_slice %dot_general3A_16 {offsets = [0, 1024], sizes = [1024, 128], strides = [1, 1]} : vector<1024x2048xf32> to vector<1024x128xf32>
    %add3A_116 = vector.broadcast %broadcast_in_dim3A : vector<1024x1xf32> to vector<1024x128xf32>
    %add3A_117 = arith.addf %add3A_116, %slice3A_115 : vector<1024x128xf32>
    %get3A_118 = arith.constant 0 : index
    %get3A_119 = arith.constant 1024 : index
    %get3A_120 = vector.load %arg5[%get3A_118, %get3A_119] : memref<1x8192xf32, #tpu.memory_space<vmem>>, vector<1x128xf32>
    %add3A_121 = vector.broadcast %get3A_120 : vector<1x128xf32> to vector<1024x128xf32>
    %add3A_122 = arith.addf %add3A_117, %add3A_121 : vector<1024x128xf32>
    %lt3A_123 = arith.cmpf olt, %add3A_122, %min3A_111 : vector<1024x128xf32>
    %min3A_124 = arith.minimumf %min3A_111, %add3A_122 : vector<1024x128xf32>
    %jit3A_125 = arith.constant 8.000000e+00 : f32
    %broadcast_in_dim3A_126 = vector.broadcast %jit3A_125 : f32 to vector<1024x128xf32>
    %select_n3A_127 = arith.select %lt3A_123, %broadcast_in_dim3A_126, %select_n3A_114 : vector<1024x128xi1>, vector<1024x128xf32>
    %slice3A_128 = vector.extract_strided_slice %dot_general3A_16 {offsets = [0, 1152], sizes = [1024, 128], strides = [1, 1]} : vector<1024x2048xf32> to vector<1024x128xf32>
    %add3A_129 = vector.broadcast %broadcast_in_dim3A : vector<1024x1xf32> to vector<1024x128xf32>
    %add3A_130 = arith.addf %add3A_129, %slice3A_128 : vector<1024x128xf32>
    %get3A_131 = arith.constant 0 : index
    %get3A_132 = arith.constant 1152 : index
    %get3A_133 = vector.load %arg5[%get3A_131, %get3A_132] : memref<1x8192xf32, #tpu.memory_space<vmem>>, vector<1x128xf32>
    %add3A_134 = vector.broadcast %get3A_133 : vector<1x128xf32> to vector<1024x128xf32>
    %add3A_135 = arith.addf %add3A_130, %add3A_134 : vector<1024x128xf32>
    %lt3A_136 = arith.cmpf olt, %add3A_135, %min3A_124 : vector<1024x128xf32>
    %min3A_137 = arith.minimumf %min3A_124, %add3A_135 : vector<1024x128xf32>
    %jit3A_138 = arith.constant 9.000000e+00 : f32
    %broadcast_in_dim3A_139 = vector.broadcast %jit3A_138 : f32 to vector<1024x128xf32>
    %select_n3A_140 = arith.select %lt3A_136, %broadcast_in_dim3A_139, %select_n3A_127 : vector<1024x128xi1>, vector<1024x128xf32>
    %slice3A_141 = vector.extract_strided_slice %dot_general3A_16 {offsets = [0, 1280], sizes = [1024, 128], strides = [1, 1]} : vector<1024x2048xf32> to vector<1024x128xf32>
    %add3A_142 = vector.broadcast %broadcast_in_dim3A : vector<1024x1xf32> to vector<1024x128xf32>
    %add3A_143 = arith.addf %add3A_142, %slice3A_141 : vector<1024x128xf32>
    %get3A_144 = arith.constant 0 : index
    %get3A_145 = arith.constant 1280 : index
    %get3A_146 = vector.load %arg5[%get3A_144, %get3A_145] : memref<1x8192xf32, #tpu.memory_space<vmem>>, vector<1x128xf32>
    %add3A_147 = vector.broadcast %get3A_146 : vector<1x128xf32> to vector<1024x128xf32>
    %add3A_148 = arith.addf %add3A_143, %add3A_147 : vector<1024x128xf32>
    %lt3A_149 = arith.cmpf olt, %add3A_148, %min3A_137 : vector<1024x128xf32>
    %min3A_150 = arith.minimumf %min3A_137, %add3A_148 : vector<1024x128xf32>
    %jit3A_151 = arith.constant 1.000000e+01 : f32
    %broadcast_in_dim3A_152 = vector.broadcast %jit3A_151 : f32 to vector<1024x128xf32>
    %select_n3A_153 = arith.select %lt3A_149, %broadcast_in_dim3A_152, %select_n3A_140 : vector<1024x128xi1>, vector<1024x128xf32>
    %slice3A_154 = vector.extract_strided_slice %dot_general3A_16 {offsets = [0, 1408], sizes = [1024, 128], strides = [1, 1]} : vector<1024x2048xf32> to vector<1024x128xf32>
    %add3A_155 = vector.broadcast %broadcast_in_dim3A : vector<1024x1xf32> to vector<1024x128xf32>
    %add3A_156 = arith.addf %add3A_155, %slice3A_154 : vector<1024x128xf32>
    %get3A_157 = arith.constant 0 : index
    %get3A_158 = arith.constant 1408 : index
    %get3A_159 = vector.load %arg5[%get3A_157, %get3A_158] : memref<1x8192xf32, #tpu.memory_space<vmem>>, vector<1x128xf32>
    %add3A_160 = vector.broadcast %get3A_159 : vector<1x128xf32> to vector<1024x128xf32>
    %add3A_161 = arith.addf %add3A_156, %add3A_160 : vector<1024x128xf32>
    %lt3A_162 = arith.cmpf olt, %add3A_161, %min3A_150 : vector<1024x128xf32>
    %min3A_163 = arith.minimumf %min3A_150, %add3A_161 : vector<1024x128xf32>
    %jit3A_164 = arith.constant 1.100000e+01 : f32
    %broadcast_in_dim3A_165 = vector.broadcast %jit3A_164 : f32 to vector<1024x128xf32>
    %select_n3A_166 = arith.select %lt3A_162, %broadcast_in_dim3A_165, %select_n3A_153 : vector<1024x128xi1>, vector<1024x128xf32>
    %slice3A_167 = vector.extract_strided_slice %dot_general3A_16 {offsets = [0, 1536], sizes = [1024, 128], strides = [1, 1]} : vector<1024x2048xf32> to vector<1024x128xf32>
    %add3A_168 = vector.broadcast %broadcast_in_dim3A : vector<1024x1xf32> to vector<1024x128xf32>
    %add3A_169 = arith.addf %add3A_168, %slice3A_167 : vector<1024x128xf32>
    %get3A_170 = arith.constant 0 : index
    %get3A_171 = arith.constant 1536 : index
    %get3A_172 = vector.load %arg5[%get3A_170, %get3A_171] : memref<1x8192xf32, #tpu.memory_space<vmem>>, vector<1x128xf32>
    %add3A_173 = vector.broadcast %get3A_172 : vector<1x128xf32> to vector<1024x128xf32>
    %add3A_174 = arith.addf %add3A_169, %add3A_173 : vector<1024x128xf32>
    %lt3A_175 = arith.cmpf olt, %add3A_174, %min3A_163 : vector<1024x128xf32>
    %min3A_176 = arith.minimumf %min3A_163, %add3A_174 : vector<1024x128xf32>
    %jit3A_177 = arith.constant 1.200000e+01 : f32
    %broadcast_in_dim3A_178 = vector.broadcast %jit3A_177 : f32 to vector<1024x128xf32>
    %select_n3A_179 = arith.select %lt3A_175, %broadcast_in_dim3A_178, %select_n3A_166 : vector<1024x128xi1>, vector<1024x128xf32>
    %slice3A_180 = vector.extract_strided_slice %dot_general3A_16 {offsets = [0, 1664], sizes = [1024, 128], strides = [1, 1]} : vector<1024x2048xf32> to vector<1024x128xf32>
    %add3A_181 = vector.broadcast %broadcast_in_dim3A : vector<1024x1xf32> to vector<1024x128xf32>
    %add3A_182 = arith.addf %add3A_181, %slice3A_180 : vector<1024x128xf32>
    %get3A_183 = arith.constant 0 : index
    %get3A_184 = arith.constant 1664 : index
    %get3A_185 = vector.load %arg5[%get3A_183, %get3A_184] : memref<1x8192xf32, #tpu.memory_space<vmem>>, vector<1x128xf32>
    %add3A_186 = vector.broadcast %get3A_185 : vector<1x128xf32> to vector<1024x128xf32>
    %add3A_187 = arith.addf %add3A_182, %add3A_186 : vector<1024x128xf32>
    %lt3A_188 = arith.cmpf olt, %add3A_187, %min3A_176 : vector<1024x128xf32>
    %min3A_189 = arith.minimumf %min3A_176, %add3A_187 : vector<1024x128xf32>
    %jit3A_190 = arith.constant 1.300000e+01 : f32
    %broadcast_in_dim3A_191 = vector.broadcast %jit3A_190 : f32 to vector<1024x128xf32>
    %select_n3A_192 = arith.select %lt3A_188, %broadcast_in_dim3A_191, %select_n3A_179 : vector<1024x128xi1>, vector<1024x128xf32>
    %slice3A_193 = vector.extract_strided_slice %dot_general3A_16 {offsets = [0, 1792], sizes = [1024, 128], strides = [1, 1]} : vector<1024x2048xf32> to vector<1024x128xf32>
    %add3A_194 = vector.broadcast %broadcast_in_dim3A : vector<1024x1xf32> to vector<1024x128xf32>
    %add3A_195 = arith.addf %add3A_194, %slice3A_193 : vector<1024x128xf32>
    %get3A_196 = arith.constant 0 : index
    %get3A_197 = arith.constant 1792 : index
    %get3A_198 = vector.load %arg5[%get3A_196, %get3A_197] : memref<1x8192xf32, #tpu.memory_space<vmem>>, vector<1x128xf32>
    %add3A_199 = vector.broadcast %get3A_198 : vector<1x128xf32> to vector<1024x128xf32>
    %add3A_200 = arith.addf %add3A_195, %add3A_199 : vector<1024x128xf32>
    %lt3A_201 = arith.cmpf olt, %add3A_200, %min3A_189 : vector<1024x128xf32>
    %min3A_202 = arith.minimumf %min3A_189, %add3A_200 : vector<1024x128xf32>
    %jit3A_203 = arith.constant 1.400000e+01 : f32
    %broadcast_in_dim3A_204 = vector.broadcast %jit3A_203 : f32 to vector<1024x128xf32>
    %select_n3A_205 = arith.select %lt3A_201, %broadcast_in_dim3A_204, %select_n3A_192 : vector<1024x128xi1>, vector<1024x128xf32>
    %slice3A_206 = vector.extract_strided_slice %dot_general3A_16 {offsets = [0, 1920], sizes = [1024, 128], strides = [1, 1]} : vector<1024x2048xf32> to vector<1024x128xf32>
    %add3A_207 = vector.broadcast %broadcast_in_dim3A : vector<1024x1xf32> to vector<1024x128xf32>
    %add3A_208 = arith.addf %add3A_207, %slice3A_206 : vector<1024x128xf32>
    %get3A_209 = arith.constant 0 : index
    %get3A_210 = arith.constant 1920 : index
    %get3A_211 = vector.load %arg5[%get3A_209, %get3A_210] : memref<1x8192xf32, #tpu.memory_space<vmem>>, vector<1x128xf32>
    %add3A_212 = vector.broadcast %get3A_211 : vector<1x128xf32> to vector<1024x128xf32>
    %add3A_213 = arith.addf %add3A_208, %add3A_212 : vector<1024x128xf32>
    %lt3A_214 = arith.cmpf olt, %add3A_213, %min3A_202 : vector<1024x128xf32>
    %min3A_215 = arith.minimumf %min3A_202, %add3A_213 : vector<1024x128xf32>
    %jit3A_216 = arith.constant 1.500000e+01 : f32
    %broadcast_in_dim3A_217 = vector.broadcast %jit3A_216 : f32 to vector<1024x128xf32>
    %select_n3A_218 = arith.select %lt3A_214, %broadcast_in_dim3A_217, %select_n3A_205 : vector<1024x128xi1>, vector<1024x128xf32>
    %get3A_219 = arith.constant 2048 : index
    %get3A_220 = arith.constant 0 : index
    %get3A_221 = vector.load %arg2[%get3A_219, %get3A_220] : memref<8192x256xbf16, #tpu.memory_space<vmem>>, vector<2048x256xbf16>
    %dot_general3A_222 = arith.constant dense<0.000000e+00> : vector<1024x2048xf32>
    %dot_general3A_223 = tpu.matmul %convert_element_type3A_8, %get3A_221, %dot_general3A_222 {dimension_numbers = #tpu.dot_dimension_numbers<[1], [1], [0], [0], [0, 0, 1, 0], [], []>, transpose_lhs_hint = false} : vector<1024x256xbf16>, vector<2048x256xbf16>, vector<1024x2048xf32> -> vector<1024x2048xf32>
    %slice3A_224 = vector.extract_strided_slice %dot_general3A_223 {offsets = [0, 0], sizes = [1024, 128], strides = [1, 1]} : vector<1024x2048xf32> to vector<1024x128xf32>
    %add3A_225 = vector.broadcast %broadcast_in_dim3A : vector<1024x1xf32> to vector<1024x128xf32>
    %add3A_226 = arith.addf %add3A_225, %slice3A_224 : vector<1024x128xf32>
    %get3A_227 = arith.constant 0 : index
    %get3A_228 = arith.constant 2048 : index
    %get3A_229 = vector.load %arg5[%get3A_227, %get3A_228] : memref<1x8192xf32, #tpu.memory_space<vmem>>, vector<1x128xf32>
    %add3A_230 = vector.broadcast %get3A_229 : vector<1x128xf32> to vector<1024x128xf32>
    %add3A_231 = arith.addf %add3A_226, %add3A_230 : vector<1024x128xf32>
    %lt3A_232 = arith.cmpf olt, %add3A_231, %min3A_215 : vector<1024x128xf32>
    %min3A_233 = arith.minimumf %min3A_215, %add3A_231 : vector<1024x128xf32>
    %jit3A_234 = arith.constant 1.600000e+01 : f32
    %broadcast_in_dim3A_235 = vector.broadcast %jit3A_234 : f32 to vector<1024x128xf32>
    %select_n3A_236 = arith.select %lt3A_232, %broadcast_in_dim3A_235, %select_n3A_218 : vector<1024x128xi1>, vector<1024x128xf32>
    %slice3A_237 = vector.extract_strided_slice %dot_general3A_223 {offsets = [0, 128], sizes = [1024, 128], strides = [1, 1]} : vector<1024x2048xf32> to vector<1024x128xf32>
    %add3A_238 = vector.broadcast %broadcast_in_dim3A : vector<1024x1xf32> to vector<1024x128xf32>
    %add3A_239 = arith.addf %add3A_238, %slice3A_237 : vector<1024x128xf32>
    %get3A_240 = arith.constant 0 : index
    %get3A_241 = arith.constant 2176 : index
    %get3A_242 = vector.load %arg5[%get3A_240, %get3A_241] : memref<1x8192xf32, #tpu.memory_space<vmem>>, vector<1x128xf32>
    %add3A_243 = vector.broadcast %get3A_242 : vector<1x128xf32> to vector<1024x128xf32>
    %add3A_244 = arith.addf %add3A_239, %add3A_243 : vector<1024x128xf32>
    %lt3A_245 = arith.cmpf olt, %add3A_244, %min3A_233 : vector<1024x128xf32>
    %min3A_246 = arith.minimumf %min3A_233, %add3A_244 : vector<1024x128xf32>
    %jit3A_247 = arith.constant 1.700000e+01 : f32
    %broadcast_in_dim3A_248 = vector.broadcast %jit3A_247 : f32 to vector<1024x128xf32>
    %select_n3A_249 = arith.select %lt3A_245, %broadcast_in_dim3A_248, %select_n3A_236 : vector<1024x128xi1>, vector<1024x128xf32>
    %slice3A_250 = vector.extract_strided_slice %dot_general3A_223 {offsets = [0, 256], sizes = [1024, 128], strides = [1, 1]} : vector<1024x2048xf32> to vector<1024x128xf32>
    %add3A_251 = vector.broadcast %broadcast_in_dim3A : vector<1024x1xf32> to vector<1024x128xf32>
    %add3A_252 = arith.addf %add3A_251, %slice3A_250 : vector<1024x128xf32>
    %get3A_253 = arith.constant 0 : index
    %get3A_254 = arith.constant 2304 : index
    %get3A_255 = vector.load %arg5[%get3A_253, %get3A_254] : memref<1x8192xf32, #tpu.memory_space<vmem>>, vector<1x128xf32>
    %add3A_256 = vector.broadcast %get3A_255 : vector<1x128xf32> to vector<1024x128xf32>
    %add3A_257 = arith.addf %add3A_252, %add3A_256 : vector<1024x128xf32>
    %lt3A_258 = arith.cmpf olt, %add3A_257, %min3A_246 : vector<1024x128xf32>
    %min3A_259 = arith.minimumf %min3A_246, %add3A_257 : vector<1024x128xf32>
    %jit3A_260 = arith.constant 1.800000e+01 : f32
    %broadcast_in_dim3A_261 = vector.broadcast %jit3A_260 : f32 to vector<1024x128xf32>
    %select_n3A_262 = arith.select %lt3A_258, %broadcast_in_dim3A_261, %select_n3A_249 : vector<1024x128xi1>, vector<1024x128xf32>
    %slice3A_263 = vector.extract_strided_slice %dot_general3A_223 {offsets = [0, 384], sizes = [1024, 128], strides = [1, 1]} : vector<1024x2048xf32> to vector<1024x128xf32>
    %add3A_264 = vector.broadcast %broadcast_in_dim3A : vector<1024x1xf32> to vector<1024x128xf32>
    %add3A_265 = arith.addf %add3A_264, %slice3A_263 : vector<1024x128xf32>
    %get3A_266 = arith.constant 0 : index
    %get3A_267 = arith.constant 2432 : index
    %get3A_268 = vector.load %arg5[%get3A_266, %get3A_267] : memref<1x8192xf32, #tpu.memory_space<vmem>>, vector<1x128xf32>
    %add3A_269 = vector.broadcast %get3A_268 : vector<1x128xf32> to vector<1024x128xf32>
    %add3A_270 = arith.addf %add3A_265, %add3A_269 : vector<1024x128xf32>
    %lt3A_271 = arith.cmpf olt, %add3A_270, %min3A_259 : vector<1024x128xf32>
    %min3A_272 = arith.minimumf %min3A_259, %add3A_270 : vector<1024x128xf32>
    %jit3A_273 = arith.constant 1.900000e+01 : f32
    %broadcast_in_dim3A_274 = vector.broadcast %jit3A_273 : f32 to vector<1024x128xf32>
    %select_n3A_275 = arith.select %lt3A_271, %broadcast_in_dim3A_274, %select_n3A_262 : vector<1024x128xi1>, vector<1024x128xf32>
    %slice3A_276 = vector.extract_strided_slice %dot_general3A_223 {offsets = [0, 512], sizes = [1024, 128], strides = [1, 1]} : vector<1024x2048xf32> to vector<1024x128xf32>
    %add3A_277 = vector.broadcast %broadcast_in_dim3A : vector<1024x1xf32> to vector<1024x128xf32>
    %add3A_278 = arith.addf %add3A_277, %slice3A_276 : vector<1024x128xf32>
    %get3A_279 = arith.constant 0 : index
    %get3A_280 = arith.constant 2560 : index
    %get3A_281 = vector.load %arg5[%get3A_279, %get3A_280] : memref<1x8192xf32, #tpu.memory_space<vmem>>, vector<1x128xf32>
    %add3A_282 = vector.broadcast %get3A_281 : vector<1x128xf32> to vector<1024x128xf32>
    %add3A_283 = arith.addf %add3A_278, %add3A_282 : vector<1024x128xf32>
    %lt3A_284 = arith.cmpf olt, %add3A_283, %min3A_272 : vector<1024x128xf32>
    %min3A_285 = arith.minimumf %min3A_272, %add3A_283 : vector<1024x128xf32>
    %jit3A_286 = arith.constant 2.000000e+01 : f32
    %broadcast_in_dim3A_287 = vector.broadcast %jit3A_286 : f32 to vector<1024x128xf32>
    %select_n3A_288 = arith.select %lt3A_284, %broadcast_in_dim3A_287, %select_n3A_275 : vector<1024x128xi1>, vector<1024x128xf32>
    %slice3A_289 = vector.extract_strided_slice %dot_general3A_223 {offsets = [0, 640], sizes = [1024, 128], strides = [1, 1]} : vector<1024x2048xf32> to vector<1024x128xf32>
    %add3A_290 = vector.broadcast %broadcast_in_dim3A : vector<1024x1xf32> to vector<1024x128xf32>
    %add3A_291 = arith.addf %add3A_290, %slice3A_289 : vector<1024x128xf32>
    %get3A_292 = arith.constant 0 : index
    %get3A_293 = arith.constant 2688 : index
    %get3A_294 = vector.load %arg5[%get3A_292, %get3A_293] : memref<1x8192xf32, #tpu.memory_space<vmem>>, vector<1x128xf32>
    %add3A_295 = vector.broadcast %get3A_294 : vector<1x128xf32> to vector<1024x128xf32>
    %add3A_296 = arith.addf %add3A_291, %add3A_295 : vector<1024x128xf32>
    %lt3A_297 = arith.cmpf olt, %add3A_296, %min3A_285 : vector<1024x128xf32>
    %min3A_298 = arith.minimumf %min3A_285, %add3A_296 : vector<1024x128xf32>
    %jit3A_299 = arith.constant 2.100000e+01 : f32
    %broadcast_in_dim3A_300 = vector.broadcast %jit3A_299 : f32 to vector<1024x128xf32>
    %select_n3A_301 = arith.select %lt3A_297, %broadcast_in_dim3A_300, %select_n3A_288 : vector<1024x128xi1>, vector<1024x128xf32>
    %slice3A_302 = vector.extract_strided_slice %dot_general3A_223 {offsets = [0, 768], sizes = [1024, 128], strides = [1, 1]} : vector<1024x2048xf32> to vector<1024x128xf32>
    %add3A_303 = vector.broadcast %broadcast_in_dim3A : vector<1024x1xf32> to vector<1024x128xf32>
    %add3A_304 = arith.addf %add3A_303, %slice3A_302 : vector<1024x128xf32>
    %get3A_305 = arith.constant 0 : index
    %get3A_306 = arith.constant 2816 : index
    %get3A_307 = vector.load %arg5[%get3A_305, %get3A_306] : memref<1x8192xf32, #tpu.memory_space<vmem>>, vector<1x128xf32>
    %add3A_308 = vector.broadcast %get3A_307 : vector<1x128xf32> to vector<1024x128xf32>
    %add3A_309 = arith.addf %add3A_304, %add3A_308 : vector<1024x128xf32>
    %lt3A_310 = arith.cmpf olt, %add3A_309, %min3A_298 : vector<1024x128xf32>
    %min3A_311 = arith.minimumf %min3A_298, %add3A_309 : vector<1024x128xf32>
    %jit3A_312 = arith.constant 2.200000e+01 : f32
    %broadcast_in_dim3A_313 = vector.broadcast %jit3A_312 : f32 to vector<1024x128xf32>
    %select_n3A_314 = arith.select %lt3A_310, %broadcast_in_dim3A_313, %select_n3A_301 : vector<1024x128xi1>, vector<1024x128xf32>
    %slice3A_315 = vector.extract_strided_slice %dot_general3A_223 {offsets = [0, 896], sizes = [1024, 128], strides = [1, 1]} : vector<1024x2048xf32> to vector<1024x128xf32>
    %add3A_316 = vector.broadcast %broadcast_in_dim3A : vector<1024x1xf32> to vector<1024x128xf32>
    %add3A_317 = arith.addf %add3A_316, %slice3A_315 : vector<1024x128xf32>
    %get3A_318 = arith.constant 0 : index
    %get3A_319 = arith.constant 2944 : index
    %get3A_320 = vector.load %arg5[%get3A_318, %get3A_319] : memref<1x8192xf32, #tpu.memory_space<vmem>>, vector<1x128xf32>
    %add3A_321 = vector.broadcast %get3A_320 : vector<1x128xf32> to vector<1024x128xf32>
    %add3A_322 = arith.addf %add3A_317, %add3A_321 : vector<1024x128xf32>
    %lt3A_323 = arith.cmpf olt, %add3A_322, %min3A_311 : vector<1024x128xf32>
    %min3A_324 = arith.minimumf %min3A_311, %add3A_322 : vector<1024x128xf32>
    %jit3A_325 = arith.constant 2.300000e+01 : f32
    %broadcast_in_dim3A_326 = vector.broadcast %jit3A_325 : f32 to vector<1024x128xf32>
    %select_n3A_327 = arith.select %lt3A_323, %broadcast_in_dim3A_326, %select_n3A_314 : vector<1024x128xi1>, vector<1024x128xf32>
    %slice3A_328 = vector.extract_strided_slice %dot_general3A_223 {offsets = [0, 1024], sizes = [1024, 128], strides = [1, 1]} : vector<1024x2048xf32> to vector<1024x128xf32>
    %add3A_329 = vector.broadcast %broadcast_in_dim3A : vector<1024x1xf32> to vector<1024x128xf32>
    %add3A_330 = arith.addf %add3A_329, %slice3A_328 : vector<1024x128xf32>
    %get3A_331 = arith.constant 0 : index
    %get3A_332 = arith.constant 3072 : index
    %get3A_333 = vector.load %arg5[%get3A_331, %get3A_332] : memref<1x8192xf32, #tpu.memory_space<vmem>>, vector<1x128xf32>
    %add3A_334 = vector.broadcast %get3A_333 : vector<1x128xf32> to vector<1024x128xf32>
    %add3A_335 = arith.addf %add3A_330, %add3A_334 : vector<1024x128xf32>
    %lt3A_336 = arith.cmpf olt, %add3A_335, %min3A_324 : vector<1024x128xf32>
    %min3A_337 = arith.minimumf %min3A_324, %add3A_335 : vector<1024x128xf32>
    %jit3A_338 = arith.constant 2.400000e+01 : f32
    %broadcast_in_dim3A_339 = vector.broadcast %jit3A_338 : f32 to vector<1024x128xf32>
    %select_n3A_340 = arith.select %lt3A_336, %broadcast_in_dim3A_339, %select_n3A_327 : vector<1024x128xi1>, vector<1024x128xf32>
    %slice3A_341 = vector.extract_strided_slice %dot_general3A_223 {offsets = [0, 1152], sizes = [1024, 128], strides = [1, 1]} : vector<1024x2048xf32> to vector<1024x128xf32>
    %add3A_342 = vector.broadcast %broadcast_in_dim3A : vector<1024x1xf32> to vector<1024x128xf32>
    %add3A_343 = arith.addf %add3A_342, %slice3A_341 : vector<1024x128xf32>
    %get3A_344 = arith.constant 0 : index
    %get3A_345 = arith.constant 3200 : index
    %get3A_346 = vector.load %arg5[%get3A_344, %get3A_345] : memref<1x8192xf32, #tpu.memory_space<vmem>>, vector<1x128xf32>
    %add3A_347 = vector.broadcast %get3A_346 : vector<1x128xf32> to vector<1024x128xf32>
    %add3A_348 = arith.addf %add3A_343, %add3A_347 : vector<1024x128xf32>
    %lt3A_349 = arith.cmpf olt, %add3A_348, %min3A_337 : vector<1024x128xf32>
    %min3A_350 = arith.minimumf %min3A_337, %add3A_348 : vector<1024x128xf32>
    %jit3A_351 = arith.constant 2.500000e+01 : f32
    %broadcast_in_dim3A_352 = vector.broadcast %jit3A_351 : f32 to vector<1024x128xf32>
    %select_n3A_353 = arith.select %lt3A_349, %broadcast_in_dim3A_352, %select_n3A_340 : vector<1024x128xi1>, vector<1024x128xf32>
    %slice3A_354 = vector.extract_strided_slice %dot_general3A_223 {offsets = [0, 1280], sizes = [1024, 128], strides = [1, 1]} : vector<1024x2048xf32> to vector<1024x128xf32>
    %add3A_355 = vector.broadcast %broadcast_in_dim3A : vector<1024x1xf32> to vector<1024x128xf32>
    %add3A_356 = arith.addf %add3A_355, %slice3A_354 : vector<1024x128xf32>
    %get3A_357 = arith.constant 0 : index
    %get3A_358 = arith.constant 3328 : index
    %get3A_359 = vector.load %arg5[%get3A_357, %get3A_358] : memref<1x8192xf32, #tpu.memory_space<vmem>>, vector<1x128xf32>
    %add3A_360 = vector.broadcast %get3A_359 : vector<1x128xf32> to vector<1024x128xf32>
    %add3A_361 = arith.addf %add3A_356, %add3A_360 : vector<1024x128xf32>
    %lt3A_362 = arith.cmpf olt, %add3A_361, %min3A_350 : vector<1024x128xf32>
    %min3A_363 = arith.minimumf %min3A_350, %add3A_361 : vector<1024x128xf32>
    %jit3A_364 = arith.constant 2.600000e+01 : f32
    %broadcast_in_dim3A_365 = vector.broadcast %jit3A_364 : f32 to vector<1024x128xf32>
    %select_n3A_366 = arith.select %lt3A_362, %broadcast_in_dim3A_365, %select_n3A_353 : vector<1024x128xi1>, vector<1024x128xf32>
    %slice3A_367 = vector.extract_strided_slice %dot_general3A_223 {offsets = [0, 1408], sizes = [1024, 128], strides = [1, 1]} : vector<1024x2048xf32> to vector<1024x128xf32>
    %add3A_368 = vector.broadcast %broadcast_in_dim3A : vector<1024x1xf32> to vector<1024x128xf32>
    %add3A_369 = arith.addf %add3A_368, %slice3A_367 : vector<1024x128xf32>
    %get3A_370 = arith.constant 0 : index
    %get3A_371 = arith.constant 3456 : index
    %get3A_372 = vector.load %arg5[%get3A_370, %get3A_371] : memref<1x8192xf32, #tpu.memory_space<vmem>>, vector<1x128xf32>
    %add3A_373 = vector.broadcast %get3A_372 : vector<1x128xf32> to vector<1024x128xf32>
    %add3A_374 = arith.addf %add3A_369, %add3A_373 : vector<1024x128xf32>
    %lt3A_375 = arith.cmpf olt, %add3A_374, %min3A_363 : vector<1024x128xf32>
    %min3A_376 = arith.minimumf %min3A_363, %add3A_374 : vector<1024x128xf32>
    %jit3A_377 = arith.constant 2.700000e+01 : f32
    %broadcast_in_dim3A_378 = vector.broadcast %jit3A_377 : f32 to vector<1024x128xf32>
    %select_n3A_379 = arith.select %lt3A_375, %broadcast_in_dim3A_378, %select_n3A_366 : vector<1024x128xi1>, vector<1024x128xf32>
    %slice3A_380 = vector.extract_strided_slice %dot_general3A_223 {offsets = [0, 1536], sizes = [1024, 128], strides = [1, 1]} : vector<1024x2048xf32> to vector<1024x128xf32>
    %add3A_381 = vector.broadcast %broadcast_in_dim3A : vector<1024x1xf32> to vector<1024x128xf32>
    %add3A_382 = arith.addf %add3A_381, %slice3A_380 : vector<1024x128xf32>
    %get3A_383 = arith.constant 0 : index
    %get3A_384 = arith.constant 3584 : index
    %get3A_385 = vector.load %arg5[%get3A_383, %get3A_384] : memref<1x8192xf32, #tpu.memory_space<vmem>>, vector<1x128xf32>
    %add3A_386 = vector.broadcast %get3A_385 : vector<1x128xf32> to vector<1024x128xf32>
    %add3A_387 = arith.addf %add3A_382, %add3A_386 : vector<1024x128xf32>
    %lt3A_388 = arith.cmpf olt, %add3A_387, %min3A_376 : vector<1024x128xf32>
    %min3A_389 = arith.minimumf %min3A_376, %add3A_387 : vector<1024x128xf32>
    %jit3A_390 = arith.constant 2.800000e+01 : f32
    %broadcast_in_dim3A_391 = vector.broadcast %jit3A_390 : f32 to vector<1024x128xf32>
    %select_n3A_392 = arith.select %lt3A_388, %broadcast_in_dim3A_391, %select_n3A_379 : vector<1024x128xi1>, vector<1024x128xf32>
    %slice3A_393 = vector.extract_strided_slice %dot_general3A_223 {offsets = [0, 1664], sizes = [1024, 128], strides = [1, 1]} : vector<1024x2048xf32> to vector<1024x128xf32>
    %add3A_394 = vector.broadcast %broadcast_in_dim3A : vector<1024x1xf32> to vector<1024x128xf32>
    %add3A_395 = arith.addf %add3A_394, %slice3A_393 : vector<1024x128xf32>
    %get3A_396 = arith.constant 0 : index
    %get3A_397 = arith.constant 3712 : index
    %get3A_398 = vector.load %arg5[%get3A_396, %get3A_397] : memref<1x8192xf32, #tpu.memory_space<vmem>>, vector<1x128xf32>
    %add3A_399 = vector.broadcast %get3A_398 : vector<1x128xf32> to vector<1024x128xf32>
    %add3A_400 = arith.addf %add3A_395, %add3A_399 : vector<1024x128xf32>
    %lt3A_401 = arith.cmpf olt, %add3A_400, %min3A_389 : vector<1024x128xf32>
    %min3A_402 = arith.minimumf %min3A_389, %add3A_400 : vector<1024x128xf32>
    %jit3A_403 = arith.constant 2.900000e+01 : f32
    %broadcast_in_dim3A_404 = vector.broadcast %jit3A_403 : f32 to vector<1024x128xf32>
    %select_n3A_405 = arith.select %lt3A_401, %broadcast_in_dim3A_404, %select_n3A_392 : vector<1024x128xi1>, vector<1024x128xf32>
    %slice3A_406 = vector.extract_strided_slice %dot_general3A_223 {offsets = [0, 1792], sizes = [1024, 128], strides = [1, 1]} : vector<1024x2048xf32> to vector<1024x128xf32>
    %add3A_407 = vector.broadcast %broadcast_in_dim3A : vector<1024x1xf32> to vector<1024x128xf32>
    %add3A_408 = arith.addf %add3A_407, %slice3A_406 : vector<1024x128xf32>
    %get3A_409 = arith.constant 0 : index
    %get3A_410 = arith.constant 3840 : index
    %get3A_411 = vector.load %arg5[%get3A_409, %get3A_410] : memref<1x8192xf32, #tpu.memory_space<vmem>>, vector<1x128xf32>
    %add3A_412 = vector.broadcast %get3A_411 : vector<1x128xf32> to vector<1024x128xf32>
    %add3A_413 = arith.addf %add3A_408, %add3A_412 : vector<1024x128xf32>
    %lt3A_414 = arith.cmpf olt, %add3A_413, %min3A_402 : vector<1024x128xf32>
    %min3A_415 = arith.minimumf %min3A_402, %add3A_413 : vector<1024x128xf32>
    %jit3A_416 = arith.constant 3.000000e+01 : f32
    %broadcast_in_dim3A_417 = vector.broadcast %jit3A_416 : f32 to vector<1024x128xf32>
    %select_n3A_418 = arith.select %lt3A_414, %broadcast_in_dim3A_417, %select_n3A_405 : vector<1024x128xi1>, vector<1024x128xf32>
    %slice3A_419 = vector.extract_strided_slice %dot_general3A_223 {offsets = [0, 1920], sizes = [1024, 128], strides = [1, 1]} : vector<1024x2048xf32> to vector<1024x128xf32>
    %add3A_420 = vector.broadcast %broadcast_in_dim3A : vector<1024x1xf32> to vector<1024x128xf32>
    %add3A_421 = arith.addf %add3A_420, %slice3A_419 : vector<1024x128xf32>
    %get3A_422 = arith.constant 0 : index
    %get3A_423 = arith.constant 3968 : index
    %get3A_424 = vector.load %arg5[%get3A_422, %get3A_423] : memref<1x8192xf32, #tpu.memory_space<vmem>>, vector<1x128xf32>
    %add3A_425 = vector.broadcast %get3A_424 : vector<1x128xf32> to vector<1024x128xf32>
    %add3A_426 = arith.addf %add3A_421, %add3A_425 : vector<1024x128xf32>
    %lt3A_427 = arith.cmpf olt, %add3A_426, %min3A_415 : vector<1024x128xf32>
    %min3A_428 = arith.minimumf %min3A_415, %add3A_426 : vector<1024x128xf32>
    %jit3A_429 = arith.constant 3.100000e+01 : f32
    %broadcast_in_dim3A_430 = vector.broadcast %jit3A_429 : f32 to vector<1024x128xf32>
    %select_n3A_431 = arith.select %lt3A_427, %broadcast_in_dim3A_430, %select_n3A_418 : vector<1024x128xi1>, vector<1024x128xf32>
    %get3A_432 = arith.constant 4096 : index
    %get3A_433 = arith.constant 0 : index
    %get3A_434 = vector.load %arg2[%get3A_432, %get3A_433] : memref<8192x256xbf16, #tpu.memory_space<vmem>>, vector<2048x256xbf16>
    %dot_general3A_435 = arith.constant dense<0.000000e+00> : vector<1024x2048xf32>
    %dot_general3A_436 = tpu.matmul %convert_element_type3A_8, %get3A_434, %dot_general3A_435 {dimension_numbers = #tpu.dot_dimension_numbers<[1], [1], [0], [0], [0, 0, 1, 0], [], []>, transpose_lhs_hint = false} : vector<1024x256xbf16>, vector<2048x256xbf16>, vector<1024x2048xf32> -> vector<1024x2048xf32>
    %slice3A_437 = vector.extract_strided_slice %dot_general3A_436 {offsets = [0, 0], sizes = [1024, 128], strides = [1, 1]} : vector<1024x2048xf32> to vector<1024x128xf32>
    %add3A_438 = vector.broadcast %broadcast_in_dim3A : vector<1024x1xf32> to vector<1024x128xf32>
    %add3A_439 = arith.addf %add3A_438, %slice3A_437 : vector<1024x128xf32>
    %get3A_440 = arith.constant 0 : index
    %get3A_441 = arith.constant 4096 : index
    %get3A_442 = vector.load %arg5[%get3A_440, %get3A_441] : memref<1x8192xf32, #tpu.memory_space<vmem>>, vector<1x128xf32>
    %add3A_443 = vector.broadcast %get3A_442 : vector<1x128xf32> to vector<1024x128xf32>
    %add3A_444 = arith.addf %add3A_439, %add3A_443 : vector<1024x128xf32>
    %lt3A_445 = arith.cmpf olt, %add3A_444, %min3A_428 : vector<1024x128xf32>
    %min3A_446 = arith.minimumf %min3A_428, %add3A_444 : vector<1024x128xf32>
    %jit3A_447 = arith.constant 3.200000e+01 : f32
    %broadcast_in_dim3A_448 = vector.broadcast %jit3A_447 : f32 to vector<1024x128xf32>
    %select_n3A_449 = arith.select %lt3A_445, %broadcast_in_dim3A_448, %select_n3A_431 : vector<1024x128xi1>, vector<1024x128xf32>
    %slice3A_450 = vector.extract_strided_slice %dot_general3A_436 {offsets = [0, 128], sizes = [1024, 128], strides = [1, 1]} : vector<1024x2048xf32> to vector<1024x128xf32>
    %add3A_451 = vector.broadcast %broadcast_in_dim3A : vector<1024x1xf32> to vector<1024x128xf32>
    %add3A_452 = arith.addf %add3A_451, %slice3A_450 : vector<1024x128xf32>
    %get3A_453 = arith.constant 0 : index
    %get3A_454 = arith.constant 4224 : index
    %get3A_455 = vector.load %arg5[%get3A_453, %get3A_454] : memref<1x8192xf32, #tpu.memory_space<vmem>>, vector<1x128xf32>
    %add3A_456 = vector.broadcast %get3A_455 : vector<1x128xf32> to vector<1024x128xf32>
    %add3A_457 = arith.addf %add3A_452, %add3A_456 : vector<1024x128xf32>
    %lt3A_458 = arith.cmpf olt, %add3A_457, %min3A_446 : vector<1024x128xf32>
    %min3A_459 = arith.minimumf %min3A_446, %add3A_457 : vector<1024x128xf32>
    %jit3A_460 = arith.constant 3.300000e+01 : f32
    %broadcast_in_dim3A_461 = vector.broadcast %jit3A_460 : f32 to vector<1024x128xf32>
    %select_n3A_462 = arith.select %lt3A_458, %broadcast_in_dim3A_461, %select_n3A_449 : vector<1024x128xi1>, vector<1024x128xf32>
    %slice3A_463 = vector.extract_strided_slice %dot_general3A_436 {offsets = [0, 256], sizes = [1024, 128], strides = [1, 1]} : vector<1024x2048xf32> to vector<1024x128xf32>
    %add3A_464 = vector.broadcast %broadcast_in_dim3A : vector<1024x1xf32> to vector<1024x128xf32>
    %add3A_465 = arith.addf %add3A_464, %slice3A_463 : vector<1024x128xf32>
    %get3A_466 = arith.constant 0 : index
    %get3A_467 = arith.constant 4352 : index
    %get3A_468 = vector.load %arg5[%get3A_466, %get3A_467] : memref<1x8192xf32, #tpu.memory_space<vmem>>, vector<1x128xf32>
    %add3A_469 = vector.broadcast %get3A_468 : vector<1x128xf32> to vector<1024x128xf32>
    %add3A_470 = arith.addf %add3A_465, %add3A_469 : vector<1024x128xf32>
    %lt3A_471 = arith.cmpf olt, %add3A_470, %min3A_459 : vector<1024x128xf32>
    %min3A_472 = arith.minimumf %min3A_459, %add3A_470 : vector<1024x128xf32>
    %jit3A_473 = arith.constant 3.400000e+01 : f32
    %broadcast_in_dim3A_474 = vector.broadcast %jit3A_473 : f32 to vector<1024x128xf32>
    %select_n3A_475 = arith.select %lt3A_471, %broadcast_in_dim3A_474, %select_n3A_462 : vector<1024x128xi1>, vector<1024x128xf32>
    %slice3A_476 = vector.extract_strided_slice %dot_general3A_436 {offsets = [0, 384], sizes = [1024, 128], strides = [1, 1]} : vector<1024x2048xf32> to vector<1024x128xf32>
    %add3A_477 = vector.broadcast %broadcast_in_dim3A : vector<1024x1xf32> to vector<1024x128xf32>
    %add3A_478 = arith.addf %add3A_477, %slice3A_476 : vector<1024x128xf32>
    %get3A_479 = arith.constant 0 : index
    %get3A_480 = arith.constant 4480 : index
    %get3A_481 = vector.load %arg5[%get3A_479, %get3A_480] : memref<1x8192xf32, #tpu.memory_space<vmem>>, vector<1x128xf32>
    %add3A_482 = vector.broadcast %get3A_481 : vector<1x128xf32> to vector<1024x128xf32>
    %add3A_483 = arith.addf %add3A_478, %add3A_482 : vector<1024x128xf32>
    %lt3A_484 = arith.cmpf olt, %add3A_483, %min3A_472 : vector<1024x128xf32>
    %min3A_485 = arith.minimumf %min3A_472, %add3A_483 : vector<1024x128xf32>
    %jit3A_486 = arith.constant 3.500000e+01 : f32
    %broadcast_in_dim3A_487 = vector.broadcast %jit3A_486 : f32 to vector<1024x128xf32>
    %select_n3A_488 = arith.select %lt3A_484, %broadcast_in_dim3A_487, %select_n3A_475 : vector<1024x128xi1>, vector<1024x128xf32>
    %slice3A_489 = vector.extract_strided_slice %dot_general3A_436 {offsets = [0, 512], sizes = [1024, 128], strides = [1, 1]} : vector<1024x2048xf32> to vector<1024x128xf32>
    %add3A_490 = vector.broadcast %broadcast_in_dim3A : vector<1024x1xf32> to vector<1024x128xf32>
    %add3A_491 = arith.addf %add3A_490, %slice3A_489 : vector<1024x128xf32>
    %get3A_492 = arith.constant 0 : index
    %get3A_493 = arith.constant 4608 : index
    %get3A_494 = vector.load %arg5[%get3A_492, %get3A_493] : memref<1x8192xf32, #tpu.memory_space<vmem>>, vector<1x128xf32>
    %add3A_495 = vector.broadcast %get3A_494 : vector<1x128xf32> to vector<1024x128xf32>
    %add3A_496 = arith.addf %add3A_491, %add3A_495 : vector<1024x128xf32>
    %lt3A_497 = arith.cmpf olt, %add3A_496, %min3A_485 : vector<1024x128xf32>
    %min3A_498 = arith.minimumf %min3A_485, %add3A_496 : vector<1024x128xf32>
    %jit3A_499 = arith.constant 3.600000e+01 : f32
    %broadcast_in_dim3A_500 = vector.broadcast %jit3A_499 : f32 to vector<1024x128xf32>
    %select_n3A_501 = arith.select %lt3A_497, %broadcast_in_dim3A_500, %select_n3A_488 : vector<1024x128xi1>, vector<1024x128xf32>
    %slice3A_502 = vector.extract_strided_slice %dot_general3A_436 {offsets = [0, 640], sizes = [1024, 128], strides = [1, 1]} : vector<1024x2048xf32> to vector<1024x128xf32>
    %add3A_503 = vector.broadcast %broadcast_in_dim3A : vector<1024x1xf32> to vector<1024x128xf32>
    %add3A_504 = arith.addf %add3A_503, %slice3A_502 : vector<1024x128xf32>
    %get3A_505 = arith.constant 0 : index
    %get3A_506 = arith.constant 4736 : index
    %get3A_507 = vector.load %arg5[%get3A_505, %get3A_506] : memref<1x8192xf32, #tpu.memory_space<vmem>>, vector<1x128xf32>
    %add3A_508 = vector.broadcast %get3A_507 : vector<1x128xf32> to vector<1024x128xf32>
    %add3A_509 = arith.addf %add3A_504, %add3A_508 : vector<1024x128xf32>
    %lt3A_510 = arith.cmpf olt, %add3A_509, %min3A_498 : vector<1024x128xf32>
    %min3A_511 = arith.minimumf %min3A_498, %add3A_509 : vector<1024x128xf32>
    %jit3A_512 = arith.constant 3.700000e+01 : f32
    %broadcast_in_dim3A_513 = vector.broadcast %jit3A_512 : f32 to vector<1024x128xf32>
    %select_n3A_514 = arith.select %lt3A_510, %broadcast_in_dim3A_513, %select_n3A_501 : vector<1024x128xi1>, vector<1024x128xf32>
    %slice3A_515 = vector.extract_strided_slice %dot_general3A_436 {offsets = [0, 768], sizes = [1024, 128], strides = [1, 1]} : vector<1024x2048xf32> to vector<1024x128xf32>
    %add3A_516 = vector.broadcast %broadcast_in_dim3A : vector<1024x1xf32> to vector<1024x128xf32>
    %add3A_517 = arith.addf %add3A_516, %slice3A_515 : vector<1024x128xf32>
    %get3A_518 = arith.constant 0 : index
    %get3A_519 = arith.constant 4864 : index
    %get3A_520 = vector.load %arg5[%get3A_518, %get3A_519] : memref<1x8192xf32, #tpu.memory_space<vmem>>, vector<1x128xf32>
    %add3A_521 = vector.broadcast %get3A_520 : vector<1x128xf32> to vector<1024x128xf32>
    %add3A_522 = arith.addf %add3A_517, %add3A_521 : vector<1024x128xf32>
    %lt3A_523 = arith.cmpf olt, %add3A_522, %min3A_511 : vector<1024x128xf32>
    %min3A_524 = arith.minimumf %min3A_511, %add3A_522 : vector<1024x128xf32>
    %jit3A_525 = arith.constant 3.800000e+01 : f32
    %broadcast_in_dim3A_526 = vector.broadcast %jit3A_525 : f32 to vector<1024x128xf32>
    %select_n3A_527 = arith.select %lt3A_523, %broadcast_in_dim3A_526, %select_n3A_514 : vector<1024x128xi1>, vector<1024x128xf32>
    %slice3A_528 = vector.extract_strided_slice %dot_general3A_436 {offsets = [0, 896], sizes = [1024, 128], strides = [1, 1]} : vector<1024x2048xf32> to vector<1024x128xf32>
    %add3A_529 = vector.broadcast %broadcast_in_dim3A : vector<1024x1xf32> to vector<1024x128xf32>
    %add3A_530 = arith.addf %add3A_529, %slice3A_528 : vector<1024x128xf32>
    %get3A_531 = arith.constant 0 : index
    %get3A_532 = arith.constant 4992 : index
    %get3A_533 = vector.load %arg5[%get3A_531, %get3A_532] : memref<1x8192xf32, #tpu.memory_space<vmem>>, vector<1x128xf32>
    %add3A_534 = vector.broadcast %get3A_533 : vector<1x128xf32> to vector<1024x128xf32>
    %add3A_535 = arith.addf %add3A_530, %add3A_534 : vector<1024x128xf32>
    %lt3A_536 = arith.cmpf olt, %add3A_535, %min3A_524 : vector<1024x128xf32>
    %min3A_537 = arith.minimumf %min3A_524, %add3A_535 : vector<1024x128xf32>
    %jit3A_538 = arith.constant 3.900000e+01 : f32
    %broadcast_in_dim3A_539 = vector.broadcast %jit3A_538 : f32 to vector<1024x128xf32>
    %select_n3A_540 = arith.select %lt3A_536, %broadcast_in_dim3A_539, %select_n3A_527 : vector<1024x128xi1>, vector<1024x128xf32>
    %slice3A_541 = vector.extract_strided_slice %dot_general3A_436 {offsets = [0, 1024], sizes = [1024, 128], strides = [1, 1]} : vector<1024x2048xf32> to vector<1024x128xf32>
    %add3A_542 = vector.broadcast %broadcast_in_dim3A : vector<1024x1xf32> to vector<1024x128xf32>
    %add3A_543 = arith.addf %add3A_542, %slice3A_541 : vector<1024x128xf32>
    %get3A_544 = arith.constant 0 : index
    %get3A_545 = arith.constant 5120 : index
    %get3A_546 = vector.load %arg5[%get3A_544, %get3A_545] : memref<1x8192xf32, #tpu.memory_space<vmem>>, vector<1x128xf32>
    %add3A_547 = vector.broadcast %get3A_546 : vector<1x128xf32> to vector<1024x128xf32>
    %add3A_548 = arith.addf %add3A_543, %add3A_547 : vector<1024x128xf32>
    %lt3A_549 = arith.cmpf olt, %add3A_548, %min3A_537 : vector<1024x128xf32>
    %min3A_550 = arith.minimumf %min3A_537, %add3A_548 : vector<1024x128xf32>
    %jit3A_551 = arith.constant 4.000000e+01 : f32
    %broadcast_in_dim3A_552 = vector.broadcast %jit3A_551 : f32 to vector<1024x128xf32>
    %select_n3A_553 = arith.select %lt3A_549, %broadcast_in_dim3A_552, %select_n3A_540 : vector<1024x128xi1>, vector<1024x128xf32>
    %slice3A_554 = vector.extract_strided_slice %dot_general3A_436 {offsets = [0, 1152], sizes = [1024, 128], strides = [1, 1]} : vector<1024x2048xf32> to vector<1024x128xf32>
    %add3A_555 = vector.broadcast %broadcast_in_dim3A : vector<1024x1xf32> to vector<1024x128xf32>
    %add3A_556 = arith.addf %add3A_555, %slice3A_554 : vector<1024x128xf32>
    %get3A_557 = arith.constant 0 : index
    %get3A_558 = arith.constant 5248 : index
    %get3A_559 = vector.load %arg5[%get3A_557, %get3A_558] : memref<1x8192xf32, #tpu.memory_space<vmem>>, vector<1x128xf32>
    %add3A_560 = vector.broadcast %get3A_559 : vector<1x128xf32> to vector<1024x128xf32>
    %add3A_561 = arith.addf %add3A_556, %add3A_560 : vector<1024x128xf32>
    %lt3A_562 = arith.cmpf olt, %add3A_561, %min3A_550 : vector<1024x128xf32>
    %min3A_563 = arith.minimumf %min3A_550, %add3A_561 : vector<1024x128xf32>
    %jit3A_564 = arith.constant 4.100000e+01 : f32
    %broadcast_in_dim3A_565 = vector.broadcast %jit3A_564 : f32 to vector<1024x128xf32>
    %select_n3A_566 = arith.select %lt3A_562, %broadcast_in_dim3A_565, %select_n3A_553 : vector<1024x128xi1>, vector<1024x128xf32>
    %slice3A_567 = vector.extract_strided_slice %dot_general3A_436 {offsets = [0, 1280], sizes = [1024, 128], strides = [1, 1]} : vector<1024x2048xf32> to vector<1024x128xf32>
    %add3A_568 = vector.broadcast %broadcast_in_dim3A : vector<1024x1xf32> to vector<1024x128xf32>
    %add3A_569 = arith.addf %add3A_568, %slice3A_567 : vector<1024x128xf32>
    %get3A_570 = arith.constant 0 : index
    %get3A_571 = arith.constant 5376 : index
    %get3A_572 = vector.load %arg5[%get3A_570, %get3A_571] : memref<1x8192xf32, #tpu.memory_space<vmem>>, vector<1x128xf32>
    %add3A_573 = vector.broadcast %get3A_572 : vector<1x128xf32> to vector<1024x128xf32>
    %add3A_574 = arith.addf %add3A_569, %add3A_573 : vector<1024x128xf32>
    %lt3A_575 = arith.cmpf olt, %add3A_574, %min3A_563 : vector<1024x128xf32>
    %min3A_576 = arith.minimumf %min3A_563, %add3A_574 : vector<1024x128xf32>
    %jit3A_577 = arith.constant 4.200000e+01 : f32
    %broadcast_in_dim3A_578 = vector.broadcast %jit3A_577 : f32 to vector<1024x128xf32>
    %select_n3A_579 = arith.select %lt3A_575, %broadcast_in_dim3A_578, %select_n3A_566 : vector<1024x128xi1>, vector<1024x128xf32>
    %slice3A_580 = vector.extract_strided_slice %dot_general3A_436 {offsets = [0, 1408], sizes = [1024, 128], strides = [1, 1]} : vector<1024x2048xf32> to vector<1024x128xf32>
    %add3A_581 = vector.broadcast %broadcast_in_dim3A : vector<1024x1xf32> to vector<1024x128xf32>
    %add3A_582 = arith.addf %add3A_581, %slice3A_580 : vector<1024x128xf32>
    %get3A_583 = arith.constant 0 : index
    %get3A_584 = arith.constant 5504 : index
    %get3A_585 = vector.load %arg5[%get3A_583, %get3A_584] : memref<1x8192xf32, #tpu.memory_space<vmem>>, vector<1x128xf32>
    %add3A_586 = vector.broadcast %get3A_585 : vector<1x128xf32> to vector<1024x128xf32>
    %add3A_587 = arith.addf %add3A_582, %add3A_586 : vector<1024x128xf32>
    %lt3A_588 = arith.cmpf olt, %add3A_587, %min3A_576 : vector<1024x128xf32>
    %min3A_589 = arith.minimumf %min3A_576, %add3A_587 : vector<1024x128xf32>
    %jit3A_590 = arith.constant 4.300000e+01 : f32
    %broadcast_in_dim3A_591 = vector.broadcast %jit3A_590 : f32 to vector<1024x128xf32>
    %select_n3A_592 = arith.select %lt3A_588, %broadcast_in_dim3A_591, %select_n3A_579 : vector<1024x128xi1>, vector<1024x128xf32>
    %slice3A_593 = vector.extract_strided_slice %dot_general3A_436 {offsets = [0, 1536], sizes = [1024, 128], strides = [1, 1]} : vector<1024x2048xf32> to vector<1024x128xf32>
    %add3A_594 = vector.broadcast %broadcast_in_dim3A : vector<1024x1xf32> to vector<1024x128xf32>
    %add3A_595 = arith.addf %add3A_594, %slice3A_593 : vector<1024x128xf32>
    %get3A_596 = arith.constant 0 : index
    %get3A_597 = arith.constant 5632 : index
    %get3A_598 = vector.load %arg5[%get3A_596, %get3A_597] : memref<1x8192xf32, #tpu.memory_space<vmem>>, vector<1x128xf32>
    %add3A_599 = vector.broadcast %get3A_598 : vector<1x128xf32> to vector<1024x128xf32>
    %add3A_600 = arith.addf %add3A_595, %add3A_599 : vector<1024x128xf32>
    %lt3A_601 = arith.cmpf olt, %add3A_600, %min3A_589 : vector<1024x128xf32>
    %min3A_602 = arith.minimumf %min3A_589, %add3A_600 : vector<1024x128xf32>
    %jit3A_603 = arith.constant 4.400000e+01 : f32
    %broadcast_in_dim3A_604 = vector.broadcast %jit3A_603 : f32 to vector<1024x128xf32>
    %select_n3A_605 = arith.select %lt3A_601, %broadcast_in_dim3A_604, %select_n3A_592 : vector<1024x128xi1>, vector<1024x128xf32>
    %slice3A_606 = vector.extract_strided_slice %dot_general3A_436 {offsets = [0, 1664], sizes = [1024, 128], strides = [1, 1]} : vector<1024x2048xf32> to vector<1024x128xf32>
    %add3A_607 = vector.broadcast %broadcast_in_dim3A : vector<1024x1xf32> to vector<1024x128xf32>
    %add3A_608 = arith.addf %add3A_607, %slice3A_606 : vector<1024x128xf32>
    %get3A_609 = arith.constant 0 : index
    %get3A_610 = arith.constant 5760 : index
    %get3A_611 = vector.load %arg5[%get3A_609, %get3A_610] : memref<1x8192xf32, #tpu.memory_space<vmem>>, vector<1x128xf32>
    %add3A_612 = vector.broadcast %get3A_611 : vector<1x128xf32> to vector<1024x128xf32>
    %add3A_613 = arith.addf %add3A_608, %add3A_612 : vector<1024x128xf32>
    %lt3A_614 = arith.cmpf olt, %add3A_613, %min3A_602 : vector<1024x128xf32>
    %min3A_615 = arith.minimumf %min3A_602, %add3A_613 : vector<1024x128xf32>
    %jit3A_616 = arith.constant 4.500000e+01 : f32
    %broadcast_in_dim3A_617 = vector.broadcast %jit3A_616 : f32 to vector<1024x128xf32>
    %select_n3A_618 = arith.select %lt3A_614, %broadcast_in_dim3A_617, %select_n3A_605 : vector<1024x128xi1>, vector<1024x128xf32>
    %slice3A_619 = vector.extract_strided_slice %dot_general3A_436 {offsets = [0, 1792], sizes = [1024, 128], strides = [1, 1]} : vector<1024x2048xf32> to vector<1024x128xf32>
    %add3A_620 = vector.broadcast %broadcast_in_dim3A : vector<1024x1xf32> to vector<1024x128xf32>
    %add3A_621 = arith.addf %add3A_620, %slice3A_619 : vector<1024x128xf32>
    %get3A_622 = arith.constant 0 : index
    %get3A_623 = arith.constant 5888 : index
    %get3A_624 = vector.load %arg5[%get3A_622, %get3A_623] : memref<1x8192xf32, #tpu.memory_space<vmem>>, vector<1x128xf32>
    %add3A_625 = vector.broadcast %get3A_624 : vector<1x128xf32> to vector<1024x128xf32>
    %add3A_626 = arith.addf %add3A_621, %add3A_625 : vector<1024x128xf32>
    %lt3A_627 = arith.cmpf olt, %add3A_626, %min3A_615 : vector<1024x128xf32>
    %min3A_628 = arith.minimumf %min3A_615, %add3A_626 : vector<1024x128xf32>
    %jit3A_629 = arith.constant 4.600000e+01 : f32
    %broadcast_in_dim3A_630 = vector.broadcast %jit3A_629 : f32 to vector<1024x128xf32>
    %select_n3A_631 = arith.select %lt3A_627, %broadcast_in_dim3A_630, %select_n3A_618 : vector<1024x128xi1>, vector<1024x128xf32>
    %slice3A_632 = vector.extract_strided_slice %dot_general3A_436 {offsets = [0, 1920], sizes = [1024, 128], strides = [1, 1]} : vector<1024x2048xf32> to vector<1024x128xf32>
    %add3A_633 = vector.broadcast %broadcast_in_dim3A : vector<1024x1xf32> to vector<1024x128xf32>
    %add3A_634 = arith.addf %add3A_633, %slice3A_632 : vector<1024x128xf32>
    %get3A_635 = arith.constant 0 : index
    %get3A_636 = arith.constant 6016 : index
    %get3A_637 = vector.load %arg5[%get3A_635, %get3A_636] : memref<1x8192xf32, #tpu.memory_space<vmem>>, vector<1x128xf32>
    %add3A_638 = vector.broadcast %get3A_637 : vector<1x128xf32> to vector<1024x128xf32>
    %add3A_639 = arith.addf %add3A_634, %add3A_638 : vector<1024x128xf32>
    %lt3A_640 = arith.cmpf olt, %add3A_639, %min3A_628 : vector<1024x128xf32>
    %min3A_641 = arith.minimumf %min3A_628, %add3A_639 : vector<1024x128xf32>
    %jit3A_642 = arith.constant 4.700000e+01 : f32
    %broadcast_in_dim3A_643 = vector.broadcast %jit3A_642 : f32 to vector<1024x128xf32>
    %select_n3A_644 = arith.select %lt3A_640, %broadcast_in_dim3A_643, %select_n3A_631 : vector<1024x128xi1>, vector<1024x128xf32>
    %get3A_645 = arith.constant 6144 : index
    %get3A_646 = arith.constant 0 : index
    %get3A_647 = vector.load %arg2[%get3A_645, %get3A_646] : memref<8192x256xbf16, #tpu.memory_space<vmem>>, vector<2048x256xbf16>
    %dot_general3A_648 = arith.constant dense<0.000000e+00> : vector<1024x2048xf32>
    %dot_general3A_649 = tpu.matmul %convert_element_type3A_8, %get3A_647, %dot_general3A_648 {dimension_numbers = #tpu.dot_dimension_numbers<[1], [1], [0], [0], [0, 0, 1, 0], [], []>, transpose_lhs_hint = false} : vector<1024x256xbf16>, vector<2048x256xbf16>, vector<1024x2048xf32> -> vector<1024x2048xf32>
    %slice3A_650 = vector.extract_strided_slice %dot_general3A_649 {offsets = [0, 0], sizes = [1024, 128], strides = [1, 1]} : vector<1024x2048xf32> to vector<1024x128xf32>
    %add3A_651 = vector.broadcast %broadcast_in_dim3A : vector<1024x1xf32> to vector<1024x128xf32>
    %add3A_652 = arith.addf %add3A_651, %slice3A_650 : vector<1024x128xf32>
    %get3A_653 = arith.constant 0 : index
    %get3A_654 = arith.constant 6144 : index
    %get3A_655 = vector.load %arg5[%get3A_653, %get3A_654] : memref<1x8192xf32, #tpu.memory_space<vmem>>, vector<1x128xf32>
    %add3A_656 = vector.broadcast %get3A_655 : vector<1x128xf32> to vector<1024x128xf32>
    %add3A_657 = arith.addf %add3A_652, %add3A_656 : vector<1024x128xf32>
    %lt3A_658 = arith.cmpf olt, %add3A_657, %min3A_641 : vector<1024x128xf32>
    %min3A_659 = arith.minimumf %min3A_641, %add3A_657 : vector<1024x128xf32>
    %jit3A_660 = arith.constant 4.800000e+01 : f32
    %broadcast_in_dim3A_661 = vector.broadcast %jit3A_660 : f32 to vector<1024x128xf32>
    %select_n3A_662 = arith.select %lt3A_658, %broadcast_in_dim3A_661, %select_n3A_644 : vector<1024x128xi1>, vector<1024x128xf32>
    %slice3A_663 = vector.extract_strided_slice %dot_general3A_649 {offsets = [0, 128], sizes = [1024, 128], strides = [1, 1]} : vector<1024x2048xf32> to vector<1024x128xf32>
    %add3A_664 = vector.broadcast %broadcast_in_dim3A : vector<1024x1xf32> to vector<1024x128xf32>
    %add3A_665 = arith.addf %add3A_664, %slice3A_663 : vector<1024x128xf32>
    %get3A_666 = arith.constant 0 : index
    %get3A_667 = arith.constant 6272 : index
    %get3A_668 = vector.load %arg5[%get3A_666, %get3A_667] : memref<1x8192xf32, #tpu.memory_space<vmem>>, vector<1x128xf32>
    %add3A_669 = vector.broadcast %get3A_668 : vector<1x128xf32> to vector<1024x128xf32>
    %add3A_670 = arith.addf %add3A_665, %add3A_669 : vector<1024x128xf32>
    %lt3A_671 = arith.cmpf olt, %add3A_670, %min3A_659 : vector<1024x128xf32>
    %min3A_672 = arith.minimumf %min3A_659, %add3A_670 : vector<1024x128xf32>
    %jit3A_673 = arith.constant 4.900000e+01 : f32
    %broadcast_in_dim3A_674 = vector.broadcast %jit3A_673 : f32 to vector<1024x128xf32>
    %select_n3A_675 = arith.select %lt3A_671, %broadcast_in_dim3A_674, %select_n3A_662 : vector<1024x128xi1>, vector<1024x128xf32>
    %slice3A_676 = vector.extract_strided_slice %dot_general3A_649 {offsets = [0, 256], sizes = [1024, 128], strides = [1, 1]} : vector<1024x2048xf32> to vector<1024x128xf32>
    %add3A_677 = vector.broadcast %broadcast_in_dim3A : vector<1024x1xf32> to vector<1024x128xf32>
    %add3A_678 = arith.addf %add3A_677, %slice3A_676 : vector<1024x128xf32>
    %get3A_679 = arith.constant 0 : index
    %get3A_680 = arith.constant 6400 : index
    %get3A_681 = vector.load %arg5[%get3A_679, %get3A_680] : memref<1x8192xf32, #tpu.memory_space<vmem>>, vector<1x128xf32>
    %add3A_682 = vector.broadcast %get3A_681 : vector<1x128xf32> to vector<1024x128xf32>
    %add3A_683 = arith.addf %add3A_678, %add3A_682 : vector<1024x128xf32>
    %lt3A_684 = arith.cmpf olt, %add3A_683, %min3A_672 : vector<1024x128xf32>
    %min3A_685 = arith.minimumf %min3A_672, %add3A_683 : vector<1024x128xf32>
    %jit3A_686 = arith.constant 5.000000e+01 : f32
    %broadcast_in_dim3A_687 = vector.broadcast %jit3A_686 : f32 to vector<1024x128xf32>
    %select_n3A_688 = arith.select %lt3A_684, %broadcast_in_dim3A_687, %select_n3A_675 : vector<1024x128xi1>, vector<1024x128xf32>
    %slice3A_689 = vector.extract_strided_slice %dot_general3A_649 {offsets = [0, 384], sizes = [1024, 128], strides = [1, 1]} : vector<1024x2048xf32> to vector<1024x128xf32>
    %add3A_690 = vector.broadcast %broadcast_in_dim3A : vector<1024x1xf32> to vector<1024x128xf32>
    %add3A_691 = arith.addf %add3A_690, %slice3A_689 : vector<1024x128xf32>
    %get3A_692 = arith.constant 0 : index
    %get3A_693 = arith.constant 6528 : index
    %get3A_694 = vector.load %arg5[%get3A_692, %get3A_693] : memref<1x8192xf32, #tpu.memory_space<vmem>>, vector<1x128xf32>
    %add3A_695 = vector.broadcast %get3A_694 : vector<1x128xf32> to vector<1024x128xf32>
    %add3A_696 = arith.addf %add3A_691, %add3A_695 : vector<1024x128xf32>
    %lt3A_697 = arith.cmpf olt, %add3A_696, %min3A_685 : vector<1024x128xf32>
    %min3A_698 = arith.minimumf %min3A_685, %add3A_696 : vector<1024x128xf32>
    %jit3A_699 = arith.constant 5.100000e+01 : f32
    %broadcast_in_dim3A_700 = vector.broadcast %jit3A_699 : f32 to vector<1024x128xf32>
    %select_n3A_701 = arith.select %lt3A_697, %broadcast_in_dim3A_700, %select_n3A_688 : vector<1024x128xi1>, vector<1024x128xf32>
    %slice3A_702 = vector.extract_strided_slice %dot_general3A_649 {offsets = [0, 512], sizes = [1024, 128], strides = [1, 1]} : vector<1024x2048xf32> to vector<1024x128xf32>
    %add3A_703 = vector.broadcast %broadcast_in_dim3A : vector<1024x1xf32> to vector<1024x128xf32>
    %add3A_704 = arith.addf %add3A_703, %slice3A_702 : vector<1024x128xf32>
    %get3A_705 = arith.constant 0 : index
    %get3A_706 = arith.constant 6656 : index
    %get3A_707 = vector.load %arg5[%get3A_705, %get3A_706] : memref<1x8192xf32, #tpu.memory_space<vmem>>, vector<1x128xf32>
    %add3A_708 = vector.broadcast %get3A_707 : vector<1x128xf32> to vector<1024x128xf32>
    %add3A_709 = arith.addf %add3A_704, %add3A_708 : vector<1024x128xf32>
    %lt3A_710 = arith.cmpf olt, %add3A_709, %min3A_698 : vector<1024x128xf32>
    %min3A_711 = arith.minimumf %min3A_698, %add3A_709 : vector<1024x128xf32>
    %jit3A_712 = arith.constant 5.200000e+01 : f32
    %broadcast_in_dim3A_713 = vector.broadcast %jit3A_712 : f32 to vector<1024x128xf32>
    %select_n3A_714 = arith.select %lt3A_710, %broadcast_in_dim3A_713, %select_n3A_701 : vector<1024x128xi1>, vector<1024x128xf32>
    %slice3A_715 = vector.extract_strided_slice %dot_general3A_649 {offsets = [0, 640], sizes = [1024, 128], strides = [1, 1]} : vector<1024x2048xf32> to vector<1024x128xf32>
    %add3A_716 = vector.broadcast %broadcast_in_dim3A : vector<1024x1xf32> to vector<1024x128xf32>
    %add3A_717 = arith.addf %add3A_716, %slice3A_715 : vector<1024x128xf32>
    %get3A_718 = arith.constant 0 : index
    %get3A_719 = arith.constant 6784 : index
    %get3A_720 = vector.load %arg5[%get3A_718, %get3A_719] : memref<1x8192xf32, #tpu.memory_space<vmem>>, vector<1x128xf32>
    %add3A_721 = vector.broadcast %get3A_720 : vector<1x128xf32> to vector<1024x128xf32>
    %add3A_722 = arith.addf %add3A_717, %add3A_721 : vector<1024x128xf32>
    %lt3A_723 = arith.cmpf olt, %add3A_722, %min3A_711 : vector<1024x128xf32>
    %min3A_724 = arith.minimumf %min3A_711, %add3A_722 : vector<1024x128xf32>
    %jit3A_725 = arith.constant 5.300000e+01 : f32
    %broadcast_in_dim3A_726 = vector.broadcast %jit3A_725 : f32 to vector<1024x128xf32>
    %select_n3A_727 = arith.select %lt3A_723, %broadcast_in_dim3A_726, %select_n3A_714 : vector<1024x128xi1>, vector<1024x128xf32>
    %slice3A_728 = vector.extract_strided_slice %dot_general3A_649 {offsets = [0, 768], sizes = [1024, 128], strides = [1, 1]} : vector<1024x2048xf32> to vector<1024x128xf32>
    %add3A_729 = vector.broadcast %broadcast_in_dim3A : vector<1024x1xf32> to vector<1024x128xf32>
    %add3A_730 = arith.addf %add3A_729, %slice3A_728 : vector<1024x128xf32>
    %get3A_731 = arith.constant 0 : index
    %get3A_732 = arith.constant 6912 : index
    %get3A_733 = vector.load %arg5[%get3A_731, %get3A_732] : memref<1x8192xf32, #tpu.memory_space<vmem>>, vector<1x128xf32>
    %add3A_734 = vector.broadcast %get3A_733 : vector<1x128xf32> to vector<1024x128xf32>
    %add3A_735 = arith.addf %add3A_730, %add3A_734 : vector<1024x128xf32>
    %lt3A_736 = arith.cmpf olt, %add3A_735, %min3A_724 : vector<1024x128xf32>
    %min3A_737 = arith.minimumf %min3A_724, %add3A_735 : vector<1024x128xf32>
    %jit3A_738 = arith.constant 5.400000e+01 : f32
    %broadcast_in_dim3A_739 = vector.broadcast %jit3A_738 : f32 to vector<1024x128xf32>
    %select_n3A_740 = arith.select %lt3A_736, %broadcast_in_dim3A_739, %select_n3A_727 : vector<1024x128xi1>, vector<1024x128xf32>
    %slice3A_741 = vector.extract_strided_slice %dot_general3A_649 {offsets = [0, 896], sizes = [1024, 128], strides = [1, 1]} : vector<1024x2048xf32> to vector<1024x128xf32>
    %add3A_742 = vector.broadcast %broadcast_in_dim3A : vector<1024x1xf32> to vector<1024x128xf32>
    %add3A_743 = arith.addf %add3A_742, %slice3A_741 : vector<1024x128xf32>
    %get3A_744 = arith.constant 0 : index
    %get3A_745 = arith.constant 7040 : index
    %get3A_746 = vector.load %arg5[%get3A_744, %get3A_745] : memref<1x8192xf32, #tpu.memory_space<vmem>>, vector<1x128xf32>
    %add3A_747 = vector.broadcast %get3A_746 : vector<1x128xf32> to vector<1024x128xf32>
    %add3A_748 = arith.addf %add3A_743, %add3A_747 : vector<1024x128xf32>
    %lt3A_749 = arith.cmpf olt, %add3A_748, %min3A_737 : vector<1024x128xf32>
    %min3A_750 = arith.minimumf %min3A_737, %add3A_748 : vector<1024x128xf32>
    %jit3A_751 = arith.constant 5.500000e+01 : f32
    %broadcast_in_dim3A_752 = vector.broadcast %jit3A_751 : f32 to vector<1024x128xf32>
    %select_n3A_753 = arith.select %lt3A_749, %broadcast_in_dim3A_752, %select_n3A_740 : vector<1024x128xi1>, vector<1024x128xf32>
    %slice3A_754 = vector.extract_strided_slice %dot_general3A_649 {offsets = [0, 1024], sizes = [1024, 128], strides = [1, 1]} : vector<1024x2048xf32> to vector<1024x128xf32>
    %add3A_755 = vector.broadcast %broadcast_in_dim3A : vector<1024x1xf32> to vector<1024x128xf32>
    %add3A_756 = arith.addf %add3A_755, %slice3A_754 : vector<1024x128xf32>
    %get3A_757 = arith.constant 0 : index
    %get3A_758 = arith.constant 7168 : index
    %get3A_759 = vector.load %arg5[%get3A_757, %get3A_758] : memref<1x8192xf32, #tpu.memory_space<vmem>>, vector<1x128xf32>
    %add3A_760 = vector.broadcast %get3A_759 : vector<1x128xf32> to vector<1024x128xf32>
    %add3A_761 = arith.addf %add3A_756, %add3A_760 : vector<1024x128xf32>
    %lt3A_762 = arith.cmpf olt, %add3A_761, %min3A_750 : vector<1024x128xf32>
    %min3A_763 = arith.minimumf %min3A_750, %add3A_761 : vector<1024x128xf32>
    %jit3A_764 = arith.constant 5.600000e+01 : f32
    %broadcast_in_dim3A_765 = vector.broadcast %jit3A_764 : f32 to vector<1024x128xf32>
    %select_n3A_766 = arith.select %lt3A_762, %broadcast_in_dim3A_765, %select_n3A_753 : vector<1024x128xi1>, vector<1024x128xf32>
    %slice3A_767 = vector.extract_strided_slice %dot_general3A_649 {offsets = [0, 1152], sizes = [1024, 128], strides = [1, 1]} : vector<1024x2048xf32> to vector<1024x128xf32>
    %add3A_768 = vector.broadcast %broadcast_in_dim3A : vector<1024x1xf32> to vector<1024x128xf32>
    %add3A_769 = arith.addf %add3A_768, %slice3A_767 : vector<1024x128xf32>
    %get3A_770 = arith.constant 0 : index
    %get3A_771 = arith.constant 7296 : index
    %get3A_772 = vector.load %arg5[%get3A_770, %get3A_771] : memref<1x8192xf32, #tpu.memory_space<vmem>>, vector<1x128xf32>
    %add3A_773 = vector.broadcast %get3A_772 : vector<1x128xf32> to vector<1024x128xf32>
    %add3A_774 = arith.addf %add3A_769, %add3A_773 : vector<1024x128xf32>
    %lt3A_775 = arith.cmpf olt, %add3A_774, %min3A_763 : vector<1024x128xf32>
    %min3A_776 = arith.minimumf %min3A_763, %add3A_774 : vector<1024x128xf32>
    %jit3A_777 = arith.constant 5.700000e+01 : f32
    %broadcast_in_dim3A_778 = vector.broadcast %jit3A_777 : f32 to vector<1024x128xf32>
    %select_n3A_779 = arith.select %lt3A_775, %broadcast_in_dim3A_778, %select_n3A_766 : vector<1024x128xi1>, vector<1024x128xf32>
    %slice3A_780 = vector.extract_strided_slice %dot_general3A_649 {offsets = [0, 1280], sizes = [1024, 128], strides = [1, 1]} : vector<1024x2048xf32> to vector<1024x128xf32>
    %add3A_781 = vector.broadcast %broadcast_in_dim3A : vector<1024x1xf32> to vector<1024x128xf32>
    %add3A_782 = arith.addf %add3A_781, %slice3A_780 : vector<1024x128xf32>
    %get3A_783 = arith.constant 0 : index
    %get3A_784 = arith.constant 7424 : index
    %get3A_785 = vector.load %arg5[%get3A_783, %get3A_784] : memref<1x8192xf32, #tpu.memory_space<vmem>>, vector<1x128xf32>
    %add3A_786 = vector.broadcast %get3A_785 : vector<1x128xf32> to vector<1024x128xf32>
    %add3A_787 = arith.addf %add3A_782, %add3A_786 : vector<1024x128xf32>
    %lt3A_788 = arith.cmpf olt, %add3A_787, %min3A_776 : vector<1024x128xf32>
    %min3A_789 = arith.minimumf %min3A_776, %add3A_787 : vector<1024x128xf32>
    %jit3A_790 = arith.constant 5.800000e+01 : f32
    %broadcast_in_dim3A_791 = vector.broadcast %jit3A_790 : f32 to vector<1024x128xf32>
    %select_n3A_792 = arith.select %lt3A_788, %broadcast_in_dim3A_791, %select_n3A_779 : vector<1024x128xi1>, vector<1024x128xf32>
    %slice3A_793 = vector.extract_strided_slice %dot_general3A_649 {offsets = [0, 1408], sizes = [1024, 128], strides = [1, 1]} : vector<1024x2048xf32> to vector<1024x128xf32>
    %add3A_794 = vector.broadcast %broadcast_in_dim3A : vector<1024x1xf32> to vector<1024x128xf32>
    %add3A_795 = arith.addf %add3A_794, %slice3A_793 : vector<1024x128xf32>
    %get3A_796 = arith.constant 0 : index
    %get3A_797 = arith.constant 7552 : index
    %get3A_798 = vector.load %arg5[%get3A_796, %get3A_797] : memref<1x8192xf32, #tpu.memory_space<vmem>>, vector<1x128xf32>
    %add3A_799 = vector.broadcast %get3A_798 : vector<1x128xf32> to vector<1024x128xf32>
    %add3A_800 = arith.addf %add3A_795, %add3A_799 : vector<1024x128xf32>
    %lt3A_801 = arith.cmpf olt, %add3A_800, %min3A_789 : vector<1024x128xf32>
    %min3A_802 = arith.minimumf %min3A_789, %add3A_800 : vector<1024x128xf32>
    %jit3A_803 = arith.constant 5.900000e+01 : f32
    %broadcast_in_dim3A_804 = vector.broadcast %jit3A_803 : f32 to vector<1024x128xf32>
    %select_n3A_805 = arith.select %lt3A_801, %broadcast_in_dim3A_804, %select_n3A_792 : vector<1024x128xi1>, vector<1024x128xf32>
    %slice3A_806 = vector.extract_strided_slice %dot_general3A_649 {offsets = [0, 1536], sizes = [1024, 128], strides = [1, 1]} : vector<1024x2048xf32> to vector<1024x128xf32>
    %add3A_807 = vector.broadcast %broadcast_in_dim3A : vector<1024x1xf32> to vector<1024x128xf32>
    %add3A_808 = arith.addf %add3A_807, %slice3A_806 : vector<1024x128xf32>
    %get3A_809 = arith.constant 0 : index
    %get3A_810 = arith.constant 7680 : index
    %get3A_811 = vector.load %arg5[%get3A_809, %get3A_810] : memref<1x8192xf32, #tpu.memory_space<vmem>>, vector<1x128xf32>
    %add3A_812 = vector.broadcast %get3A_811 : vector<1x128xf32> to vector<1024x128xf32>
    %add3A_813 = arith.addf %add3A_808, %add3A_812 : vector<1024x128xf32>
    %lt3A_814 = arith.cmpf olt, %add3A_813, %min3A_802 : vector<1024x128xf32>
    %min3A_815 = arith.minimumf %min3A_802, %add3A_813 : vector<1024x128xf32>
    %jit3A_816 = arith.constant 6.000000e+01 : f32
    %broadcast_in_dim3A_817 = vector.broadcast %jit3A_816 : f32 to vector<1024x128xf32>
    %select_n3A_818 = arith.select %lt3A_814, %broadcast_in_dim3A_817, %select_n3A_805 : vector<1024x128xi1>, vector<1024x128xf32>
    %slice3A_819 = vector.extract_strided_slice %dot_general3A_649 {offsets = [0, 1664], sizes = [1024, 128], strides = [1, 1]} : vector<1024x2048xf32> to vector<1024x128xf32>
    %add3A_820 = vector.broadcast %broadcast_in_dim3A : vector<1024x1xf32> to vector<1024x128xf32>
    %add3A_821 = arith.addf %add3A_820, %slice3A_819 : vector<1024x128xf32>
    %get3A_822 = arith.constant 0 : index
    %get3A_823 = arith.constant 7808 : index
    %get3A_824 = vector.load %arg5[%get3A_822, %get3A_823] : memref<1x8192xf32, #tpu.memory_space<vmem>>, vector<1x128xf32>
    %add3A_825 = vector.broadcast %get3A_824 : vector<1x128xf32> to vector<1024x128xf32>
    %add3A_826 = arith.addf %add3A_821, %add3A_825 : vector<1024x128xf32>
    %lt3A_827 = arith.cmpf olt, %add3A_826, %min3A_815 : vector<1024x128xf32>
    %min3A_828 = arith.minimumf %min3A_815, %add3A_826 : vector<1024x128xf32>
    %jit3A_829 = arith.constant 6.100000e+01 : f32
    %broadcast_in_dim3A_830 = vector.broadcast %jit3A_829 : f32 to vector<1024x128xf32>
    %select_n3A_831 = arith.select %lt3A_827, %broadcast_in_dim3A_830, %select_n3A_818 : vector<1024x128xi1>, vector<1024x128xf32>
    %slice3A_832 = vector.extract_strided_slice %dot_general3A_649 {offsets = [0, 1792], sizes = [1024, 128], strides = [1, 1]} : vector<1024x2048xf32> to vector<1024x128xf32>
    %add3A_833 = vector.broadcast %broadcast_in_dim3A : vector<1024x1xf32> to vector<1024x128xf32>
    %add3A_834 = arith.addf %add3A_833, %slice3A_832 : vector<1024x128xf32>
    %get3A_835 = arith.constant 0 : index
    %get3A_836 = arith.constant 7936 : index
    %get3A_837 = vector.load %arg5[%get3A_835, %get3A_836] : memref<1x8192xf32, #tpu.memory_space<vmem>>, vector<1x128xf32>
    %add3A_838 = vector.broadcast %get3A_837 : vector<1x128xf32> to vector<1024x128xf32>
    %add3A_839 = arith.addf %add3A_834, %add3A_838 : vector<1024x128xf32>
    %lt3A_840 = arith.cmpf olt, %add3A_839, %min3A_828 : vector<1024x128xf32>
    %min3A_841 = arith.minimumf %min3A_828, %add3A_839 : vector<1024x128xf32>
    %jit3A_842 = arith.constant 6.200000e+01 : f32
    %broadcast_in_dim3A_843 = vector.broadcast %jit3A_842 : f32 to vector<1024x128xf32>
    %select_n3A_844 = arith.select %lt3A_840, %broadcast_in_dim3A_843, %select_n3A_831 : vector<1024x128xi1>, vector<1024x128xf32>
    %slice3A_845 = vector.extract_strided_slice %dot_general3A_649 {offsets = [0, 1920], sizes = [1024, 128], strides = [1, 1]} : vector<1024x2048xf32> to vector<1024x128xf32>
    %add3A_846 = vector.broadcast %broadcast_in_dim3A : vector<1024x1xf32> to vector<1024x128xf32>
    %add3A_847 = arith.addf %add3A_846, %slice3A_845 : vector<1024x128xf32>
    %get3A_848 = arith.constant 0 : index
    %get3A_849 = arith.constant 8064 : index
    %get3A_850 = vector.load %arg5[%get3A_848, %get3A_849] : memref<1x8192xf32, #tpu.memory_space<vmem>>, vector<1x128xf32>
    %add3A_851 = vector.broadcast %get3A_850 : vector<1x128xf32> to vector<1024x128xf32>
    %add3A_852 = arith.addf %add3A_847, %add3A_851 : vector<1024x128xf32>
    %lt3A_853 = arith.cmpf olt, %add3A_852, %min3A_841 : vector<1024x128xf32>
    %min3A_854 = arith.minimumf %min3A_841, %add3A_852 : vector<1024x128xf32>
    %jit3A_855 = arith.constant 6.300000e+01 : f32
    %broadcast_in_dim3A_856 = vector.broadcast %jit3A_855 : f32 to vector<1024x128xf32>
    %select_n3A_857 = arith.select %lt3A_853, %broadcast_in_dim3A_856, %select_n3A_844 : vector<1024x128xi1>, vector<1024x128xf32>
    %reduce_min3A = arith.constant dense<0x7F800000> : vector<1024xf32>
    %reduce_min3A_858 = vector.multi_reduction <minimumf>, %min3A_854, %reduce_min3A [1] : vector<1024x128xf32> to vector<1024xf32>
    %broadcast_in_dim3A_859 = vector.shape_cast %reduce_min3A_858 : vector<1024xf32> to vector<1024x1xf32>
    %iota3A = tpu.iota {dimensions = array<i32: 1>} : vector<1024x128xi32>
    %convert_element_type3A_860 = arith.sitofp %iota3A : vector<1024x128xi32> to vector<1024x128xf32>
    %mul3A_861 = arith.constant 1.280000e+02 : f32
    %mul3A_862 = vector.broadcast %mul3A_861 : f32 to vector<1024x128xf32>
    %mul3A_863 = arith.mulf %select_n3A_857, %mul3A_862 : vector<1024x128xf32>
    %add3A_864 = arith.addf %mul3A_863, %convert_element_type3A_860 : vector<1024x128xf32>
    %eq3A_865 = vector.broadcast %broadcast_in_dim3A_859 : vector<1024x1xf32> to vector<1024x128xf32>
    %eq3A_866 = arith.cmpf oeq, %min3A_854, %eq3A_865 : vector<1024x128xf32>
    %jit3A_867 = arith.constant 1.000000e+09 : f32
    %broadcast_in_dim3A_868 = vector.broadcast %jit3A_867 : f32 to vector<1024x128xf32>
    %select_n3A_869 = arith.select %eq3A_866, %add3A_864, %broadcast_in_dim3A_868 : vector<1024x128xi1>, vector<1024x128xf32>
    %reduce_min3A_870 = arith.constant dense<0x7F800000> : vector<1024xf32>
    %reduce_min3A_871 = vector.multi_reduction <minimumf>, %select_n3A_869, %reduce_min3A_870 [1] : vector<1024x128xf32> to vector<1024xf32>
    %broadcast_in_dim3A_872 = vector.shape_cast %reduce_min3A_871 : vector<1024xf32> to vector<1024x1xf32>
    %convert_element_type3A_873 = arith.fptosi %broadcast_in_dim3A_872 : vector<1024x1xf32> to vector<1024x1xi32>
    %swap3A = arith.constant 0 : index
    %swap3A_874 = arith.constant 0 : index
    %swap3A_875 = vector.load %arg4[%swap3A, %swap3A_874] : memref<1024x1xi32, #tpu.memory_space<vmem>>, vector<1024x1xi32>
    tpu.vector_store %arg4[%swap3A, %swap3A_874], %convert_element_type3A_873 {strides = array<i32>} : memref<1024x1xi32, #tpu.memory_space<vmem>>, vector<1024x1xi32>,
    return
  }
  func.func @transform_0(%arg0: i32) -> (i32, i32) {
    %c0_i32 = arith.constant 0 : i32
    %c0_i32_0 = arith.constant 0 : i32
    return %arg0, %c0_i32 : i32, i32
  }
  func.func @transform_1(%arg0: i32) -> (i32, i32) {
    %c0_i32 = arith.constant 0 : i32
    %c0_i32_0 = arith.constant 0 : i32
    %c0_i32_1 = arith.constant 0 : i32
    return %c0_i32, %c0_i32_0 : i32, i32
  }
  func.func @transform_2(%arg0: i32) -> (i32, i32) {
    %c0_i32 = arith.constant 0 : i32
    %c0_i32_0 = arith.constant 0 : i32
    %c0_i32_1 = arith.constant 0 : i32
    return %c0_i32, %c0_i32_0 : i32, i32
  }
  func.func @transform_3(%arg0: i32) -> (i32, i32) {
    %c0_i32 = arith.constant 0 : i32
    %c0_i32_0 = arith.constant 0 : i32
    return %arg0, %c0_i32 : i32, i32
  }
}

module attributes {stable_mosaic.version = 14 : i64} {
  func.func @_dist_body(%arg0: i32, %arg1: memref<1024x256xf32, #tpu.memory_space<vmem>>, %arg2: memref<1024x256xf32, #tpu.memory_space<vmem>>, %arg3: memref<8192x256xbf16, #tpu.memory_space<vmem>>, %arg4: memref<8192x256xf32, #tpu.memory_space<vmem>>, %arg5: memref<1024x256xf32, #tpu.memory_space<vmem>>, %arg6: memref<1024x1xi32, #tpu.memory_space<vmem>>, %arg7: memref<1x8192xf32, #tpu.memory_space<vmem>>) attributes {dimension_semantics = [#tpu.dimension_semantics<arbitrary>], iteration_bounds = array<i64: 9>, scalar_prefetch = 0 : i64, scratch_operands = 1 : i64, tpu.core_type = #tpu.core_type<tc>, window_params = [{transform_indices = @transform_0, window_bounds = array<i64: 1024, 256>}, {transform_indices = @transform_1, window_bounds = array<i64: 1024, 256>}, {pipeline_mode = #tpu.pipeline_mode<synchronous>, transform_indices = @transform_2, window_bounds = array<i64: 8192, 256>}, {pipeline_mode = #tpu.pipeline_mode<synchronous>, transform_indices = @transform_3, window_bounds = array<i64: 8192, 256>}, {transform_indices = @transform_4, window_bounds = array<i64: 1024, 256>}, {transform_indices = @transform_5, window_bounds = array<i64: 1024, 1>}]} {
    %eq3A = arith.constant 0 : i32
    %eq3A_0 = arith.cmpi eq, %arg0, %eq3A : i32
    %convert_element_type3A = arith.extui %eq3A_0 : i1 to i32
    %cond3A = arith.constant 0 : i32
    %cond3A_1 = arith.cmpi ne, %convert_element_type3A, %cond3A : i32
    scf.if %cond3A_1 {
      %broadcast_in_dim3A_882 = arith.constant 1.000000e+00 : f32
      %broadcast_in_dim3A_883 = vector.broadcast %broadcast_in_dim3A_882 : f32 to vector<1x256xf32>
      %get3A_884 = arith.constant 0 : index
      %get3A_885 = arith.constant 0 : index
      %get3A_886 = vector.load %arg4[%get3A_884, %get3A_885] : memref<8192x256xf32, #tpu.memory_space<vmem>>, vector<2048x256xf32>
      %mul3A_887 = arith.mulf %get3A_886, %get3A_886 : vector<2048x256xf32>
      %dot_general3A_888 = arith.constant dense<0.000000e+00> : vector<1x2048xf32>
      %dot_general3A_889 = tpu.matmul %broadcast_in_dim3A_883, %mul3A_887, %dot_general3A_888 {dimension_numbers = #tpu.dot_dimension_numbers<[1], [1], [0], [0], [0, 0, 1, 0], [], []>, precision = #tpu.contract_precision<fp32>, transpose_lhs_hint = false} : vector<1x256xf32>, vector<2048x256xf32>, vector<1x2048xf32> -> vector<1x2048xf32>
      %swap3A_890 = arith.constant 0 : index
      %swap3A_891 = arith.constant 0 : index
      %swap3A_892 = vector.load %arg7[%swap3A_890, %swap3A_891] : memref<1x8192xf32, #tpu.memory_space<vmem>>, vector<1x2048xf32>
      tpu.vector_store %arg7[%swap3A_890, %swap3A_891], %dot_general3A_889 {strides = array<i32>} : memref<1x8192xf32, #tpu.memory_space<vmem>>, vector<1x2048xf32>,
      %get3A_893 = arith.constant 2048 : index
      %get3A_894 = arith.constant 0 : index
      %get3A_895 = vector.load %arg4[%get3A_893, %get3A_894] : memref<8192x256xf32, #tpu.memory_space<vmem>>, vector<2048x256xf32>
      %mul3A_896 = arith.mulf %get3A_895, %get3A_895 : vector<2048x256xf32>
      %dot_general3A_897 = arith.constant dense<0.000000e+00> : vector<1x2048xf32>
      %dot_general3A_898 = tpu.matmul %broadcast_in_dim3A_883, %mul3A_896, %dot_general3A_897 {dimension_numbers = #tpu.dot_dimension_numbers<[1], [1], [0], [0], [0, 0, 1, 0], [], []>, precision = #tpu.contract_precision<fp32>, transpose_lhs_hint = false} : vector<1x256xf32>, vector<2048x256xf32>, vector<1x2048xf32> -> vector<1x2048xf32>
      %swap3A_899 = arith.constant 0 : index
      %swap3A_900 = arith.constant 2048 : index
      %swap3A_901 = vector.load %arg7[%swap3A_899, %swap3A_900] : memref<1x8192xf32, #tpu.memory_space<vmem>>, vector<1x2048xf32>
      tpu.vector_store %arg7[%swap3A_899, %swap3A_900], %dot_general3A_898 {strides = array<i32>} : memref<1x8192xf32, #tpu.memory_space<vmem>>, vector<1x2048xf32>,
      %get3A_902 = arith.constant 4096 : index
      %get3A_903 = arith.constant 0 : index
      %get3A_904 = vector.load %arg4[%get3A_902, %get3A_903] : memref<8192x256xf32, #tpu.memory_space<vmem>>, vector<2048x256xf32>
      %mul3A_905 = arith.mulf %get3A_904, %get3A_904 : vector<2048x256xf32>
      %dot_general3A_906 = arith.constant dense<0.000000e+00> : vector<1x2048xf32>
      %dot_general3A_907 = tpu.matmul %broadcast_in_dim3A_883, %mul3A_905, %dot_general3A_906 {dimension_numbers = #tpu.dot_dimension_numbers<[1], [1], [0], [0], [0, 0, 1, 0], [], []>, precision = #tpu.contract_precision<fp32>, transpose_lhs_hint = false} : vector<1x256xf32>, vector<2048x256xf32>, vector<1x2048xf32> -> vector<1x2048xf32>
      %swap3A_908 = arith.constant 0 : index
      %swap3A_909 = arith.constant 4096 : index
      %swap3A_910 = vector.load %arg7[%swap3A_908, %swap3A_909] : memref<1x8192xf32, #tpu.memory_space<vmem>>, vector<1x2048xf32>
      tpu.vector_store %arg7[%swap3A_908, %swap3A_909], %dot_general3A_907 {strides = array<i32>} : memref<1x8192xf32, #tpu.memory_space<vmem>>, vector<1x2048xf32>,
      %get3A_911 = arith.constant 6144 : index
      %get3A_912 = arith.constant 0 : index
      %get3A_913 = vector.load %arg4[%get3A_911, %get3A_912] : memref<8192x256xf32, #tpu.memory_space<vmem>>, vector<2048x256xf32>
      %mul3A_914 = arith.mulf %get3A_913, %get3A_913 : vector<2048x256xf32>
      %dot_general3A_915 = arith.constant dense<0.000000e+00> : vector<1x2048xf32>
      %dot_general3A_916 = tpu.matmul %broadcast_in_dim3A_883, %mul3A_914, %dot_general3A_915 {dimension_numbers = #tpu.dot_dimension_numbers<[1], [1], [0], [0], [0, 0, 1, 0], [], []>, precision = #tpu.contract_precision<fp32>, transpose_lhs_hint = false} : vector<1x256xf32>, vector<2048x256xf32>, vector<1x2048xf32> -> vector<1x2048xf32>
      %swap3A_917 = arith.constant 0 : index
      %swap3A_918 = arith.constant 6144 : index
      %swap3A_919 = vector.load %arg7[%swap3A_917, %swap3A_918] : memref<1x8192xf32, #tpu.memory_space<vmem>>, vector<1x2048xf32>
      tpu.vector_store %arg7[%swap3A_917, %swap3A_918], %dot_general3A_916 {strides = array<i32>} : memref<1x8192xf32, #tpu.memory_space<vmem>>, vector<1x2048xf32>,
    } else {
    }
    %get3A = arith.constant 0 : index
    %get3A_2 = arith.constant 0 : index
    %get3A_3 = vector.load %arg1[%get3A, %get3A_2] : memref<1024x256xf32, #tpu.memory_space<vmem>>, vector<1024x256xf32>
    %get3A_4 = arith.constant 0 : index
    %get3A_5 = arith.constant 0 : index
    %get3A_6 = vector.load %arg2[%get3A_4, %get3A_5] : memref<1024x256xf32, #tpu.memory_space<vmem>>, vector<1024x256xf32>
    %sub3A = arith.subf %get3A_3, %get3A_6 : vector<1024x256xf32>
    %swap3A = arith.constant 0 : index
    %swap3A_7 = arith.constant 0 : index
    %swap3A_8 = vector.load %arg5[%swap3A, %swap3A_7] : memref<1024x256xf32, #tpu.memory_space<vmem>>, vector<1024x256xf32>
    tpu.vector_store %arg5[%swap3A, %swap3A_7], %sub3A {strides = array<i32>} : memref<1024x256xf32, #tpu.memory_space<vmem>>, vector<1024x256xf32>,
    %mul3A = arith.mulf %sub3A, %sub3A : vector<1024x256xf32>
    %reduce_sum3A = arith.constant dense<0.000000e+00> : vector<1024xf32>
    %reduce_sum3A_9 = vector.multi_reduction <add>, %mul3A, %reduce_sum3A [1] : vector<1024x256xf32> to vector<1024xf32>
    %broadcast_in_dim3A = vector.shape_cast %reduce_sum3A_9 : vector<1024xf32> to vector<1024x1xf32>
    %mul3A_10 = arith.constant -2.000000e+00 : f32
    %mul3A_11 = vector.broadcast %mul3A_10 : f32 to vector<1024x256xf32>
    %mul3A_12 = arith.mulf %sub3A, %mul3A_11 : vector<1024x256xf32>
    %convert_element_type3A_13 = arith.truncf %mul3A_12 : vector<1024x256xf32> to vector<1024x256xbf16>
    %broadcast_in_dim3A_14 = arith.constant 0x7F800000 : f32
    %broadcast_in_dim3A_15 = vector.broadcast %broadcast_in_dim3A_14 : f32 to vector<1024x128xf32>
    %broadcast_in_dim3A_16 = arith.constant 0.000000e+00 : f32
    %broadcast_in_dim3A_17 = vector.broadcast %broadcast_in_dim3A_16 : f32 to vector<1024x128xf32>
    %get3A_18 = arith.constant 0 : index
    %get3A_19 = arith.constant 0 : index
    %get3A_20 = vector.load %arg3[%get3A_18, %get3A_19] : memref<8192x256xbf16, #tpu.memory_space<vmem>>, vector<2048x256xbf16>
    %dot_general3A = arith.constant dense<0.000000e+00> : vector<1024x2048xf32>
    %dot_general3A_21 = tpu.matmul %convert_element_type3A_13, %get3A_20, %dot_general3A {dimension_numbers = #tpu.dot_dimension_numbers<[1], [1], [0], [0], [0, 0, 1, 0], [], []>, transpose_lhs_hint = false} : vector<1024x256xbf16>, vector<2048x256xbf16>, vector<1024x2048xf32> -> vector<1024x2048xf32>
    %slice3A = vector.extract_strided_slice %dot_general3A_21 {offsets = [0, 0], sizes = [1024, 128], strides = [1, 1]} : vector<1024x2048xf32> to vector<1024x128xf32>
    %add3A = vector.broadcast %broadcast_in_dim3A : vector<1024x1xf32> to vector<1024x128xf32>
    %add3A_22 = arith.addf %add3A, %slice3A : vector<1024x128xf32>
    %get3A_23 = arith.constant 0 : index
    %get3A_24 = arith.constant 0 : index
    %get3A_25 = vector.load %arg7[%get3A_23, %get3A_24] : memref<1x8192xf32, #tpu.memory_space<vmem>>, vector<1x128xf32>
    %add3A_26 = vector.broadcast %get3A_25 : vector<1x128xf32> to vector<1024x128xf32>
    %add3A_27 = arith.addf %add3A_22, %add3A_26 : vector<1024x128xf32>
    %lt3A = arith.cmpf olt, %add3A_27, %broadcast_in_dim3A_15 : vector<1024x128xf32>
    %min3A = arith.minimumf %broadcast_in_dim3A_15, %add3A_27 : vector<1024x128xf32>
    %jit3A = arith.constant 0.000000e+00 : f32
    %broadcast_in_dim3A_28 = vector.broadcast %jit3A : f32 to vector<1024x128xf32>
    %select_n3A = arith.select %lt3A, %broadcast_in_dim3A_28, %broadcast_in_dim3A_17 : vector<1024x128xi1>, vector<1024x128xf32>
    %slice3A_29 = vector.extract_strided_slice %dot_general3A_21 {offsets = [0, 128], sizes = [1024, 128], strides = [1, 1]} : vector<1024x2048xf32> to vector<1024x128xf32>
    %add3A_30 = vector.broadcast %broadcast_in_dim3A : vector<1024x1xf32> to vector<1024x128xf32>
    %add3A_31 = arith.addf %add3A_30, %slice3A_29 : vector<1024x128xf32>
    %get3A_32 = arith.constant 0 : index
    %get3A_33 = arith.constant 128 : index
    %get3A_34 = vector.load %arg7[%get3A_32, %get3A_33] : memref<1x8192xf32, #tpu.memory_space<vmem>>, vector<1x128xf32>
    %add3A_35 = vector.broadcast %get3A_34 : vector<1x128xf32> to vector<1024x128xf32>
    %add3A_36 = arith.addf %add3A_31, %add3A_35 : vector<1024x128xf32>
    %lt3A_37 = arith.cmpf olt, %add3A_36, %min3A : vector<1024x128xf32>
    %min3A_38 = arith.minimumf %min3A, %add3A_36 : vector<1024x128xf32>
    %jit3A_39 = arith.constant 1.000000e+00 : f32
    %broadcast_in_dim3A_40 = vector.broadcast %jit3A_39 : f32 to vector<1024x128xf32>
    %select_n3A_41 = arith.select %lt3A_37, %broadcast_in_dim3A_40, %select_n3A : vector<1024x128xi1>, vector<1024x128xf32>
    %slice3A_42 = vector.extract_strided_slice %dot_general3A_21 {offsets = [0, 256], sizes = [1024, 128], strides = [1, 1]} : vector<1024x2048xf32> to vector<1024x128xf32>
    %add3A_43 = vector.broadcast %broadcast_in_dim3A : vector<1024x1xf32> to vector<1024x128xf32>
    %add3A_44 = arith.addf %add3A_43, %slice3A_42 : vector<1024x128xf32>
    %get3A_45 = arith.constant 0 : index
    %get3A_46 = arith.constant 256 : index
    %get3A_47 = vector.load %arg7[%get3A_45, %get3A_46] : memref<1x8192xf32, #tpu.memory_space<vmem>>, vector<1x128xf32>
    %add3A_48 = vector.broadcast %get3A_47 : vector<1x128xf32> to vector<1024x128xf32>
    %add3A_49 = arith.addf %add3A_44, %add3A_48 : vector<1024x128xf32>
    %lt3A_50 = arith.cmpf olt, %add3A_49, %min3A_38 : vector<1024x128xf32>
    %min3A_51 = arith.minimumf %min3A_38, %add3A_49 : vector<1024x128xf32>
    %jit3A_52 = arith.constant 2.000000e+00 : f32
    %broadcast_in_dim3A_53 = vector.broadcast %jit3A_52 : f32 to vector<1024x128xf32>
    %select_n3A_54 = arith.select %lt3A_50, %broadcast_in_dim3A_53, %select_n3A_41 : vector<1024x128xi1>, vector<1024x128xf32>
    %slice3A_55 = vector.extract_strided_slice %dot_general3A_21 {offsets = [0, 384], sizes = [1024, 128], strides = [1, 1]} : vector<1024x2048xf32> to vector<1024x128xf32>
    %add3A_56 = vector.broadcast %broadcast_in_dim3A : vector<1024x1xf32> to vector<1024x128xf32>
    %add3A_57 = arith.addf %add3A_56, %slice3A_55 : vector<1024x128xf32>
    %get3A_58 = arith.constant 0 : index
    %get3A_59 = arith.constant 384 : index
    %get3A_60 = vector.load %arg7[%get3A_58, %get3A_59] : memref<1x8192xf32, #tpu.memory_space<vmem>>, vector<1x128xf32>
    %add3A_61 = vector.broadcast %get3A_60 : vector<1x128xf32> to vector<1024x128xf32>
    %add3A_62 = arith.addf %add3A_57, %add3A_61 : vector<1024x128xf32>
    %lt3A_63 = arith.cmpf olt, %add3A_62, %min3A_51 : vector<1024x128xf32>
    %min3A_64 = arith.minimumf %min3A_51, %add3A_62 : vector<1024x128xf32>
    %jit3A_65 = arith.constant 3.000000e+00 : f32
    %broadcast_in_dim3A_66 = vector.broadcast %jit3A_65 : f32 to vector<1024x128xf32>
    %select_n3A_67 = arith.select %lt3A_63, %broadcast_in_dim3A_66, %select_n3A_54 : vector<1024x128xi1>, vector<1024x128xf32>
    %slice3A_68 = vector.extract_strided_slice %dot_general3A_21 {offsets = [0, 512], sizes = [1024, 128], strides = [1, 1]} : vector<1024x2048xf32> to vector<1024x128xf32>
    %add3A_69 = vector.broadcast %broadcast_in_dim3A : vector<1024x1xf32> to vector<1024x128xf32>
    %add3A_70 = arith.addf %add3A_69, %slice3A_68 : vector<1024x128xf32>
    %get3A_71 = arith.constant 0 : index
    %get3A_72 = arith.constant 512 : index
    %get3A_73 = vector.load %arg7[%get3A_71, %get3A_72] : memref<1x8192xf32, #tpu.memory_space<vmem>>, vector<1x128xf32>
    %add3A_74 = vector.broadcast %get3A_73 : vector<1x128xf32> to vector<1024x128xf32>
    %add3A_75 = arith.addf %add3A_70, %add3A_74 : vector<1024x128xf32>
    %lt3A_76 = arith.cmpf olt, %add3A_75, %min3A_64 : vector<1024x128xf32>
    %min3A_77 = arith.minimumf %min3A_64, %add3A_75 : vector<1024x128xf32>
    %jit3A_78 = arith.constant 4.000000e+00 : f32
    %broadcast_in_dim3A_79 = vector.broadcast %jit3A_78 : f32 to vector<1024x128xf32>
    %select_n3A_80 = arith.select %lt3A_76, %broadcast_in_dim3A_79, %select_n3A_67 : vector<1024x128xi1>, vector<1024x128xf32>
    %slice3A_81 = vector.extract_strided_slice %dot_general3A_21 {offsets = [0, 640], sizes = [1024, 128], strides = [1, 1]} : vector<1024x2048xf32> to vector<1024x128xf32>
    %add3A_82 = vector.broadcast %broadcast_in_dim3A : vector<1024x1xf32> to vector<1024x128xf32>
    %add3A_83 = arith.addf %add3A_82, %slice3A_81 : vector<1024x128xf32>
    %get3A_84 = arith.constant 0 : index
    %get3A_85 = arith.constant 640 : index
    %get3A_86 = vector.load %arg7[%get3A_84, %get3A_85] : memref<1x8192xf32, #tpu.memory_space<vmem>>, vector<1x128xf32>
    %add3A_87 = vector.broadcast %get3A_86 : vector<1x128xf32> to vector<1024x128xf32>
    %add3A_88 = arith.addf %add3A_83, %add3A_87 : vector<1024x128xf32>
    %lt3A_89 = arith.cmpf olt, %add3A_88, %min3A_77 : vector<1024x128xf32>
    %min3A_90 = arith.minimumf %min3A_77, %add3A_88 : vector<1024x128xf32>
    %jit3A_91 = arith.constant 5.000000e+00 : f32
    %broadcast_in_dim3A_92 = vector.broadcast %jit3A_91 : f32 to vector<1024x128xf32>
    %select_n3A_93 = arith.select %lt3A_89, %broadcast_in_dim3A_92, %select_n3A_80 : vector<1024x128xi1>, vector<1024x128xf32>
    %slice3A_94 = vector.extract_strided_slice %dot_general3A_21 {offsets = [0, 768], sizes = [1024, 128], strides = [1, 1]} : vector<1024x2048xf32> to vector<1024x128xf32>
    %add3A_95 = vector.broadcast %broadcast_in_dim3A : vector<1024x1xf32> to vector<1024x128xf32>
    %add3A_96 = arith.addf %add3A_95, %slice3A_94 : vector<1024x128xf32>
    %get3A_97 = arith.constant 0 : index
    %get3A_98 = arith.constant 768 : index
    %get3A_99 = vector.load %arg7[%get3A_97, %get3A_98] : memref<1x8192xf32, #tpu.memory_space<vmem>>, vector<1x128xf32>
    %add3A_100 = vector.broadcast %get3A_99 : vector<1x128xf32> to vector<1024x128xf32>
    %add3A_101 = arith.addf %add3A_96, %add3A_100 : vector<1024x128xf32>
    %lt3A_102 = arith.cmpf olt, %add3A_101, %min3A_90 : vector<1024x128xf32>
    %min3A_103 = arith.minimumf %min3A_90, %add3A_101 : vector<1024x128xf32>
    %jit3A_104 = arith.constant 6.000000e+00 : f32
    %broadcast_in_dim3A_105 = vector.broadcast %jit3A_104 : f32 to vector<1024x128xf32>
    %select_n3A_106 = arith.select %lt3A_102, %broadcast_in_dim3A_105, %select_n3A_93 : vector<1024x128xi1>, vector<1024x128xf32>
    %slice3A_107 = vector.extract_strided_slice %dot_general3A_21 {offsets = [0, 896], sizes = [1024, 128], strides = [1, 1]} : vector<1024x2048xf32> to vector<1024x128xf32>
    %add3A_108 = vector.broadcast %broadcast_in_dim3A : vector<1024x1xf32> to vector<1024x128xf32>
    %add3A_109 = arith.addf %add3A_108, %slice3A_107 : vector<1024x128xf32>
    %get3A_110 = arith.constant 0 : index
    %get3A_111 = arith.constant 896 : index
    %get3A_112 = vector.load %arg7[%get3A_110, %get3A_111] : memref<1x8192xf32, #tpu.memory_space<vmem>>, vector<1x128xf32>
    %add3A_113 = vector.broadcast %get3A_112 : vector<1x128xf32> to vector<1024x128xf32>
    %add3A_114 = arith.addf %add3A_109, %add3A_113 : vector<1024x128xf32>
    %lt3A_115 = arith.cmpf olt, %add3A_114, %min3A_103 : vector<1024x128xf32>
    %min3A_116 = arith.minimumf %min3A_103, %add3A_114 : vector<1024x128xf32>
    %jit3A_117 = arith.constant 7.000000e+00 : f32
    %broadcast_in_dim3A_118 = vector.broadcast %jit3A_117 : f32 to vector<1024x128xf32>
    %select_n3A_119 = arith.select %lt3A_115, %broadcast_in_dim3A_118, %select_n3A_106 : vector<1024x128xi1>, vector<1024x128xf32>
    %slice3A_120 = vector.extract_strided_slice %dot_general3A_21 {offsets = [0, 1024], sizes = [1024, 128], strides = [1, 1]} : vector<1024x2048xf32> to vector<1024x128xf32>
    %add3A_121 = vector.broadcast %broadcast_in_dim3A : vector<1024x1xf32> to vector<1024x128xf32>
    %add3A_122 = arith.addf %add3A_121, %slice3A_120 : vector<1024x128xf32>
    %get3A_123 = arith.constant 0 : index
    %get3A_124 = arith.constant 1024 : index
    %get3A_125 = vector.load %arg7[%get3A_123, %get3A_124] : memref<1x8192xf32, #tpu.memory_space<vmem>>, vector<1x128xf32>
    %add3A_126 = vector.broadcast %get3A_125 : vector<1x128xf32> to vector<1024x128xf32>
    %add3A_127 = arith.addf %add3A_122, %add3A_126 : vector<1024x128xf32>
    %lt3A_128 = arith.cmpf olt, %add3A_127, %min3A_116 : vector<1024x128xf32>
    %min3A_129 = arith.minimumf %min3A_116, %add3A_127 : vector<1024x128xf32>
    %jit3A_130 = arith.constant 8.000000e+00 : f32
    %broadcast_in_dim3A_131 = vector.broadcast %jit3A_130 : f32 to vector<1024x128xf32>
    %select_n3A_132 = arith.select %lt3A_128, %broadcast_in_dim3A_131, %select_n3A_119 : vector<1024x128xi1>, vector<1024x128xf32>
    %slice3A_133 = vector.extract_strided_slice %dot_general3A_21 {offsets = [0, 1152], sizes = [1024, 128], strides = [1, 1]} : vector<1024x2048xf32> to vector<1024x128xf32>
    %add3A_134 = vector.broadcast %broadcast_in_dim3A : vector<1024x1xf32> to vector<1024x128xf32>
    %add3A_135 = arith.addf %add3A_134, %slice3A_133 : vector<1024x128xf32>
    %get3A_136 = arith.constant 0 : index
    %get3A_137 = arith.constant 1152 : index
    %get3A_138 = vector.load %arg7[%get3A_136, %get3A_137] : memref<1x8192xf32, #tpu.memory_space<vmem>>, vector<1x128xf32>
    %add3A_139 = vector.broadcast %get3A_138 : vector<1x128xf32> to vector<1024x128xf32>
    %add3A_140 = arith.addf %add3A_135, %add3A_139 : vector<1024x128xf32>
    %lt3A_141 = arith.cmpf olt, %add3A_140, %min3A_129 : vector<1024x128xf32>
    %min3A_142 = arith.minimumf %min3A_129, %add3A_140 : vector<1024x128xf32>
    %jit3A_143 = arith.constant 9.000000e+00 : f32
    %broadcast_in_dim3A_144 = vector.broadcast %jit3A_143 : f32 to vector<1024x128xf32>
    %select_n3A_145 = arith.select %lt3A_141, %broadcast_in_dim3A_144, %select_n3A_132 : vector<1024x128xi1>, vector<1024x128xf32>
    %slice3A_146 = vector.extract_strided_slice %dot_general3A_21 {offsets = [0, 1280], sizes = [1024, 128], strides = [1, 1]} : vector<1024x2048xf32> to vector<1024x128xf32>
    %add3A_147 = vector.broadcast %broadcast_in_dim3A : vector<1024x1xf32> to vector<1024x128xf32>
    %add3A_148 = arith.addf %add3A_147, %slice3A_146 : vector<1024x128xf32>
    %get3A_149 = arith.constant 0 : index
    %get3A_150 = arith.constant 1280 : index
    %get3A_151 = vector.load %arg7[%get3A_149, %get3A_150] : memref<1x8192xf32, #tpu.memory_space<vmem>>, vector<1x128xf32>
    %add3A_152 = vector.broadcast %get3A_151 : vector<1x128xf32> to vector<1024x128xf32>
    %add3A_153 = arith.addf %add3A_148, %add3A_152 : vector<1024x128xf32>
    %lt3A_154 = arith.cmpf olt, %add3A_153, %min3A_142 : vector<1024x128xf32>
    %min3A_155 = arith.minimumf %min3A_142, %add3A_153 : vector<1024x128xf32>
    %jit3A_156 = arith.constant 1.000000e+01 : f32
    %broadcast_in_dim3A_157 = vector.broadcast %jit3A_156 : f32 to vector<1024x128xf32>
    %select_n3A_158 = arith.select %lt3A_154, %broadcast_in_dim3A_157, %select_n3A_145 : vector<1024x128xi1>, vector<1024x128xf32>
    %slice3A_159 = vector.extract_strided_slice %dot_general3A_21 {offsets = [0, 1408], sizes = [1024, 128], strides = [1, 1]} : vector<1024x2048xf32> to vector<1024x128xf32>
    %add3A_160 = vector.broadcast %broadcast_in_dim3A : vector<1024x1xf32> to vector<1024x128xf32>
    %add3A_161 = arith.addf %add3A_160, %slice3A_159 : vector<1024x128xf32>
    %get3A_162 = arith.constant 0 : index
    %get3A_163 = arith.constant 1408 : index
    %get3A_164 = vector.load %arg7[%get3A_162, %get3A_163] : memref<1x8192xf32, #tpu.memory_space<vmem>>, vector<1x128xf32>
    %add3A_165 = vector.broadcast %get3A_164 : vector<1x128xf32> to vector<1024x128xf32>
    %add3A_166 = arith.addf %add3A_161, %add3A_165 : vector<1024x128xf32>
    %lt3A_167 = arith.cmpf olt, %add3A_166, %min3A_155 : vector<1024x128xf32>
    %min3A_168 = arith.minimumf %min3A_155, %add3A_166 : vector<1024x128xf32>
    %jit3A_169 = arith.constant 1.100000e+01 : f32
    %broadcast_in_dim3A_170 = vector.broadcast %jit3A_169 : f32 to vector<1024x128xf32>
    %select_n3A_171 = arith.select %lt3A_167, %broadcast_in_dim3A_170, %select_n3A_158 : vector<1024x128xi1>, vector<1024x128xf32>
    %slice3A_172 = vector.extract_strided_slice %dot_general3A_21 {offsets = [0, 1536], sizes = [1024, 128], strides = [1, 1]} : vector<1024x2048xf32> to vector<1024x128xf32>
    %add3A_173 = vector.broadcast %broadcast_in_dim3A : vector<1024x1xf32> to vector<1024x128xf32>
    %add3A_174 = arith.addf %add3A_173, %slice3A_172 : vector<1024x128xf32>
    %get3A_175 = arith.constant 0 : index
    %get3A_176 = arith.constant 1536 : index
    %get3A_177 = vector.load %arg7[%get3A_175, %get3A_176] : memref<1x8192xf32, #tpu.memory_space<vmem>>, vector<1x128xf32>
    %add3A_178 = vector.broadcast %get3A_177 : vector<1x128xf32> to vector<1024x128xf32>
    %add3A_179 = arith.addf %add3A_174, %add3A_178 : vector<1024x128xf32>
    %lt3A_180 = arith.cmpf olt, %add3A_179, %min3A_168 : vector<1024x128xf32>
    %min3A_181 = arith.minimumf %min3A_168, %add3A_179 : vector<1024x128xf32>
    %jit3A_182 = arith.constant 1.200000e+01 : f32
    %broadcast_in_dim3A_183 = vector.broadcast %jit3A_182 : f32 to vector<1024x128xf32>
    %select_n3A_184 = arith.select %lt3A_180, %broadcast_in_dim3A_183, %select_n3A_171 : vector<1024x128xi1>, vector<1024x128xf32>
    %slice3A_185 = vector.extract_strided_slice %dot_general3A_21 {offsets = [0, 1664], sizes = [1024, 128], strides = [1, 1]} : vector<1024x2048xf32> to vector<1024x128xf32>
    %add3A_186 = vector.broadcast %broadcast_in_dim3A : vector<1024x1xf32> to vector<1024x128xf32>
    %add3A_187 = arith.addf %add3A_186, %slice3A_185 : vector<1024x128xf32>
    %get3A_188 = arith.constant 0 : index
    %get3A_189 = arith.constant 1664 : index
    %get3A_190 = vector.load %arg7[%get3A_188, %get3A_189] : memref<1x8192xf32, #tpu.memory_space<vmem>>, vector<1x128xf32>
    %add3A_191 = vector.broadcast %get3A_190 : vector<1x128xf32> to vector<1024x128xf32>
    %add3A_192 = arith.addf %add3A_187, %add3A_191 : vector<1024x128xf32>
    %lt3A_193 = arith.cmpf olt, %add3A_192, %min3A_181 : vector<1024x128xf32>
    %min3A_194 = arith.minimumf %min3A_181, %add3A_192 : vector<1024x128xf32>
    %jit3A_195 = arith.constant 1.300000e+01 : f32
    %broadcast_in_dim3A_196 = vector.broadcast %jit3A_195 : f32 to vector<1024x128xf32>
    %select_n3A_197 = arith.select %lt3A_193, %broadcast_in_dim3A_196, %select_n3A_184 : vector<1024x128xi1>, vector<1024x128xf32>
    %slice3A_198 = vector.extract_strided_slice %dot_general3A_21 {offsets = [0, 1792], sizes = [1024, 128], strides = [1, 1]} : vector<1024x2048xf32> to vector<1024x128xf32>
    %add3A_199 = vector.broadcast %broadcast_in_dim3A : vector<1024x1xf32> to vector<1024x128xf32>
    %add3A_200 = arith.addf %add3A_199, %slice3A_198 : vector<1024x128xf32>
    %get3A_201 = arith.constant 0 : index
    %get3A_202 = arith.constant 1792 : index
    %get3A_203 = vector.load %arg7[%get3A_201, %get3A_202] : memref<1x8192xf32, #tpu.memory_space<vmem>>, vector<1x128xf32>
    %add3A_204 = vector.broadcast %get3A_203 : vector<1x128xf32> to vector<1024x128xf32>
    %add3A_205 = arith.addf %add3A_200, %add3A_204 : vector<1024x128xf32>
    %lt3A_206 = arith.cmpf olt, %add3A_205, %min3A_194 : vector<1024x128xf32>
    %min3A_207 = arith.minimumf %min3A_194, %add3A_205 : vector<1024x128xf32>
    %jit3A_208 = arith.constant 1.400000e+01 : f32
    %broadcast_in_dim3A_209 = vector.broadcast %jit3A_208 : f32 to vector<1024x128xf32>
    %select_n3A_210 = arith.select %lt3A_206, %broadcast_in_dim3A_209, %select_n3A_197 : vector<1024x128xi1>, vector<1024x128xf32>
    %slice3A_211 = vector.extract_strided_slice %dot_general3A_21 {offsets = [0, 1920], sizes = [1024, 128], strides = [1, 1]} : vector<1024x2048xf32> to vector<1024x128xf32>
    %add3A_212 = vector.broadcast %broadcast_in_dim3A : vector<1024x1xf32> to vector<1024x128xf32>
    %add3A_213 = arith.addf %add3A_212, %slice3A_211 : vector<1024x128xf32>
    %get3A_214 = arith.constant 0 : index
    %get3A_215 = arith.constant 1920 : index
    %get3A_216 = vector.load %arg7[%get3A_214, %get3A_215] : memref<1x8192xf32, #tpu.memory_space<vmem>>, vector<1x128xf32>
    %add3A_217 = vector.broadcast %get3A_216 : vector<1x128xf32> to vector<1024x128xf32>
    %add3A_218 = arith.addf %add3A_213, %add3A_217 : vector<1024x128xf32>
    %lt3A_219 = arith.cmpf olt, %add3A_218, %min3A_207 : vector<1024x128xf32>
    %min3A_220 = arith.minimumf %min3A_207, %add3A_218 : vector<1024x128xf32>
    %jit3A_221 = arith.constant 1.500000e+01 : f32
    %broadcast_in_dim3A_222 = vector.broadcast %jit3A_221 : f32 to vector<1024x128xf32>
    %select_n3A_223 = arith.select %lt3A_219, %broadcast_in_dim3A_222, %select_n3A_210 : vector<1024x128xi1>, vector<1024x128xf32>
    %get3A_224 = arith.constant 2048 : index
    %get3A_225 = arith.constant 0 : index
    %get3A_226 = vector.load %arg3[%get3A_224, %get3A_225] : memref<8192x256xbf16, #tpu.memory_space<vmem>>, vector<2048x256xbf16>
    %dot_general3A_227 = arith.constant dense<0.000000e+00> : vector<1024x2048xf32>
    %dot_general3A_228 = tpu.matmul %convert_element_type3A_13, %get3A_226, %dot_general3A_227 {dimension_numbers = #tpu.dot_dimension_numbers<[1], [1], [0], [0], [0, 0, 1, 0], [], []>, transpose_lhs_hint = false} : vector<1024x256xbf16>, vector<2048x256xbf16>, vector<1024x2048xf32> -> vector<1024x2048xf32>
    %slice3A_229 = vector.extract_strided_slice %dot_general3A_228 {offsets = [0, 0], sizes = [1024, 128], strides = [1, 1]} : vector<1024x2048xf32> to vector<1024x128xf32>
    %add3A_230 = vector.broadcast %broadcast_in_dim3A : vector<1024x1xf32> to vector<1024x128xf32>
    %add3A_231 = arith.addf %add3A_230, %slice3A_229 : vector<1024x128xf32>
    %get3A_232 = arith.constant 0 : index
    %get3A_233 = arith.constant 2048 : index
    %get3A_234 = vector.load %arg7[%get3A_232, %get3A_233] : memref<1x8192xf32, #tpu.memory_space<vmem>>, vector<1x128xf32>
    %add3A_235 = vector.broadcast %get3A_234 : vector<1x128xf32> to vector<1024x128xf32>
    %add3A_236 = arith.addf %add3A_231, %add3A_235 : vector<1024x128xf32>
    %lt3A_237 = arith.cmpf olt, %add3A_236, %min3A_220 : vector<1024x128xf32>
    %min3A_238 = arith.minimumf %min3A_220, %add3A_236 : vector<1024x128xf32>
    %jit3A_239 = arith.constant 1.600000e+01 : f32
    %broadcast_in_dim3A_240 = vector.broadcast %jit3A_239 : f32 to vector<1024x128xf32>
    %select_n3A_241 = arith.select %lt3A_237, %broadcast_in_dim3A_240, %select_n3A_223 : vector<1024x128xi1>, vector<1024x128xf32>
    %slice3A_242 = vector.extract_strided_slice %dot_general3A_228 {offsets = [0, 128], sizes = [1024, 128], strides = [1, 1]} : vector<1024x2048xf32> to vector<1024x128xf32>
    %add3A_243 = vector.broadcast %broadcast_in_dim3A : vector<1024x1xf32> to vector<1024x128xf32>
    %add3A_244 = arith.addf %add3A_243, %slice3A_242 : vector<1024x128xf32>
    %get3A_245 = arith.constant 0 : index
    %get3A_246 = arith.constant 2176 : index
    %get3A_247 = vector.load %arg7[%get3A_245, %get3A_246] : memref<1x8192xf32, #tpu.memory_space<vmem>>, vector<1x128xf32>
    %add3A_248 = vector.broadcast %get3A_247 : vector<1x128xf32> to vector<1024x128xf32>
    %add3A_249 = arith.addf %add3A_244, %add3A_248 : vector<1024x128xf32>
    %lt3A_250 = arith.cmpf olt, %add3A_249, %min3A_238 : vector<1024x128xf32>
    %min3A_251 = arith.minimumf %min3A_238, %add3A_249 : vector<1024x128xf32>
    %jit3A_252 = arith.constant 1.700000e+01 : f32
    %broadcast_in_dim3A_253 = vector.broadcast %jit3A_252 : f32 to vector<1024x128xf32>
    %select_n3A_254 = arith.select %lt3A_250, %broadcast_in_dim3A_253, %select_n3A_241 : vector<1024x128xi1>, vector<1024x128xf32>
    %slice3A_255 = vector.extract_strided_slice %dot_general3A_228 {offsets = [0, 256], sizes = [1024, 128], strides = [1, 1]} : vector<1024x2048xf32> to vector<1024x128xf32>
    %add3A_256 = vector.broadcast %broadcast_in_dim3A : vector<1024x1xf32> to vector<1024x128xf32>
    %add3A_257 = arith.addf %add3A_256, %slice3A_255 : vector<1024x128xf32>
    %get3A_258 = arith.constant 0 : index
    %get3A_259 = arith.constant 2304 : index
    %get3A_260 = vector.load %arg7[%get3A_258, %get3A_259] : memref<1x8192xf32, #tpu.memory_space<vmem>>, vector<1x128xf32>
    %add3A_261 = vector.broadcast %get3A_260 : vector<1x128xf32> to vector<1024x128xf32>
    %add3A_262 = arith.addf %add3A_257, %add3A_261 : vector<1024x128xf32>
    %lt3A_263 = arith.cmpf olt, %add3A_262, %min3A_251 : vector<1024x128xf32>
    %min3A_264 = arith.minimumf %min3A_251, %add3A_262 : vector<1024x128xf32>
    %jit3A_265 = arith.constant 1.800000e+01 : f32
    %broadcast_in_dim3A_266 = vector.broadcast %jit3A_265 : f32 to vector<1024x128xf32>
    %select_n3A_267 = arith.select %lt3A_263, %broadcast_in_dim3A_266, %select_n3A_254 : vector<1024x128xi1>, vector<1024x128xf32>
    %slice3A_268 = vector.extract_strided_slice %dot_general3A_228 {offsets = [0, 384], sizes = [1024, 128], strides = [1, 1]} : vector<1024x2048xf32> to vector<1024x128xf32>
    %add3A_269 = vector.broadcast %broadcast_in_dim3A : vector<1024x1xf32> to vector<1024x128xf32>
    %add3A_270 = arith.addf %add3A_269, %slice3A_268 : vector<1024x128xf32>
    %get3A_271 = arith.constant 0 : index
    %get3A_272 = arith.constant 2432 : index
    %get3A_273 = vector.load %arg7[%get3A_271, %get3A_272] : memref<1x8192xf32, #tpu.memory_space<vmem>>, vector<1x128xf32>
    %add3A_274 = vector.broadcast %get3A_273 : vector<1x128xf32> to vector<1024x128xf32>
    %add3A_275 = arith.addf %add3A_270, %add3A_274 : vector<1024x128xf32>
    %lt3A_276 = arith.cmpf olt, %add3A_275, %min3A_264 : vector<1024x128xf32>
    %min3A_277 = arith.minimumf %min3A_264, %add3A_275 : vector<1024x128xf32>
    %jit3A_278 = arith.constant 1.900000e+01 : f32
    %broadcast_in_dim3A_279 = vector.broadcast %jit3A_278 : f32 to vector<1024x128xf32>
    %select_n3A_280 = arith.select %lt3A_276, %broadcast_in_dim3A_279, %select_n3A_267 : vector<1024x128xi1>, vector<1024x128xf32>
    %slice3A_281 = vector.extract_strided_slice %dot_general3A_228 {offsets = [0, 512], sizes = [1024, 128], strides = [1, 1]} : vector<1024x2048xf32> to vector<1024x128xf32>
    %add3A_282 = vector.broadcast %broadcast_in_dim3A : vector<1024x1xf32> to vector<1024x128xf32>
    %add3A_283 = arith.addf %add3A_282, %slice3A_281 : vector<1024x128xf32>
    %get3A_284 = arith.constant 0 : index
    %get3A_285 = arith.constant 2560 : index
    %get3A_286 = vector.load %arg7[%get3A_284, %get3A_285] : memref<1x8192xf32, #tpu.memory_space<vmem>>, vector<1x128xf32>
    %add3A_287 = vector.broadcast %get3A_286 : vector<1x128xf32> to vector<1024x128xf32>
    %add3A_288 = arith.addf %add3A_283, %add3A_287 : vector<1024x128xf32>
    %lt3A_289 = arith.cmpf olt, %add3A_288, %min3A_277 : vector<1024x128xf32>
    %min3A_290 = arith.minimumf %min3A_277, %add3A_288 : vector<1024x128xf32>
    %jit3A_291 = arith.constant 2.000000e+01 : f32
    %broadcast_in_dim3A_292 = vector.broadcast %jit3A_291 : f32 to vector<1024x128xf32>
    %select_n3A_293 = arith.select %lt3A_289, %broadcast_in_dim3A_292, %select_n3A_280 : vector<1024x128xi1>, vector<1024x128xf32>
    %slice3A_294 = vector.extract_strided_slice %dot_general3A_228 {offsets = [0, 640], sizes = [1024, 128], strides = [1, 1]} : vector<1024x2048xf32> to vector<1024x128xf32>
    %add3A_295 = vector.broadcast %broadcast_in_dim3A : vector<1024x1xf32> to vector<1024x128xf32>
    %add3A_296 = arith.addf %add3A_295, %slice3A_294 : vector<1024x128xf32>
    %get3A_297 = arith.constant 0 : index
    %get3A_298 = arith.constant 2688 : index
    %get3A_299 = vector.load %arg7[%get3A_297, %get3A_298] : memref<1x8192xf32, #tpu.memory_space<vmem>>, vector<1x128xf32>
    %add3A_300 = vector.broadcast %get3A_299 : vector<1x128xf32> to vector<1024x128xf32>
    %add3A_301 = arith.addf %add3A_296, %add3A_300 : vector<1024x128xf32>
    %lt3A_302 = arith.cmpf olt, %add3A_301, %min3A_290 : vector<1024x128xf32>
    %min3A_303 = arith.minimumf %min3A_290, %add3A_301 : vector<1024x128xf32>
    %jit3A_304 = arith.constant 2.100000e+01 : f32
    %broadcast_in_dim3A_305 = vector.broadcast %jit3A_304 : f32 to vector<1024x128xf32>
    %select_n3A_306 = arith.select %lt3A_302, %broadcast_in_dim3A_305, %select_n3A_293 : vector<1024x128xi1>, vector<1024x128xf32>
    %slice3A_307 = vector.extract_strided_slice %dot_general3A_228 {offsets = [0, 768], sizes = [1024, 128], strides = [1, 1]} : vector<1024x2048xf32> to vector<1024x128xf32>
    %add3A_308 = vector.broadcast %broadcast_in_dim3A : vector<1024x1xf32> to vector<1024x128xf32>
    %add3A_309 = arith.addf %add3A_308, %slice3A_307 : vector<1024x128xf32>
    %get3A_310 = arith.constant 0 : index
    %get3A_311 = arith.constant 2816 : index
    %get3A_312 = vector.load %arg7[%get3A_310, %get3A_311] : memref<1x8192xf32, #tpu.memory_space<vmem>>, vector<1x128xf32>
    %add3A_313 = vector.broadcast %get3A_312 : vector<1x128xf32> to vector<1024x128xf32>
    %add3A_314 = arith.addf %add3A_309, %add3A_313 : vector<1024x128xf32>
    %lt3A_315 = arith.cmpf olt, %add3A_314, %min3A_303 : vector<1024x128xf32>
    %min3A_316 = arith.minimumf %min3A_303, %add3A_314 : vector<1024x128xf32>
    %jit3A_317 = arith.constant 2.200000e+01 : f32
    %broadcast_in_dim3A_318 = vector.broadcast %jit3A_317 : f32 to vector<1024x128xf32>
    %select_n3A_319 = arith.select %lt3A_315, %broadcast_in_dim3A_318, %select_n3A_306 : vector<1024x128xi1>, vector<1024x128xf32>
    %slice3A_320 = vector.extract_strided_slice %dot_general3A_228 {offsets = [0, 896], sizes = [1024, 128], strides = [1, 1]} : vector<1024x2048xf32> to vector<1024x128xf32>
    %add3A_321 = vector.broadcast %broadcast_in_dim3A : vector<1024x1xf32> to vector<1024x128xf32>
    %add3A_322 = arith.addf %add3A_321, %slice3A_320 : vector<1024x128xf32>
    %get3A_323 = arith.constant 0 : index
    %get3A_324 = arith.constant 2944 : index
    %get3A_325 = vector.load %arg7[%get3A_323, %get3A_324] : memref<1x8192xf32, #tpu.memory_space<vmem>>, vector<1x128xf32>
    %add3A_326 = vector.broadcast %get3A_325 : vector<1x128xf32> to vector<1024x128xf32>
    %add3A_327 = arith.addf %add3A_322, %add3A_326 : vector<1024x128xf32>
    %lt3A_328 = arith.cmpf olt, %add3A_327, %min3A_316 : vector<1024x128xf32>
    %min3A_329 = arith.minimumf %min3A_316, %add3A_327 : vector<1024x128xf32>
    %jit3A_330 = arith.constant 2.300000e+01 : f32
    %broadcast_in_dim3A_331 = vector.broadcast %jit3A_330 : f32 to vector<1024x128xf32>
    %select_n3A_332 = arith.select %lt3A_328, %broadcast_in_dim3A_331, %select_n3A_319 : vector<1024x128xi1>, vector<1024x128xf32>
    %slice3A_333 = vector.extract_strided_slice %dot_general3A_228 {offsets = [0, 1024], sizes = [1024, 128], strides = [1, 1]} : vector<1024x2048xf32> to vector<1024x128xf32>
    %add3A_334 = vector.broadcast %broadcast_in_dim3A : vector<1024x1xf32> to vector<1024x128xf32>
    %add3A_335 = arith.addf %add3A_334, %slice3A_333 : vector<1024x128xf32>
    %get3A_336 = arith.constant 0 : index
    %get3A_337 = arith.constant 3072 : index
    %get3A_338 = vector.load %arg7[%get3A_336, %get3A_337] : memref<1x8192xf32, #tpu.memory_space<vmem>>, vector<1x128xf32>
    %add3A_339 = vector.broadcast %get3A_338 : vector<1x128xf32> to vector<1024x128xf32>
    %add3A_340 = arith.addf %add3A_335, %add3A_339 : vector<1024x128xf32>
    %lt3A_341 = arith.cmpf olt, %add3A_340, %min3A_329 : vector<1024x128xf32>
    %min3A_342 = arith.minimumf %min3A_329, %add3A_340 : vector<1024x128xf32>
    %jit3A_343 = arith.constant 2.400000e+01 : f32
    %broadcast_in_dim3A_344 = vector.broadcast %jit3A_343 : f32 to vector<1024x128xf32>
    %select_n3A_345 = arith.select %lt3A_341, %broadcast_in_dim3A_344, %select_n3A_332 : vector<1024x128xi1>, vector<1024x128xf32>
    %slice3A_346 = vector.extract_strided_slice %dot_general3A_228 {offsets = [0, 1152], sizes = [1024, 128], strides = [1, 1]} : vector<1024x2048xf32> to vector<1024x128xf32>
    %add3A_347 = vector.broadcast %broadcast_in_dim3A : vector<1024x1xf32> to vector<1024x128xf32>
    %add3A_348 = arith.addf %add3A_347, %slice3A_346 : vector<1024x128xf32>
    %get3A_349 = arith.constant 0 : index
    %get3A_350 = arith.constant 3200 : index
    %get3A_351 = vector.load %arg7[%get3A_349, %get3A_350] : memref<1x8192xf32, #tpu.memory_space<vmem>>, vector<1x128xf32>
    %add3A_352 = vector.broadcast %get3A_351 : vector<1x128xf32> to vector<1024x128xf32>
    %add3A_353 = arith.addf %add3A_348, %add3A_352 : vector<1024x128xf32>
    %lt3A_354 = arith.cmpf olt, %add3A_353, %min3A_342 : vector<1024x128xf32>
    %min3A_355 = arith.minimumf %min3A_342, %add3A_353 : vector<1024x128xf32>
    %jit3A_356 = arith.constant 2.500000e+01 : f32
    %broadcast_in_dim3A_357 = vector.broadcast %jit3A_356 : f32 to vector<1024x128xf32>
    %select_n3A_358 = arith.select %lt3A_354, %broadcast_in_dim3A_357, %select_n3A_345 : vector<1024x128xi1>, vector<1024x128xf32>
    %slice3A_359 = vector.extract_strided_slice %dot_general3A_228 {offsets = [0, 1280], sizes = [1024, 128], strides = [1, 1]} : vector<1024x2048xf32> to vector<1024x128xf32>
    %add3A_360 = vector.broadcast %broadcast_in_dim3A : vector<1024x1xf32> to vector<1024x128xf32>
    %add3A_361 = arith.addf %add3A_360, %slice3A_359 : vector<1024x128xf32>
    %get3A_362 = arith.constant 0 : index
    %get3A_363 = arith.constant 3328 : index
    %get3A_364 = vector.load %arg7[%get3A_362, %get3A_363] : memref<1x8192xf32, #tpu.memory_space<vmem>>, vector<1x128xf32>
    %add3A_365 = vector.broadcast %get3A_364 : vector<1x128xf32> to vector<1024x128xf32>
    %add3A_366 = arith.addf %add3A_361, %add3A_365 : vector<1024x128xf32>
    %lt3A_367 = arith.cmpf olt, %add3A_366, %min3A_355 : vector<1024x128xf32>
    %min3A_368 = arith.minimumf %min3A_355, %add3A_366 : vector<1024x128xf32>
    %jit3A_369 = arith.constant 2.600000e+01 : f32
    %broadcast_in_dim3A_370 = vector.broadcast %jit3A_369 : f32 to vector<1024x128xf32>
    %select_n3A_371 = arith.select %lt3A_367, %broadcast_in_dim3A_370, %select_n3A_358 : vector<1024x128xi1>, vector<1024x128xf32>
    %slice3A_372 = vector.extract_strided_slice %dot_general3A_228 {offsets = [0, 1408], sizes = [1024, 128], strides = [1, 1]} : vector<1024x2048xf32> to vector<1024x128xf32>
    %add3A_373 = vector.broadcast %broadcast_in_dim3A : vector<1024x1xf32> to vector<1024x128xf32>
    %add3A_374 = arith.addf %add3A_373, %slice3A_372 : vector<1024x128xf32>
    %get3A_375 = arith.constant 0 : index
    %get3A_376 = arith.constant 3456 : index
    %get3A_377 = vector.load %arg7[%get3A_375, %get3A_376] : memref<1x8192xf32, #tpu.memory_space<vmem>>, vector<1x128xf32>
    %add3A_378 = vector.broadcast %get3A_377 : vector<1x128xf32> to vector<1024x128xf32>
    %add3A_379 = arith.addf %add3A_374, %add3A_378 : vector<1024x128xf32>
    %lt3A_380 = arith.cmpf olt, %add3A_379, %min3A_368 : vector<1024x128xf32>
    %min3A_381 = arith.minimumf %min3A_368, %add3A_379 : vector<1024x128xf32>
    %jit3A_382 = arith.constant 2.700000e+01 : f32
    %broadcast_in_dim3A_383 = vector.broadcast %jit3A_382 : f32 to vector<1024x128xf32>
    %select_n3A_384 = arith.select %lt3A_380, %broadcast_in_dim3A_383, %select_n3A_371 : vector<1024x128xi1>, vector<1024x128xf32>
    %slice3A_385 = vector.extract_strided_slice %dot_general3A_228 {offsets = [0, 1536], sizes = [1024, 128], strides = [1, 1]} : vector<1024x2048xf32> to vector<1024x128xf32>
    %add3A_386 = vector.broadcast %broadcast_in_dim3A : vector<1024x1xf32> to vector<1024x128xf32>
    %add3A_387 = arith.addf %add3A_386, %slice3A_385 : vector<1024x128xf32>
    %get3A_388 = arith.constant 0 : index
    %get3A_389 = arith.constant 3584 : index
    %get3A_390 = vector.load %arg7[%get3A_388, %get3A_389] : memref<1x8192xf32, #tpu.memory_space<vmem>>, vector<1x128xf32>
    %add3A_391 = vector.broadcast %get3A_390 : vector<1x128xf32> to vector<1024x128xf32>
    %add3A_392 = arith.addf %add3A_387, %add3A_391 : vector<1024x128xf32>
    %lt3A_393 = arith.cmpf olt, %add3A_392, %min3A_381 : vector<1024x128xf32>
    %min3A_394 = arith.minimumf %min3A_381, %add3A_392 : vector<1024x128xf32>
    %jit3A_395 = arith.constant 2.800000e+01 : f32
    %broadcast_in_dim3A_396 = vector.broadcast %jit3A_395 : f32 to vector<1024x128xf32>
    %select_n3A_397 = arith.select %lt3A_393, %broadcast_in_dim3A_396, %select_n3A_384 : vector<1024x128xi1>, vector<1024x128xf32>
    %slice3A_398 = vector.extract_strided_slice %dot_general3A_228 {offsets = [0, 1664], sizes = [1024, 128], strides = [1, 1]} : vector<1024x2048xf32> to vector<1024x128xf32>
    %add3A_399 = vector.broadcast %broadcast_in_dim3A : vector<1024x1xf32> to vector<1024x128xf32>
    %add3A_400 = arith.addf %add3A_399, %slice3A_398 : vector<1024x128xf32>
    %get3A_401 = arith.constant 0 : index
    %get3A_402 = arith.constant 3712 : index
    %get3A_403 = vector.load %arg7[%get3A_401, %get3A_402] : memref<1x8192xf32, #tpu.memory_space<vmem>>, vector<1x128xf32>
    %add3A_404 = vector.broadcast %get3A_403 : vector<1x128xf32> to vector<1024x128xf32>
    %add3A_405 = arith.addf %add3A_400, %add3A_404 : vector<1024x128xf32>
    %lt3A_406 = arith.cmpf olt, %add3A_405, %min3A_394 : vector<1024x128xf32>
    %min3A_407 = arith.minimumf %min3A_394, %add3A_405 : vector<1024x128xf32>
    %jit3A_408 = arith.constant 2.900000e+01 : f32
    %broadcast_in_dim3A_409 = vector.broadcast %jit3A_408 : f32 to vector<1024x128xf32>
    %select_n3A_410 = arith.select %lt3A_406, %broadcast_in_dim3A_409, %select_n3A_397 : vector<1024x128xi1>, vector<1024x128xf32>
    %slice3A_411 = vector.extract_strided_slice %dot_general3A_228 {offsets = [0, 1792], sizes = [1024, 128], strides = [1, 1]} : vector<1024x2048xf32> to vector<1024x128xf32>
    %add3A_412 = vector.broadcast %broadcast_in_dim3A : vector<1024x1xf32> to vector<1024x128xf32>
    %add3A_413 = arith.addf %add3A_412, %slice3A_411 : vector<1024x128xf32>
    %get3A_414 = arith.constant 0 : index
    %get3A_415 = arith.constant 3840 : index
    %get3A_416 = vector.load %arg7[%get3A_414, %get3A_415] : memref<1x8192xf32, #tpu.memory_space<vmem>>, vector<1x128xf32>
    %add3A_417 = vector.broadcast %get3A_416 : vector<1x128xf32> to vector<1024x128xf32>
    %add3A_418 = arith.addf %add3A_413, %add3A_417 : vector<1024x128xf32>
    %lt3A_419 = arith.cmpf olt, %add3A_418, %min3A_407 : vector<1024x128xf32>
    %min3A_420 = arith.minimumf %min3A_407, %add3A_418 : vector<1024x128xf32>
    %jit3A_421 = arith.constant 3.000000e+01 : f32
    %broadcast_in_dim3A_422 = vector.broadcast %jit3A_421 : f32 to vector<1024x128xf32>
    %select_n3A_423 = arith.select %lt3A_419, %broadcast_in_dim3A_422, %select_n3A_410 : vector<1024x128xi1>, vector<1024x128xf32>
    %slice3A_424 = vector.extract_strided_slice %dot_general3A_228 {offsets = [0, 1920], sizes = [1024, 128], strides = [1, 1]} : vector<1024x2048xf32> to vector<1024x128xf32>
    %add3A_425 = vector.broadcast %broadcast_in_dim3A : vector<1024x1xf32> to vector<1024x128xf32>
    %add3A_426 = arith.addf %add3A_425, %slice3A_424 : vector<1024x128xf32>
    %get3A_427 = arith.constant 0 : index
    %get3A_428 = arith.constant 3968 : index
    %get3A_429 = vector.load %arg7[%get3A_427, %get3A_428] : memref<1x8192xf32, #tpu.memory_space<vmem>>, vector<1x128xf32>
    %add3A_430 = vector.broadcast %get3A_429 : vector<1x128xf32> to vector<1024x128xf32>
    %add3A_431 = arith.addf %add3A_426, %add3A_430 : vector<1024x128xf32>
    %lt3A_432 = arith.cmpf olt, %add3A_431, %min3A_420 : vector<1024x128xf32>
    %min3A_433 = arith.minimumf %min3A_420, %add3A_431 : vector<1024x128xf32>
    %jit3A_434 = arith.constant 3.100000e+01 : f32
    %broadcast_in_dim3A_435 = vector.broadcast %jit3A_434 : f32 to vector<1024x128xf32>
    %select_n3A_436 = arith.select %lt3A_432, %broadcast_in_dim3A_435, %select_n3A_423 : vector<1024x128xi1>, vector<1024x128xf32>
    %get3A_437 = arith.constant 4096 : index
    %get3A_438 = arith.constant 0 : index
    %get3A_439 = vector.load %arg3[%get3A_437, %get3A_438] : memref<8192x256xbf16, #tpu.memory_space<vmem>>, vector<2048x256xbf16>
    %dot_general3A_440 = arith.constant dense<0.000000e+00> : vector<1024x2048xf32>
    %dot_general3A_441 = tpu.matmul %convert_element_type3A_13, %get3A_439, %dot_general3A_440 {dimension_numbers = #tpu.dot_dimension_numbers<[1], [1], [0], [0], [0, 0, 1, 0], [], []>, transpose_lhs_hint = false} : vector<1024x256xbf16>, vector<2048x256xbf16>, vector<1024x2048xf32> -> vector<1024x2048xf32>
    %slice3A_442 = vector.extract_strided_slice %dot_general3A_441 {offsets = [0, 0], sizes = [1024, 128], strides = [1, 1]} : vector<1024x2048xf32> to vector<1024x128xf32>
    %add3A_443 = vector.broadcast %broadcast_in_dim3A : vector<1024x1xf32> to vector<1024x128xf32>
    %add3A_444 = arith.addf %add3A_443, %slice3A_442 : vector<1024x128xf32>
    %get3A_445 = arith.constant 0 : index
    %get3A_446 = arith.constant 4096 : index
    %get3A_447 = vector.load %arg7[%get3A_445, %get3A_446] : memref<1x8192xf32, #tpu.memory_space<vmem>>, vector<1x128xf32>
    %add3A_448 = vector.broadcast %get3A_447 : vector<1x128xf32> to vector<1024x128xf32>
    %add3A_449 = arith.addf %add3A_444, %add3A_448 : vector<1024x128xf32>
    %lt3A_450 = arith.cmpf olt, %add3A_449, %min3A_433 : vector<1024x128xf32>
    %min3A_451 = arith.minimumf %min3A_433, %add3A_449 : vector<1024x128xf32>
    %jit3A_452 = arith.constant 3.200000e+01 : f32
    %broadcast_in_dim3A_453 = vector.broadcast %jit3A_452 : f32 to vector<1024x128xf32>
    %select_n3A_454 = arith.select %lt3A_450, %broadcast_in_dim3A_453, %select_n3A_436 : vector<1024x128xi1>, vector<1024x128xf32>
    %slice3A_455 = vector.extract_strided_slice %dot_general3A_441 {offsets = [0, 128], sizes = [1024, 128], strides = [1, 1]} : vector<1024x2048xf32> to vector<1024x128xf32>
    %add3A_456 = vector.broadcast %broadcast_in_dim3A : vector<1024x1xf32> to vector<1024x128xf32>
    %add3A_457 = arith.addf %add3A_456, %slice3A_455 : vector<1024x128xf32>
    %get3A_458 = arith.constant 0 : index
    %get3A_459 = arith.constant 4224 : index
    %get3A_460 = vector.load %arg7[%get3A_458, %get3A_459] : memref<1x8192xf32, #tpu.memory_space<vmem>>, vector<1x128xf32>
    %add3A_461 = vector.broadcast %get3A_460 : vector<1x128xf32> to vector<1024x128xf32>
    %add3A_462 = arith.addf %add3A_457, %add3A_461 : vector<1024x128xf32>
    %lt3A_463 = arith.cmpf olt, %add3A_462, %min3A_451 : vector<1024x128xf32>
    %min3A_464 = arith.minimumf %min3A_451, %add3A_462 : vector<1024x128xf32>
    %jit3A_465 = arith.constant 3.300000e+01 : f32
    %broadcast_in_dim3A_466 = vector.broadcast %jit3A_465 : f32 to vector<1024x128xf32>
    %select_n3A_467 = arith.select %lt3A_463, %broadcast_in_dim3A_466, %select_n3A_454 : vector<1024x128xi1>, vector<1024x128xf32>
    %slice3A_468 = vector.extract_strided_slice %dot_general3A_441 {offsets = [0, 256], sizes = [1024, 128], strides = [1, 1]} : vector<1024x2048xf32> to vector<1024x128xf32>
    %add3A_469 = vector.broadcast %broadcast_in_dim3A : vector<1024x1xf32> to vector<1024x128xf32>
    %add3A_470 = arith.addf %add3A_469, %slice3A_468 : vector<1024x128xf32>
    %get3A_471 = arith.constant 0 : index
    %get3A_472 = arith.constant 4352 : index
    %get3A_473 = vector.load %arg7[%get3A_471, %get3A_472] : memref<1x8192xf32, #tpu.memory_space<vmem>>, vector<1x128xf32>
    %add3A_474 = vector.broadcast %get3A_473 : vector<1x128xf32> to vector<1024x128xf32>
    %add3A_475 = arith.addf %add3A_470, %add3A_474 : vector<1024x128xf32>
    %lt3A_476 = arith.cmpf olt, %add3A_475, %min3A_464 : vector<1024x128xf32>
    %min3A_477 = arith.minimumf %min3A_464, %add3A_475 : vector<1024x128xf32>
    %jit3A_478 = arith.constant 3.400000e+01 : f32
    %broadcast_in_dim3A_479 = vector.broadcast %jit3A_478 : f32 to vector<1024x128xf32>
    %select_n3A_480 = arith.select %lt3A_476, %broadcast_in_dim3A_479, %select_n3A_467 : vector<1024x128xi1>, vector<1024x128xf32>
    %slice3A_481 = vector.extract_strided_slice %dot_general3A_441 {offsets = [0, 384], sizes = [1024, 128], strides = [1, 1]} : vector<1024x2048xf32> to vector<1024x128xf32>
    %add3A_482 = vector.broadcast %broadcast_in_dim3A : vector<1024x1xf32> to vector<1024x128xf32>
    %add3A_483 = arith.addf %add3A_482, %slice3A_481 : vector<1024x128xf32>
    %get3A_484 = arith.constant 0 : index
    %get3A_485 = arith.constant 4480 : index
    %get3A_486 = vector.load %arg7[%get3A_484, %get3A_485] : memref<1x8192xf32, #tpu.memory_space<vmem>>, vector<1x128xf32>
    %add3A_487 = vector.broadcast %get3A_486 : vector<1x128xf32> to vector<1024x128xf32>
    %add3A_488 = arith.addf %add3A_483, %add3A_487 : vector<1024x128xf32>
    %lt3A_489 = arith.cmpf olt, %add3A_488, %min3A_477 : vector<1024x128xf32>
    %min3A_490 = arith.minimumf %min3A_477, %add3A_488 : vector<1024x128xf32>
    %jit3A_491 = arith.constant 3.500000e+01 : f32
    %broadcast_in_dim3A_492 = vector.broadcast %jit3A_491 : f32 to vector<1024x128xf32>
    %select_n3A_493 = arith.select %lt3A_489, %broadcast_in_dim3A_492, %select_n3A_480 : vector<1024x128xi1>, vector<1024x128xf32>
    %slice3A_494 = vector.extract_strided_slice %dot_general3A_441 {offsets = [0, 512], sizes = [1024, 128], strides = [1, 1]} : vector<1024x2048xf32> to vector<1024x128xf32>
    %add3A_495 = vector.broadcast %broadcast_in_dim3A : vector<1024x1xf32> to vector<1024x128xf32>
    %add3A_496 = arith.addf %add3A_495, %slice3A_494 : vector<1024x128xf32>
    %get3A_497 = arith.constant 0 : index
    %get3A_498 = arith.constant 4608 : index
    %get3A_499 = vector.load %arg7[%get3A_497, %get3A_498] : memref<1x8192xf32, #tpu.memory_space<vmem>>, vector<1x128xf32>
    %add3A_500 = vector.broadcast %get3A_499 : vector<1x128xf32> to vector<1024x128xf32>
    %add3A_501 = arith.addf %add3A_496, %add3A_500 : vector<1024x128xf32>
    %lt3A_502 = arith.cmpf olt, %add3A_501, %min3A_490 : vector<1024x128xf32>
    %min3A_503 = arith.minimumf %min3A_490, %add3A_501 : vector<1024x128xf32>
    %jit3A_504 = arith.constant 3.600000e+01 : f32
    %broadcast_in_dim3A_505 = vector.broadcast %jit3A_504 : f32 to vector<1024x128xf32>
    %select_n3A_506 = arith.select %lt3A_502, %broadcast_in_dim3A_505, %select_n3A_493 : vector<1024x128xi1>, vector<1024x128xf32>
    %slice3A_507 = vector.extract_strided_slice %dot_general3A_441 {offsets = [0, 640], sizes = [1024, 128], strides = [1, 1]} : vector<1024x2048xf32> to vector<1024x128xf32>
    %add3A_508 = vector.broadcast %broadcast_in_dim3A : vector<1024x1xf32> to vector<1024x128xf32>
    %add3A_509 = arith.addf %add3A_508, %slice3A_507 : vector<1024x128xf32>
    %get3A_510 = arith.constant 0 : index
    %get3A_511 = arith.constant 4736 : index
    %get3A_512 = vector.load %arg7[%get3A_510, %get3A_511] : memref<1x8192xf32, #tpu.memory_space<vmem>>, vector<1x128xf32>
    %add3A_513 = vector.broadcast %get3A_512 : vector<1x128xf32> to vector<1024x128xf32>
    %add3A_514 = arith.addf %add3A_509, %add3A_513 : vector<1024x128xf32>
    %lt3A_515 = arith.cmpf olt, %add3A_514, %min3A_503 : vector<1024x128xf32>
    %min3A_516 = arith.minimumf %min3A_503, %add3A_514 : vector<1024x128xf32>
    %jit3A_517 = arith.constant 3.700000e+01 : f32
    %broadcast_in_dim3A_518 = vector.broadcast %jit3A_517 : f32 to vector<1024x128xf32>
    %select_n3A_519 = arith.select %lt3A_515, %broadcast_in_dim3A_518, %select_n3A_506 : vector<1024x128xi1>, vector<1024x128xf32>
    %slice3A_520 = vector.extract_strided_slice %dot_general3A_441 {offsets = [0, 768], sizes = [1024, 128], strides = [1, 1]} : vector<1024x2048xf32> to vector<1024x128xf32>
    %add3A_521 = vector.broadcast %broadcast_in_dim3A : vector<1024x1xf32> to vector<1024x128xf32>
    %add3A_522 = arith.addf %add3A_521, %slice3A_520 : vector<1024x128xf32>
    %get3A_523 = arith.constant 0 : index
    %get3A_524 = arith.constant 4864 : index
    %get3A_525 = vector.load %arg7[%get3A_523, %get3A_524] : memref<1x8192xf32, #tpu.memory_space<vmem>>, vector<1x128xf32>
    %add3A_526 = vector.broadcast %get3A_525 : vector<1x128xf32> to vector<1024x128xf32>
    %add3A_527 = arith.addf %add3A_522, %add3A_526 : vector<1024x128xf32>
    %lt3A_528 = arith.cmpf olt, %add3A_527, %min3A_516 : vector<1024x128xf32>
    %min3A_529 = arith.minimumf %min3A_516, %add3A_527 : vector<1024x128xf32>
    %jit3A_530 = arith.constant 3.800000e+01 : f32
    %broadcast_in_dim3A_531 = vector.broadcast %jit3A_530 : f32 to vector<1024x128xf32>
    %select_n3A_532 = arith.select %lt3A_528, %broadcast_in_dim3A_531, %select_n3A_519 : vector<1024x128xi1>, vector<1024x128xf32>
    %slice3A_533 = vector.extract_strided_slice %dot_general3A_441 {offsets = [0, 896], sizes = [1024, 128], strides = [1, 1]} : vector<1024x2048xf32> to vector<1024x128xf32>
    %add3A_534 = vector.broadcast %broadcast_in_dim3A : vector<1024x1xf32> to vector<1024x128xf32>
    %add3A_535 = arith.addf %add3A_534, %slice3A_533 : vector<1024x128xf32>
    %get3A_536 = arith.constant 0 : index
    %get3A_537 = arith.constant 4992 : index
    %get3A_538 = vector.load %arg7[%get3A_536, %get3A_537] : memref<1x8192xf32, #tpu.memory_space<vmem>>, vector<1x128xf32>
    %add3A_539 = vector.broadcast %get3A_538 : vector<1x128xf32> to vector<1024x128xf32>
    %add3A_540 = arith.addf %add3A_535, %add3A_539 : vector<1024x128xf32>
    %lt3A_541 = arith.cmpf olt, %add3A_540, %min3A_529 : vector<1024x128xf32>
    %min3A_542 = arith.minimumf %min3A_529, %add3A_540 : vector<1024x128xf32>
    %jit3A_543 = arith.constant 3.900000e+01 : f32
    %broadcast_in_dim3A_544 = vector.broadcast %jit3A_543 : f32 to vector<1024x128xf32>
    %select_n3A_545 = arith.select %lt3A_541, %broadcast_in_dim3A_544, %select_n3A_532 : vector<1024x128xi1>, vector<1024x128xf32>
    %slice3A_546 = vector.extract_strided_slice %dot_general3A_441 {offsets = [0, 1024], sizes = [1024, 128], strides = [1, 1]} : vector<1024x2048xf32> to vector<1024x128xf32>
    %add3A_547 = vector.broadcast %broadcast_in_dim3A : vector<1024x1xf32> to vector<1024x128xf32>
    %add3A_548 = arith.addf %add3A_547, %slice3A_546 : vector<1024x128xf32>
    %get3A_549 = arith.constant 0 : index
    %get3A_550 = arith.constant 5120 : index
    %get3A_551 = vector.load %arg7[%get3A_549, %get3A_550] : memref<1x8192xf32, #tpu.memory_space<vmem>>, vector<1x128xf32>
    %add3A_552 = vector.broadcast %get3A_551 : vector<1x128xf32> to vector<1024x128xf32>
    %add3A_553 = arith.addf %add3A_548, %add3A_552 : vector<1024x128xf32>
    %lt3A_554 = arith.cmpf olt, %add3A_553, %min3A_542 : vector<1024x128xf32>
    %min3A_555 = arith.minimumf %min3A_542, %add3A_553 : vector<1024x128xf32>
    %jit3A_556 = arith.constant 4.000000e+01 : f32
    %broadcast_in_dim3A_557 = vector.broadcast %jit3A_556 : f32 to vector<1024x128xf32>
    %select_n3A_558 = arith.select %lt3A_554, %broadcast_in_dim3A_557, %select_n3A_545 : vector<1024x128xi1>, vector<1024x128xf32>
    %slice3A_559 = vector.extract_strided_slice %dot_general3A_441 {offsets = [0, 1152], sizes = [1024, 128], strides = [1, 1]} : vector<1024x2048xf32> to vector<1024x128xf32>
    %add3A_560 = vector.broadcast %broadcast_in_dim3A : vector<1024x1xf32> to vector<1024x128xf32>
    %add3A_561 = arith.addf %add3A_560, %slice3A_559 : vector<1024x128xf32>
    %get3A_562 = arith.constant 0 : index
    %get3A_563 = arith.constant 5248 : index
    %get3A_564 = vector.load %arg7[%get3A_562, %get3A_563] : memref<1x8192xf32, #tpu.memory_space<vmem>>, vector<1x128xf32>
    %add3A_565 = vector.broadcast %get3A_564 : vector<1x128xf32> to vector<1024x128xf32>
    %add3A_566 = arith.addf %add3A_561, %add3A_565 : vector<1024x128xf32>
    %lt3A_567 = arith.cmpf olt, %add3A_566, %min3A_555 : vector<1024x128xf32>
    %min3A_568 = arith.minimumf %min3A_555, %add3A_566 : vector<1024x128xf32>
    %jit3A_569 = arith.constant 4.100000e+01 : f32
    %broadcast_in_dim3A_570 = vector.broadcast %jit3A_569 : f32 to vector<1024x128xf32>
    %select_n3A_571 = arith.select %lt3A_567, %broadcast_in_dim3A_570, %select_n3A_558 : vector<1024x128xi1>, vector<1024x128xf32>
    %slice3A_572 = vector.extract_strided_slice %dot_general3A_441 {offsets = [0, 1280], sizes = [1024, 128], strides = [1, 1]} : vector<1024x2048xf32> to vector<1024x128xf32>
    %add3A_573 = vector.broadcast %broadcast_in_dim3A : vector<1024x1xf32> to vector<1024x128xf32>
    %add3A_574 = arith.addf %add3A_573, %slice3A_572 : vector<1024x128xf32>
    %get3A_575 = arith.constant 0 : index
    %get3A_576 = arith.constant 5376 : index
    %get3A_577 = vector.load %arg7[%get3A_575, %get3A_576] : memref<1x8192xf32, #tpu.memory_space<vmem>>, vector<1x128xf32>
    %add3A_578 = vector.broadcast %get3A_577 : vector<1x128xf32> to vector<1024x128xf32>
    %add3A_579 = arith.addf %add3A_574, %add3A_578 : vector<1024x128xf32>
    %lt3A_580 = arith.cmpf olt, %add3A_579, %min3A_568 : vector<1024x128xf32>
    %min3A_581 = arith.minimumf %min3A_568, %add3A_579 : vector<1024x128xf32>
    %jit3A_582 = arith.constant 4.200000e+01 : f32
    %broadcast_in_dim3A_583 = vector.broadcast %jit3A_582 : f32 to vector<1024x128xf32>
    %select_n3A_584 = arith.select %lt3A_580, %broadcast_in_dim3A_583, %select_n3A_571 : vector<1024x128xi1>, vector<1024x128xf32>
    %slice3A_585 = vector.extract_strided_slice %dot_general3A_441 {offsets = [0, 1408], sizes = [1024, 128], strides = [1, 1]} : vector<1024x2048xf32> to vector<1024x128xf32>
    %add3A_586 = vector.broadcast %broadcast_in_dim3A : vector<1024x1xf32> to vector<1024x128xf32>
    %add3A_587 = arith.addf %add3A_586, %slice3A_585 : vector<1024x128xf32>
    %get3A_588 = arith.constant 0 : index
    %get3A_589 = arith.constant 5504 : index
    %get3A_590 = vector.load %arg7[%get3A_588, %get3A_589] : memref<1x8192xf32, #tpu.memory_space<vmem>>, vector<1x128xf32>
    %add3A_591 = vector.broadcast %get3A_590 : vector<1x128xf32> to vector<1024x128xf32>
    %add3A_592 = arith.addf %add3A_587, %add3A_591 : vector<1024x128xf32>
    %lt3A_593 = arith.cmpf olt, %add3A_592, %min3A_581 : vector<1024x128xf32>
    %min3A_594 = arith.minimumf %min3A_581, %add3A_592 : vector<1024x128xf32>
    %jit3A_595 = arith.constant 4.300000e+01 : f32
    %broadcast_in_dim3A_596 = vector.broadcast %jit3A_595 : f32 to vector<1024x128xf32>
    %select_n3A_597 = arith.select %lt3A_593, %broadcast_in_dim3A_596, %select_n3A_584 : vector<1024x128xi1>, vector<1024x128xf32>
    %slice3A_598 = vector.extract_strided_slice %dot_general3A_441 {offsets = [0, 1536], sizes = [1024, 128], strides = [1, 1]} : vector<1024x2048xf32> to vector<1024x128xf32>
    %add3A_599 = vector.broadcast %broadcast_in_dim3A : vector<1024x1xf32> to vector<1024x128xf32>
    %add3A_600 = arith.addf %add3A_599, %slice3A_598 : vector<1024x128xf32>
    %get3A_601 = arith.constant 0 : index
    %get3A_602 = arith.constant 5632 : index
    %get3A_603 = vector.load %arg7[%get3A_601, %get3A_602] : memref<1x8192xf32, #tpu.memory_space<vmem>>, vector<1x128xf32>
    %add3A_604 = vector.broadcast %get3A_603 : vector<1x128xf32> to vector<1024x128xf32>
    %add3A_605 = arith.addf %add3A_600, %add3A_604 : vector<1024x128xf32>
    %lt3A_606 = arith.cmpf olt, %add3A_605, %min3A_594 : vector<1024x128xf32>
    %min3A_607 = arith.minimumf %min3A_594, %add3A_605 : vector<1024x128xf32>
    %jit3A_608 = arith.constant 4.400000e+01 : f32
    %broadcast_in_dim3A_609 = vector.broadcast %jit3A_608 : f32 to vector<1024x128xf32>
    %select_n3A_610 = arith.select %lt3A_606, %broadcast_in_dim3A_609, %select_n3A_597 : vector<1024x128xi1>, vector<1024x128xf32>
    %slice3A_611 = vector.extract_strided_slice %dot_general3A_441 {offsets = [0, 1664], sizes = [1024, 128], strides = [1, 1]} : vector<1024x2048xf32> to vector<1024x128xf32>
    %add3A_612 = vector.broadcast %broadcast_in_dim3A : vector<1024x1xf32> to vector<1024x128xf32>
    %add3A_613 = arith.addf %add3A_612, %slice3A_611 : vector<1024x128xf32>
    %get3A_614 = arith.constant 0 : index
    %get3A_615 = arith.constant 5760 : index
    %get3A_616 = vector.load %arg7[%get3A_614, %get3A_615] : memref<1x8192xf32, #tpu.memory_space<vmem>>, vector<1x128xf32>
    %add3A_617 = vector.broadcast %get3A_616 : vector<1x128xf32> to vector<1024x128xf32>
    %add3A_618 = arith.addf %add3A_613, %add3A_617 : vector<1024x128xf32>
    %lt3A_619 = arith.cmpf olt, %add3A_618, %min3A_607 : vector<1024x128xf32>
    %min3A_620 = arith.minimumf %min3A_607, %add3A_618 : vector<1024x128xf32>
    %jit3A_621 = arith.constant 4.500000e+01 : f32
    %broadcast_in_dim3A_622 = vector.broadcast %jit3A_621 : f32 to vector<1024x128xf32>
    %select_n3A_623 = arith.select %lt3A_619, %broadcast_in_dim3A_622, %select_n3A_610 : vector<1024x128xi1>, vector<1024x128xf32>
    %slice3A_624 = vector.extract_strided_slice %dot_general3A_441 {offsets = [0, 1792], sizes = [1024, 128], strides = [1, 1]} : vector<1024x2048xf32> to vector<1024x128xf32>
    %add3A_625 = vector.broadcast %broadcast_in_dim3A : vector<1024x1xf32> to vector<1024x128xf32>
    %add3A_626 = arith.addf %add3A_625, %slice3A_624 : vector<1024x128xf32>
    %get3A_627 = arith.constant 0 : index
    %get3A_628 = arith.constant 5888 : index
    %get3A_629 = vector.load %arg7[%get3A_627, %get3A_628] : memref<1x8192xf32, #tpu.memory_space<vmem>>, vector<1x128xf32>
    %add3A_630 = vector.broadcast %get3A_629 : vector<1x128xf32> to vector<1024x128xf32>
    %add3A_631 = arith.addf %add3A_626, %add3A_630 : vector<1024x128xf32>
    %lt3A_632 = arith.cmpf olt, %add3A_631, %min3A_620 : vector<1024x128xf32>
    %min3A_633 = arith.minimumf %min3A_620, %add3A_631 : vector<1024x128xf32>
    %jit3A_634 = arith.constant 4.600000e+01 : f32
    %broadcast_in_dim3A_635 = vector.broadcast %jit3A_634 : f32 to vector<1024x128xf32>
    %select_n3A_636 = arith.select %lt3A_632, %broadcast_in_dim3A_635, %select_n3A_623 : vector<1024x128xi1>, vector<1024x128xf32>
    %slice3A_637 = vector.extract_strided_slice %dot_general3A_441 {offsets = [0, 1920], sizes = [1024, 128], strides = [1, 1]} : vector<1024x2048xf32> to vector<1024x128xf32>
    %add3A_638 = vector.broadcast %broadcast_in_dim3A : vector<1024x1xf32> to vector<1024x128xf32>
    %add3A_639 = arith.addf %add3A_638, %slice3A_637 : vector<1024x128xf32>
    %get3A_640 = arith.constant 0 : index
    %get3A_641 = arith.constant 6016 : index
    %get3A_642 = vector.load %arg7[%get3A_640, %get3A_641] : memref<1x8192xf32, #tpu.memory_space<vmem>>, vector<1x128xf32>
    %add3A_643 = vector.broadcast %get3A_642 : vector<1x128xf32> to vector<1024x128xf32>
    %add3A_644 = arith.addf %add3A_639, %add3A_643 : vector<1024x128xf32>
    %lt3A_645 = arith.cmpf olt, %add3A_644, %min3A_633 : vector<1024x128xf32>
    %min3A_646 = arith.minimumf %min3A_633, %add3A_644 : vector<1024x128xf32>
    %jit3A_647 = arith.constant 4.700000e+01 : f32
    %broadcast_in_dim3A_648 = vector.broadcast %jit3A_647 : f32 to vector<1024x128xf32>
    %select_n3A_649 = arith.select %lt3A_645, %broadcast_in_dim3A_648, %select_n3A_636 : vector<1024x128xi1>, vector<1024x128xf32>
    %get3A_650 = arith.constant 6144 : index
    %get3A_651 = arith.constant 0 : index
    %get3A_652 = vector.load %arg3[%get3A_650, %get3A_651] : memref<8192x256xbf16, #tpu.memory_space<vmem>>, vector<2048x256xbf16>
    %dot_general3A_653 = arith.constant dense<0.000000e+00> : vector<1024x2048xf32>
    %dot_general3A_654 = tpu.matmul %convert_element_type3A_13, %get3A_652, %dot_general3A_653 {dimension_numbers = #tpu.dot_dimension_numbers<[1], [1], [0], [0], [0, 0, 1, 0], [], []>, transpose_lhs_hint = false} : vector<1024x256xbf16>, vector<2048x256xbf16>, vector<1024x2048xf32> -> vector<1024x2048xf32>
    %slice3A_655 = vector.extract_strided_slice %dot_general3A_654 {offsets = [0, 0], sizes = [1024, 128], strides = [1, 1]} : vector<1024x2048xf32> to vector<1024x128xf32>
    %add3A_656 = vector.broadcast %broadcast_in_dim3A : vector<1024x1xf32> to vector<1024x128xf32>
    %add3A_657 = arith.addf %add3A_656, %slice3A_655 : vector<1024x128xf32>
    %get3A_658 = arith.constant 0 : index
    %get3A_659 = arith.constant 6144 : index
    %get3A_660 = vector.load %arg7[%get3A_658, %get3A_659] : memref<1x8192xf32, #tpu.memory_space<vmem>>, vector<1x128xf32>
    %add3A_661 = vector.broadcast %get3A_660 : vector<1x128xf32> to vector<1024x128xf32>
    %add3A_662 = arith.addf %add3A_657, %add3A_661 : vector<1024x128xf32>
    %lt3A_663 = arith.cmpf olt, %add3A_662, %min3A_646 : vector<1024x128xf32>
    %min3A_664 = arith.minimumf %min3A_646, %add3A_662 : vector<1024x128xf32>
    %jit3A_665 = arith.constant 4.800000e+01 : f32
    %broadcast_in_dim3A_666 = vector.broadcast %jit3A_665 : f32 to vector<1024x128xf32>
    %select_n3A_667 = arith.select %lt3A_663, %broadcast_in_dim3A_666, %select_n3A_649 : vector<1024x128xi1>, vector<1024x128xf32>
    %slice3A_668 = vector.extract_strided_slice %dot_general3A_654 {offsets = [0, 128], sizes = [1024, 128], strides = [1, 1]} : vector<1024x2048xf32> to vector<1024x128xf32>
    %add3A_669 = vector.broadcast %broadcast_in_dim3A : vector<1024x1xf32> to vector<1024x128xf32>
    %add3A_670 = arith.addf %add3A_669, %slice3A_668 : vector<1024x128xf32>
    %get3A_671 = arith.constant 0 : index
    %get3A_672 = arith.constant 6272 : index
    %get3A_673 = vector.load %arg7[%get3A_671, %get3A_672] : memref<1x8192xf32, #tpu.memory_space<vmem>>, vector<1x128xf32>
    %add3A_674 = vector.broadcast %get3A_673 : vector<1x128xf32> to vector<1024x128xf32>
    %add3A_675 = arith.addf %add3A_670, %add3A_674 : vector<1024x128xf32>
    %lt3A_676 = arith.cmpf olt, %add3A_675, %min3A_664 : vector<1024x128xf32>
    %min3A_677 = arith.minimumf %min3A_664, %add3A_675 : vector<1024x128xf32>
    %jit3A_678 = arith.constant 4.900000e+01 : f32
    %broadcast_in_dim3A_679 = vector.broadcast %jit3A_678 : f32 to vector<1024x128xf32>
    %select_n3A_680 = arith.select %lt3A_676, %broadcast_in_dim3A_679, %select_n3A_667 : vector<1024x128xi1>, vector<1024x128xf32>
    %slice3A_681 = vector.extract_strided_slice %dot_general3A_654 {offsets = [0, 256], sizes = [1024, 128], strides = [1, 1]} : vector<1024x2048xf32> to vector<1024x128xf32>
    %add3A_682 = vector.broadcast %broadcast_in_dim3A : vector<1024x1xf32> to vector<1024x128xf32>
    %add3A_683 = arith.addf %add3A_682, %slice3A_681 : vector<1024x128xf32>
    %get3A_684 = arith.constant 0 : index
    %get3A_685 = arith.constant 6400 : index
    %get3A_686 = vector.load %arg7[%get3A_684, %get3A_685] : memref<1x8192xf32, #tpu.memory_space<vmem>>, vector<1x128xf32>
    %add3A_687 = vector.broadcast %get3A_686 : vector<1x128xf32> to vector<1024x128xf32>
    %add3A_688 = arith.addf %add3A_683, %add3A_687 : vector<1024x128xf32>
    %lt3A_689 = arith.cmpf olt, %add3A_688, %min3A_677 : vector<1024x128xf32>
    %min3A_690 = arith.minimumf %min3A_677, %add3A_688 : vector<1024x128xf32>
    %jit3A_691 = arith.constant 5.000000e+01 : f32
    %broadcast_in_dim3A_692 = vector.broadcast %jit3A_691 : f32 to vector<1024x128xf32>
    %select_n3A_693 = arith.select %lt3A_689, %broadcast_in_dim3A_692, %select_n3A_680 : vector<1024x128xi1>, vector<1024x128xf32>
    %slice3A_694 = vector.extract_strided_slice %dot_general3A_654 {offsets = [0, 384], sizes = [1024, 128], strides = [1, 1]} : vector<1024x2048xf32> to vector<1024x128xf32>
    %add3A_695 = vector.broadcast %broadcast_in_dim3A : vector<1024x1xf32> to vector<1024x128xf32>
    %add3A_696 = arith.addf %add3A_695, %slice3A_694 : vector<1024x128xf32>
    %get3A_697 = arith.constant 0 : index
    %get3A_698 = arith.constant 6528 : index
    %get3A_699 = vector.load %arg7[%get3A_697, %get3A_698] : memref<1x8192xf32, #tpu.memory_space<vmem>>, vector<1x128xf32>
    %add3A_700 = vector.broadcast %get3A_699 : vector<1x128xf32> to vector<1024x128xf32>
    %add3A_701 = arith.addf %add3A_696, %add3A_700 : vector<1024x128xf32>
    %lt3A_702 = arith.cmpf olt, %add3A_701, %min3A_690 : vector<1024x128xf32>
    %min3A_703 = arith.minimumf %min3A_690, %add3A_701 : vector<1024x128xf32>
    %jit3A_704 = arith.constant 5.100000e+01 : f32
    %broadcast_in_dim3A_705 = vector.broadcast %jit3A_704 : f32 to vector<1024x128xf32>
    %select_n3A_706 = arith.select %lt3A_702, %broadcast_in_dim3A_705, %select_n3A_693 : vector<1024x128xi1>, vector<1024x128xf32>
    %slice3A_707 = vector.extract_strided_slice %dot_general3A_654 {offsets = [0, 512], sizes = [1024, 128], strides = [1, 1]} : vector<1024x2048xf32> to vector<1024x128xf32>
    %add3A_708 = vector.broadcast %broadcast_in_dim3A : vector<1024x1xf32> to vector<1024x128xf32>
    %add3A_709 = arith.addf %add3A_708, %slice3A_707 : vector<1024x128xf32>
    %get3A_710 = arith.constant 0 : index
    %get3A_711 = arith.constant 6656 : index
    %get3A_712 = vector.load %arg7[%get3A_710, %get3A_711] : memref<1x8192xf32, #tpu.memory_space<vmem>>, vector<1x128xf32>
    %add3A_713 = vector.broadcast %get3A_712 : vector<1x128xf32> to vector<1024x128xf32>
    %add3A_714 = arith.addf %add3A_709, %add3A_713 : vector<1024x128xf32>
    %lt3A_715 = arith.cmpf olt, %add3A_714, %min3A_703 : vector<1024x128xf32>
    %min3A_716 = arith.minimumf %min3A_703, %add3A_714 : vector<1024x128xf32>
    %jit3A_717 = arith.constant 5.200000e+01 : f32
    %broadcast_in_dim3A_718 = vector.broadcast %jit3A_717 : f32 to vector<1024x128xf32>
    %select_n3A_719 = arith.select %lt3A_715, %broadcast_in_dim3A_718, %select_n3A_706 : vector<1024x128xi1>, vector<1024x128xf32>
    %slice3A_720 = vector.extract_strided_slice %dot_general3A_654 {offsets = [0, 640], sizes = [1024, 128], strides = [1, 1]} : vector<1024x2048xf32> to vector<1024x128xf32>
    %add3A_721 = vector.broadcast %broadcast_in_dim3A : vector<1024x1xf32> to vector<1024x128xf32>
    %add3A_722 = arith.addf %add3A_721, %slice3A_720 : vector<1024x128xf32>
    %get3A_723 = arith.constant 0 : index
    %get3A_724 = arith.constant 6784 : index
    %get3A_725 = vector.load %arg7[%get3A_723, %get3A_724] : memref<1x8192xf32, #tpu.memory_space<vmem>>, vector<1x128xf32>
    %add3A_726 = vector.broadcast %get3A_725 : vector<1x128xf32> to vector<1024x128xf32>
    %add3A_727 = arith.addf %add3A_722, %add3A_726 : vector<1024x128xf32>
    %lt3A_728 = arith.cmpf olt, %add3A_727, %min3A_716 : vector<1024x128xf32>
    %min3A_729 = arith.minimumf %min3A_716, %add3A_727 : vector<1024x128xf32>
    %jit3A_730 = arith.constant 5.300000e+01 : f32
    %broadcast_in_dim3A_731 = vector.broadcast %jit3A_730 : f32 to vector<1024x128xf32>
    %select_n3A_732 = arith.select %lt3A_728, %broadcast_in_dim3A_731, %select_n3A_719 : vector<1024x128xi1>, vector<1024x128xf32>
    %slice3A_733 = vector.extract_strided_slice %dot_general3A_654 {offsets = [0, 768], sizes = [1024, 128], strides = [1, 1]} : vector<1024x2048xf32> to vector<1024x128xf32>
    %add3A_734 = vector.broadcast %broadcast_in_dim3A : vector<1024x1xf32> to vector<1024x128xf32>
    %add3A_735 = arith.addf %add3A_734, %slice3A_733 : vector<1024x128xf32>
    %get3A_736 = arith.constant 0 : index
    %get3A_737 = arith.constant 6912 : index
    %get3A_738 = vector.load %arg7[%get3A_736, %get3A_737] : memref<1x8192xf32, #tpu.memory_space<vmem>>, vector<1x128xf32>
    %add3A_739 = vector.broadcast %get3A_738 : vector<1x128xf32> to vector<1024x128xf32>
    %add3A_740 = arith.addf %add3A_735, %add3A_739 : vector<1024x128xf32>
    %lt3A_741 = arith.cmpf olt, %add3A_740, %min3A_729 : vector<1024x128xf32>
    %min3A_742 = arith.minimumf %min3A_729, %add3A_740 : vector<1024x128xf32>
    %jit3A_743 = arith.constant 5.400000e+01 : f32
    %broadcast_in_dim3A_744 = vector.broadcast %jit3A_743 : f32 to vector<1024x128xf32>
    %select_n3A_745 = arith.select %lt3A_741, %broadcast_in_dim3A_744, %select_n3A_732 : vector<1024x128xi1>, vector<1024x128xf32>
    %slice3A_746 = vector.extract_strided_slice %dot_general3A_654 {offsets = [0, 896], sizes = [1024, 128], strides = [1, 1]} : vector<1024x2048xf32> to vector<1024x128xf32>
    %add3A_747 = vector.broadcast %broadcast_in_dim3A : vector<1024x1xf32> to vector<1024x128xf32>
    %add3A_748 = arith.addf %add3A_747, %slice3A_746 : vector<1024x128xf32>
    %get3A_749 = arith.constant 0 : index
    %get3A_750 = arith.constant 7040 : index
    %get3A_751 = vector.load %arg7[%get3A_749, %get3A_750] : memref<1x8192xf32, #tpu.memory_space<vmem>>, vector<1x128xf32>
    %add3A_752 = vector.broadcast %get3A_751 : vector<1x128xf32> to vector<1024x128xf32>
    %add3A_753 = arith.addf %add3A_748, %add3A_752 : vector<1024x128xf32>
    %lt3A_754 = arith.cmpf olt, %add3A_753, %min3A_742 : vector<1024x128xf32>
    %min3A_755 = arith.minimumf %min3A_742, %add3A_753 : vector<1024x128xf32>
    %jit3A_756 = arith.constant 5.500000e+01 : f32
    %broadcast_in_dim3A_757 = vector.broadcast %jit3A_756 : f32 to vector<1024x128xf32>
    %select_n3A_758 = arith.select %lt3A_754, %broadcast_in_dim3A_757, %select_n3A_745 : vector<1024x128xi1>, vector<1024x128xf32>
    %slice3A_759 = vector.extract_strided_slice %dot_general3A_654 {offsets = [0, 1024], sizes = [1024, 128], strides = [1, 1]} : vector<1024x2048xf32> to vector<1024x128xf32>
    %add3A_760 = vector.broadcast %broadcast_in_dim3A : vector<1024x1xf32> to vector<1024x128xf32>
    %add3A_761 = arith.addf %add3A_760, %slice3A_759 : vector<1024x128xf32>
    %get3A_762 = arith.constant 0 : index
    %get3A_763 = arith.constant 7168 : index
    %get3A_764 = vector.load %arg7[%get3A_762, %get3A_763] : memref<1x8192xf32, #tpu.memory_space<vmem>>, vector<1x128xf32>
    %add3A_765 = vector.broadcast %get3A_764 : vector<1x128xf32> to vector<1024x128xf32>
    %add3A_766 = arith.addf %add3A_761, %add3A_765 : vector<1024x128xf32>
    %lt3A_767 = arith.cmpf olt, %add3A_766, %min3A_755 : vector<1024x128xf32>
    %min3A_768 = arith.minimumf %min3A_755, %add3A_766 : vector<1024x128xf32>
    %jit3A_769 = arith.constant 5.600000e+01 : f32
    %broadcast_in_dim3A_770 = vector.broadcast %jit3A_769 : f32 to vector<1024x128xf32>
    %select_n3A_771 = arith.select %lt3A_767, %broadcast_in_dim3A_770, %select_n3A_758 : vector<1024x128xi1>, vector<1024x128xf32>
    %slice3A_772 = vector.extract_strided_slice %dot_general3A_654 {offsets = [0, 1152], sizes = [1024, 128], strides = [1, 1]} : vector<1024x2048xf32> to vector<1024x128xf32>
    %add3A_773 = vector.broadcast %broadcast_in_dim3A : vector<1024x1xf32> to vector<1024x128xf32>
    %add3A_774 = arith.addf %add3A_773, %slice3A_772 : vector<1024x128xf32>
    %get3A_775 = arith.constant 0 : index
    %get3A_776 = arith.constant 7296 : index
    %get3A_777 = vector.load %arg7[%get3A_775, %get3A_776] : memref<1x8192xf32, #tpu.memory_space<vmem>>, vector<1x128xf32>
    %add3A_778 = vector.broadcast %get3A_777 : vector<1x128xf32> to vector<1024x128xf32>
    %add3A_779 = arith.addf %add3A_774, %add3A_778 : vector<1024x128xf32>
    %lt3A_780 = arith.cmpf olt, %add3A_779, %min3A_768 : vector<1024x128xf32>
    %min3A_781 = arith.minimumf %min3A_768, %add3A_779 : vector<1024x128xf32>
    %jit3A_782 = arith.constant 5.700000e+01 : f32
    %broadcast_in_dim3A_783 = vector.broadcast %jit3A_782 : f32 to vector<1024x128xf32>
    %select_n3A_784 = arith.select %lt3A_780, %broadcast_in_dim3A_783, %select_n3A_771 : vector<1024x128xi1>, vector<1024x128xf32>
    %slice3A_785 = vector.extract_strided_slice %dot_general3A_654 {offsets = [0, 1280], sizes = [1024, 128], strides = [1, 1]} : vector<1024x2048xf32> to vector<1024x128xf32>
    %add3A_786 = vector.broadcast %broadcast_in_dim3A : vector<1024x1xf32> to vector<1024x128xf32>
    %add3A_787 = arith.addf %add3A_786, %slice3A_785 : vector<1024x128xf32>
    %get3A_788 = arith.constant 0 : index
    %get3A_789 = arith.constant 7424 : index
    %get3A_790 = vector.load %arg7[%get3A_788, %get3A_789] : memref<1x8192xf32, #tpu.memory_space<vmem>>, vector<1x128xf32>
    %add3A_791 = vector.broadcast %get3A_790 : vector<1x128xf32> to vector<1024x128xf32>
    %add3A_792 = arith.addf %add3A_787, %add3A_791 : vector<1024x128xf32>
    %lt3A_793 = arith.cmpf olt, %add3A_792, %min3A_781 : vector<1024x128xf32>
    %min3A_794 = arith.minimumf %min3A_781, %add3A_792 : vector<1024x128xf32>
    %jit3A_795 = arith.constant 5.800000e+01 : f32
    %broadcast_in_dim3A_796 = vector.broadcast %jit3A_795 : f32 to vector<1024x128xf32>
    %select_n3A_797 = arith.select %lt3A_793, %broadcast_in_dim3A_796, %select_n3A_784 : vector<1024x128xi1>, vector<1024x128xf32>
    %slice3A_798 = vector.extract_strided_slice %dot_general3A_654 {offsets = [0, 1408], sizes = [1024, 128], strides = [1, 1]} : vector<1024x2048xf32> to vector<1024x128xf32>
    %add3A_799 = vector.broadcast %broadcast_in_dim3A : vector<1024x1xf32> to vector<1024x128xf32>
    %add3A_800 = arith.addf %add3A_799, %slice3A_798 : vector<1024x128xf32>
    %get3A_801 = arith.constant 0 : index
    %get3A_802 = arith.constant 7552 : index
    %get3A_803 = vector.load %arg7[%get3A_801, %get3A_802] : memref<1x8192xf32, #tpu.memory_space<vmem>>, vector<1x128xf32>
    %add3A_804 = vector.broadcast %get3A_803 : vector<1x128xf32> to vector<1024x128xf32>
    %add3A_805 = arith.addf %add3A_800, %add3A_804 : vector<1024x128xf32>
    %lt3A_806 = arith.cmpf olt, %add3A_805, %min3A_794 : vector<1024x128xf32>
    %min3A_807 = arith.minimumf %min3A_794, %add3A_805 : vector<1024x128xf32>
    %jit3A_808 = arith.constant 5.900000e+01 : f32
    %broadcast_in_dim3A_809 = vector.broadcast %jit3A_808 : f32 to vector<1024x128xf32>
    %select_n3A_810 = arith.select %lt3A_806, %broadcast_in_dim3A_809, %select_n3A_797 : vector<1024x128xi1>, vector<1024x128xf32>
    %slice3A_811 = vector.extract_strided_slice %dot_general3A_654 {offsets = [0, 1536], sizes = [1024, 128], strides = [1, 1]} : vector<1024x2048xf32> to vector<1024x128xf32>
    %add3A_812 = vector.broadcast %broadcast_in_dim3A : vector<1024x1xf32> to vector<1024x128xf32>
    %add3A_813 = arith.addf %add3A_812, %slice3A_811 : vector<1024x128xf32>
    %get3A_814 = arith.constant 0 : index
    %get3A_815 = arith.constant 7680 : index
    %get3A_816 = vector.load %arg7[%get3A_814, %get3A_815] : memref<1x8192xf32, #tpu.memory_space<vmem>>, vector<1x128xf32>
    %add3A_817 = vector.broadcast %get3A_816 : vector<1x128xf32> to vector<1024x128xf32>
    %add3A_818 = arith.addf %add3A_813, %add3A_817 : vector<1024x128xf32>
    %lt3A_819 = arith.cmpf olt, %add3A_818, %min3A_807 : vector<1024x128xf32>
    %min3A_820 = arith.minimumf %min3A_807, %add3A_818 : vector<1024x128xf32>
    %jit3A_821 = arith.constant 6.000000e+01 : f32
    %broadcast_in_dim3A_822 = vector.broadcast %jit3A_821 : f32 to vector<1024x128xf32>
    %select_n3A_823 = arith.select %lt3A_819, %broadcast_in_dim3A_822, %select_n3A_810 : vector<1024x128xi1>, vector<1024x128xf32>
    %slice3A_824 = vector.extract_strided_slice %dot_general3A_654 {offsets = [0, 1664], sizes = [1024, 128], strides = [1, 1]} : vector<1024x2048xf32> to vector<1024x128xf32>
    %add3A_825 = vector.broadcast %broadcast_in_dim3A : vector<1024x1xf32> to vector<1024x128xf32>
    %add3A_826 = arith.addf %add3A_825, %slice3A_824 : vector<1024x128xf32>
    %get3A_827 = arith.constant 0 : index
    %get3A_828 = arith.constant 7808 : index
    %get3A_829 = vector.load %arg7[%get3A_827, %get3A_828] : memref<1x8192xf32, #tpu.memory_space<vmem>>, vector<1x128xf32>
    %add3A_830 = vector.broadcast %get3A_829 : vector<1x128xf32> to vector<1024x128xf32>
    %add3A_831 = arith.addf %add3A_826, %add3A_830 : vector<1024x128xf32>
    %lt3A_832 = arith.cmpf olt, %add3A_831, %min3A_820 : vector<1024x128xf32>
    %min3A_833 = arith.minimumf %min3A_820, %add3A_831 : vector<1024x128xf32>
    %jit3A_834 = arith.constant 6.100000e+01 : f32
    %broadcast_in_dim3A_835 = vector.broadcast %jit3A_834 : f32 to vector<1024x128xf32>
    %select_n3A_836 = arith.select %lt3A_832, %broadcast_in_dim3A_835, %select_n3A_823 : vector<1024x128xi1>, vector<1024x128xf32>
    %slice3A_837 = vector.extract_strided_slice %dot_general3A_654 {offsets = [0, 1792], sizes = [1024, 128], strides = [1, 1]} : vector<1024x2048xf32> to vector<1024x128xf32>
    %add3A_838 = vector.broadcast %broadcast_in_dim3A : vector<1024x1xf32> to vector<1024x128xf32>
    %add3A_839 = arith.addf %add3A_838, %slice3A_837 : vector<1024x128xf32>
    %get3A_840 = arith.constant 0 : index
    %get3A_841 = arith.constant 7936 : index
    %get3A_842 = vector.load %arg7[%get3A_840, %get3A_841] : memref<1x8192xf32, #tpu.memory_space<vmem>>, vector<1x128xf32>
    %add3A_843 = vector.broadcast %get3A_842 : vector<1x128xf32> to vector<1024x128xf32>
    %add3A_844 = arith.addf %add3A_839, %add3A_843 : vector<1024x128xf32>
    %lt3A_845 = arith.cmpf olt, %add3A_844, %min3A_833 : vector<1024x128xf32>
    %min3A_846 = arith.minimumf %min3A_833, %add3A_844 : vector<1024x128xf32>
    %jit3A_847 = arith.constant 6.200000e+01 : f32
    %broadcast_in_dim3A_848 = vector.broadcast %jit3A_847 : f32 to vector<1024x128xf32>
    %select_n3A_849 = arith.select %lt3A_845, %broadcast_in_dim3A_848, %select_n3A_836 : vector<1024x128xi1>, vector<1024x128xf32>
    %slice3A_850 = vector.extract_strided_slice %dot_general3A_654 {offsets = [0, 1920], sizes = [1024, 128], strides = [1, 1]} : vector<1024x2048xf32> to vector<1024x128xf32>
    %add3A_851 = vector.broadcast %broadcast_in_dim3A : vector<1024x1xf32> to vector<1024x128xf32>
    %add3A_852 = arith.addf %add3A_851, %slice3A_850 : vector<1024x128xf32>
    %get3A_853 = arith.constant 0 : index
    %get3A_854 = arith.constant 8064 : index
    %get3A_855 = vector.load %arg7[%get3A_853, %get3A_854] : memref<1x8192xf32, #tpu.memory_space<vmem>>, vector<1x128xf32>
    %add3A_856 = vector.broadcast %get3A_855 : vector<1x128xf32> to vector<1024x128xf32>
    %add3A_857 = arith.addf %add3A_852, %add3A_856 : vector<1024x128xf32>
    %lt3A_858 = arith.cmpf olt, %add3A_857, %min3A_846 : vector<1024x128xf32>
    %min3A_859 = arith.minimumf %min3A_846, %add3A_857 : vector<1024x128xf32>
    %jit3A_860 = arith.constant 6.300000e+01 : f32
    %broadcast_in_dim3A_861 = vector.broadcast %jit3A_860 : f32 to vector<1024x128xf32>
    %select_n3A_862 = arith.select %lt3A_858, %broadcast_in_dim3A_861, %select_n3A_849 : vector<1024x128xi1>, vector<1024x128xf32>
    %reduce_min3A = arith.constant dense<0x7F800000> : vector<1024xf32>
    %reduce_min3A_863 = vector.multi_reduction <minimumf>, %min3A_859, %reduce_min3A [1] : vector<1024x128xf32> to vector<1024xf32>
    %broadcast_in_dim3A_864 = vector.shape_cast %reduce_min3A_863 : vector<1024xf32> to vector<1024x1xf32>
    %iota3A = tpu.iota {dimensions = array<i32: 1>} : vector<1024x128xi32>
    %convert_element_type3A_865 = arith.sitofp %iota3A : vector<1024x128xi32> to vector<1024x128xf32>
    %mul3A_866 = arith.constant 1.280000e+02 : f32
    %mul3A_867 = vector.broadcast %mul3A_866 : f32 to vector<1024x128xf32>
    %mul3A_868 = arith.mulf %select_n3A_862, %mul3A_867 : vector<1024x128xf32>
    %add3A_869 = arith.addf %mul3A_868, %convert_element_type3A_865 : vector<1024x128xf32>
    %eq3A_870 = vector.broadcast %broadcast_in_dim3A_864 : vector<1024x1xf32> to vector<1024x128xf32>
    %eq3A_871 = arith.cmpf oeq, %min3A_859, %eq3A_870 : vector<1024x128xf32>
    %jit3A_872 = arith.constant 1.000000e+09 : f32
    %broadcast_in_dim3A_873 = vector.broadcast %jit3A_872 : f32 to vector<1024x128xf32>
    %select_n3A_874 = arith.select %eq3A_871, %add3A_869, %broadcast_in_dim3A_873 : vector<1024x128xi1>, vector<1024x128xf32>
    %reduce_min3A_875 = arith.constant dense<0x7F800000> : vector<1024xf32>
    %reduce_min3A_876 = vector.multi_reduction <minimumf>, %select_n3A_874, %reduce_min3A_875 [1] : vector<1024x128xf32> to vector<1024xf32>
    %broadcast_in_dim3A_877 = vector.shape_cast %reduce_min3A_876 : vector<1024xf32> to vector<1024x1xf32>
    %convert_element_type3A_878 = arith.fptosi %broadcast_in_dim3A_877 : vector<1024x1xf32> to vector<1024x1xi32>
    %swap3A_879 = arith.constant 0 : index
    %swap3A_880 = arith.constant 0 : index
    %swap3A_881 = vector.load %arg6[%swap3A_879, %swap3A_880] : memref<1024x1xi32, #tpu.memory_space<vmem>>, vector<1024x1xi32>
    tpu.vector_store %arg6[%swap3A_879, %swap3A_880], %convert_element_type3A_878 {strides = array<i32>} : memref<1024x1xi32, #tpu.memory_space<vmem>>, vector<1024x1xi32>,
    return
  }
  func.func @transform_0(%arg0: i32) -> (i32, i32) {
    %c0_i32 = arith.constant 0 : i32
    %c0_i32_0 = arith.constant 0 : i32
    return %arg0, %c0_i32 : i32, i32
  }
  func.func @transform_1(%arg0: i32) -> (i32, i32) {
    %c0_i32 = arith.constant 0 : i32
    %c0_i32_0 = arith.constant 0 : i32
    return %arg0, %c0_i32 : i32, i32
  }
  func.func @transform_2(%arg0: i32) -> (i32, i32) {
    %c0_i32 = arith.constant 0 : i32
    %c0_i32_0 = arith.constant 0 : i32
    %c0_i32_1 = arith.constant 0 : i32
    return %c0_i32, %c0_i32_0 : i32, i32
  }
  func.func @transform_3(%arg0: i32) -> (i32, i32) {
    %c0_i32 = arith.constant 0 : i32
    %c0_i32_0 = arith.constant 0 : i32
    %c0_i32_1 = arith.constant 0 : i32
    return %c0_i32, %c0_i32_0 : i32, i32
  }
  func.func @transform_4(%arg0: i32) -> (i32, i32) {
    %c0_i32 = arith.constant 0 : i32
    %c0_i32_0 = arith.constant 0 : i32
    return %arg0, %c0_i32 : i32, i32
  }
  func.func @transform_5(%arg0: i32) -> (i32, i32) {
    %c0_i32 = arith.constant 0 : i32
    %c0_i32_0 = arith.constant 0 : i32
    return %arg0, %c0_i32 : i32, i32
  }
}

module attributes {stable_mosaic.version = 14 : i64} {
  func.func @_epilogue_body(%arg0: i32, %arg1: memref<1024x256xf32, #tpu.memory_space<vmem>>, %arg2: memref<1024x256xf32, #tpu.memory_space<vmem>>, %arg3: memref<1024x256xf32, #tpu.memory_space<vmem>>, %arg4: memref<1024x256xf32, #tpu.memory_space<vmem>>, %arg5: memref<1x1xf32, #tpu.memory_space<vmem>>) attributes {dimension_semantics = [#tpu.dimension_semantics<arbitrary>], iteration_bounds = array<i64: 9>, scalar_prefetch = 0 : i64, scratch_operands = 0 : i64, tpu.core_type = #tpu.core_type<tc>, window_params = [{transform_indices = @transform_0, window_bounds = array<i64: 1024, 256>}, {transform_indices = @transform_1, window_bounds = array<i64: 1024, 256>}, {transform_indices = @transform_2, window_bounds = array<i64: 1024, 256>}, {transform_indices = @transform_3, window_bounds = array<i64: 1024, 256>}, {pipeline_mode = #tpu.pipeline_mode<synchronous>, transform_indices = @transform_4, window_bounds = array<i64: 1, 1>}]} {
    %get3A = arith.constant 0 : index
    %get3A_0 = arith.constant 0 : index
    %get3A_1 = vector.load %arg1[%get3A, %get3A_0] : memref<1024x256xf32, #tpu.memory_space<vmem>>, vector<1024x256xf32>
    %get3A_2 = arith.constant 0 : index
    %get3A_3 = arith.constant 0 : index
    %get3A_4 = vector.load %arg2[%get3A_2, %get3A_3] : memref<1024x256xf32, #tpu.memory_space<vmem>>, vector<1024x256xf32>
    %get3A_5 = arith.constant 0 : index
    %get3A_6 = arith.constant 0 : index
    %get3A_7 = vector.load %arg3[%get3A_5, %get3A_6] : memref<1024x256xf32, #tpu.memory_space<vmem>>, vector<1024x256xf32>
    %sub3A = arith.subf %get3A_4, %get3A_7 : vector<1024x256xf32>
    %sub3A_8 = arith.subf %get3A_1, %sub3A : vector<1024x256xf32>
    %sub3A_9 = arith.subf %sub3A_8, %get3A_1 : vector<1024x256xf32>
    %add3A = arith.addf %get3A_1, %sub3A_9 : vector<1024x256xf32>
    %swap3A = arith.constant 0 : index
    %swap3A_10 = arith.constant 0 : index
    %swap3A_11 = vector.load %arg4[%swap3A, %swap3A_10] : memref<1024x256xf32, #tpu.memory_space<vmem>>, vector<1024x256xf32>
    tpu.vector_store %arg4[%swap3A, %swap3A_10], %add3A {strides = array<i32>} : memref<1024x256xf32, #tpu.memory_space<vmem>>, vector<1024x256xf32>,
    %mul3A = arith.mulf %sub3A, %sub3A : vector<1024x256xf32>
    %reduce_sum3A = vector.shape_cast %mul3A : vector<1024x256xf32> to vector<1x1024x256xf32>
    %reduce_sum3A_12 = arith.constant dense<0.000000e+00> : vector<1xf32>
    %reduce_sum3A_13 = vector.multi_reduction <add>, %reduce_sum3A, %reduce_sum3A_12 [1, 2] : vector<1x1024x256xf32> to vector<1xf32>
    %reduce_sum3A_14 = vector.shape_cast %reduce_sum3A_13 : vector<1xf32> to vector<1x1x1xf32>
    %reduce_sum3A_15 = vector.extract %reduce_sum3A_14[0, 0, 0] : f32 from vector<1x1x1xf32>
    %reshape3A = vector.broadcast %reduce_sum3A_15 : f32 to vector<1x1xf32>
    %eq3A = arith.constant 0 : i32
    %eq3A_16 = arith.cmpi eq, %arg0, %eq3A : i32
    %convert_element_type3A = arith.extui %eq3A_16 : i1 to i32
    %cond3A = arith.constant 0 : i32
    %cond3A_17 = arith.cmpi ne, %convert_element_type3A, %cond3A : i32
    scf.if %cond3A_17 {
      %broadcast_in_dim3A = arith.constant 0.000000e+00 : f32
      %broadcast_in_dim3A_25 = vector.broadcast %broadcast_in_dim3A : f32 to vector<1x1xf32>
      %swap3A_26 = arith.constant 0 : index
      %swap3A_27 = arith.constant 0 : index
      %swap3A_28 = vector.load %arg5[%swap3A_26, %swap3A_27] : memref<1x1xf32, #tpu.memory_space<vmem>>, vector<1x1xf32>
      tpu.vector_store %arg5[%swap3A_26, %swap3A_27], %broadcast_in_dim3A_25 {strides = array<i32>} : memref<1x1xf32, #tpu.memory_space<vmem>>, vector<1x1xf32>,
    } else {
    }
    %get3A_18 = arith.constant 0 : index
    %get3A_19 = arith.constant 0 : index
    %get3A_20 = vector.load %arg5[%get3A_18, %get3A_19] : memref<1x1xf32, #tpu.memory_space<vmem>>, vector<1x1xf32>
    %add3A_21 = arith.addf %get3A_20, %reshape3A : vector<1x1xf32>
    %swap3A_22 = arith.constant 0 : index
    %swap3A_23 = arith.constant 0 : index
    %swap3A_24 = vector.load %arg5[%swap3A_22, %swap3A_23] : memref<1x1xf32, #tpu.memory_space<vmem>>, vector<1x1xf32>
    tpu.vector_store %arg5[%swap3A_22, %swap3A_23], %add3A_21 {strides = array<i32>} : memref<1x1xf32, #tpu.memory_space<vmem>>, vector<1x1xf32>,
    return
  }
  func.func @transform_0(%arg0: i32) -> (i32, i32) {
    %c0_i32 = arith.constant 0 : i32
    %c0_i32_0 = arith.constant 0 : i32
    return %arg0, %c0_i32 : i32, i32
  }
  func.func @transform_1(%arg0: i32) -> (i32, i32) {
    %c0_i32 = arith.constant 0 : i32
    %c0_i32_0 = arith.constant 0 : i32
    return %arg0, %c0_i32 : i32, i32
  }
  func.func @transform_2(%arg0: i32) -> (i32, i32) {
    %c0_i32 = arith.constant 0 : i32
    %c0_i32_0 = arith.constant 0 : i32
    return %arg0, %c0_i32 : i32, i32
  }
  func.func @transform_3(%arg0: i32) -> (i32, i32) {
    %c0_i32 = arith.constant 0 : i32
    %c0_i32_0 = arith.constant 0 : i32
    return %arg0, %c0_i32 : i32, i32
  }
  func.func @transform_4(%arg0: i32) -> (i32, i32) {
    %c0_i32 = arith.constant 0 : i32
    %c0_i32_0 = arith.constant 0 : i32
    %c0_i32_1 = arith.constant 0 : i32
    return %c0_i32, %c0_i32_0 : i32, i32
  }
}

</mosaic_0001>

<sc_bundles>
// kernel: kernel.11.cloned.1.call-start
scs
__scs_entry_jumppad:
0x0: {  	(pc) =	sbr.rel $0x88, $3  }
0x1: {  	(tag) =	ssettag $0x0;
	lr =	simm.s32 $0x1  }
0x2: {  	[smem:$0x3F9F] =	sst lr;
	_ =	strace $0xD0000000  }
0x3: {  	_ = 	snop  }
0x4: {  	_ = 	snop  }
0x5: {  	_ = 	snop  }
0x6: {  	_ = 	snop  }
0x7: {  	_ = 	snop  }
__scs_overlays_trampoline_lowered:
0x8: {  	[smem:$0x3FAE] =	sst s0  }
0x9: {  	[smem:$0x3FAF] =	sst s1  }
0xa: {  	[smem:$0x3FB0] =	sst s2  }
0xb: {  	[smem:$0x3FB1] =	sst s3  }
0xc: {  	[smem:$0x3FB2] =	sst s4  }
0xd: {  	[smem:$0x3FB3] =	sst s5  }
0xe: {  	[smem:$0x3FB4] =	sst s6  }
0xf: {  	[smem:$0x3FB5] =	sst s7  }
0x10: {  	[smem:$0x3FB6] =	sst s8  }
0x11: {  	[smem:$0x3FB7] =	sst s9;
	s0 =	simm.s32 @!p0 $0x0  }
0x12: {  	s1 =	sld [smem:$0x3F9D];
	s0 =	simm.s32 @p0 $0x1  }
0x13: {  	[smem:$0x3FB8] =	sst s0;
	s0 =	simm.s32 @!p1 $0x0  }
0x14: {  	s2 =	sld [smem:$0x3F9C];
	s0 =	simm.s32 @p1 $0x1  }
0x15: {  	[smem:$0x3FB9] =	sst s0;
	s0 =	simm.s32 @!p2 $0x0  }
0x16: {  	s3 =	sld [smem:$0x3FDB];
	s0 =	simm.s32 @p2 $0x1  }
0x17: {  	s4 =	simm.s32 $0x1BF5;
	[smem:$0x3FBB] =	sst s0  }
0x18: {  	s0 =	sld [smem:$0x3F9E];
	_ =	swait.ge [sflag:s4], $0x0  }
0x19: {  	s7 =	sld [smem:$0x3F9F]  }
0x1a: {  	s8 =	sadd.s32 $0xFFFFE003, lr  }
0x1b: {  	s9 =	sadd.s32 $0xFFFFFEF7, lr;
	s5 =	simm.s32 $0xFFFFFFFF;
	p2 =	slt.u32 s8, $0xFFFFF086  }
0x1c: {  	p1 =	slt.u32 s9, $0xF7A;
	s5 =	simm.s32 @!p2 $0x0  }
0x1d: {  	s5 =	simm.s32 @p1 $0x1;
	p0 =	seq.s32 s7, s2  }
0x1e: {  	s7 =	smul.u32 @!p0 $0xF7A, s2;
	p2 =	seq.s32 @!p0 s5, $0x0  }
0x1f: {  	s9 =	smul.u32 $0xF7A, s1;
	s8 =	simm.s32 @!p0 $0x1BF5;
	p2 =	por !p2, p0  }
0x20: {  	[sflag:s8] =	ssyncset.s32 @!p0 $0xFFFFF086;
	s6 =	sadd.s32 @!p0 s3, s7;
	s7 =	simm.s32 @!p0 $0x108  }
0x21: {  	s3 =	sadd.s32 s3, s9;
	s6 =	sadd.s32 @!p0 $0x88, s6;
	s7 =	simm.s32 @p2 $0x1082  }
0x22: {  	[simem:s7], [sflag:s8] =	dma.local @!p0 [hbm:s6], $0xF7A  }
0x23: {  	s9 =	sor.u32 $0xD0000000, s2;
	s6 =	simm.s32 $0x108;
	_ =	swait.ge @!p0 [sflag:s8], $0x0  }
0x24: {  	s3 =	sadd.s32 $0x88, s3;
	s6 =	simm.s32 @!p1 $0x1082;
	[sflag:s4] =	ssyncset.s32 $0xFFFFF086  }
0x25: {  	[simem:s6], [sflag:s4] =	dma.local [hbm:s3], $0xF7A  }
0x26: {  	[smem:$0x3F9F] =	sst s1;
	(tag) =	ssettag s2;
	_ =	strace s9  }
0x27: {  	s1 =	sld [smem:$0x3FAF]  }
0x28: {  	s2 =	sld [smem:$0x3FB0]  }
0x29: {  	s4 =	sld [smem:$0x3FB2]  }
0x2a: {  	p0 =	seq.s32 s5, $0x0;
	s5 =	sld [smem:$0x3FB3]  }
0x2b: {  	s6 =	sld [smem:$0x3FB4]  }
0x2c: {  	s7 =	sld [smem:$0x3FB5]  }
0x2d: {  	s3 =	simm.s32 $0x108;
	s8 =	sld [smem:$0x3FB6]  }
0x2e: {  	s3 =	simm.s32 @!p0 $0x1082;
	s9 =	sld [smem:$0x3FB7]  }
0x2f: {  	lr =	sadd.s32 s0, s3;
	s0 =	sld [smem:$0x3FAE]  }
0x30: {  	s3 =	sld [smem:$0x3FB1]  }
0x31: {  	[smem:$0x3FBA] =	sst s10  }
0x32: {  	s10 =	sld [smem:$0x3FB8];
	_ =	sdelay $0x3  }
0x33: {  	p0 =	seq.s32 s10, $0x1;
	s10 =	sld [smem:$0x3FBA];
	_ =	sdelay $0x3  }
0x34: {  	[smem:$0x3FBA] =	sst s10  }
0x35: {  	s10 =	sld [smem:$0x3FB9];
	_ =	sdelay $0x3  }
0x36: {  	p1 =	seq.s32 s10, $0x1;
	s10 =	sld [smem:$0x3FBA];
	_ =	sdelay $0x3  }
0x37: {  	[smem:$0x3FBA] =	sst s10  }
0x38: {  	s10 =	sld [smem:$0x3FBB]  }
0x39: {  	_ = 	snop;
	(pc) =	sbr.ind lr, $3  }
0x3a: {  	_ = 	snop  }
0x3b: {  	_ = 	snop  }
0x3c: {  	p2 =	seq.s32 s10, $0x1;
	s10 =	sld [smem:$0x3FBA]  }
0x3d: {  	_ =	shalt  }
0x3e: {  	_ =	shalt  }
0x3f: {  	_ =	shalt  }
0x40: {  	_ =	shalt  }
0x41: {  	_ =	shalt  }
0x42: {  	_ =	shalt  }
0x43: {  	_ =	shalt  }
0x44: {  	_ =	shalt  }
0x45: {  	_ =	shalt  }
0x46: {  	_ =	shalt  }
0x47: {  	_ =	shalt  }
0x48: {  	_ =	shalt  }
0x49: {  	_ =	shalt  }
0x4a: {  	_ =	shalt  }
0x4b: {  	_ =	shalt  }
0x4c: {  	_ =	shalt  }
0x4d: {  	_ =	shalt  }
0x4e: {  	_ =	shalt  }
0x4f: {  	_ =	shalt  }
0x50: {  	_ =	shalt  }
0x51: {  	_ =	shalt  }
0x52: {  	_ =	shalt  }
0x53: {  	_ =	shalt  }
0x54: {  	_ =	shalt  }
0x55: {  	_ =	shalt  }
0x56: {  	_ =	shalt  }
0x57: {  	_ =	shalt  }
0x58: {  	_ =	shalt  }
0x59: {  	_ =	shalt  }
0x5a: {  	_ =	shalt  }
0x5b: {  	_ =	shalt  }
0x5c: {  	_ =	shalt  }
0x5d: {  	_ =	shalt  }
0x5e: {  	_ =	shalt  }
0x5f: {  	_ =	shalt  }
0x60: {  	_ =	shalt  }
0x61: {  	_ =	shalt  }
0x62: {  	_ =	shalt  }
0x63: {  	_ =	shalt  }
0x64: {  	_ =	shalt  }
0x65: {  	_ =	shalt  }
0x66: {  	_ =	shalt  }
0x67: {  	_ =	shalt  }
0x68: {  	_ =	shalt  }
0x69: {  	_ =	shalt  }
0x6a: {  	_ =	shalt  }
0x6b: {  	_ =	shalt  }
0x6c: {  	_ =	shalt  }
0x6d: {  	_ =	shalt  }
0x6e: {  	_ =	shalt  }
0x6f: {  	_ =	shalt  }
0x70: {  	_ =	shalt  }
0x71: {  	_ =	shalt  }
0x72: {  	_ =	shalt  }
0x73: {  	_ =	shalt  }
0x74: {  	_ =	shalt  }
0x75: {  	_ =	shalt  }
0x76: {  	_ =	shalt  }
0x77: {  	_ =	shalt  }
0x78: {  	_ =	shalt  }
0x79: {  	_ =	shalt  }
0x7a: {  	_ =	shalt  }
0x7b: {  	_ =	shalt  }
0x7c: {  	_ =	shalt  }
0x7d: {  	_ =	shalt  }
0x7e: {  	_ =	shalt  }
0x7f: {  	_ =	shalt  }
0x80: {  	_ =	shalt  }
0x81: {  	_ =	shalt  }
0x82: {  	_ =	shalt  }
0x83: {  	_ =	shalt  }
0x84: {  	_ =	shalt  }
0x85: {  	_ =	shalt  }
0x86: {  	_ =	shalt  }
0x87: {  	_ =	shalt  }
.Lfunc_end0:
.L_simem_size_0:
called_computation_lowered:
.L_overlay_start_0:
0x88: {  	s2 =	sld [smem:$0x3FD9]  }
0x89: {  	s3 =	sld [smem:$0x3FFE];
	_ =	sdelay $0x1  }
0x8a: {  	s1 =	srdreg.scid  }
0x8b: {  	s0 =	sand.u32 $0x1, s1  }
0x8c: {  	s14 =	sshll.u32 s0, $0xA;
	s2 =	sadd.s32 s3, s2  }
0x8d: {  	s2 =	sadd.s32 s2, s14  }
0x8e: {  	[smem:$0x3FC6] =	sst s2  }
0x8f: {  	_ = 	snop  }
0x90: {  	s2 =	sld [smem:$0x3FD0];
	_ =	sdelay $0x2  }
0x91: {  	s15 =	simm.s32 $0xA;
	s4 =	simm.s32 $0x10  }
0x92: {  	[smem:s4], [sflag:s15] =	dma.local [hbm:s2], $0x1  }
0x93: {  	_ =	swait.eq [sflag:s15], $0x1  }
0x94: {  	[sflag:s15] =	ssyncset.done $0x0  }
0x95: {  	s16 =	sld [smem:$0x10];
	[sflag:s15] =	ssyncadd.s32 $0xFFFFFFFF  }
0x96: {  	s17 =	sld [smem:$0x11];
	(tm) =	ssettm $0x1  }
0x97: {  	s18 =	sld [smem:$0x3FFB];
	_ =	sdelay $0x3  }
0x98: {  	_ =	strace s18  }
0x99: {  	s4 =	sld [smem:$0x3FFC];
	_ =	sdelay $0x3  }
0x9a: {  	_ =	strace s4  }
0x9b: {  	s4 =	sld [smem:$0x3FFD];
	_ =	sdelay $0x3  }
0x9c: {  	_ =	strace s4  }
0x9d: {  	_ =	strace $0x8FFFFFFF  }
0x9e: {  	s19 =	sld [smem:$0x3FDB];
	_ =	sdelay $0x1  }
0x9f: {  	s5 =	simm.s32 $_scs_section_size  }
0xa0: {  	s6 =	simm.s32 $_size__tile_overlayer_lowered;
	s7 =	simm.s32 $_tile_overlayer_lowered  }
0xa1: {  	s22 =	simm.s32 $0x1BFF;
	s21 =	sshll.u32 s7, $0x1;
	s4 =	sadd.s32 s5, s19  }
0xa2: {  	s8 =	simm.s32 $0x0;
	s20 =	sshll.u32 s6, $0x1;
	s6 =	sadd.s32 s21, s4  }
0xa3: {  	[timem:s8], [sflag:s22] =	dma.local [hbm:s6], s20  }
0xa4: {  	_ =	swait.ge [sflag:s22], s20  }
0xa5: {  	s5 =	ssub.s32 $0x0, s20;
	[sflag:s22] =	ssyncset.done $0x0  }
0xa6: {  	[sflag:s22] =	ssyncadd.s32 s5;
	_ =	sdelay $0x1  }
0xa7: {  	s23 =	simm.s32 $0x1B8B  }
0xa8: {  	_ =	swait.ge [sflag:s23], $0x1  }
0xa9: {  	[sflag:s23] =	ssyncset.done $0x0  }
0xaa: {  	s25 =	simm.s32 $0x1B8E;
	s24 =	sld [smem:$0x3FFE];
	[sflag:s23] =	ssyncadd.s32 $0xFFFFFFFF  }
0xab: {  	s26 =	simm.s32 $execute0_lowered;
	[smem:$0x3FD2] =	sst s25  }
0xac: {  	s6 =	sshll.u32 s26, $0x1;
	_ =	strace $0x80000046;
	[dreg:$0x1] =	wrdreg $0xFFFFFFFF  }
0xad: {  	s28 =	simm.s32 $_size_execute0_lowered;
	s4 =	sadd.s32 s4, s6;
	[dreg:$0x0] =	wrdreg $0x0  }
0xae: {  	s6 =	sshll.u32 s28, $0x1;
	[dreg:$0x2] =	wrdreg s4  }
0xaf: {  	[dreg:$0x3] =	wrdreg s6  }
0xb0: {  	[dreg:$0x4] =	wrdreg $0xC0  }
0xb1: {  	_ =	task [dreg:s8], $0x5FFFF  }
0xb2: {  	[dreg:$0x1] =	wrdreg $0xFFFFFFFF  }
0xb3: {  	[dreg:$0x0] =	wrdreg $0x60  }
0xb4: {  	[dreg:$0x2] =	wrdreg s16  }
0xb5: {  	[dreg:$0x3] =	wrdreg s17  }
0xb6: {  	[dreg:$0x4] =	wrdreg s24  }
0xb7: {  	[dreg:$0x5] =	wrdreg $0x9  }
0xb8: {  	_ =	task.clear_ibuf [dreg:s8], $0x6FFFF;
	_ =	strace $0x90000046  }
0xb9: {  	s29 =	simm.s32 $0x9;
	_ =	strace $0x80000048  }
0xba: {  	_ =	swait.ge [sflag:s29], $0x1  }
0xbb: {  	[sflag:s29] =	ssyncadd.s32 $0xFFFFFFFF  }
0xbc: {  	_ =	strace $0x90000048  }
0xbd: {  	_ =	sfence  }
0xbe: {  	s30 =	sld [smem:$0x0];
	_ =	sdelay $0x2  }
0xbf: {  	s31 =	sshll.u32 s1, $0xD;
	s1 =	sshrl.u32 s1, $0x2  }
0xc0: {  	s3 =	sand.u32 $0x4000, s31;
	s1 =	sadd.s32 s1, s30  }
0xc1: {  	s0 =	sor.u32 s3, s0;
	s1 =	sshll.u32 s1, $0x11  }
0xc2: {  	s0 =	sor.u32 s1, s0  }
0xc3: {  	s0 =	sadd.s32 $0x8F2B, s0  }
0xc4: {  	[sflag:s0] =	ssyncadd.remote.s32 $0x1  }
0xc5: {  	_ =	sfence.sel $0xFFFF  }
0xc6: {  	[dreg:$0x0] =	wrdreg $0xFFFFFFFF;
	(pc) =	sbr.abs _section_cstart, $3  }
0xc7: {  	[dreg:$0x1] =	wrdreg $0xFFFFFFFF  }
0xc8: {  	_ =	task.clear_ibuf [dreg:s8], $0x2FFFF;
	_ =	strace $0x9FFFFFFF  }
0xc9: {  	(tm) =	ssettm $0x7FFFFFFF  }
tec
execute0_lowered:
.L_overlay_start_1:
0x0: {  	(tag) =	ssettag $0x1  }
0x1: {  	s1 =	srdreg.scid  }
0x2: {  	s0 =	stileid.u32;
	s2 =	rddreg [dreg:$0x0]  }
0x3: {  	s5 =	rddreg [dreg:$0x1];
	s1 =	sand.u32 $0x1, s1;
	s3 =	sshll.u32 s0, $0x1  }
0x4: {  	s7 =	rddreg [dreg:$0x2];
	s4 =	sor.u32 s1, s3;
	s3 =	simm.s32 $0x0  }
0x5: {  	s12 =	simm.s32 $0xA00;
	[smem:$0x7FF] =	sst s3  }
0x6: {  	s13 =	simm.s32 $0x1200;
	_ =	strace $0x80000047;
	[dreg:$0x7] =	wrdreg s12  }
0x7: {  	s14 =	simm.s32 $0x1A00;
	[dreg:$0x8] =	wrdreg s13  }
0x8: {  	s15 =	simm.s32 $0x2200;
	[dreg:$0x9] =	wrdreg s14  }
0x9: {  	s16 =	simm.s32 $0x2A00;
	[dreg:$0xa] =	wrdreg s15  }
0xa: {  	s17 =	simm.s32 $0x3200;
	[dreg:$0xb] =	wrdreg s16  }
0xb: {  	s18 =	simm.s32 $0x3A00;
	[dreg:$0xc] =	wrdreg s17  }
0xc: {  	s19 =	simm.s32 $0x4200;
	s20 =	simm.s32 $0x4A00;
	[dreg:$0xd] =	wrdreg s18  }
0xd: {  	s21 =	simm.s32 $0x5200;
	s22 =	simm.s32 $0x5A00;
	[dreg:$0xe] =	wrdreg s19  }
0xe: {  	s24 =	simm.s32 $0x80;
	s25 =	simm.s32 $0x6200;
	[dreg:$0xf] =	wrdreg s20  }
0xf: {  	s26 =	simm.s32 $0x6A00;
	s28 =	simm.s32 $0x10200;
	[dreg:$0x10] =	wrdreg s21  }
0x10: {  	s29 =	simm.s32 $0x10A00;
	s30 =	simm.s32 $0x11200;
	[dreg:$0x11] =	wrdreg s22  }
0x11: {  	s31 =	simm.s32 $0x11A00;
	s1 =	ssub.s32 $0x2, s1;
	[dreg:$0x12] =	wrdreg s24  }
0x12: {  	s6 =	smul.u32 $0x120, s4;
	s23 =	sshrl.u32 s1, $0x1;
	[dreg:$0x13] =	wrdreg s25  }
0x13: {  	s8 =	smul.u32 $0x2400, s4;
	s1 =	ssub.s32 s1, s23;
	[dreg:$0x14] =	wrdreg s26  }
0x14: {  	s12 =	simm.s32 $0x9200;
	s13 =	simm.s32 $0x9A00;
	s14 =	simm.s32 $0xA200  }
0x15: {  	s15 =	simm.s32 $0xAA00;
	s16 =	simm.s32 $0xB200;
	s17 =	simm.s32 $0xBA00  }
0x16: {  	s18 =	simm.s32 $0x100;
	s19 =	simm.s32 $0xC200;
	s20 =	simm.s32 $0xCA00  }
0x17: {  	s21 =	simm.s32 $0xD200;
	s22 =	simm.s32 $0xDA00;
	s23 =	simm.s32 $0xE200  }
0x18: {  	s24 =	simm.s32 $0xEA00;
	s6 =	sshrl.u32 s6, $0x3;
	s9 =	sadd.s32 s8, s7  }
0x19: {  	s25 =	simm.s32 $0xF200;
	s4 =	sadd.s32 s5, s6;
	s11 =	sadd.s32 $0x4600, s9  }
0x1a: {  	s26 =	simm.s32 $0xFA00;
	s5 =	sadd.s32 $0xC, s4;
	[dreg:$0x6] =	wrdreg s11  }
0x1b: {  	v2 =	vlaneseq.u32;
	s7 =	simm.s32 $0x200;
	s10 =	sadd.s32 $0x18, s4;
	[dreg:$0x4] =	wrdreg s5  }
0x1c: {  	vm0 =	vmmov $0xffff;
	v1 =	vshrl.u32 v2, $0x3;
	s6 =	simm.s32 $0x2;
	s11 =	simm.s32 $0x8A00;
	[dreg:$0x5] =	wrdreg s10  }
0x1d: {  	v0 =	vand.u32 $0x7, v2;
	v2 =	vor.u32 $0x8, v2;
	v1 =	vmul.u32 $0x8, v1;
	s5 =	smax.u32 s1, $0x1;
	s10 =	simm.s32 $0x8200;
	s1 =	simm.s32 $0x1  }
.LBB2_1:
0x1e: {  	[tilespmem:s3], [sflag:$0x2] =	stream.linear.gather [hbm4b:s4+s3], $0x60, $0x38;
	[tilespmem:$0x12200] =	vst v63  }
0x1f: {  	_ =	swait.ge [sflag:s6], $0x60  }
0x20: {  	[sflag:s6] =	ssyncset.done $0x0  }
0x21: {  	[sflag:s6] =	ssyncadd.s32 $0xFFFFFFA0  }
0x22: {  	v3 =	vld [tilespmem:$0x0];
	_ =	sdelay $0x4  }
0x23: {  	v4 =	vshll.u32 v3, $0x1  }
0x24: {  	v3 =	vand.u32 $0x7, v3;
	v4 =	vand.u32 $0xFFFFFFF0, v4  }
0x25: {  	v3 =	vor.u32 v3, v4  }
0x26: {  	v4 =	vperm.xlane v3, v0;
	_ =	sdelay $0x1  }
0x27: {  	v3 =	vperm.xlane v3, v2;
	v4 =	vadd.s32 v1, v4;
	_ =	sdelay $0x1  }
0x28: {  	v3 =	vadd.s32 v1, v3;
	_ =	sdelay $0x2  }
0x29: {  	[tilespmem:s7], [sflag:$0x1] =	stream.indirect_vreg.gather [hbm4b:s2+s3], $0x80, v4, vm0, $0xb8;
	[tilespmem:$0x12200] =	vst v63  }
0x2a: {  	s0 =	rddreg [dreg:$0x7]  }
0x2b: {  	[tilespmem:s0], [sflag:$0x1] =	stream.indirect_vreg.gather [hbm4b:s2+s3], $0x80, v3, vm0, $0xb8;
	[tilespmem:$0x12200] =	vst v63  }
0x2c: {  	v3 =	vld [tilespmem:$0x10];
	_ =	sdelay $0x4  }
0x2d: {  	v47 =	vshll.u32 v3, $0x1  }
0x2e: {  	v3 =	vand.u32 $0x7, v3;
	v4 =	vand.u32 $0xFFFFFFF0, v47  }
0x2f: {  	v3 =	vor.u32 v3, v4  }
0x30: {  	v4 =	vperm.xlane v3, v0;
	_ =	sdelay $0x1  }
0x31: {  	v3 =	vperm.xlane v3, v2;
	v4 =	vadd.s32 v1, v4;
	_ =	sdelay $0x1  }
0x32: {  	v3 =	vadd.s32 v1, v3;
	_ =	sdelay $0x1  }
0x33: {  	s9 =	rddreg [dreg:$0x8]  }
0x34: {  	[tilespmem:s9], [sflag:$0x1] =	stream.indirect_vreg.gather [hbm4b:s2+s3], $0x80, v4, vm0, $0xb8;
	[tilespmem:$0x12200] =	vst v63  }
0x35: {  	s8 =	rddreg [dreg:$0x9]  }
0x36: {  	[tilespmem:s8], [sflag:$0x1] =	stream.indirect_vreg.gather [hbm4b:s2+s3], $0x80, v3, vm0, $0xb8;
	[tilespmem:$0x12200] =	vst v63  }
0x37: {  	v3 =	vld [tilespmem:$0x20];
	_ =	sdelay $0x4  }
0x38: {  	v48 =	vshll.u32 v3, $0x1  }
0x39: {  	v3 =	vand.u32 $0x7, v3;
	v4 =	vand.u32 $0xFFFFFFF0, v48  }
0x3a: {  	v3 =	vor.u32 v3, v4  }
0x3b: {  	v4 =	vperm.xlane v3, v0;
	_ =	sdelay $0x1  }
0x3c: {  	v3 =	vperm.xlane v3, v2;
	v4 =	vadd.s32 v1, v4;
	_ =	sdelay $0x1  }
0x3d: {  	v3 =	vadd.s32 v1, v3;
	_ =	sdelay $0x1  }
0x3e: {  	s8 =	rddreg [dreg:$0xa]  }
0x3f: {  	[tilespmem:s8], [sflag:$0x1] =	stream.indirect_vreg.gather [hbm4b:s2+s3], $0x80, v4, vm0, $0xb8;
	[tilespmem:$0x12200] =	vst v63  }
0x40: {  	s9 =	rddreg [dreg:$0xb]  }
0x41: {  	[tilespmem:s9], [sflag:$0x1] =	stream.indirect_vreg.gather [hbm4b:s2+s3], $0x80, v3, vm0, $0xb8;
	[tilespmem:$0x12200] =	vst v63  }
0x42: {  	v3 =	vld [tilespmem:$0x30];
	_ =	sdelay $0x4  }
0x43: {  	v49 =	vshll.u32 v3, $0x1  }
0x44: {  	v3 =	vand.u32 $0x7, v3;
	v4 =	vand.u32 $0xFFFFFFF0, v49  }
0x45: {  	v3 =	vor.u32 v3, v4  }
0x46: {  	v4 =	vperm.xlane v3, v0;
	_ =	sdelay $0x1  }
0x47: {  	v3 =	vperm.xlane v3, v2;
	v4 =	vadd.s32 v1, v4;
	_ =	sdelay $0x1  }
0x48: {  	v3 =	vadd.s32 v1, v3;
	_ =	sdelay $0x1  }
0x49: {  	s8 =	rddreg [dreg:$0xc]  }
0x4a: {  	[tilespmem:s8], [sflag:$0x1] =	stream.indirect_vreg.gather [hbm4b:s2+s3], $0x80, v4, vm0, $0xb8;
	[tilespmem:$0x12200] =	vst v63  }
0x4b: {  	s9 =	rddreg [dreg:$0xd]  }
0x4c: {  	[tilespmem:s9], [sflag:$0x1] =	stream.indirect_vreg.gather [hbm4b:s2+s3], $0x80, v3, vm0, $0xb8;
	[tilespmem:$0x12200] =	vst v63  }
0x4d: {  	v3 =	vld [tilespmem:$0x40];
	_ =	sdelay $0x4  }
0x4e: {  	v50 =	vshll.u32 v3, $0x1  }
0x4f: {  	v3 =	vand.u32 $0x7, v3;
	v4 =	vand.u32 $0xFFFFFFF0, v50  }
0x50: {  	v3 =	vor.u32 v3, v4  }
0x51: {  	v4 =	vperm.xlane v3, v0;
	_ =	sdelay $0x1  }
0x52: {  	v3 =	vperm.xlane v3, v2;
	v4 =	vadd.s32 v1, v4;
	_ =	sdelay $0x1  }
0x53: {  	v3 =	vadd.s32 v1, v3;
	_ =	sdelay $0x1  }
0x54: {  	s8 =	rddreg [dreg:$0xe]  }
0x55: {  	[tilespmem:s8], [sflag:$0x1] =	stream.indirect_vreg.gather [hbm4b:s2+s3], $0x80, v4, vm0, $0xb8;
	[tilespmem:$0x12200] =	vst v63  }
0x56: {  	s9 =	rddreg [dreg:$0xf]  }
0x57: {  	[tilespmem:s9], [sflag:$0x1] =	stream.indirect_vreg.gather [hbm4b:s2+s3], $0x80, v3, vm0, $0xb8;
	[tilespmem:$0x12200] =	vst v63  }
0x58: {  	v3 =	vld [tilespmem:$0x50];
	_ =	sdelay $0x4  }
0x59: {  	v51 =	vshll.u32 v3, $0x1  }
0x5a: {  	v3 =	vand.u32 $0x7, v3;
	v4 =	vand.u32 $0xFFFFFFF0, v51  }
0x5b: {  	v3 =	vor.u32 v3, v4  }
0x5c: {  	v4 =	vperm.xlane v3, v0;
	_ =	sdelay $0x1  }
0x5d: {  	v3 =	vperm.xlane v3, v2;
	v4 =	vadd.s32 v1, v4;
	_ =	sdelay $0x1  }
0x5e: {  	v3 =	vadd.s32 v1, v3  }
0x5f: {  	s0 =	rddreg [dreg:$0x11]  }
0x60: {  	s9 =	rddreg [dreg:$0x10]  }
0x61: {  	[tilespmem:s9], [sflag:$0x1] =	stream.indirect_vreg.gather [hbm4b:s2+s3], $0x80, v4, vm0, $0xb8;
	[tilespmem:$0x12200] =	vst v63  }
0x62: {  	s8 =	rddreg [dreg:$0x4]  }
0x63: {  	[tilespmem:s0], [sflag:$0x1] =	stream.indirect_vreg.gather [hbm4b:s2+s3], $0x80, v3, vm0, $0xb8;
	[tilespmem:$0x12200] =	vst v63  }
0x64: {  	s9 =	rddreg [dreg:$0x12]  }
0x65: {  	[tilespmem:s9], [sflag:$0x2] =	stream.linear.gather [hbm4b:s8+s3], $0x60, $0x38;
	[tilespmem:$0x12200] =	vst v63  }
0x66: {  	_ =	swait.ge [sflag:s6], $0x60  }
0x67: {  	[sflag:s6] =	ssyncset.done $0x0  }
0x68: {  	[sflag:s6] =	ssyncadd.s32 $0xFFFFFFA0  }
0x69: {  	v3 =	vld [tilespmem:$0x80];
	_ =	sdelay $0x4  }
0x6a: {  	v52 =	vshll.u32 v3, $0x1  }
0x6b: {  	v3 =	vand.u32 $0x7, v3;
	v4 =	vand.u32 $0xFFFFFFF0, v52  }
0x6c: {  	v3 =	vor.u32 v3, v4  }
0x6d: {  	v4 =	vperm.xlane v3, v0;
	_ =	sdelay $0x1  }
0x6e: {  	v3 =	vperm.xlane v3, v2;
	v4 =	vadd.s32 v1, v4;
	_ =	sdelay $0x1  }
0x6f: {  	v3 =	vadd.s32 v1, v3;
	_ =	sdelay $0x1  }
0x70: {  	s8 =	rddreg [dreg:$0x13]  }
0x71: {  	[tilespmem:s8], [sflag:$0x1] =	stream.indirect_vreg.gather [hbm4b:s2+s3], $0x80, v4, vm0, $0xb8;
	[tilespmem:$0x12200] =	vst v63  }
0x72: {  	s9 =	rddreg [dreg:$0x14]  }
0x73: {  	[tilespmem:s9], [sflag:$0x1] =	stream.indirect_vreg.gather [hbm4b:s2+s3], $0x80, v3, vm0, $0xb8;
	[tilespmem:$0x12200] =	vst v63  }
0x74: {  	v3 =	vld [tilespmem:$0x90];
	_ =	sdelay $0x4  }
0x75: {  	v53 =	vshll.u32 v3, $0x1  }
0x76: {  	v3 =	vand.u32 $0x7, v3;
	v4 =	vand.u32 $0xFFFFFFF0, v53  }
0x77: {  	v3 =	vor.u32 v3, v4  }
0x78: {  	v4 =	vperm.xlane v3, v0;
	_ =	sdelay $0x1  }
0x79: {  	v3 =	vperm.xlane v3, v2;
	v4 =	vadd.s32 v1, v4;
	_ =	sdelay $0x1  }
0x7a: {  	v3 =	vadd.s32 v1, v3;
	_ =	sdelay $0x1  }
0x7b: {  	s8 =	simm.s32 $0x7200  }
0x7c: {  	[tilespmem:s8], [sflag:$0x1] =	stream.indirect_vreg.gather [hbm4b:s2+s3], $0x80, v4, vm0, $0xb8;
	[tilespmem:$0x12200] =	vst v63  }
0x7d: {  	s9 =	simm.s32 $0x7A00  }
0x7e: {  	[tilespmem:s9], [sflag:$0x1] =	stream.indirect_vreg.gather [hbm4b:s2+s3], $0x80, v3, vm0, $0xb8;
	[tilespmem:$0x12200] =	vst v63  }
0x7f: {  	v3 =	vld [tilespmem:$0xA0];
	_ =	sdelay $0x4  }
0x80: {  	v54 =	vshll.u32 v3, $0x1  }
0x81: {  	v3 =	vand.u32 $0x7, v3;
	v4 =	vand.u32 $0xFFFFFFF0, v54  }
0x82: {  	v3 =	vor.u32 v3, v4  }
0x83: {  	v4 =	vperm.xlane v3, v0;
	_ =	sdelay $0x1  }
0x84: {  	v3 =	vperm.xlane v3, v2;
	v4 =	vadd.s32 v1, v4;
	_ =	sdelay $0x1  }
0x85: {  	v3 =	vadd.s32 v1, v3;
	_ =	sdelay $0x2  }
0x86: {  	[tilespmem:s10], [sflag:$0x1] =	stream.indirect_vreg.gather [hbm4b:s2+s3], $0x80, v4, vm0, $0xb8;
	[tilespmem:$0x12200] =	vst v63  }
0x87: {  	_ = 	snop  }
0x88: {  	[tilespmem:s11], [sflag:$0x1] =	stream.indirect_vreg.gather [hbm4b:s2+s3], $0x80, v3, vm0, $0xb8;
	[tilespmem:$0x12200] =	vst v63  }
0x89: {  	v3 =	vld [tilespmem:$0xB0];
	_ =	sdelay $0x4  }
0x8a: {  	v55 =	vshll.u32 v3, $0x1  }
0x8b: {  	v3 =	vand.u32 $0x7, v3;
	v4 =	vand.u32 $0xFFFFFFF0, v55  }
0x8c: {  	v3 =	vor.u32 v3, v4  }
0x8d: {  	v4 =	vperm.xlane v3, v0;
	_ =	sdelay $0x1  }
0x8e: {  	v3 =	vperm.xlane v3, v2;
	v4 =	vadd.s32 v1, v4;
	_ =	sdelay $0x1  }
0x8f: {  	v3 =	vadd.s32 v1, v3;
	_ =	sdelay $0x2  }
0x90: {  	[tilespmem:s12], [sflag:$0x1] =	stream.indirect_vreg.gather [hbm4b:s2+s3], $0x80, v4, vm0, $0xb8;
	[tilespmem:$0x12200] =	vst v63  }
0x91: {  	_ = 	snop  }
0x92: {  	[tilespmem:s13], [sflag:$0x1] =	stream.indirect_vreg.gather [hbm4b:s2+s3], $0x80, v3, vm0, $0xb8;
	[tilespmem:$0x12200] =	vst v63  }
0x93: {  	v3 =	vld [tilespmem:$0xC0];
	_ =	sdelay $0x4  }
0x94: {  	v56 =	vshll.u32 v3, $0x1  }
0x95: {  	v3 =	vand.u32 $0x7, v3;
	v4 =	vand.u32 $0xFFFFFFF0, v56  }
0x96: {  	v3 =	vor.u32 v3, v4  }
0x97: {  	v4 =	vperm.xlane v3, v0;
	_ =	sdelay $0x1  }
0x98: {  	v3 =	vperm.xlane v3, v2;
	v4 =	vadd.s32 v1, v4;
	_ =	sdelay $0x1  }
0x99: {  	v3 =	vadd.s32 v1, v3;
	_ =	sdelay $0x2  }
0x9a: {  	[tilespmem:s14], [sflag:$0x1] =	stream.indirect_vreg.gather [hbm4b:s2+s3], $0x80, v4, vm0, $0xb8;
	[tilespmem:$0x12200] =	vst v63  }
0x9b: {  	_ = 	snop  }
0x9c: {  	[tilespmem:s15], [sflag:$0x1] =	stream.indirect_vreg.gather [hbm4b:s2+s3], $0x80, v3, vm0, $0xb8;
	[tilespmem:$0x12200] =	vst v63  }
0x9d: {  	v3 =	vld [tilespmem:$0xD0];
	_ =	sdelay $0x4  }
0x9e: {  	v57 =	vshll.u32 v3, $0x1  }
0x9f: {  	v3 =	vand.u32 $0x7, v3;
	v4 =	vand.u32 $0xFFFFFFF0, v57  }
0xa0: {  	v3 =	vor.u32 v3, v4  }
0xa1: {  	v4 =	vperm.xlane v3, v0;
	_ =	sdelay $0x1  }
0xa2: {  	v3 =	vperm.xlane v3, v2;
	v4 =	vadd.s32 v1, v4;
	_ =	sdelay $0x1  }
0xa3: {  	v3 =	vadd.s32 v1, v3;
	_ =	sdelay $0x2  }
0xa4: {  	[tilespmem:s16], [sflag:$0x1] =	stream.indirect_vreg.gather [hbm4b:s2+s3], $0x80, v4, vm0, $0xb8;
	[tilespmem:$0x12200] =	vst v63  }
0xa5: {  	_ = 	snop  }
0xa6: {  	[tilespmem:s17], [sflag:$0x1] =	stream.indirect_vreg.gather [hbm4b:s2+s3], $0x80, v3, vm0, $0xb8;
	[tilespmem:$0x12200] =	vst v63  }
0xa7: {  	s8 =	rddreg [dreg:$0x5]  }
0xa8: {  	[tilespmem:s18], [sflag:$0x2] =	stream.linear.gather [hbm4b:s8+s3], $0x60, $0x38;
	[tilespmem:$0x12200] =	vst v63  }
0xa9: {  	_ =	swait.ge [sflag:s6], $0x60  }
0xaa: {  	[sflag:s6] =	ssyncset.done $0x0  }
0xab: {  	[sflag:s6] =	ssyncadd.s32 $0xFFFFFFA0  }
0xac: {  	v3 =	vld [tilespmem:$0x100];
	_ =	sdelay $0x4  }
0xad: {  	v58 =	vshll.u32 v3, $0x1  }
0xae: {  	v3 =	vand.u32 $0x7, v3;
	v4 =	vand.u32 $0xFFFFFFF0, v58  }
0xaf: {  	v3 =	vor.u32 v3, v4  }
0xb0: {  	v4 =	vperm.xlane v3, v0;
	_ =	sdelay $0x1  }
0xb1: {  	v3 =	vperm.xlane v3, v2;
	v4 =	vadd.s32 v1, v4;
	_ =	sdelay $0x1  }
0xb2: {  	v3 =	vadd.s32 v1, v3;
	_ =	sdelay $0x2  }
0xb3: {  	[tilespmem:s19], [sflag:$0x1] =	stream.indirect_vreg.gather [hbm4b:s2+s3], $0x80, v4, vm0, $0xb8;
	[tilespmem:$0x12200] =	vst v63  }
0xb4: {  	_ = 	snop  }
0xb5: {  	[tilespmem:s20], [sflag:$0x1] =	stream.indirect_vreg.gather [hbm4b:s2+s3], $0x80, v3, vm0, $0xb8;
	[tilespmem:$0x12200] =	vst v63  }
0xb6: {  	v3 =	vld [tilespmem:$0x110];
	_ =	sdelay $0x4  }
0xb7: {  	v59 =	vshll.u32 v3, $0x1  }
0xb8: {  	v3 =	vand.u32 $0x7, v3;
	v4 =	vand.u32 $0xFFFFFFF0, v59  }
0xb9: {  	v3 =	vor.u32 v3, v4  }
0xba: {  	v4 =	vperm.xlane v3, v0;
	_ =	sdelay $0x1  }
0xbb: {  	v3 =	vperm.xlane v3, v2;
	v4 =	vadd.s32 v1, v4;
	_ =	sdelay $0x1  }
0xbc: {  	v3 =	vadd.s32 v1, v3;
	_ =	sdelay $0x2  }
0xbd: {  	[tilespmem:s21], [sflag:$0x1] =	stream.indirect_vreg.gather [hbm4b:s2+s3], $0x80, v4, vm0, $0xb8;
	[tilespmem:$0x12200] =	vst v63  }
0xbe: {  	_ = 	snop  }
0xbf: {  	[tilespmem:s22], [sflag:$0x1] =	stream.indirect_vreg.gather [hbm4b:s2+s3], $0x80, v3, vm0, $0xb8;
	[tilespmem:$0x12200] =	vst v63  }
0xc0: {  	v3 =	vld [tilespmem:$0x120];
	_ =	sdelay $0x4  }
0xc1: {  	v60 =	vshll.u32 v3, $0x1  }
0xc2: {  	v3 =	vand.u32 $0x7, v3;
	v4 =	vand.u32 $0xFFFFFFF0, v60  }
0xc3: {  	v3 =	vor.u32 v3, v4  }
0xc4: {  	v4 =	vperm.xlane v3, v0;
	_ =	sdelay $0x1  }
0xc5: {  	v3 =	vperm.xlane v3, v2;
	v4 =	vadd.s32 v1, v4;
	_ =	sdelay $0x1  }
0xc6: {  	v3 =	vadd.s32 v1, v3;
	_ =	sdelay $0x2  }
0xc7: {  	[tilespmem:s23], [sflag:$0x1] =	stream.indirect_vreg.gather [hbm4b:s2+s3], $0x80, v4, vm0, $0xb8;
	[tilespmem:$0x12200] =	vst v63  }
0xc8: {  	_ = 	snop  }
0xc9: {  	[tilespmem:s24], [sflag:$0x1] =	stream.indirect_vreg.gather [hbm4b:s2+s3], $0x80, v3, vm0, $0xb8;
	[tilespmem:$0x12200] =	vst v63  }
0xca: {  	v3 =	vld [tilespmem:$0x130];
	_ =	sdelay $0x4  }
0xcb: {  	v61 =	vshll.u32 v3, $0x1  }
0xcc: {  	v3 =	vand.u32 $0x7, v3;
	v4 =	vand.u32 $0xFFFFFFF0, v61  }
0xcd: {  	v3 =	vor.u32 v3, v4  }
0xce: {  	v4 =	vperm.xlane v3, v0;
	_ =	sdelay $0x1  }
0xcf: {  	v3 =	vperm.xlane v3, v2;
	v4 =	vadd.s32 v1, v4;
	_ =	sdelay $0x1  }
0xd0: {  	v3 =	vadd.s32 v1, v3;
	_ =	sdelay $0x2  }
0xd1: {  	[tilespmem:s25], [sflag:$0x1] =	stream.indirect_vreg.gather [hbm4b:s2+s3], $0x80, v4, vm0, $0xb8;
	[tilespmem:$0x12200] =	vst v63  }
0xd2: {  	_ = 	snop  }
0xd3: {  	[tilespmem:s26], [sflag:$0x1] =	stream.indirect_vreg.gather [hbm4b:s2+s3], $0x80, v3, vm0, $0xb8;
	[tilespmem:$0x12200] =	vst v63  }
0xd4: {  	v3 =	vld [tilespmem:$0x140];
	_ =	sdelay $0x4  }
0xd5: {  	v62 =	vshll.u32 v3, $0x1  }
0xd6: {  	v3 =	vand.u32 $0x7, v3;
	v4 =	vand.u32 $0xFFFFFFF0, v62  }
0xd7: {  	v3 =	vor.u32 v3, v4  }
0xd8: {  	v4 =	vperm.xlane v3, v0;
	_ =	sdelay $0x1  }
0xd9: {  	v3 =	vperm.xlane v3, v2;
	v4 =	vadd.s32 v1, v4;
	_ =	sdelay $0x1  }
0xda: {  	v3 =	vadd.s32 v1, v3;
	_ =	sdelay $0x2  }
0xdb: {  	[tilespmem:s28], [sflag:$0x1] =	stream.indirect_vreg.gather [hbm4b:s2+s3], $0x80, v4, vm0, $0xb8;
	[tilespmem:$0x12200] =	vst v63  }
0xdc: {  	_ = 	snop  }
0xdd: {  	[tilespmem:s29], [sflag:$0x1] =	stream.indirect_vreg.gather [hbm4b:s2+s3], $0x80, v3, vm0, $0xb8;
	[tilespmem:$0x12200] =	vst v63  }
0xde: {  	v3 =	vld [tilespmem:$0x150];
	_ =	sdelay $0x4  }
0xdf: {  	v63 =	vshll.u32 v3, $0x1  }
0xe0: {  	v3 =	vand.u32 $0x7, v3;
	v4 =	vand.u32 $0xFFFFFFF0, v63  }
0xe1: {  	v3 =	vor.u32 v3, v4  }
0xe2: {  	v4 =	vperm.xlane v3, v0;
	_ =	sdelay $0x1  }
0xe3: {  	v3 =	vperm.xlane v3, v2;
	v4 =	vadd.s32 v1, v4;
	_ =	sdelay $0x1  }
0xe4: {  	v3 =	vadd.s32 v1, v3;
	_ =	sdelay $0x2  }
0xe5: {  	[tilespmem:s30], [sflag:$0x1] =	stream.indirect_vreg.gather [hbm4b:s2+s3], $0x80, v4, vm0, $0xb8;
	[tilespmem:$0x12200] =	vst v63  }
0xe6: {  	_ = 	snop  }
0xe7: {  	[tilespmem:s31], [sflag:$0x1] =	stream.indirect_vreg.gather [hbm4b:s2+s3], $0x80, v3, vm0, $0xb8;
	[tilespmem:$0x12200] =	vst v63  }
0xe8: {  	_ =	swait.ge [sflag:s1], $0x6000  }
0xe9: {  	[sflag:s1] =	ssyncset.done $0x0  }
0xea: {  	[sflag:s1] =	ssyncadd.s32 $0xFFFFA000  }
0xeb: {  	_ =	swait.ge [sflag:s1], $0x6000  }
0xec: {  	[sflag:s1] =	ssyncset.done $0x0  }
0xed: {  	[sflag:s1] =	ssyncadd.s32 $0xFFFFA000  }
0xee: {  	_ =	swait.ge [sflag:s1], $0x6000  }
0xef: {  	p0 =	sne.s32 s5, $0x1;
	[sflag:s1] =	ssyncset.done $0x0  }
.Ltmp0:
0xf0: {  	s9 =	rddreg [dreg:$0x6];
	[sflag:s1] =	ssyncadd.s32 $0xFFFFA000;
	(pc) =	sbr.rel @p0 .LBB2_1-.Ltmp0, $4  }
0xf1: {  	[hbm4b:s9+s3] =	stream.linear.scatter [tilespmem:s7], [sflag:$0x2], $0x12000, $0x38;
	[tilespmem:$0x12200] =	vst v63  }
0xf2: {  	_ =	swait.ge [sflag:s6], $0x12000  }
0xf3: {  	[sflag:s6] =	ssyncset.done $0x0  }
0xf4: {  	s5 =	sadd.s32 $0xFFFFFFFF, s5;
	[sflag:s6] =	ssyncadd.s32 $0xFFFEE000  }
0xf5: {  	_ =	sfence.sel $0x180000  }
0xf6: {  	[bflag:$0x0] =	sbarrier.arrive $0xFFFF  }
0xf7: {  	_ =	strace $0x90000047  }
0xf8: {  	s0 =	stileid.u32;
	[bflag:$0x2] =	sbarrier.arrive $0xFFFF  }
0xf9: {  	p0 =	sne.s32 s0, $0x0;
	s0 =	rddreg [dreg:$0x3]  }
0xfa: {  	s0 =	sadd.s32 @!p0 $0x100000, s0  }
0xfb: {  	[sflag:s0] =	ssyncadd.tile.s32 @!p0 $0x1;
	_ =	shalt  }
.Lfunc_end2:
_tile_overlayer_lowered:
.L_overlay_start_2:
0xfc: {  	(tag) =	ssettag $0x2  }
0xfd: {  	s0 =	rddreg [dreg:$0x0];
	s2 =	stileid.u32  }
0xfe: {  	s1 =	rddreg [dreg:$0x1];
	p0 =	sne.s32 s2, $0x0  }
0xff: {  	s3 =	rddreg [dreg:$0x2];
	[bflag:$0x3] =	sbarrier.arrive $0xFFFF;
	s2 =	simm.s32 @!p0 $0x1C02  }
0x100: {  	[timem:s3], [sflag:s2] =	dma.local @!p0 [hbm:s0], s1  }
0x101: {  	s0 =	simm.s32 @!p0 $0x2  }
0x102: {  	_ =	swait.ge @!p0 [sflag:s0], s1  }
0x103: {  	s1 =	ssub.s32 @!p0 $0x0, s1;
	[sflag:s0] =	ssyncset.done @!p0 $0x0  }
0x104: {  	[sflag:s0] =	ssyncadd.s32 @!p0 s1  }
0x105: {  	[bflag:$0x3] =	sbarrier.arrive $0xFFFF  }
0x106: {  	_ =	shalt  }

// kernel: kernel.14.cloned.1.call-start
scs
__scs_entry_jumppad:
0x0: {  	(pc) =	sbr.rel $0x88, $3  }
0x1: {  	(tag) =	ssettag $0x0;
	lr =	simm.s32 $0x1  }
0x2: {  	[smem:$0x3F9F] =	sst lr;
	_ =	strace $0xD0000000  }
0x3: {  	_ = 	snop  }
0x4: {  	_ = 	snop  }
0x5: {  	_ = 	snop  }
0x6: {  	_ = 	snop  }
0x7: {  	_ = 	snop  }
__scs_overlays_trampoline_lowered:
0x8: {  	[smem:$0x3FAE] =	sst s0  }
0x9: {  	[smem:$0x3FAF] =	sst s1  }
0xa: {  	[smem:$0x3FB0] =	sst s2  }
0xb: {  	[smem:$0x3FB1] =	sst s3  }
0xc: {  	[smem:$0x3FB2] =	sst s4  }
0xd: {  	[smem:$0x3FB3] =	sst s5  }
0xe: {  	[smem:$0x3FB4] =	sst s6  }
0xf: {  	[smem:$0x3FB5] =	sst s7  }
0x10: {  	[smem:$0x3FB6] =	sst s8  }
0x11: {  	[smem:$0x3FB7] =	sst s9;
	s0 =	simm.s32 @!p0 $0x0  }
0x12: {  	s1 =	sld [smem:$0x3F9D];
	s0 =	simm.s32 @p0 $0x1  }
0x13: {  	[smem:$0x3FB8] =	sst s0;
	s0 =	simm.s32 @!p1 $0x0  }
0x14: {  	s2 =	sld [smem:$0x3F9C];
	s0 =	simm.s32 @p1 $0x1  }
0x15: {  	[smem:$0x3FB9] =	sst s0;
	s0 =	simm.s32 @!p2 $0x0  }
0x16: {  	s3 =	sld [smem:$0x3FDB];
	s0 =	simm.s32 @p2 $0x1  }
0x17: {  	s4 =	simm.s32 $0x1BF5;
	[smem:$0x3FBB] =	sst s0  }
0x18: {  	s0 =	sld [smem:$0x3F9E];
	_ =	swait.ge [sflag:s4], $0x0  }
0x19: {  	s7 =	sld [smem:$0x3F9F]  }
0x1a: {  	s8 =	sadd.s32 $0xFFFFE003, lr  }
0x1b: {  	s9 =	sadd.s32 $0xFFFFFEF7, lr;
	s5 =	simm.s32 $0xFFFFFFFF;
	p2 =	slt.u32 s8, $0xFFFFF086  }
0x1c: {  	p1 =	slt.u32 s9, $0xF7A;
	s5 =	simm.s32 @!p2 $0x0  }
0x1d: {  	s5 =	simm.s32 @p1 $0x1;
	p0 =	seq.s32 s7, s2  }
0x1e: {  	s7 =	smul.u32 @!p0 $0xF7A, s2;
	p2 =	seq.s32 @!p0 s5, $0x0  }
0x1f: {  	s9 =	smul.u32 $0xF7A, s1;
	s8 =	simm.s32 @!p0 $0x1BF5;
	p2 =	por !p2, p0  }
0x20: {  	[sflag:s8] =	ssyncset.s32 @!p0 $0xFFFFF086;
	s6 =	sadd.s32 @!p0 s3, s7;
	s7 =	simm.s32 @!p0 $0x108  }
0x21: {  	s3 =	sadd.s32 s3, s9;
	s6 =	sadd.s32 @!p0 $0x88, s6;
	s7 =	simm.s32 @p2 $0x1082  }
0x22: {  	[simem:s7], [sflag:s8] =	dma.local @!p0 [hbm:s6], $0xF7A  }
0x23: {  	s9 =	sor.u32 $0xD0000000, s2;
	s6 =	simm.s32 $0x108;
	_ =	swait.ge @!p0 [sflag:s8], $0x0  }
0x24: {  	s3 =	sadd.s32 $0x88, s3;
	s6 =	simm.s32 @!p1 $0x1082;
	[sflag:s4] =	ssyncset.s32 $0xFFFFF086  }
0x25: {  	[simem:s6], [sflag:s4] =	dma.local [hbm:s3], $0xF7A  }
0x26: {  	[smem:$0x3F9F] =	sst s1;
	(tag) =	ssettag s2;
	_ =	strace s9  }
0x27: {  	s1 =	sld [smem:$0x3FAF]  }
0x28: {  	s2 =	sld [smem:$0x3FB0]  }
0x29: {  	s4 =	sld [smem:$0x3FB2]  }
0x2a: {  	p0 =	seq.s32 s5, $0x0;
	s5 =	sld [smem:$0x3FB3]  }
0x2b: {  	s6 =	sld [smem:$0x3FB4]  }
0x2c: {  	s7 =	sld [smem:$0x3FB5]  }
0x2d: {  	s3 =	simm.s32 $0x108;
	s8 =	sld [smem:$0x3FB6]  }
0x2e: {  	s3 =	simm.s32 @!p0 $0x1082;
	s9 =	sld [smem:$0x3FB7]  }
0x2f: {  	lr =	sadd.s32 s0, s3;
	s0 =	sld [smem:$0x3FAE]  }
0x30: {  	s3 =	sld [smem:$0x3FB1]  }
0x31: {  	[smem:$0x3FBA] =	sst s10  }
0x32: {  	s10 =	sld [smem:$0x3FB8];
	_ =	sdelay $0x3  }
0x33: {  	p0 =	seq.s32 s10, $0x1;
	s10 =	sld [smem:$0x3FBA];
	_ =	sdelay $0x3  }
0x34: {  	[smem:$0x3FBA] =	sst s10  }
0x35: {  	s10 =	sld [smem:$0x3FB9];
	_ =	sdelay $0x3  }
0x36: {  	p1 =	seq.s32 s10, $0x1;
	s10 =	sld [smem:$0x3FBA];
	_ =	sdelay $0x3  }
0x37: {  	[smem:$0x3FBA] =	sst s10  }
0x38: {  	s10 =	sld [smem:$0x3FBB]  }
0x39: {  	_ = 	snop;
	(pc) =	sbr.ind lr, $3  }
0x3a: {  	_ = 	snop  }
0x3b: {  	_ = 	snop  }
0x3c: {  	p2 =	seq.s32 s10, $0x1;
	s10 =	sld [smem:$0x3FBA]  }
0x3d: {  	_ =	shalt  }
0x3e: {  	_ =	shalt  }
0x3f: {  	_ =	shalt  }
0x40: {  	_ =	shalt  }
0x41: {  	_ =	shalt  }
0x42: {  	_ =	shalt  }
0x43: {  	_ =	shalt  }
0x44: {  	_ =	shalt  }
0x45: {  	_ =	shalt  }
0x46: {  	_ =	shalt  }
0x47: {  	_ =	shalt  }
0x48: {  	_ =	shalt  }
0x49: {  	_ =	shalt  }
0x4a: {  	_ =	shalt  }
0x4b: {  	_ =	shalt  }
0x4c: {  	_ =	shalt  }
0x4d: {  	_ =	shalt  }
0x4e: {  	_ =	shalt  }
0x4f: {  	_ =	shalt  }
0x50: {  	_ =	shalt  }
0x51: {  	_ =	shalt  }
0x52: {  	_ =	shalt  }
0x53: {  	_ =	shalt  }
0x54: {  	_ =	shalt  }
0x55: {  	_ =	shalt  }
0x56: {  	_ =	shalt  }
0x57: {  	_ =	shalt  }
0x58: {  	_ =	shalt  }
0x59: {  	_ =	shalt  }
0x5a: {  	_ =	shalt  }
0x5b: {  	_ =	shalt  }
0x5c: {  	_ =	shalt  }
0x5d: {  	_ =	shalt  }
0x5e: {  	_ =	shalt  }
0x5f: {  	_ =	shalt  }
0x60: {  	_ =	shalt  }
0x61: {  	_ =	shalt  }
0x62: {  	_ =	shalt  }
0x63: {  	_ =	shalt  }
0x64: {  	_ =	shalt  }
0x65: {  	_ =	shalt  }
0x66: {  	_ =	shalt  }
0x67: {  	_ =	shalt  }
0x68: {  	_ =	shalt  }
0x69: {  	_ =	shalt  }
0x6a: {  	_ =	shalt  }
0x6b: {  	_ =	shalt  }
0x6c: {  	_ =	shalt  }
0x6d: {  	_ =	shalt  }
0x6e: {  	_ =	shalt  }
0x6f: {  	_ =	shalt  }
0x70: {  	_ =	shalt  }
0x71: {  	_ =	shalt  }
0x72: {  	_ =	shalt  }
0x73: {  	_ =	shalt  }
0x74: {  	_ =	shalt  }
0x75: {  	_ =	shalt  }
0x76: {  	_ =	shalt  }
0x77: {  	_ =	shalt  }
0x78: {  	_ =	shalt  }
0x79: {  	_ =	shalt  }
0x7a: {  	_ =	shalt  }
0x7b: {  	_ =	shalt  }
0x7c: {  	_ =	shalt  }
0x7d: {  	_ =	shalt  }
0x7e: {  	_ =	shalt  }
0x7f: {  	_ =	shalt  }
0x80: {  	_ =	shalt  }
0x81: {  	_ =	shalt  }
0x82: {  	_ =	shalt  }
0x83: {  	_ =	shalt  }
0x84: {  	_ =	shalt  }
0x85: {  	_ =	shalt  }
0x86: {  	_ =	shalt  }
0x87: {  	_ =	shalt  }
.Lfunc_end0:
.L_simem_size_0:
called_computation.1_lowered:
.L_overlay_start_0:
0x88: {  	s2 =	sld [smem:$0x3FD9]  }
0x89: {  	s3 =	sld [smem:$0x3FFE];
	_ =	sdelay $0x1  }
0x8a: {  	s1 =	srdreg.scid  }
0x8b: {  	s0 =	sand.u32 $0x1, s1  }
0x8c: {  	s14 =	sshll.u32 s0, $0xA;
	s2 =	sadd.s32 s3, s2  }
0x8d: {  	s2 =	sadd.s32 s2, s14  }
0x8e: {  	[smem:$0x3FC6] =	sst s2  }
0x8f: {  	_ = 	snop  }
0x90: {  	s2 =	sld [smem:$0x3FD0];
	_ =	sdelay $0x2  }
0x91: {  	s15 =	simm.s32 $0xA;
	s4 =	simm.s32 $0x10  }
0x92: {  	[smem:s4], [sflag:s15] =	dma.local [hbm:s2], $0x1  }
0x93: {  	_ =	swait.eq [sflag:s15], $0x1  }
0x94: {  	[sflag:s15] =	ssyncset.done $0x0  }
0x95: {  	[sflag:s15] =	ssyncadd.s32 $0xFFFFFFFF  }
0x96: {  	s16 =	sld [smem:$0x11];
	(tm) =	ssettm $0x1  }
0x97: {  	s17 =	sld [smem:$0x3FFB];
	_ =	sdelay $0x3  }
0x98: {  	_ =	strace s17  }
0x99: {  	s3 =	sld [smem:$0x3FFC];
	_ =	sdelay $0x3  }
0x9a: {  	_ =	strace s3  }
0x9b: {  	s3 =	sld [smem:$0x3FFD];
	_ =	sdelay $0x3  }
0x9c: {  	_ =	strace s3  }
0x9d: {  	_ =	strace $0x8FFFFFFF  }
0x9e: {  	s18 =	sld [smem:$0x3FDB];
	_ =	sdelay $0x1  }
0x9f: {  	s19 =	simm.s32 $_scs_section_size  }
0xa0: {  	s5 =	simm.s32 $_size__tile_overlayer_lowered;
	s6 =	simm.s32 $_tile_overlayer_lowered  }
0xa1: {  	s22 =	simm.s32 $0x1BFF;
	s21 =	sshll.u32 s6, $0x1;
	s3 =	sadd.s32 s19, s18  }
0xa2: {  	s7 =	simm.s32 $0x0;
	s20 =	sshll.u32 s5, $0x1;
	s5 =	sadd.s32 s21, s3  }
0xa3: {  	[timem:s7], [sflag:s22] =	dma.local [hbm:s5], s20  }
0xa4: {  	_ =	swait.ge [sflag:s22], s20  }
0xa5: {  	s4 =	ssub.s32 $0x0, s20;
	[sflag:s22] =	ssyncset.done $0x0  }
0xa6: {  	[sflag:s22] =	ssyncadd.s32 s4;
	_ =	sdelay $0x1  }
0xa7: {  	s23 =	simm.s32 $0x1B8B  }
0xa8: {  	_ =	swait.ge [sflag:s23], $0x1  }
0xa9: {  	[sflag:s23] =	ssyncset.done $0x0  }
0xaa: {  	s25 =	simm.s32 $0x1B8E;
	s24 =	sld [smem:$0x3FFE];
	[sflag:s23] =	ssyncadd.s32 $0xFFFFFFFF  }
0xab: {  	s26 =	simm.s32 $execute0_lowered;
	[smem:$0x3FD2] =	sst s25  }
0xac: {  	s5 =	sshll.u32 s26, $0x1;
	_ =	strace $0x80000049;
	[dreg:$0x1] =	wrdreg $0xFFFFFFFF  }
0xad: {  	s28 =	simm.s32 $_size_execute0_lowered;
	s3 =	sadd.s32 s3, s5;
	[dreg:$0x0] =	wrdreg $0x0  }
0xae: {  	s5 =	sshll.u32 s28, $0x1;
	[dreg:$0x2] =	wrdreg s3  }
0xaf: {  	[dreg:$0x3] =	wrdreg s5  }
0xb0: {  	[dreg:$0x4] =	wrdreg $0xC0  }
0xb1: {  	_ =	task [dreg:s7], $0x5FFFF  }
0xb2: {  	[dreg:$0x1] =	wrdreg $0xFFFFFFFF  }
0xb3: {  	[dreg:$0x0] =	wrdreg $0x60  }
0xb4: {  	[dreg:$0x2] =	wrdreg s24  }
0xb5: {  	[dreg:$0x3] =	wrdreg s16  }
0xb6: {  	[dreg:$0x4] =	wrdreg $0x9  }
0xb7: {  	_ =	task.clear_ibuf [dreg:s7], $0x5FFFF;
	_ =	strace $0x90000049  }
0xb8: {  	s29 =	simm.s32 $0x9;
	_ =	strace $0x8000004B  }
0xb9: {  	_ =	swait.ge [sflag:s29], $0x1  }
0xba: {  	[sflag:s29] =	ssyncadd.s32 $0xFFFFFFFF  }
0xbb: {  	_ =	strace $0x9000004B  }
0xbc: {  	_ =	sfence  }
0xbd: {  	s30 =	sld [smem:$0x0];
	_ =	sdelay $0x2  }
0xbe: {  	s31 =	sshll.u32 s1, $0xD;
	s1 =	sshrl.u32 s1, $0x2  }
0xbf: {  	s3 =	sand.u32 $0x4000, s31;
	s1 =	sadd.s32 s1, s30  }
0xc0: {  	s0 =	sor.u32 s3, s0;
	s1 =	sshll.u32 s1, $0x11  }
0xc1: {  	s0 =	sor.u32 s1, s0  }
0xc2: {  	s0 =	sadd.s32 $0x8F2B, s0  }
0xc3: {  	[sflag:s0] =	ssyncadd.remote.s32 $0x1  }
0xc4: {  	_ =	sfence.sel $0xFFFF  }
0xc5: {  	[dreg:$0x0] =	wrdreg $0xFFFFFFFF;
	(pc) =	sbr.abs _section_cstart, $3  }
0xc6: {  	[dreg:$0x1] =	wrdreg $0xFFFFFFFF  }
0xc7: {  	_ =	task.clear_ibuf [dreg:s7], $0x2FFFF;
	_ =	strace $0x9FFFFFFF  }
0xc8: {  	(tm) =	ssettm $0x7FFFFFFF  }
0xc9: {  	_ =	shalt  }
tec
execute0_lowered:
.L_overlay_start_1:
0x0: {  	(tag) =	ssettag $0x1  }
0x1: {  	s1 =	srdreg.scid;
	s0 =	stileid.u32  }
0x2: {  	s4 =	rddreg [dreg:$0x0];
	s1 =	sand.u32 $0x1, s1;
	s2 =	sshll.u32 s0, $0x1  }
0x3: {  	s6 =	rddreg [dreg:$0x1];
	s3 =	sor.u32 s1, s2;
	s2 =	simm.s32 $0x0  }
0x4: {  	s12 =	simm.s32 $0xA00;
	[smem:$0x7FF] =	sst s2  }
0x5: {  	s13 =	simm.s32 $0x1200;
	_ =	strace $0x8000004A;
	[dreg:$0x6] =	wrdreg s12  }
0x6: {  	s14 =	simm.s32 $0x1A00;
	[dreg:$0x7] =	wrdreg s13  }
0x7: {  	s15 =	simm.s32 $0x2200;
	[dreg:$0x8] =	wrdreg s14  }
0x8: {  	s16 =	simm.s32 $0x2A00;
	[dreg:$0x9] =	wrdreg s15  }
0x9: {  	s17 =	simm.s32 $0x3200;
	[dreg:$0xa] =	wrdreg s16  }
0xa: {  	s18 =	simm.s32 $0x3A00;
	s19 =	simm.s32 $0x4200;
	[dreg:$0xb] =	wrdreg s17  }
0xb: {  	s20 =	simm.s32 $0x4A00;
	s21 =	simm.s32 $0x5200;
	[dreg:$0xc] =	wrdreg s18  }
0xc: {  	s22 =	simm.s32 $0x5A00;
	s24 =	simm.s32 $0x80;
	[dreg:$0xd] =	wrdreg s19  }
0xd: {  	s25 =	simm.s32 $0x6200;
	s26 =	simm.s32 $0x6A00;
	[dreg:$0xe] =	wrdreg s20  }
0xe: {  	s28 =	simm.s32 $0x10200;
	s29 =	simm.s32 $0x10A00;
	[dreg:$0xf] =	wrdreg s21  }
0xf: {  	s30 =	simm.s32 $0x11200;
	s31 =	simm.s32 $0x11A00;
	[dreg:$0x10] =	wrdreg s22  }
0x10: {  	s1 =	ssub.s32 $0x2, s1;
	s5 =	smul.u32 $0x120, s3;
	[dreg:$0x11] =	wrdreg s24  }
0x11: {  	s7 =	smul.u32 $0x2400, s3;
	s23 =	sshrl.u32 s1, $0x1;
	[dreg:$0x12] =	wrdreg s25  }
0x12: {  	s1 =	ssub.s32 s1, s23;
	[dreg:$0x13] =	wrdreg s26;
	s12 =	simm.s32 $0x9200  }
0x13: {  	s13 =	simm.s32 $0x9A00;
	s14 =	simm.s32 $0xA200;
	s15 =	simm.s32 $0xAA00  }
0x14: {  	s16 =	simm.s32 $0xB200;
	s17 =	simm.s32 $0xBA00;
	s18 =	simm.s32 $0x100  }
0x15: {  	s19 =	simm.s32 $0xC200;
	s20 =	simm.s32 $0xCA00;
	s21 =	simm.s32 $0xD200  }
0x16: {  	s22 =	simm.s32 $0xDA00;
	s23 =	simm.s32 $0xE200;
	s24 =	simm.s32 $0xEA00  }
0x17: {  	s25 =	simm.s32 $0xF200;
	s5 =	sshrl.u32 s5, $0x3;
	s9 =	sadd.s32 s7, s4  }
0x18: {  	s26 =	simm.s32 $0xFA00;
	s3 =	sadd.s32 s6, s5;
	s11 =	sadd.s32 $0x28600, s9  }
0x19: {  	s4 =	sadd.s32 $0x84600, s4;
	s5 =	sadd.s32 $0xC, s3;
	[dreg:$0x5] =	wrdreg s11  }
0x1a: {  	v2 =	vlaneseq.u32;
	s7 =	simm.s32 $0x200;
	s10 =	sadd.s32 $0x18, s3;
	[dreg:$0x3] =	wrdreg s5  }
0x1b: {  	vm0 =	vmmov $0xffff;
	v1 =	vshrl.u32 v2, $0x3;
	s6 =	simm.s32 $0x2;
	s11 =	simm.s32 $0x8A00;
	[dreg:$0x4] =	wrdreg s10  }
0x1c: {  	v0 =	vand.u32 $0x7, v2;
	v2 =	vor.u32 $0x8, v2;
	v1 =	vmul.u32 $0x8, v1;
	s5 =	smax.u32 s1, $0x1;
	s10 =	simm.s32 $0x8200;
	s1 =	simm.s32 $0x1  }
.LBB2_1:
0x1d: {  	[tilespmem:s2], [sflag:$0x2] =	stream.linear.gather [hbm4b:s3+s2], $0x60, $0x38;
	[tilespmem:$0x12200] =	vst v63  }
0x1e: {  	_ =	swait.ge [sflag:s6], $0x60  }
0x1f: {  	[sflag:s6] =	ssyncset.done $0x0  }
0x20: {  	[sflag:s6] =	ssyncadd.s32 $0xFFFFFFA0  }
0x21: {  	v3 =	vld [tilespmem:$0x0];
	_ =	sdelay $0x4  }
0x22: {  	v4 =	vshll.u32 v3, $0x1  }
0x23: {  	v3 =	vand.u32 $0x7, v3;
	v4 =	vand.u32 $0xFFFFFFF0, v4  }
0x24: {  	v3 =	vor.u32 v3, v4  }
0x25: {  	v4 =	vperm.xlane v3, v0;
	_ =	sdelay $0x1  }
0x26: {  	v3 =	vperm.xlane v3, v2;
	v4 =	vadd.s32 v1, v4;
	_ =	sdelay $0x1  }
0x27: {  	v3 =	vadd.s32 v1, v3;
	_ =	sdelay $0x2  }
0x28: {  	[tilespmem:s7], [sflag:$0x1] =	stream.indirect_vreg.gather [hbm4b:s4+s2], $0x80, v4, vm0, $0xb8;
	[tilespmem:$0x12200] =	vst v63  }
0x29: {  	s0 =	rddreg [dreg:$0x6]  }
0x2a: {  	[tilespmem:s0], [sflag:$0x1] =	stream.indirect_vreg.gather [hbm4b:s4+s2], $0x80, v3, vm0, $0xb8;
	[tilespmem:$0x12200] =	vst v63  }
0x2b: {  	v3 =	vld [tilespmem:$0x10];
	_ =	sdelay $0x4  }
0x2c: {  	v47 =	vshll.u32 v3, $0x1  }
0x2d: {  	v3 =	vand.u32 $0x7, v3;
	v4 =	vand.u32 $0xFFFFFFF0, v47  }
0x2e: {  	v3 =	vor.u32 v3, v4  }
0x2f: {  	v4 =	vperm.xlane v3, v0;
	_ =	sdelay $0x1  }
0x30: {  	v3 =	vperm.xlane v3, v2;
	v4 =	vadd.s32 v1, v4;
	_ =	sdelay $0x1  }
0x31: {  	v3 =	vadd.s32 v1, v3;
	_ =	sdelay $0x1  }
0x32: {  	s9 =	rddreg [dreg:$0x7]  }
0x33: {  	[tilespmem:s9], [sflag:$0x1] =	stream.indirect_vreg.gather [hbm4b:s4+s2], $0x80, v4, vm0, $0xb8;
	[tilespmem:$0x12200] =	vst v63  }
0x34: {  	s8 =	rddreg [dreg:$0x8]  }
0x35: {  	[tilespmem:s8], [sflag:$0x1] =	stream.indirect_vreg.gather [hbm4b:s4+s2], $0x80, v3, vm0, $0xb8;
	[tilespmem:$0x12200] =	vst v63  }
0x36: {  	v3 =	vld [tilespmem:$0x20];
	_ =	sdelay $0x4  }
0x37: {  	v48 =	vshll.u32 v3, $0x1  }
0x38: {  	v3 =	vand.u32 $0x7, v3;
	v4 =	vand.u32 $0xFFFFFFF0, v48  }
0x39: {  	v3 =	vor.u32 v3, v4  }
0x3a: {  	v4 =	vperm.xlane v3, v0;
	_ =	sdelay $0x1  }
0x3b: {  	v3 =	vperm.xlane v3, v2;
	v4 =	vadd.s32 v1, v4;
	_ =	sdelay $0x1  }
0x3c: {  	v3 =	vadd.s32 v1, v3;
	_ =	sdelay $0x1  }
0x3d: {  	s8 =	rddreg [dreg:$0x9]  }
0x3e: {  	[tilespmem:s8], [sflag:$0x1] =	stream.indirect_vreg.gather [hbm4b:s4+s2], $0x80, v4, vm0, $0xb8;
	[tilespmem:$0x12200] =	vst v63  }
0x3f: {  	s9 =	rddreg [dreg:$0xa]  }
0x40: {  	[tilespmem:s9], [sflag:$0x1] =	stream.indirect_vreg.gather [hbm4b:s4+s2], $0x80, v3, vm0, $0xb8;
	[tilespmem:$0x12200] =	vst v63  }
0x41: {  	v3 =	vld [tilespmem:$0x30];
	_ =	sdelay $0x4  }
0x42: {  	v49 =	vshll.u32 v3, $0x1  }
0x43: {  	v3 =	vand.u32 $0x7, v3;
	v4 =	vand.u32 $0xFFFFFFF0, v49  }
0x44: {  	v3 =	vor.u32 v3, v4  }
0x45: {  	v4 =	vperm.xlane v3, v0;
	_ =	sdelay $0x1  }
0x46: {  	v3 =	vperm.xlane v3, v2;
	v4 =	vadd.s32 v1, v4;
	_ =	sdelay $0x1  }
0x47: {  	v3 =	vadd.s32 v1, v3;
	_ =	sdelay $0x1  }
0x48: {  	s8 =	rddreg [dreg:$0xb]  }
0x49: {  	[tilespmem:s8], [sflag:$0x1] =	stream.indirect_vreg.gather [hbm4b:s4+s2], $0x80, v4, vm0, $0xb8;
	[tilespmem:$0x12200] =	vst v63  }
0x4a: {  	s9 =	rddreg [dreg:$0xc]  }
0x4b: {  	[tilespmem:s9], [sflag:$0x1] =	stream.indirect_vreg.gather [hbm4b:s4+s2], $0x80, v3, vm0, $0xb8;
	[tilespmem:$0x12200] =	vst v63  }
0x4c: {  	v3 =	vld [tilespmem:$0x40];
	_ =	sdelay $0x4  }
0x4d: {  	v50 =	vshll.u32 v3, $0x1  }
0x4e: {  	v3 =	vand.u32 $0x7, v3;
	v4 =	vand.u32 $0xFFFFFFF0, v50  }
0x4f: {  	v3 =	vor.u32 v3, v4  }
0x50: {  	v4 =	vperm.xlane v3, v0;
	_ =	sdelay $0x1  }
0x51: {  	v3 =	vperm.xlane v3, v2;
	v4 =	vadd.s32 v1, v4;
	_ =	sdelay $0x1  }
0x52: {  	v3 =	vadd.s32 v1, v3;
	_ =	sdelay $0x1  }
0x53: {  	s8 =	rddreg [dreg:$0xd]  }
0x54: {  	[tilespmem:s8], [sflag:$0x1] =	stream.indirect_vreg.gather [hbm4b:s4+s2], $0x80, v4, vm0, $0xb8;
	[tilespmem:$0x12200] =	vst v63  }
0x55: {  	s9 =	rddreg [dreg:$0xe]  }
0x56: {  	[tilespmem:s9], [sflag:$0x1] =	stream.indirect_vreg.gather [hbm4b:s4+s2], $0x80, v3, vm0, $0xb8;
	[tilespmem:$0x12200] =	vst v63  }
0x57: {  	v3 =	vld [tilespmem:$0x50];
	_ =	sdelay $0x4  }
0x58: {  	v51 =	vshll.u32 v3, $0x1  }
0x59: {  	v3 =	vand.u32 $0x7, v3;
	v4 =	vand.u32 $0xFFFFFFF0, v51  }
0x5a: {  	v3 =	vor.u32 v3, v4  }
0x5b: {  	v4 =	vperm.xlane v3, v0;
	_ =	sdelay $0x1  }
0x5c: {  	v3 =	vperm.xlane v3, v2;
	v4 =	vadd.s32 v1, v4;
	_ =	sdelay $0x1  }
0x5d: {  	v3 =	vadd.s32 v1, v3  }
0x5e: {  	s0 =	rddreg [dreg:$0x10]  }
0x5f: {  	s9 =	rddreg [dreg:$0xf]  }
0x60: {  	[tilespmem:s9], [sflag:$0x1] =	stream.indirect_vreg.gather [hbm4b:s4+s2], $0x80, v4, vm0, $0xb8;
	[tilespmem:$0x12200] =	vst v63  }
0x61: {  	s8 =	rddreg [dreg:$0x3]  }
0x62: {  	[tilespmem:s0], [sflag:$0x1] =	stream.indirect_vreg.gather [hbm4b:s4+s2], $0x80, v3, vm0, $0xb8;
	[tilespmem:$0x12200] =	vst v63  }
0x63: {  	s9 =	rddreg [dreg:$0x11]  }
0x64: {  	[tilespmem:s9], [sflag:$0x2] =	stream.linear.gather [hbm4b:s8+s2], $0x60, $0x38;
	[tilespmem:$0x12200] =	vst v63  }
0x65: {  	_ =	swait.ge [sflag:s6], $0x60  }
0x66: {  	[sflag:s6] =	ssyncset.done $0x0  }
0x67: {  	[sflag:s6] =	ssyncadd.s32 $0xFFFFFFA0  }
0x68: {  	v3 =	vld [tilespmem:$0x80];
	_ =	sdelay $0x4  }
0x69: {  	v52 =	vshll.u32 v3, $0x1  }
0x6a: {  	v3 =	vand.u32 $0x7, v3;
	v4 =	vand.u32 $0xFFFFFFF0, v52  }
0x6b: {  	v3 =	vor.u32 v3, v4  }
0x6c: {  	v4 =	vperm.xlane v3, v0;
	_ =	sdelay $0x1  }
0x6d: {  	v3 =	vperm.xlane v3, v2;
	v4 =	vadd.s32 v1, v4;
	_ =	sdelay $0x1  }
0x6e: {  	v3 =	vadd.s32 v1, v3;
	_ =	sdelay $0x1  }
0x6f: {  	s8 =	rddreg [dreg:$0x12]  }
0x70: {  	[tilespmem:s8], [sflag:$0x1] =	stream.indirect_vreg.gather [hbm4b:s4+s2], $0x80, v4, vm0, $0xb8;
	[tilespmem:$0x12200] =	vst v63  }
0x71: {  	s9 =	rddreg [dreg:$0x13]  }
0x72: {  	[tilespmem:s9], [sflag:$0x1] =	stream.indirect_vreg.gather [hbm4b:s4+s2], $0x80, v3, vm0, $0xb8;
	[tilespmem:$0x12200] =	vst v63  }
0x73: {  	v3 =	vld [tilespmem:$0x90];
	_ =	sdelay $0x4  }
0x74: {  	v53 =	vshll.u32 v3, $0x1  }
0x75: {  	v3 =	vand.u32 $0x7, v3;
	v4 =	vand.u32 $0xFFFFFFF0, v53  }
0x76: {  	v3 =	vor.u32 v3, v4  }
0x77: {  	v4 =	vperm.xlane v3, v0;
	_ =	sdelay $0x1  }
0x78: {  	v3 =	vperm.xlane v3, v2;
	v4 =	vadd.s32 v1, v4;
	_ =	sdelay $0x1  }
0x79: {  	v3 =	vadd.s32 v1, v3;
	_ =	sdelay $0x1  }
0x7a: {  	s8 =	simm.s32 $0x7200  }
0x7b: {  	[tilespmem:s8], [sflag:$0x1] =	stream.indirect_vreg.gather [hbm4b:s4+s2], $0x80, v4, vm0, $0xb8;
	[tilespmem:$0x12200] =	vst v63  }
0x7c: {  	s9 =	simm.s32 $0x7A00  }
0x7d: {  	[tilespmem:s9], [sflag:$0x1] =	stream.indirect_vreg.gather [hbm4b:s4+s2], $0x80, v3, vm0, $0xb8;
	[tilespmem:$0x12200] =	vst v63  }
0x7e: {  	v3 =	vld [tilespmem:$0xA0];
	_ =	sdelay $0x4  }
0x7f: {  	v54 =	vshll.u32 v3, $0x1  }
0x80: {  	v3 =	vand.u32 $0x7, v3;
	v4 =	vand.u32 $0xFFFFFFF0, v54  }
0x81: {  	v3 =	vor.u32 v3, v4  }
0x82: {  	v4 =	vperm.xlane v3, v0;
	_ =	sdelay $0x1  }
0x83: {  	v3 =	vperm.xlane v3, v2;
	v4 =	vadd.s32 v1, v4;
	_ =	sdelay $0x1  }
0x84: {  	v3 =	vadd.s32 v1, v3;
	_ =	sdelay $0x2  }
0x85: {  	[tilespmem:s10], [sflag:$0x1] =	stream.indirect_vreg.gather [hbm4b:s4+s2], $0x80, v4, vm0, $0xb8;
	[tilespmem:$0x12200] =	vst v63  }
0x86: {  	_ = 	snop  }
0x87: {  	[tilespmem:s11], [sflag:$0x1] =	stream.indirect_vreg.gather [hbm4b:s4+s2], $0x80, v3, vm0, $0xb8;
	[tilespmem:$0x12200] =	vst v63  }
0x88: {  	v3 =	vld [tilespmem:$0xB0];
	_ =	sdelay $0x4  }
0x89: {  	v55 =	vshll.u32 v3, $0x1  }
0x8a: {  	v3 =	vand.u32 $0x7, v3;
	v4 =	vand.u32 $0xFFFFFFF0, v55  }
0x8b: {  	v3 =	vor.u32 v3, v4  }
0x8c: {  	v4 =	vperm.xlane v3, v0;
	_ =	sdelay $0x1  }
0x8d: {  	v3 =	vperm.xlane v3, v2;
	v4 =	vadd.s32 v1, v4;
	_ =	sdelay $0x1  }
0x8e: {  	v3 =	vadd.s32 v1, v3;
	_ =	sdelay $0x2  }
0x8f: {  	[tilespmem:s12], [sflag:$0x1] =	stream.indirect_vreg.gather [hbm4b:s4+s2], $0x80, v4, vm0, $0xb8;
	[tilespmem:$0x12200] =	vst v63  }
0x90: {  	_ = 	snop  }
0x91: {  	[tilespmem:s13], [sflag:$0x1] =	stream.indirect_vreg.gather [hbm4b:s4+s2], $0x80, v3, vm0, $0xb8;
	[tilespmem:$0x12200] =	vst v63  }
0x92: {  	v3 =	vld [tilespmem:$0xC0];
	_ =	sdelay $0x4  }
0x93: {  	v56 =	vshll.u32 v3, $0x1  }
0x94: {  	v3 =	vand.u32 $0x7, v3;
	v4 =	vand.u32 $0xFFFFFFF0, v56  }
0x95: {  	v3 =	vor.u32 v3, v4  }
0x96: {  	v4 =	vperm.xlane v3, v0;
	_ =	sdelay $0x1  }
0x97: {  	v3 =	vperm.xlane v3, v2;
	v4 =	vadd.s32 v1, v4;
	_ =	sdelay $0x1  }
0x98: {  	v3 =	vadd.s32 v1, v3;
	_ =	sdelay $0x2  }
0x99: {  	[tilespmem:s14], [sflag:$0x1] =	stream.indirect_vreg.gather [hbm4b:s4+s2], $0x80, v4, vm0, $0xb8;
	[tilespmem:$0x12200] =	vst v63  }
0x9a: {  	_ = 	snop  }
0x9b: {  	[tilespmem:s15], [sflag:$0x1] =	stream.indirect_vreg.gather [hbm4b:s4+s2], $0x80, v3, vm0, $0xb8;
	[tilespmem:$0x12200] =	vst v63  }
0x9c: {  	v3 =	vld [tilespmem:$0xD0];
	_ =	sdelay $0x4  }
0x9d: {  	v57 =	vshll.u32 v3, $0x1  }
0x9e: {  	v3 =	vand.u32 $0x7, v3;
	v4 =	vand.u32 $0xFFFFFFF0, v57  }
0x9f: {  	v3 =	vor.u32 v3, v4  }
0xa0: {  	v4 =	vperm.xlane v3, v0;
	_ =	sdelay $0x1  }
0xa1: {  	v3 =	vperm.xlane v3, v2;
	v4 =	vadd.s32 v1, v4;
	_ =	sdelay $0x1  }
0xa2: {  	v3 =	vadd.s32 v1, v3;
	_ =	sdelay $0x2  }
0xa3: {  	[tilespmem:s16], [sflag:$0x1] =	stream.indirect_vreg.gather [hbm4b:s4+s2], $0x80, v4, vm0, $0xb8;
	[tilespmem:$0x12200] =	vst v63  }
0xa4: {  	_ = 	snop  }
0xa5: {  	[tilespmem:s17], [sflag:$0x1] =	stream.indirect_vreg.gather [hbm4b:s4+s2], $0x80, v3, vm0, $0xb8;
	[tilespmem:$0x12200] =	vst v63  }
0xa6: {  	s8 =	rddreg [dreg:$0x4]  }
0xa7: {  	[tilespmem:s18], [sflag:$0x2] =	stream.linear.gather [hbm4b:s8+s2], $0x60, $0x38;
	[tilespmem:$0x12200] =	vst v63  }
0xa8: {  	_ =	swait.ge [sflag:s6], $0x60  }
0xa9: {  	[sflag:s6] =	ssyncset.done $0x0  }
0xaa: {  	[sflag:s6] =	ssyncadd.s32 $0xFFFFFFA0  }
0xab: {  	v3 =	vld [tilespmem:$0x100];
	_ =	sdelay $0x4  }
0xac: {  	v58 =	vshll.u32 v3, $0x1  }
0xad: {  	v3 =	vand.u32 $0x7, v3;
	v4 =	vand.u32 $0xFFFFFFF0, v58  }
0xae: {  	v3 =	vor.u32 v3, v4  }
0xaf: {  	v4 =	vperm.xlane v3, v0;
	_ =	sdelay $0x1  }
0xb0: {  	v3 =	vperm.xlane v3, v2;
	v4 =	vadd.s32 v1, v4;
	_ =	sdelay $0x1  }
0xb1: {  	v3 =	vadd.s32 v1, v3;
	_ =	sdelay $0x2  }
0xb2: {  	[tilespmem:s19], [sflag:$0x1] =	stream.indirect_vreg.gather [hbm4b:s4+s2], $0x80, v4, vm0, $0xb8;
	[tilespmem:$0x12200] =	vst v63  }
0xb3: {  	_ = 	snop  }
0xb4: {  	[tilespmem:s20], [sflag:$0x1] =	stream.indirect_vreg.gather [hbm4b:s4+s2], $0x80, v3, vm0, $0xb8;
	[tilespmem:$0x12200] =	vst v63  }
0xb5: {  	v3 =	vld [tilespmem:$0x110];
	_ =	sdelay $0x4  }
0xb6: {  	v59 =	vshll.u32 v3, $0x1  }
0xb7: {  	v3 =	vand.u32 $0x7, v3;
	v4 =	vand.u32 $0xFFFFFFF0, v59  }
0xb8: {  	v3 =	vor.u32 v3, v4  }
0xb9: {  	v4 =	vperm.xlane v3, v0;
	_ =	sdelay $0x1  }
0xba: {  	v3 =	vperm.xlane v3, v2;
	v4 =	vadd.s32 v1, v4;
	_ =	sdelay $0x1  }
0xbb: {  	v3 =	vadd.s32 v1, v3;
	_ =	sdelay $0x2  }
0xbc: {  	[tilespmem:s21], [sflag:$0x1] =	stream.indirect_vreg.gather [hbm4b:s4+s2], $0x80, v4, vm0, $0xb8;
	[tilespmem:$0x12200] =	vst v63  }
0xbd: {  	_ = 	snop  }
0xbe: {  	[tilespmem:s22], [sflag:$0x1] =	stream.indirect_vreg.gather [hbm4b:s4+s2], $0x80, v3, vm0, $0xb8;
	[tilespmem:$0x12200] =	vst v63  }
0xbf: {  	v3 =	vld [tilespmem:$0x120];
	_ =	sdelay $0x4  }
0xc0: {  	v60 =	vshll.u32 v3, $0x1  }
0xc1: {  	v3 =	vand.u32 $0x7, v3;
	v4 =	vand.u32 $0xFFFFFFF0, v60  }
0xc2: {  	v3 =	vor.u32 v3, v4  }
0xc3: {  	v4 =	vperm.xlane v3, v0;
	_ =	sdelay $0x1  }
0xc4: {  	v3 =	vperm.xlane v3, v2;
	v4 =	vadd.s32 v1, v4;
	_ =	sdelay $0x1  }
0xc5: {  	v3 =	vadd.s32 v1, v3;
	_ =	sdelay $0x2  }
0xc6: {  	[tilespmem:s23], [sflag:$0x1] =	stream.indirect_vreg.gather [hbm4b:s4+s2], $0x80, v4, vm0, $0xb8;
	[tilespmem:$0x12200] =	vst v63  }
0xc7: {  	_ = 	snop  }
0xc8: {  	[tilespmem:s24], [sflag:$0x1] =	stream.indirect_vreg.gather [hbm4b:s4+s2], $0x80, v3, vm0, $0xb8;
	[tilespmem:$0x12200] =	vst v63  }
0xc9: {  	v3 =	vld [tilespmem:$0x130];
	_ =	sdelay $0x4  }
0xca: {  	v61 =	vshll.u32 v3, $0x1  }
0xcb: {  	v3 =	vand.u32 $0x7, v3;
	v4 =	vand.u32 $0xFFFFFFF0, v61  }
0xcc: {  	v3 =	vor.u32 v3, v4  }
0xcd: {  	v4 =	vperm.xlane v3, v0;
	_ =	sdelay $0x1  }
0xce: {  	v3 =	vperm.xlane v3, v2;
	v4 =	vadd.s32 v1, v4;
	_ =	sdelay $0x1  }
0xcf: {  	v3 =	vadd.s32 v1, v3;
	_ =	sdelay $0x2  }
0xd0: {  	[tilespmem:s25], [sflag:$0x1] =	stream.indirect_vreg.gather [hbm4b:s4+s2], $0x80, v4, vm0, $0xb8;
	[tilespmem:$0x12200] =	vst v63  }
0xd1: {  	_ = 	snop  }
0xd2: {  	[tilespmem:s26], [sflag:$0x1] =	stream.indirect_vreg.gather [hbm4b:s4+s2], $0x80, v3, vm0, $0xb8;
	[tilespmem:$0x12200] =	vst v63  }
0xd3: {  	v3 =	vld [tilespmem:$0x140];
	_ =	sdelay $0x4  }
0xd4: {  	v62 =	vshll.u32 v3, $0x1  }
0xd5: {  	v3 =	vand.u32 $0x7, v3;
	v4 =	vand.u32 $0xFFFFFFF0, v62  }
0xd6: {  	v3 =	vor.u32 v3, v4  }
0xd7: {  	v4 =	vperm.xlane v3, v0;
	_ =	sdelay $0x1  }
0xd8: {  	v3 =	vperm.xlane v3, v2;
	v4 =	vadd.s32 v1, v4;
	_ =	sdelay $0x1  }
0xd9: {  	v3 =	vadd.s32 v1, v3;
	_ =	sdelay $0x2  }
0xda: {  	[tilespmem:s28], [sflag:$0x1] =	stream.indirect_vreg.gather [hbm4b:s4+s2], $0x80, v4, vm0, $0xb8;
	[tilespmem:$0x12200] =	vst v63  }
0xdb: {  	_ = 	snop  }
0xdc: {  	[tilespmem:s29], [sflag:$0x1] =	stream.indirect_vreg.gather [hbm4b:s4+s2], $0x80, v3, vm0, $0xb8;
	[tilespmem:$0x12200] =	vst v63  }
0xdd: {  	v3 =	vld [tilespmem:$0x150];
	_ =	sdelay $0x4  }
0xde: {  	v63 =	vshll.u32 v3, $0x1  }
0xdf: {  	v3 =	vand.u32 $0x7, v3;
	v4 =	vand.u32 $0xFFFFFFF0, v63  }
0xe0: {  	v3 =	vor.u32 v3, v4  }
0xe1: {  	v4 =	vperm.xlane v3, v0;
	_ =	sdelay $0x1  }
0xe2: {  	v3 =	vperm.xlane v3, v2;
	v4 =	vadd.s32 v1, v4;
	_ =	sdelay $0x1  }
0xe3: {  	v3 =	vadd.s32 v1, v3;
	_ =	sdelay $0x2  }
0xe4: {  	[tilespmem:s30], [sflag:$0x1] =	stream.indirect_vreg.gather [hbm4b:s4+s2], $0x80, v4, vm0, $0xb8;
	[tilespmem:$0x12200] =	vst v63  }
0xe5: {  	_ = 	snop  }
0xe6: {  	[tilespmem:s31], [sflag:$0x1] =	stream.indirect_vreg.gather [hbm4b:s4+s2], $0x80, v3, vm0, $0xb8;
	[tilespmem:$0x12200] =	vst v63  }
0xe7: {  	_ =	swait.ge [sflag:s1], $0x6000  }
0xe8: {  	[sflag:s1] =	ssyncset.done $0x0  }
0xe9: {  	[sflag:s1] =	ssyncadd.s32 $0xFFFFA000  }
0xea: {  	_ =	swait.ge [sflag:s1], $0x6000  }
0xeb: {  	[sflag:s1] =	ssyncset.done $0x0  }
0xec: {  	[sflag:s1] =	ssyncadd.s32 $0xFFFFA000  }
0xed: {  	_ =	swait.ge [sflag:s1], $0x6000  }
0xee: {  	p0 =	sne.s32 s5, $0x1;
	[sflag:s1] =	ssyncset.done $0x0  }
.Ltmp0:
0xef: {  	s9 =	rddreg [dreg:$0x5];
	[sflag:s1] =	ssyncadd.s32 $0xFFFFA000;
	(pc) =	sbr.rel @p0 .LBB2_1-.Ltmp0, $4  }
0xf0: {  	[hbm4b:s9+s2] =	stream.linear.scatter [tilespmem:s7], [sflag:$0x2], $0x12000, $0x38;
	[tilespmem:$0x12200] =	vst v63  }
0xf1: {  	_ =	swait.ge [sflag:s6], $0x12000  }
0xf2: {  	[sflag:s6] =	ssyncset.done $0x0  }
0xf3: {  	s5 =	sadd.s32 $0xFFFFFFFF, s5;
	[sflag:s6] =	ssyncadd.s32 $0xFFFEE000  }
0xf4: {  	_ =	sfence.sel $0x180000  }
0xf5: {  	[bflag:$0x0] =	sbarrier.arrive $0xFFFF  }
0xf6: {  	_ =	strace $0x9000004A  }
0xf7: {  	s0 =	stileid.u32;
	[bflag:$0x2] =	sbarrier.arrive $0xFFFF  }
0xf8: {  	p0 =	sne.s32 s0, $0x0;
	s0 =	rddreg [dreg:$0x2]  }
0xf9: {  	s0 =	sadd.s32 @!p0 $0x100000, s0  }
0xfa: {  	[sflag:s0] =	ssyncadd.tile.s32 @!p0 $0x1;
	_ =	shalt  }
.Lfunc_end2:
_tile_overlayer_lowered:
.L_overlay_start_2:
0xfb: {  	(tag) =	ssettag $0x2  }
0xfc: {  	s0 =	rddreg [dreg:$0x0];
	s2 =	stileid.u32  }
0xfd: {  	s1 =	rddreg [dreg:$0x1];
	p0 =	sne.s32 s2, $0x0  }
0xfe: {  	s3 =	rddreg [dreg:$0x2];
	[bflag:$0x3] =	sbarrier.arrive $0xFFFF;
	s2 =	simm.s32 @!p0 $0x1C02  }
0xff: {  	[timem:s3], [sflag:s2] =	dma.local @!p0 [hbm:s0], s1  }
0x100: {  	s0 =	simm.s32 @!p0 $0x2  }
0x101: {  	_ =	swait.ge @!p0 [sflag:s0], s1  }
0x102: {  	s1 =	ssub.s32 @!p0 $0x0, s1;
	[sflag:s0] =	ssyncset.done @!p0 $0x0  }
0x103: {  	[sflag:s0] =	ssyncadd.s32 @!p0 s1  }
0x104: {  	[bflag:$0x3] =	sbarrier.arrive $0xFFFF  }
0x105: {  	_ =	shalt  }

// kernel: kernel.17.cloned.1.call-start
scs
__scs_entry_jumppad:
0x0: {  	(pc) =	sbr.rel $0x88, $3  }
0x1: {  	(tag) =	ssettag $0x0;
	lr =	simm.s32 $0x1  }
0x2: {  	[smem:$0x3F9F] =	sst lr;
	_ =	strace $0xD0000000  }
0x3: {  	_ = 	snop  }
0x4: {  	_ = 	snop  }
0x5: {  	_ = 	snop  }
0x6: {  	_ = 	snop  }
0x7: {  	_ = 	snop  }
__scs_overlays_trampoline_lowered:
0x8: {  	[smem:$0x3FAE] =	sst s0  }
0x9: {  	[smem:$0x3FAF] =	sst s1  }
0xa: {  	[smem:$0x3FB0] =	sst s2  }
0xb: {  	[smem:$0x3FB1] =	sst s3  }
0xc: {  	[smem:$0x3FB2] =	sst s4  }
0xd: {  	[smem:$0x3FB3] =	sst s5  }
0xe: {  	[smem:$0x3FB4] =	sst s6  }
0xf: {  	[smem:$0x3FB5] =	sst s7  }
0x10: {  	[smem:$0x3FB6] =	sst s8  }
0x11: {  	[smem:$0x3FB7] =	sst s9;
	s0 =	simm.s32 @!p0 $0x0  }
0x12: {  	s1 =	sld [smem:$0x3F9D];
	s0 =	simm.s32 @p0 $0x1  }
0x13: {  	[smem:$0x3FB8] =	sst s0;
	s0 =	simm.s32 @!p1 $0x0  }
0x14: {  	s2 =	sld [smem:$0x3F9C];
	s0 =	simm.s32 @p1 $0x1  }
0x15: {  	[smem:$0x3FB9] =	sst s0;
	s0 =	simm.s32 @!p2 $0x0  }
0x16: {  	s3 =	sld [smem:$0x3FDB];
	s0 =	simm.s32 @p2 $0x1  }
0x17: {  	s4 =	simm.s32 $0x1BF5;
	[smem:$0x3FBB] =	sst s0  }
0x18: {  	s0 =	sld [smem:$0x3F9E];
	_ =	swait.ge [sflag:s4], $0x0  }
0x19: {  	s7 =	sld [smem:$0x3F9F]  }
0x1a: {  	s8 =	sadd.s32 $0xFFFFE003, lr  }
0x1b: {  	s9 =	sadd.s32 $0xFFFFFEF7, lr;
	s5 =	simm.s32 $0xFFFFFFFF;
	p2 =	slt.u32 s8, $0xFFFFF086  }
0x1c: {  	p1 =	slt.u32 s9, $0xF7A;
	s5 =	simm.s32 @!p2 $0x0  }
0x1d: {  	s5 =	simm.s32 @p1 $0x1;
	p0 =	seq.s32 s7, s2  }
0x1e: {  	s7 =	smul.u32 @!p0 $0xF7A, s2;
	p2 =	seq.s32 @!p0 s5, $0x0  }
0x1f: {  	s9 =	smul.u32 $0xF7A, s1;
	s8 =	simm.s32 @!p0 $0x1BF5;
	p2 =	por !p2, p0  }
0x20: {  	[sflag:s8] =	ssyncset.s32 @!p0 $0xFFFFF086;
	s6 =	sadd.s32 @!p0 s3, s7;
	s7 =	simm.s32 @!p0 $0x108  }
0x21: {  	s3 =	sadd.s32 s3, s9;
	s6 =	sadd.s32 @!p0 $0x88, s6;
	s7 =	simm.s32 @p2 $0x1082  }
0x22: {  	[simem:s7], [sflag:s8] =	dma.local @!p0 [hbm:s6], $0xF7A  }
0x23: {  	s9 =	sor.u32 $0xD0000000, s2;
	s6 =	simm.s32 $0x108;
	_ =	swait.ge @!p0 [sflag:s8], $0x0  }
0x24: {  	s3 =	sadd.s32 $0x88, s3;
	s6 =	simm.s32 @!p1 $0x1082;
	[sflag:s4] =	ssyncset.s32 $0xFFFFF086  }
0x25: {  	[simem:s6], [sflag:s4] =	dma.local [hbm:s3], $0xF7A  }
0x26: {  	[smem:$0x3F9F] =	sst s1;
	(tag) =	ssettag s2;
	_ =	strace s9  }
0x27: {  	s1 =	sld [smem:$0x3FAF]  }
0x28: {  	s2 =	sld [smem:$0x3FB0]  }
0x29: {  	s4 =	sld [smem:$0x3FB2]  }
0x2a: {  	p0 =	seq.s32 s5, $0x0;
	s5 =	sld [smem:$0x3FB3]  }
0x2b: {  	s6 =	sld [smem:$0x3FB4]  }
0x2c: {  	s7 =	sld [smem:$0x3FB5]  }
0x2d: {  	s3 =	simm.s32 $0x108;
	s8 =	sld [smem:$0x3FB6]  }
0x2e: {  	s3 =	simm.s32 @!p0 $0x1082;
	s9 =	sld [smem:$0x3FB7]  }
0x2f: {  	lr =	sadd.s32 s0, s3;
	s0 =	sld [smem:$0x3FAE]  }
0x30: {  	s3 =	sld [smem:$0x3FB1]  }
0x31: {  	[smem:$0x3FBA] =	sst s10  }
0x32: {  	s10 =	sld [smem:$0x3FB8];
	_ =	sdelay $0x3  }
0x33: {  	p0 =	seq.s32 s10, $0x1;
	s10 =	sld [smem:$0x3FBA];
	_ =	sdelay $0x3  }
0x34: {  	[smem:$0x3FBA] =	sst s10  }
0x35: {  	s10 =	sld [smem:$0x3FB9];
	_ =	sdelay $0x3  }
0x36: {  	p1 =	seq.s32 s10, $0x1;
	s10 =	sld [smem:$0x3FBA];
	_ =	sdelay $0x3  }
0x37: {  	[smem:$0x3FBA] =	sst s10  }
0x38: {  	s10 =	sld [smem:$0x3FBB]  }
0x39: {  	_ = 	snop;
	(pc) =	sbr.ind lr, $3  }
0x3a: {  	_ = 	snop  }
0x3b: {  	_ = 	snop  }
0x3c: {  	p2 =	seq.s32 s10, $0x1;
	s10 =	sld [smem:$0x3FBA]  }
0x3d: {  	_ =	shalt  }
0x3e: {  	_ =	shalt  }
0x3f: {  	_ =	shalt  }
0x40: {  	_ =	shalt  }
0x41: {  	_ =	shalt  }
0x42: {  	_ =	shalt  }
0x43: {  	_ =	shalt  }
0x44: {  	_ =	shalt  }
0x45: {  	_ =	shalt  }
0x46: {  	_ =	shalt  }
0x47: {  	_ =	shalt  }
0x48: {  	_ =	shalt  }
0x49: {  	_ =	shalt  }
0x4a: {  	_ =	shalt  }
0x4b: {  	_ =	shalt  }
0x4c: {  	_ =	shalt  }
0x4d: {  	_ =	shalt  }
0x4e: {  	_ =	shalt  }
0x4f: {  	_ =	shalt  }
0x50: {  	_ =	shalt  }
0x51: {  	_ =	shalt  }
0x52: {  	_ =	shalt  }
0x53: {  	_ =	shalt  }
0x54: {  	_ =	shalt  }
0x55: {  	_ =	shalt  }
0x56: {  	_ =	shalt  }
0x57: {  	_ =	shalt  }
0x58: {  	_ =	shalt  }
0x59: {  	_ =	shalt  }
0x5a: {  	_ =	shalt  }
0x5b: {  	_ =	shalt  }
0x5c: {  	_ =	shalt  }
0x5d: {  	_ =	shalt  }
0x5e: {  	_ =	shalt  }
0x5f: {  	_ =	shalt  }
0x60: {  	_ =	shalt  }
0x61: {  	_ =	shalt  }
0x62: {  	_ =	shalt  }
0x63: {  	_ =	shalt  }
0x64: {  	_ =	shalt  }
0x65: {  	_ =	shalt  }
0x66: {  	_ =	shalt  }
0x67: {  	_ =	shalt  }
0x68: {  	_ =	shalt  }
0x69: {  	_ =	shalt  }
0x6a: {  	_ =	shalt  }
0x6b: {  	_ =	shalt  }
0x6c: {  	_ =	shalt  }
0x6d: {  	_ =	shalt  }
0x6e: {  	_ =	shalt  }
0x6f: {  	_ =	shalt  }
0x70: {  	_ =	shalt  }
0x71: {  	_ =	shalt  }
0x72: {  	_ =	shalt  }
0x73: {  	_ =	shalt  }
0x74: {  	_ =	shalt  }
0x75: {  	_ =	shalt  }
0x76: {  	_ =	shalt  }
0x77: {  	_ =	shalt  }
0x78: {  	_ =	shalt  }
0x79: {  	_ =	shalt  }
0x7a: {  	_ =	shalt  }
0x7b: {  	_ =	shalt  }
0x7c: {  	_ =	shalt  }
0x7d: {  	_ =	shalt  }
0x7e: {  	_ =	shalt  }
0x7f: {  	_ =	shalt  }
0x80: {  	_ =	shalt  }
0x81: {  	_ =	shalt  }
0x82: {  	_ =	shalt  }
0x83: {  	_ =	shalt  }
0x84: {  	_ =	shalt  }
0x85: {  	_ =	shalt  }
0x86: {  	_ =	shalt  }
0x87: {  	_ =	shalt  }
.Lfunc_end0:
.L_simem_size_0:
called_computation.2_lowered:
.L_overlay_start_0:
0x88: {  	s2 =	sld [smem:$0x3FD9]  }
0x89: {  	s3 =	sld [smem:$0x3FFE];
	_ =	sdelay $0x1  }
0x8a: {  	s1 =	srdreg.scid  }
0x8b: {  	s0 =	sand.u32 $0x1, s1  }
0x8c: {  	s14 =	sshll.u32 s0, $0xA;
	s2 =	sadd.s32 s3, s2  }
0x8d: {  	s2 =	sadd.s32 s2, s14  }
0x8e: {  	[smem:$0x3FC6] =	sst s2  }
0x8f: {  	_ = 	snop  }
0x90: {  	s2 =	sld [smem:$0x3FD0];
	_ =	sdelay $0x2  }
0x91: {  	s15 =	simm.s32 $0xA;
	s4 =	simm.s32 $0x10  }
0x92: {  	[smem:s4], [sflag:s15] =	dma.local [hbm:s2], $0x1  }
0x93: {  	_ =	swait.eq [sflag:s15], $0x1  }
0x94: {  	[sflag:s15] =	ssyncset.done $0x0  }
0x95: {  	[sflag:s15] =	ssyncadd.s32 $0xFFFFFFFF  }
0x96: {  	s16 =	sld [smem:$0x11];
	(tm) =	ssettm $0x1  }
0x97: {  	s17 =	sld [smem:$0x3FFB];
	_ =	sdelay $0x3  }
0x98: {  	_ =	strace s17  }
0x99: {  	s3 =	sld [smem:$0x3FFC];
	_ =	sdelay $0x3  }
0x9a: {  	_ =	strace s3  }
0x9b: {  	s3 =	sld [smem:$0x3FFD];
	_ =	sdelay $0x3  }
0x9c: {  	_ =	strace s3  }
0x9d: {  	_ =	strace $0x8FFFFFFF  }
0x9e: {  	s18 =	sld [smem:$0x3FDB];
	_ =	sdelay $0x1  }
0x9f: {  	s19 =	simm.s32 $_scs_section_size  }
0xa0: {  	s5 =	simm.s32 $_size__tile_overlayer_lowered;
	s6 =	simm.s32 $_tile_overlayer_lowered  }
0xa1: {  	s22 =	simm.s32 $0x1BFF;
	s21 =	sshll.u32 s6, $0x1;
	s3 =	sadd.s32 s19, s18  }
0xa2: {  	s7 =	simm.s32 $0x0;
	s20 =	sshll.u32 s5, $0x1;
	s5 =	sadd.s32 s21, s3  }
0xa3: {  	[timem:s7], [sflag:s22] =	dma.local [hbm:s5], s20  }
0xa4: {  	_ =	swait.ge [sflag:s22], s20  }
0xa5: {  	s4 =	ssub.s32 $0x0, s20;
	[sflag:s22] =	ssyncset.done $0x0  }
0xa6: {  	[sflag:s22] =	ssyncadd.s32 s4;
	_ =	sdelay $0x1  }
0xa7: {  	s23 =	simm.s32 $0x1B8B  }
0xa8: {  	_ =	swait.ge [sflag:s23], $0x1  }
0xa9: {  	[sflag:s23] =	ssyncset.done $0x0  }
0xaa: {  	s25 =	simm.s32 $0x1B8E;
	s24 =	sld [smem:$0x3FFE];
	[sflag:s23] =	ssyncadd.s32 $0xFFFFFFFF  }
0xab: {  	s26 =	simm.s32 $execute0_lowered;
	[smem:$0x3FD2] =	sst s25  }
0xac: {  	s5 =	sshll.u32 s26, $0x1;
	_ =	strace $0x8000004C;
	[dreg:$0x1] =	wrdreg $0xFFFFFFFF  }
0xad: {  	s28 =	simm.s32 $_size_execute0_lowered;
	s3 =	sadd.s32 s3, s5;
	[dreg:$0x0] =	wrdreg $0x0  }
0xae: {  	s5 =	sshll.u32 s28, $0x1;
	[dreg:$0x2] =	wrdreg s3  }
0xaf: {  	[dreg:$0x3] =	wrdreg s5  }
0xb0: {  	[dreg:$0x4] =	wrdreg $0xC0  }
0xb1: {  	_ =	task [dreg:s7], $0x5FFFF  }
0xb2: {  	[dreg:$0x1] =	wrdreg $0xFFFFFFFF  }
0xb3: {  	[dreg:$0x0] =	wrdreg $0x60  }
0xb4: {  	[dreg:$0x2] =	wrdreg s24  }
0xb5: {  	[dreg:$0x3] =	wrdreg s16  }
0xb6: {  	[dreg:$0x4] =	wrdreg $0x9  }
0xb7: {  	_ =	task.clear_ibuf [dreg:s7], $0x5FFFF;
	_ =	strace $0x9000004C  }
0xb8: {  	s29 =	simm.s32 $0x9;
	_ =	strace $0x8000004E  }
0xb9: {  	_ =	swait.ge [sflag:s29], $0x1  }
0xba: {  	[sflag:s29] =	ssyncadd.s32 $0xFFFFFFFF  }
0xbb: {  	_ =	strace $0x9000004E  }
0xbc: {  	_ =	sfence  }
0xbd: {  	s30 =	sld [smem:$0x0];
	_ =	sdelay $0x2  }
0xbe: {  	s31 =	sshll.u32 s1, $0xD;
	s1 =	sshrl.u32 s1, $0x2  }
0xbf: {  	s3 =	sand.u32 $0x4000, s31;
	s1 =	sadd.s32 s1, s30  }
0xc0: {  	s0 =	sor.u32 s3, s0;
	s1 =	sshll.u32 s1, $0x11  }
0xc1: {  	s0 =	sor.u32 s1, s0  }
0xc2: {  	s0 =	sadd.s32 $0x8F2B, s0  }
0xc3: {  	[sflag:s0] =	ssyncadd.remote.s32 $0x1  }
0xc4: {  	_ =	sfence.sel $0xFFFF  }
0xc5: {  	[dreg:$0x0] =	wrdreg $0xFFFFFFFF;
	(pc) =	sbr.abs _section_cstart, $3  }
0xc6: {  	[dreg:$0x1] =	wrdreg $0xFFFFFFFF  }
0xc7: {  	_ =	task.clear_ibuf [dreg:s7], $0x2FFFF;
	_ =	strace $0x9FFFFFFF  }
0xc8: {  	(tm) =	ssettm $0x7FFFFFFF  }
0xc9: {  	_ =	shalt  }
tec
execute0_lowered:
.L_overlay_start_1:
0x0: {  	(tag) =	ssettag $0x1  }
0x1: {  	s1 =	srdreg.scid;
	s0 =	stileid.u32  }
0x2: {  	s4 =	rddreg [dreg:$0x0];
	s1 =	sand.u32 $0x1, s1;
	s2 =	sshll.u32 s0, $0x1  }
0x3: {  	s6 =	rddreg [dreg:$0x1];
	s3 =	sor.u32 s1, s2;
	s2 =	simm.s32 $0x0  }
0x4: {  	s12 =	simm.s32 $0xA00;
	[smem:$0x7FF] =	sst s2  }
0x5: {  	s13 =	simm.s32 $0x1200;
	_ =	strace $0x8000004D;
	[dreg:$0x6] =	wrdreg s12  }
0x6: {  	s14 =	simm.s32 $0x1A00;
	[dreg:$0x7] =	wrdreg s13  }
0x7: {  	s15 =	simm.s32 $0x2200;
	[dreg:$0x8] =	wrdreg s14  }
0x8: {  	s16 =	simm.s32 $0x2A00;
	[dreg:$0x9] =	wrdreg s15  }
0x9: {  	s17 =	simm.s32 $0x3200;
	[dreg:$0xa] =	wrdreg s16  }
0xa: {  	s18 =	simm.s32 $0x3A00;
	s19 =	simm.s32 $0x4200;
	[dreg:$0xb] =	wrdreg s17  }
0xb: {  	s20 =	simm.s32 $0x4A00;
	s21 =	simm.s32 $0x5200;
	[dreg:$0xc] =	wrdreg s18  }
0xc: {  	s22 =	simm.s32 $0x5A00;
	s24 =	simm.s32 $0x80;
	[dreg:$0xd] =	wrdreg s19  }
0xd: {  	s25 =	simm.s32 $0x6200;
	s26 =	simm.s32 $0x6A00;
	[dreg:$0xe] =	wrdreg s20  }
0xe: {  	s28 =	simm.s32 $0x10200;
	s29 =	simm.s32 $0x10A00;
	[dreg:$0xf] =	wrdreg s21  }
0xf: {  	s30 =	simm.s32 $0x11200;
	s31 =	simm.s32 $0x11A00;
	[dreg:$0x10] =	wrdreg s22  }
0x10: {  	s1 =	ssub.s32 $0x2, s1;
	s5 =	smul.u32 $0x120, s3;
	[dreg:$0x11] =	wrdreg s24  }
0x11: {  	s7 =	smul.u32 $0x2400, s3;
	s23 =	sshrl.u32 s1, $0x1;
	[dreg:$0x12] =	wrdreg s25  }
0x12: {  	s1 =	ssub.s32 s1, s23;
	[dreg:$0x13] =	wrdreg s26;
	s12 =	simm.s32 $0x9200  }
0x13: {  	s13 =	simm.s32 $0x9A00;
	s14 =	simm.s32 $0xA200;
	s15 =	simm.s32 $0xAA00  }
0x14: {  	s16 =	simm.s32 $0xB200;
	s17 =	simm.s32 $0xBA00;
	s18 =	simm.s32 $0x100  }
0x15: {  	s19 =	simm.s32 $0xC200;
	s20 =	simm.s32 $0xCA00;
	s21 =	simm.s32 $0xD200  }
0x16: {  	s22 =	simm.s32 $0xDA00;
	s23 =	simm.s32 $0xE200;
	s24 =	simm.s32 $0xEA00  }
0x17: {  	s25 =	simm.s32 $0xF200;
	s5 =	sshrl.u32 s5, $0x3;
	s9 =	sadd.s32 s7, s4  }
0x18: {  	s26 =	simm.s32 $0xFA00;
	s3 =	sadd.s32 s6, s5;
	s11 =	sadd.s32 $0x28600, s9  }
0x19: {  	s4 =	sadd.s32 $0xC4600, s4;
	s5 =	sadd.s32 $0xC, s3;
	[dreg:$0x5] =	wrdreg s11  }
0x1a: {  	v2 =	vlaneseq.u32;
	s7 =	simm.s32 $0x200;
	s10 =	sadd.s32 $0x18, s3;
	[dreg:$0x3] =	wrdreg s5  }
0x1b: {  	vm0 =	vmmov $0xffff;
	v1 =	vshrl.u32 v2, $0x3;
	s6 =	simm.s32 $0x2;
	s11 =	simm.s32 $0x8A00;
	[dreg:$0x4] =	wrdreg s10  }
0x1c: {  	v0 =	vand.u32 $0x7, v2;
	v2 =	vor.u32 $0x8, v2;
	v1 =	vmul.u32 $0x8, v1;
	s5 =	smax.u32 s1, $0x1;
	s10 =	simm.s32 $0x8200;
	s1 =	simm.s32 $0x1  }
.LBB2_1:
0x1d: {  	[tilespmem:s2], [sflag:$0x2] =	stream.linear.gather [hbm4b:s3+s2], $0x60, $0x38;
	[tilespmem:$0x12200] =	vst v63  }
0x1e: {  	_ =	swait.ge [sflag:s6], $0x60  }
0x1f: {  	[sflag:s6] =	ssyncset.done $0x0  }
0x20: {  	[sflag:s6] =	ssyncadd.s32 $0xFFFFFFA0  }
0x21: {  	v3 =	vld [tilespmem:$0x0];
	_ =	sdelay $0x4  }
0x22: {  	v4 =	vshll.u32 v3, $0x1  }
0x23: {  	v3 =	vand.u32 $0x7, v3;
	v4 =	vand.u32 $0xFFFFFFF0, v4  }
0x24: {  	v3 =	vor.u32 v3, v4  }
0x25: {  	v4 =	vperm.xlane v3, v0;
	_ =	sdelay $0x1  }
0x26: {  	v3 =	vperm.xlane v3, v2;
	v4 =	vadd.s32 v1, v4;
	_ =	sdelay $0x1  }
0x27: {  	v3 =	vadd.s32 v1, v3;
	_ =	sdelay $0x2  }
0x28: {  	[tilespmem:s7], [sflag:$0x1] =	stream.indirect_vreg.gather [hbm4b:s4+s2], $0x80, v4, vm0, $0xb8;
	[tilespmem:$0x12200] =	vst v63  }
0x29: {  	s0 =	rddreg [dreg:$0x6]  }
0x2a: {  	[tilespmem:s0], [sflag:$0x1] =	stream.indirect_vreg.gather [hbm4b:s4+s2], $0x80, v3, vm0, $0xb8;
	[tilespmem:$0x12200] =	vst v63  }
0x2b: {  	v3 =	vld [tilespmem:$0x10];
	_ =	sdelay $0x4  }
0x2c: {  	v47 =	vshll.u32 v3, $0x1  }
0x2d: {  	v3 =	vand.u32 $0x7, v3;
	v4 =	vand.u32 $0xFFFFFFF0, v47  }
0x2e: {  	v3 =	vor.u32 v3, v4  }
0x2f: {  	v4 =	vperm.xlane v3, v0;
	_ =	sdelay $0x1  }
0x30: {  	v3 =	vperm.xlane v3, v2;
	v4 =	vadd.s32 v1, v4;
	_ =	sdelay $0x1  }
0x31: {  	v3 =	vadd.s32 v1, v3;
	_ =	sdelay $0x1  }
0x32: {  	s9 =	rddreg [dreg:$0x7]  }
0x33: {  	[tilespmem:s9], [sflag:$0x1] =	stream.indirect_vreg.gather [hbm4b:s4+s2], $0x80, v4, vm0, $0xb8;
	[tilespmem:$0x12200] =	vst v63  }
0x34: {  	s8 =	rddreg [dreg:$0x8]  }
0x35: {  	[tilespmem:s8], [sflag:$0x1] =	stream.indirect_vreg.gather [hbm4b:s4+s2], $0x80, v3, vm0, $0xb8;
	[tilespmem:$0x12200] =	vst v63  }
0x36: {  	v3 =	vld [tilespmem:$0x20];
	_ =	sdelay $0x4  }
0x37: {  	v48 =	vshll.u32 v3, $0x1  }
0x38: {  	v3 =	vand.u32 $0x7, v3;
	v4 =	vand.u32 $0xFFFFFFF0, v48  }
0x39: {  	v3 =	vor.u32 v3, v4  }
0x3a: {  	v4 =	vperm.xlane v3, v0;
	_ =	sdelay $0x1  }
0x3b: {  	v3 =	vperm.xlane v3, v2;
	v4 =	vadd.s32 v1, v4;
	_ =	sdelay $0x1  }
0x3c: {  	v3 =	vadd.s32 v1, v3;
	_ =	sdelay $0x1  }
0x3d: {  	s8 =	rddreg [dreg:$0x9]  }
0x3e: {  	[tilespmem:s8], [sflag:$0x1] =	stream.indirect_vreg.gather [hbm4b:s4+s2], $0x80, v4, vm0, $0xb8;
	[tilespmem:$0x12200] =	vst v63  }
0x3f: {  	s9 =	rddreg [dreg:$0xa]  }
0x40: {  	[tilespmem:s9], [sflag:$0x1] =	stream.indirect_vreg.gather [hbm4b:s4+s2], $0x80, v3, vm0, $0xb8;
	[tilespmem:$0x12200] =	vst v63  }
0x41: {  	v3 =	vld [tilespmem:$0x30];
	_ =	sdelay $0x4  }
0x42: {  	v49 =	vshll.u32 v3, $0x1  }
0x43: {  	v3 =	vand.u32 $0x7, v3;
	v4 =	vand.u32 $0xFFFFFFF0, v49  }
0x44: {  	v3 =	vor.u32 v3, v4  }
0x45: {  	v4 =	vperm.xlane v3, v0;
	_ =	sdelay $0x1  }
0x46: {  	v3 =	vperm.xlane v3, v2;
	v4 =	vadd.s32 v1, v4;
	_ =	sdelay $0x1  }
0x47: {  	v3 =	vadd.s32 v1, v3;
	_ =	sdelay $0x1  }
0x48: {  	s8 =	rddreg [dreg:$0xb]  }
0x49: {  	[tilespmem:s8], [sflag:$0x1] =	stream.indirect_vreg.gather [hbm4b:s4+s2], $0x80, v4, vm0, $0xb8;
	[tilespmem:$0x12200] =	vst v63  }
0x4a: {  	s9 =	rddreg [dreg:$0xc]  }
0x4b: {  	[tilespmem:s9], [sflag:$0x1] =	stream.indirect_vreg.gather [hbm4b:s4+s2], $0x80, v3, vm0, $0xb8;
	[tilespmem:$0x12200] =	vst v63  }
0x4c: {  	v3 =	vld [tilespmem:$0x40];
	_ =	sdelay $0x4  }
0x4d: {  	v50 =	vshll.u32 v3, $0x1  }
0x4e: {  	v3 =	vand.u32 $0x7, v3;
	v4 =	vand.u32 $0xFFFFFFF0, v50  }
0x4f: {  	v3 =	vor.u32 v3, v4  }
0x50: {  	v4 =	vperm.xlane v3, v0;
	_ =	sdelay $0x1  }
0x51: {  	v3 =	vperm.xlane v3, v2;
	v4 =	vadd.s32 v1, v4;
	_ =	sdelay $0x1  }
0x52: {  	v3 =	vadd.s32 v1, v3;
	_ =	sdelay $0x1  }
0x53: {  	s8 =	rddreg [dreg:$0xd]  }
0x54: {  	[tilespmem:s8], [sflag:$0x1] =	stream.indirect_vreg.gather [hbm4b:s4+s2], $0x80, v4, vm0, $0xb8;
	[tilespmem:$0x12200] =	vst v63  }
0x55: {  	s9 =	rddreg [dreg:$0xe]  }
0x56: {  	[tilespmem:s9], [sflag:$0x1] =	stream.indirect_vreg.gather [hbm4b:s4+s2], $0x80, v3, vm0, $0xb8;
	[tilespmem:$0x12200] =	vst v63  }
0x57: {  	v3 =	vld [tilespmem:$0x50];
	_ =	sdelay $0x4  }
0x58: {  	v51 =	vshll.u32 v3, $0x1  }
0x59: {  	v3 =	vand.u32 $0x7, v3;
	v4 =	vand.u32 $0xFFFFFFF0, v51  }
0x5a: {  	v3 =	vor.u32 v3, v4  }
0x5b: {  	v4 =	vperm.xlane v3, v0;
	_ =	sdelay $0x1  }
0x5c: {  	v3 =	vperm.xlane v3, v2;
	v4 =	vadd.s32 v1, v4;
	_ =	sdelay $0x1  }
0x5d: {  	v3 =	vadd.s32 v1, v3  }
0x5e: {  	s0 =	rddreg [dreg:$0x10]  }
0x5f: {  	s9 =	rddreg [dreg:$0xf]  }
0x60: {  	[tilespmem:s9], [sflag:$0x1] =	stream.indirect_vreg.gather [hbm4b:s4+s2], $0x80, v4, vm0, $0xb8;
	[tilespmem:$0x12200] =	vst v63  }
0x61: {  	s8 =	rddreg [dreg:$0x3]  }
0x62: {  	[tilespmem:s0], [sflag:$0x1] =	stream.indirect_vreg.gather [hbm4b:s4+s2], $0x80, v3, vm0, $0xb8;
	[tilespmem:$0x12200] =	vst v63  }
0x63: {  	s9 =	rddreg [dreg:$0x11]  }
0x64: {  	[tilespmem:s9], [sflag:$0x2] =	stream.linear.gather [hbm4b:s8+s2], $0x60, $0x38;
	[tilespmem:$0x12200] =	vst v63  }
0x65: {  	_ =	swait.ge [sflag:s6], $0x60  }
0x66: {  	[sflag:s6] =	ssyncset.done $0x0  }
0x67: {  	[sflag:s6] =	ssyncadd.s32 $0xFFFFFFA0  }
0x68: {  	v3 =	vld [tilespmem:$0x80];
	_ =	sdelay $0x4  }
0x69: {  	v52 =	vshll.u32 v3, $0x1  }
0x6a: {  	v3 =	vand.u32 $0x7, v3;
	v4 =	vand.u32 $0xFFFFFFF0, v52  }
0x6b: {  	v3 =	vor.u32 v3, v4  }
0x6c: {  	v4 =	vperm.xlane v3, v0;
	_ =	sdelay $0x1  }
0x6d: {  	v3 =	vperm.xlane v3, v2;
	v4 =	vadd.s32 v1, v4;
	_ =	sdelay $0x1  }
0x6e: {  	v3 =	vadd.s32 v1, v3;
	_ =	sdelay $0x1  }
0x6f: {  	s8 =	rddreg [dreg:$0x12]  }
0x70: {  	[tilespmem:s8], [sflag:$0x1] =	stream.indirect_vreg.gather [hbm4b:s4+s2], $0x80, v4, vm0, $0xb8;
	[tilespmem:$0x12200] =	vst v63  }
0x71: {  	s9 =	rddreg [dreg:$0x13]  }
0x72: {  	[tilespmem:s9], [sflag:$0x1] =	stream.indirect_vreg.gather [hbm4b:s4+s2], $0x80, v3, vm0, $0xb8;
	[tilespmem:$0x12200] =	vst v63  }
0x73: {  	v3 =	vld [tilespmem:$0x90];
	_ =	sdelay $0x4  }
0x74: {  	v53 =	vshll.u32 v3, $0x1  }
0x75: {  	v3 =	vand.u32 $0x7, v3;
	v4 =	vand.u32 $0xFFFFFFF0, v53  }
0x76: {  	v3 =	vor.u32 v3, v4  }
0x77: {  	v4 =	vperm.xlane v3, v0;
	_ =	sdelay $0x1  }
0x78: {  	v3 =	vperm.xlane v3, v2;
	v4 =	vadd.s32 v1, v4;
	_ =	sdelay $0x1  }
0x79: {  	v3 =	vadd.s32 v1, v3;
	_ =	sdelay $0x1  }
0x7a: {  	s8 =	simm.s32 $0x7200  }
0x7b: {  	[tilespmem:s8], [sflag:$0x1] =	stream.indirect_vreg.gather [hbm4b:s4+s2], $0x80, v4, vm0, $0xb8;
	[tilespmem:$0x12200] =	vst v63  }
0x7c: {  	s9 =	simm.s32 $0x7A00  }
0x7d: {  	[tilespmem:s9], [sflag:$0x1] =	stream.indirect_vreg.gather [hbm4b:s4+s2], $0x80, v3, vm0, $0xb8;
	[tilespmem:$0x12200] =	vst v63  }
0x7e: {  	v3 =	vld [tilespmem:$0xA0];
	_ =	sdelay $0x4  }
0x7f: {  	v54 =	vshll.u32 v3, $0x1  }
0x80: {  	v3 =	vand.u32 $0x7, v3;
	v4 =	vand.u32 $0xFFFFFFF0, v54  }
0x81: {  	v3 =	vor.u32 v3, v4  }
0x82: {  	v4 =	vperm.xlane v3, v0;
	_ =	sdelay $0x1  }
0x83: {  	v3 =	vperm.xlane v3, v2;
	v4 =	vadd.s32 v1, v4;
	_ =	sdelay $0x1  }
0x84: {  	v3 =	vadd.s32 v1, v3;
	_ =	sdelay $0x2  }
0x85: {  	[tilespmem:s10], [sflag:$0x1] =	stream.indirect_vreg.gather [hbm4b:s4+s2], $0x80, v4, vm0, $0xb8;
	[tilespmem:$0x12200] =	vst v63  }
0x86: {  	_ = 	snop  }
0x87: {  	[tilespmem:s11], [sflag:$0x1] =	stream.indirect_vreg.gather [hbm4b:s4+s2], $0x80, v3, vm0, $0xb8;
	[tilespmem:$0x12200] =	vst v63  }
0x88: {  	v3 =	vld [tilespmem:$0xB0];
	_ =	sdelay $0x4  }
0x89: {  	v55 =	vshll.u32 v3, $0x1  }
0x8a: {  	v3 =	vand.u32 $0x7, v3;
	v4 =	vand.u32 $0xFFFFFFF0, v55  }
0x8b: {  	v3 =	vor.u32 v3, v4  }
0x8c: {  	v4 =	vperm.xlane v3, v0;
	_ =	sdelay $0x1  }
0x8d: {  	v3 =	vperm.xlane v3, v2;
	v4 =	vadd.s32 v1, v4;
	_ =	sdelay $0x1  }
0x8e: {  	v3 =	vadd.s32 v1, v3;
	_ =	sdelay $0x2  }
0x8f: {  	[tilespmem:s12], [sflag:$0x1] =	stream.indirect_vreg.gather [hbm4b:s4+s2], $0x80, v4, vm0, $0xb8;
	[tilespmem:$0x12200] =	vst v63  }
0x90: {  	_ = 	snop  }
0x91: {  	[tilespmem:s13], [sflag:$0x1] =	stream.indirect_vreg.gather [hbm4b:s4+s2], $0x80, v3, vm0, $0xb8;
	[tilespmem:$0x12200] =	vst v63  }
0x92: {  	v3 =	vld [tilespmem:$0xC0];
	_ =	sdelay $0x4  }
0x93: {  	v56 =	vshll.u32 v3, $0x1  }
0x94: {  	v3 =	vand.u32 $0x7, v3;
	v4 =	vand.u32 $0xFFFFFFF0, v56  }
0x95: {  	v3 =	vor.u32 v3, v4  }
0x96: {  	v4 =	vperm.xlane v3, v0;
	_ =	sdelay $0x1  }
0x97: {  	v3 =	vperm.xlane v3, v2;
	v4 =	vadd.s32 v1, v4;
	_ =	sdelay $0x1  }
0x98: {  	v3 =	vadd.s32 v1, v3;
	_ =	sdelay $0x2  }
0x99: {  	[tilespmem:s14], [sflag:$0x1] =	stream.indirect_vreg.gather [hbm4b:s4+s2], $0x80, v4, vm0, $0xb8;
	[tilespmem:$0x12200] =	vst v63  }
0x9a: {  	_ = 	snop  }
0x9b: {  	[tilespmem:s15], [sflag:$0x1] =	stream.indirect_vreg.gather [hbm4b:s4+s2], $0x80, v3, vm0, $0xb8;
	[tilespmem:$0x12200] =	vst v63  }
0x9c: {  	v3 =	vld [tilespmem:$0xD0];
	_ =	sdelay $0x4  }
0x9d: {  	v57 =	vshll.u32 v3, $0x1  }
0x9e: {  	v3 =	vand.u32 $0x7, v3;
	v4 =	vand.u32 $0xFFFFFFF0, v57  }
0x9f: {  	v3 =	vor.u32 v3, v4  }
0xa0: {  	v4 =	vperm.xlane v3, v0;
	_ =	sdelay $0x1  }
0xa1: {  	v3 =	vperm.xlane v3, v2;
	v4 =	vadd.s32 v1, v4;
	_ =	sdelay $0x1  }
0xa2: {  	v3 =	vadd.s32 v1, v3;
	_ =	sdelay $0x2  }
0xa3: {  	[tilespmem:s16], [sflag:$0x1] =	stream.indirect_vreg.gather [hbm4b:s4+s2], $0x80, v4, vm0, $0xb8;
	[tilespmem:$0x12200] =	vst v63  }
0xa4: {  	_ = 	snop  }
0xa5: {  	[tilespmem:s17], [sflag:$0x1] =	stream.indirect_vreg.gather [hbm4b:s4+s2], $0x80, v3, vm0, $0xb8;
	[tilespmem:$0x12200] =	vst v63  }
0xa6: {  	s8 =	rddreg [dreg:$0x4]  }
0xa7: {  	[tilespmem:s18], [sflag:$0x2] =	stream.linear.gather [hbm4b:s8+s2], $0x60, $0x38;
	[tilespmem:$0x12200] =	vst v63  }
0xa8: {  	_ =	swait.ge [sflag:s6], $0x60  }
0xa9: {  	[sflag:s6] =	ssyncset.done $0x0  }
0xaa: {  	[sflag:s6] =	ssyncadd.s32 $0xFFFFFFA0  }
0xab: {  	v3 =	vld [tilespmem:$0x100];
	_ =	sdelay $0x4  }
0xac: {  	v58 =	vshll.u32 v3, $0x1  }
0xad: {  	v3 =	vand.u32 $0x7, v3;
	v4 =	vand.u32 $0xFFFFFFF0, v58  }
0xae: {  	v3 =	vor.u32 v3, v4  }
0xaf: {  	v4 =	vperm.xlane v3, v0;
	_ =	sdelay $0x1  }
0xb0: {  	v3 =	vperm.xlane v3, v2;
	v4 =	vadd.s32 v1, v4;
	_ =	sdelay $0x1  }
0xb1: {  	v3 =	vadd.s32 v1, v3;
	_ =	sdelay $0x2  }
0xb2: {  	[tilespmem:s19], [sflag:$0x1] =	stream.indirect_vreg.gather [hbm4b:s4+s2], $0x80, v4, vm0, $0xb8;
	[tilespmem:$0x12200] =	vst v63  }
0xb3: {  	_ = 	snop  }
0xb4: {  	[tilespmem:s20], [sflag:$0x1] =	stream.indirect_vreg.gather [hbm4b:s4+s2], $0x80, v3, vm0, $0xb8;
	[tilespmem:$0x12200] =	vst v63  }
0xb5: {  	v3 =	vld [tilespmem:$0x110];
	_ =	sdelay $0x4  }
0xb6: {  	v59 =	vshll.u32 v3, $0x1  }
0xb7: {  	v3 =	vand.u32 $0x7, v3;
	v4 =	vand.u32 $0xFFFFFFF0, v59  }
0xb8: {  	v3 =	vor.u32 v3, v4  }
0xb9: {  	v4 =	vperm.xlane v3, v0;
	_ =	sdelay $0x1  }
0xba: {  	v3 =	vperm.xlane v3, v2;
	v4 =	vadd.s32 v1, v4;
	_ =	sdelay $0x1  }
0xbb: {  	v3 =	vadd.s32 v1, v3;
	_ =	sdelay $0x2  }
0xbc: {  	[tilespmem:s21], [sflag:$0x1] =	stream.indirect_vreg.gather [hbm4b:s4+s2], $0x80, v4, vm0, $0xb8;
	[tilespmem:$0x12200] =	vst v63  }
0xbd: {  	_ = 	snop  }
0xbe: {  	[tilespmem:s22], [sflag:$0x1] =	stream.indirect_vreg.gather [hbm4b:s4+s2], $0x80, v3, vm0, $0xb8;
	[tilespmem:$0x12200] =	vst v63  }
0xbf: {  	v3 =	vld [tilespmem:$0x120];
	_ =	sdelay $0x4  }
0xc0: {  	v60 =	vshll.u32 v3, $0x1  }
0xc1: {  	v3 =	vand.u32 $0x7, v3;
	v4 =	vand.u32 $0xFFFFFFF0, v60  }
0xc2: {  	v3 =	vor.u32 v3, v4  }
0xc3: {  	v4 =	vperm.xlane v3, v0;
	_ =	sdelay $0x1  }
0xc4: {  	v3 =	vperm.xlane v3, v2;
	v4 =	vadd.s32 v1, v4;
	_ =	sdelay $0x1  }
0xc5: {  	v3 =	vadd.s32 v1, v3;
	_ =	sdelay $0x2  }
0xc6: {  	[tilespmem:s23], [sflag:$0x1] =	stream.indirect_vreg.gather [hbm4b:s4+s2], $0x80, v4, vm0, $0xb8;
	[tilespmem:$0x12200] =	vst v63  }
0xc7: {  	_ = 	snop  }
0xc8: {  	[tilespmem:s24], [sflag:$0x1] =	stream.indirect_vreg.gather [hbm4b:s4+s2], $0x80, v3, vm0, $0xb8;
	[tilespmem:$0x12200] =	vst v63  }
0xc9: {  	v3 =	vld [tilespmem:$0x130];
	_ =	sdelay $0x4  }
0xca: {  	v61 =	vshll.u32 v3, $0x1  }
0xcb: {  	v3 =	vand.u32 $0x7, v3;
	v4 =	vand.u32 $0xFFFFFFF0, v61  }
0xcc: {  	v3 =	vor.u32 v3, v4  }
0xcd: {  	v4 =	vperm.xlane v3, v0;
	_ =	sdelay $0x1  }
0xce: {  	v3 =	vperm.xlane v3, v2;
	v4 =	vadd.s32 v1, v4;
	_ =	sdelay $0x1  }
0xcf: {  	v3 =	vadd.s32 v1, v3;
	_ =	sdelay $0x2  }
0xd0: {  	[tilespmem:s25], [sflag:$0x1] =	stream.indirect_vreg.gather [hbm4b:s4+s2], $0x80, v4, vm0, $0xb8;
	[tilespmem:$0x12200] =	vst v63  }
0xd1: {  	_ = 	snop  }
0xd2: {  	[tilespmem:s26], [sflag:$0x1] =	stream.indirect_vreg.gather [hbm4b:s4+s2], $0x80, v3, vm0, $0xb8;
	[tilespmem:$0x12200] =	vst v63  }
0xd3: {  	v3 =	vld [tilespmem:$0x140];
	_ =	sdelay $0x4  }
0xd4: {  	v62 =	vshll.u32 v3, $0x1  }
0xd5: {  	v3 =	vand.u32 $0x7, v3;
	v4 =	vand.u32 $0xFFFFFFF0, v62  }
0xd6: {  	v3 =	vor.u32 v3, v4  }
0xd7: {  	v4 =	vperm.xlane v3, v0;
	_ =	sdelay $0x1  }
0xd8: {  	v3 =	vperm.xlane v3, v2;
	v4 =	vadd.s32 v1, v4;
	_ =	sdelay $0x1  }
0xd9: {  	v3 =	vadd.s32 v1, v3;
	_ =	sdelay $0x2  }
0xda: {  	[tilespmem:s28], [sflag:$0x1] =	stream.indirect_vreg.gather [hbm4b:s4+s2], $0x80, v4, vm0, $0xb8;
	[tilespmem:$0x12200] =	vst v63  }
0xdb: {  	_ = 	snop  }
0xdc: {  	[tilespmem:s29], [sflag:$0x1] =	stream.indirect_vreg.gather [hbm4b:s4+s2], $0x80, v3, vm0, $0xb8;
	[tilespmem:$0x12200] =	vst v63  }
0xdd: {  	v3 =	vld [tilespmem:$0x150];
	_ =	sdelay $0x4  }
0xde: {  	v63 =	vshll.u32 v3, $0x1  }
0xdf: {  	v3 =	vand.u32 $0x7, v3;
	v4 =	vand.u32 $0xFFFFFFF0, v63  }
0xe0: {  	v3 =	vor.u32 v3, v4  }
0xe1: {  	v4 =	vperm.xlane v3, v0;
	_ =	sdelay $0x1  }
0xe2: {  	v3 =	vperm.xlane v3, v2;
	v4 =	vadd.s32 v1, v4;
	_ =	sdelay $0x1  }
0xe3: {  	v3 =	vadd.s32 v1, v3;
	_ =	sdelay $0x2  }
0xe4: {  	[tilespmem:s30], [sflag:$0x1] =	stream.indirect_vreg.gather [hbm4b:s4+s2], $0x80, v4, vm0, $0xb8;
	[tilespmem:$0x12200] =	vst v63  }
0xe5: {  	_ = 	snop  }
0xe6: {  	[tilespmem:s31], [sflag:$0x1] =	stream.indirect_vreg.gather [hbm4b:s4+s2], $0x80, v3, vm0, $0xb8;
	[tilespmem:$0x12200] =	vst v63  }
0xe7: {  	_ =	swait.ge [sflag:s1], $0x6000  }
0xe8: {  	[sflag:s1] =	ssyncset.done $0x0  }
0xe9: {  	[sflag:s1] =	ssyncadd.s32 $0xFFFFA000  }
0xea: {  	_ =	swait.ge [sflag:s1], $0x6000  }
0xeb: {  	[sflag:s1] =	ssyncset.done $0x0  }
0xec: {  	[sflag:s1] =	ssyncadd.s32 $0xFFFFA000  }
0xed: {  	_ =	swait.ge [sflag:s1], $0x6000  }
0xee: {  	p0 =	sne.s32 s5, $0x1;
	[sflag:s1] =	ssyncset.done $0x0  }
.Ltmp0:
0xef: {  	s9 =	rddreg [dreg:$0x5];
	[sflag:s1] =	ssyncadd.s32 $0xFFFFA000;
	(pc) =	sbr.rel @p0 .LBB2_1-.Ltmp0, $4  }
0xf0: {  	[hbm4b:s9+s2] =	stream.linear.scatter [tilespmem:s7], [sflag:$0x2], $0x12000, $0x38;
	[tilespmem:$0x12200] =	vst v63  }
0xf1: {  	_ =	swait.ge [sflag:s6], $0x12000  }
0xf2: {  	[sflag:s6] =	ssyncset.done $0x0  }
0xf3: {  	s5 =	sadd.s32 $0xFFFFFFFF, s5;
	[sflag:s6] =	ssyncadd.s32 $0xFFFEE000  }
0xf4: {  	_ =	sfence.sel $0x180000  }
0xf5: {  	[bflag:$0x0] =	sbarrier.arrive $0xFFFF  }
0xf6: {  	_ =	strace $0x9000004D  }
0xf7: {  	s0 =	stileid.u32;
	[bflag:$0x2] =	sbarrier.arrive $0xFFFF  }
0xf8: {  	p0 =	sne.s32 s0, $0x0;
	s0 =	rddreg [dreg:$0x2]  }
0xf9: {  	s0 =	sadd.s32 @!p0 $0x100000, s0  }
0xfa: {  	[sflag:s0] =	ssyncadd.tile.s32 @!p0 $0x1;
	_ =	shalt  }
.Lfunc_end2:
_tile_overlayer_lowered:
.L_overlay_start_2:
0xfb: {  	(tag) =	ssettag $0x2  }
0xfc: {  	s0 =	rddreg [dreg:$0x0];
	s2 =	stileid.u32  }
0xfd: {  	s1 =	rddreg [dreg:$0x1];
	p0 =	sne.s32 s2, $0x0  }
0xfe: {  	s3 =	rddreg [dreg:$0x2];
	[bflag:$0x3] =	sbarrier.arrive $0xFFFF;
	s2 =	simm.s32 @!p0 $0x1C02  }
0xff: {  	[timem:s3], [sflag:s2] =	dma.local @!p0 [hbm:s0], s1  }
0x100: {  	s0 =	simm.s32 @!p0 $0x2  }
0x101: {  	_ =	swait.ge @!p0 [sflag:s0], s1  }
0x102: {  	s1 =	ssub.s32 @!p0 $0x0, s1;
	[sflag:s0] =	ssyncset.done @!p0 $0x0  }
0x103: {  	[sflag:s0] =	ssyncadd.s32 @!p0 s1  }
0x104: {  	[bflag:$0x3] =	sbarrier.arrive $0xFFFF  }
0x105: {  	_ =	shalt  }

// kernel: kernel.20.cloned.1.call-start
scs
__scs_entry_jumppad:
0x0: {  	(pc) =	sbr.rel $0x88, $3  }
0x1: {  	(tag) =	ssettag $0x0;
	lr =	simm.s32 $0x1  }
0x2: {  	[smem:$0x3F9F] =	sst lr;
	_ =	strace $0xD0000000  }
0x3: {  	_ = 	snop  }
0x4: {  	_ = 	snop  }
0x5: {  	_ = 	snop  }
0x6: {  	_ = 	snop  }
0x7: {  	_ = 	snop  }
__scs_overlays_trampoline_lowered:
0x8: {  	[smem:$0x3FAE] =	sst s0  }
0x9: {  	[smem:$0x3FAF] =	sst s1  }
0xa: {  	[smem:$0x3FB0] =	sst s2  }
0xb: {  	[smem:$0x3FB1] =	sst s3  }
0xc: {  	[smem:$0x3FB2] =	sst s4  }
0xd: {  	[smem:$0x3FB3] =	sst s5  }
0xe: {  	[smem:$0x3FB4] =	sst s6  }
0xf: {  	[smem:$0x3FB5] =	sst s7  }
0x10: {  	[smem:$0x3FB6] =	sst s8  }
0x11: {  	[smem:$0x3FB7] =	sst s9;
	s0 =	simm.s32 @!p0 $0x0  }
0x12: {  	s1 =	sld [smem:$0x3F9D];
	s0 =	simm.s32 @p0 $0x1  }
0x13: {  	[smem:$0x3FB8] =	sst s0;
	s0 =	simm.s32 @!p1 $0x0  }
0x14: {  	s2 =	sld [smem:$0x3F9C];
	s0 =	simm.s32 @p1 $0x1  }
0x15: {  	[smem:$0x3FB9] =	sst s0;
	s0 =	simm.s32 @!p2 $0x0  }
0x16: {  	s3 =	sld [smem:$0x3FDB];
	s0 =	simm.s32 @p2 $0x1  }
0x17: {  	s4 =	simm.s32 $0x1BF5;
	[smem:$0x3FBB] =	sst s0  }
0x18: {  	s0 =	sld [smem:$0x3F9E];
	_ =	swait.ge [sflag:s4], $0x0  }
0x19: {  	s7 =	sld [smem:$0x3F9F]  }
0x1a: {  	s8 =	sadd.s32 $0xFFFFE003, lr  }
0x1b: {  	s9 =	sadd.s32 $0xFFFFFEF7, lr;
	s5 =	simm.s32 $0xFFFFFFFF;
	p2 =	slt.u32 s8, $0xFFFFF086  }
0x1c: {  	p1 =	slt.u32 s9, $0xF7A;
	s5 =	simm.s32 @!p2 $0x0  }
0x1d: {  	s5 =	simm.s32 @p1 $0x1;
	p0 =	seq.s32 s7, s2  }
0x1e: {  	s7 =	smul.u32 @!p0 $0xF7A, s2;
	p2 =	seq.s32 @!p0 s5, $0x0  }
0x1f: {  	s9 =	smul.u32 $0xF7A, s1;
	s8 =	simm.s32 @!p0 $0x1BF5;
	p2 =	por !p2, p0  }
0x20: {  	[sflag:s8] =	ssyncset.s32 @!p0 $0xFFFFF086;
	s6 =	sadd.s32 @!p0 s3, s7;
	s7 =	simm.s32 @!p0 $0x108  }
0x21: {  	s3 =	sadd.s32 s3, s9;
	s6 =	sadd.s32 @!p0 $0x88, s6;
	s7 =	simm.s32 @p2 $0x1082  }
0x22: {  	[simem:s7], [sflag:s8] =	dma.local @!p0 [hbm:s6], $0xF7A  }
0x23: {  	s9 =	sor.u32 $0xD0000000, s2;
	s6 =	simm.s32 $0x108;
	_ =	swait.ge @!p0 [sflag:s8], $0x0  }
0x24: {  	s3 =	sadd.s32 $0x88, s3;
	s6 =	simm.s32 @!p1 $0x1082;
	[sflag:s4] =	ssyncset.s32 $0xFFFFF086  }
0x25: {  	[simem:s6], [sflag:s4] =	dma.local [hbm:s3], $0xF7A  }
0x26: {  	[smem:$0x3F9F] =	sst s1;
	(tag) =	ssettag s2;
	_ =	strace s9  }
0x27: {  	s1 =	sld [smem:$0x3FAF]  }
0x28: {  	s2 =	sld [smem:$0x3FB0]  }
0x29: {  	s4 =	sld [smem:$0x3FB2]  }
0x2a: {  	p0 =	seq.s32 s5, $0x0;
	s5 =	sld [smem:$0x3FB3]  }
0x2b: {  	s6 =	sld [smem:$0x3FB4]  }
0x2c: {  	s7 =	sld [smem:$0x3FB5]  }
0x2d: {  	s3 =	simm.s32 $0x108;
	s8 =	sld [smem:$0x3FB6]  }
0x2e: {  	s3 =	simm.s32 @!p0 $0x1082;
	s9 =	sld [smem:$0x3FB7]  }
0x2f: {  	lr =	sadd.s32 s0, s3;
	s0 =	sld [smem:$0x3FAE]  }
0x30: {  	s3 =	sld [smem:$0x3FB1]  }
0x31: {  	[smem:$0x3FBA] =	sst s10  }
0x32: {  	s10 =	sld [smem:$0x3FB8];
	_ =	sdelay $0x3  }
0x33: {  	p0 =	seq.s32 s10, $0x1;
	s10 =	sld [smem:$0x3FBA];
	_ =	sdelay $0x3  }
0x34: {  	[smem:$0x3FBA] =	sst s10  }
0x35: {  	s10 =	sld [smem:$0x3FB9];
	_ =	sdelay $0x3  }
0x36: {  	p1 =	seq.s32 s10, $0x1;
	s10 =	sld [smem:$0x3FBA];
	_ =	sdelay $0x3  }
0x37: {  	[smem:$0x3FBA] =	sst s10  }
0x38: {  	s10 =	sld [smem:$0x3FBB]  }
0x39: {  	_ = 	snop;
	(pc) =	sbr.ind lr, $3  }
0x3a: {  	_ = 	snop  }
0x3b: {  	_ = 	snop  }
0x3c: {  	p2 =	seq.s32 s10, $0x1;
	s10 =	sld [smem:$0x3FBA]  }
0x3d: {  	_ =	shalt  }
0x3e: {  	_ =	shalt  }
0x3f: {  	_ =	shalt  }
0x40: {  	_ =	shalt  }
0x41: {  	_ =	shalt  }
0x42: {  	_ =	shalt  }
0x43: {  	_ =	shalt  }
0x44: {  	_ =	shalt  }
0x45: {  	_ =	shalt  }
0x46: {  	_ =	shalt  }
0x47: {  	_ =	shalt  }
0x48: {  	_ =	shalt  }
0x49: {  	_ =	shalt  }
0x4a: {  	_ =	shalt  }
0x4b: {  	_ =	shalt  }
0x4c: {  	_ =	shalt  }
0x4d: {  	_ =	shalt  }
0x4e: {  	_ =	shalt  }
0x4f: {  	_ =	shalt  }
0x50: {  	_ =	shalt  }
0x51: {  	_ =	shalt  }
0x52: {  	_ =	shalt  }
0x53: {  	_ =	shalt  }
0x54: {  	_ =	shalt  }
0x55: {  	_ =	shalt  }
0x56: {  	_ =	shalt  }
0x57: {  	_ =	shalt  }
0x58: {  	_ =	shalt  }
0x59: {  	_ =	shalt  }
0x5a: {  	_ =	shalt  }
0x5b: {  	_ =	shalt  }
0x5c: {  	_ =	shalt  }
0x5d: {  	_ =	shalt  }
0x5e: {  	_ =	shalt  }
0x5f: {  	_ =	shalt  }
0x60: {  	_ =	shalt  }
0x61: {  	_ =	shalt  }
0x62: {  	_ =	shalt  }
0x63: {  	_ =	shalt  }
0x64: {  	_ =	shalt  }
0x65: {  	_ =	shalt  }
0x66: {  	_ =	shalt  }
0x67: {  	_ =	shalt  }
0x68: {  	_ =	shalt  }
0x69: {  	_ =	shalt  }
0x6a: {  	_ =	shalt  }
0x6b: {  	_ =	shalt  }
0x6c: {  	_ =	shalt  }
0x6d: {  	_ =	shalt  }
0x6e: {  	_ =	shalt  }
0x6f: {  	_ =	shalt  }
0x70: {  	_ =	shalt  }
0x71: {  	_ =	shalt  }
0x72: {  	_ =	shalt  }
0x73: {  	_ =	shalt  }
0x74: {  	_ =	shalt  }
0x75: {  	_ =	shalt  }
0x76: {  	_ =	shalt  }
0x77: {  	_ =	shalt  }
0x78: {  	_ =	shalt  }
0x79: {  	_ =	shalt  }
0x7a: {  	_ =	shalt  }
0x7b: {  	_ =	shalt  }
0x7c: {  	_ =	shalt  }
0x7d: {  	_ =	shalt  }
0x7e: {  	_ =	shalt  }
0x7f: {  	_ =	shalt  }
0x80: {  	_ =	shalt  }
0x81: {  	_ =	shalt  }
0x82: {  	_ =	shalt  }
0x83: {  	_ =	shalt  }
0x84: {  	_ =	shalt  }
0x85: {  	_ =	shalt  }
0x86: {  	_ =	shalt  }
0x87: {  	_ =	shalt  }
.Lfunc_end0:
.L_simem_size_0:
called_computation.3_lowered:
.L_overlay_start_0:
0x88: {  	s2 =	sld [smem:$0x3FD9]  }
0x89: {  	s3 =	sld [smem:$0x3FFE];
	_ =	sdelay $0x1  }
0x8a: {  	s1 =	srdreg.scid  }
0x8b: {  	s0 =	sand.u32 $0x1, s1  }
0x8c: {  	s16 =	sshll.u32 s0, $0xA;
	s2 =	sadd.s32 s3, s2  }
0x8d: {  	s2 =	sadd.s32 s2, s16  }
0x8e: {  	[smem:$0x3FC6] =	sst s2  }
0x8f: {  	_ = 	snop  }
0x90: {  	(tm) =	ssettm $0x1  }
0x91: {  	s17 =	sld [smem:$0x3FFB];
	_ =	sdelay $0x3  }
0x92: {  	_ =	strace s17  }
0x93: {  	s2 =	sld [smem:$0x3FFC];
	_ =	sdelay $0x3  }
0x94: {  	_ =	strace s2  }
0x95: {  	s2 =	sld [smem:$0x3FFD];
	_ =	sdelay $0x3  }
0x96: {  	_ =	strace s2  }
0x97: {  	_ =	strace $0x8FFFFFFF  }
0x98: {  	s18 =	sld [smem:$0x3FDB];
	_ =	sdelay $0x1  }
0x99: {  	s19 =	simm.s32 $_scs_section_size  }
0x9a: {  	s4 =	simm.s32 $_size__tile_overlayer_lowered;
	s5 =	simm.s32 $_tile_overlayer_lowered  }
0x9b: {  	s22 =	simm.s32 $0x1BFF;
	s21 =	sshll.u32 s5, $0x1;
	s2 =	sadd.s32 s19, s18  }
0x9c: {  	s6 =	simm.s32 $0x0;
	s20 =	sshll.u32 s4, $0x1;
	s4 =	sadd.s32 s21, s2  }
0x9d: {  	[timem:s6], [sflag:s22] =	dma.local [hbm:s4], s20  }
0x9e: {  	_ =	swait.ge [sflag:s22], s20  }
0x9f: {  	s3 =	ssub.s32 $0x0, s20;
	[sflag:s22] =	ssyncset.done $0x0  }
0xa0: {  	[sflag:s22] =	ssyncadd.s32 s3;
	_ =	sdelay $0x1  }
0xa1: {  	s23 =	simm.s32 $0x1B8B  }
0xa2: {  	_ =	swait.ge [sflag:s23], $0x1  }
0xa3: {  	[sflag:s23] =	ssyncset.done $0x0  }
0xa4: {  	s25 =	simm.s32 $0x1B8E;
	s24 =	sld [smem:$0x3FFE];
	[sflag:s23] =	ssyncadd.s32 $0xFFFFFFFF  }
0xa5: {  	s26 =	simm.s32 $execute0_lowered;
	[smem:$0x3FD2] =	sst s25  }
0xa6: {  	s4 =	sshll.u32 s26, $0x1;
	_ =	strace $0x8000004F;
	[dreg:$0x1] =	wrdreg $0xFFFFFFFF  }
0xa7: {  	s28 =	simm.s32 $_size_execute0_lowered;
	s2 =	sadd.s32 s2, s4;
	[dreg:$0x0] =	wrdreg $0x0  }
0xa8: {  	s4 =	sshll.u32 s28, $0x1;
	[dreg:$0x2] =	wrdreg s2  }
0xa9: {  	[dreg:$0x3] =	wrdreg s4  }
0xaa: {  	[dreg:$0x4] =	wrdreg $0xC0  }
0xab: {  	_ =	task [dreg:s6], $0x5FFFF  }
0xac: {  	[dreg:$0x1] =	wrdreg $0xFFFFFFFF  }
0xad: {  	[dreg:$0x0] =	wrdreg $0x60  }
0xae: {  	[dreg:$0x2] =	wrdreg s24  }
0xaf: {  	[dreg:$0x3] =	wrdreg $0x9  }
0xb0: {  	_ =	task.clear_ibuf [dreg:s6], $0x4FFFF;
	_ =	strace $0x9000004F  }
0xb1: {  	s29 =	simm.s32 $0x9;
	_ =	strace $0x80000051  }
0xb2: {  	_ =	swait.ge [sflag:s29], $0x1  }
0xb3: {  	[sflag:s29] =	ssyncadd.s32 $0xFFFFFFFF  }
0xb4: {  	_ =	strace $0x90000051  }
0xb5: {  	_ =	sfence  }
0xb6: {  	s30 =	sld [smem:$0x0];
	_ =	sdelay $0x2  }
0xb7: {  	s31 =	sshll.u32 s1, $0xD;
	s1 =	sshrl.u32 s1, $0x2  }
0xb8: {  	s3 =	sand.u32 $0x4000, s31;
	s1 =	sadd.s32 s1, s30  }
0xb9: {  	s0 =	sor.u32 s3, s0;
	s1 =	sshll.u32 s1, $0x11  }
0xba: {  	s0 =	sor.u32 s1, s0  }
0xbb: {  	s0 =	sadd.s32 $0x8F2B, s0  }
0xbc: {  	[sflag:s0] =	ssyncadd.remote.s32 $0x1  }
0xbd: {  	_ =	sfence.sel $0xFFFF  }
0xbe: {  	[dreg:$0x0] =	wrdreg $0xFFFFFFFF;
	(pc) =	sbr.abs _section_cstart, $3  }
0xbf: {  	[dreg:$0x1] =	wrdreg $0xFFFFFFFF  }
0xc0: {  	_ =	task.clear_ibuf [dreg:s6], $0x2FFFF;
	_ =	strace $0x9FFFFFFF  }
0xc1: {  	(tm) =	ssettm $0x7FFFFFFF  }
tec
execute0_lowered:
.L_overlay_start_1:
0x0: {  	(tag) =	ssettag $0x1  }
0x1: {  	s1 =	srdreg.scid;
	s0 =	stileid.u32  }
0x2: {  	s1 =	sand.u32 $0x1, s1;
	s2 =	sshll.u32 s0, $0x1  }
0x3: {  	s5 =	rddreg [dreg:$0x0];
	s3 =	sor.u32 s1, s2;
	s2 =	simm.s32 $0x0  }
0x4: {  	s13 =	simm.s32 $0xA00;
	[smem:$0x7FF] =	sst s2  }
0x5: {  	s14 =	simm.s32 $0x1200;
	_ =	strace $0x80000050;
	[dreg:$0x6] =	wrdreg s13  }
0x6: {  	s15 =	simm.s32 $0x1A00;
	s16 =	simm.s32 $0x2200;
	[dreg:$0x7] =	wrdreg s14  }
0x7: {  	s17 =	simm.s32 $0x2A00;
	s18 =	simm.s32 $0x3200;
	[dreg:$0x8] =	wrdreg s15  }
0x8: {  	s19 =	simm.s32 $0x3A00;
	s20 =	simm.s32 $0x4200;
	[dreg:$0x9] =	wrdreg s16  }
0x9: {  	s21 =	simm.s32 $0x4A00;
	s23 =	simm.s32 $0x5200;
	[dreg:$0xa] =	wrdreg s17  }
0xa: {  	s24 =	simm.s32 $0x5A00;
	s25 =	simm.s32 $0x80;
	[dreg:$0xb] =	wrdreg s18  }
0xb: {  	s26 =	simm.s32 $0x6200;
	s9 =	simm.s32 $0x7A00;
	[dreg:$0xc] =	wrdreg s19  }
0xc: {  	s10 =	simm.s32 $0x8200;
	s11 =	simm.s32 $0x8A00;
	[dreg:$0xd] =	wrdreg s20  }
0xd: {  	s28 =	simm.s32 $0x10200;
	s29 =	simm.s32 $0x10A00;
	[dreg:$0xe] =	wrdreg s21  }
0xe: {  	s30 =	simm.s32 $0x11200;
	s31 =	simm.s32 $0x11A00;
	[dreg:$0xf] =	wrdreg s23  }
0xf: {  	s1 =	ssub.s32 $0x2, s1;
	s4 =	smul.u32 $0x120, s3;
	[dreg:$0x10] =	wrdreg s24  }
0x10: {  	s3 =	smul.u32 $0x2400, s3;
	s22 =	sshrl.u32 s1, $0x1;
	[dreg:$0x11] =	wrdreg s25  }
0x11: {  	s1 =	ssub.s32 s1, s22;
	[dreg:$0x12] =	wrdreg s26;
	s13 =	simm.s32 $0x9A00  }
0x12: {  	s14 =	simm.s32 $0xA200;
	s15 =	simm.s32 $0xAA00;
	s16 =	simm.s32 $0xB200  }
0x13: {  	s17 =	simm.s32 $0xBA00;
	s18 =	simm.s32 $0x100;
	s19 =	simm.s32 $0xC200  }
0x14: {  	s20 =	simm.s32 $0xCA00;
	s21 =	simm.s32 $0xD200;
	s22 =	simm.s32 $0xDA00  }
0x15: {  	s23 =	simm.s32 $0xE200;
	s4 =	sshrl.u32 s4, $0x3;
	s3 =	sadd.s32 s3, s5  }
0x16: {  	s24 =	simm.s32 $0xEA00;
	s4 =	sadd.s32 s4, s5;
	s3 =	sadd.s32 $0x4CC00, s3  }
0x17: {  	s25 =	simm.s32 $0xF200;
	s6 =	sadd.s32 $0x4C600, s4;
	[dreg:$0x5] =	wrdreg s3  }
0x18: {  	s26 =	simm.s32 $0xFA00;
	s12 =	sadd.s32 $0x4C60C, s4;
	[dreg:$0x2] =	wrdreg s6  }
0x19: {  	v2 =	vlaneseq.u32;
	s4 =	sadd.s32 $0x4C618, s4;
	s3 =	sadd.s32 $0x104600, s5;
	[dreg:$0x3] =	wrdreg s12  }
0x1a: {  	vm0 =	vmmov $0xffff;
	v1 =	vshrl.u32 v2, $0x3;
	s5 =	simm.s32 $0x2;
	[dreg:$0x4] =	wrdreg s4;
	s4 =	smax.u32 s1, $0x1  }
0x1b: {  	v0 =	vand.u32 $0x7, v2;
	v2 =	vor.u32 $0x8, v2;
	v1 =	vmul.u32 $0x8, v1;
	s6 =	simm.s32 $0x200;
	s12 =	simm.s32 $0x9200;
	s1 =	simm.s32 $0x1  }
.LBB2_1:
0x1c: {  	s0 =	rddreg [dreg:$0x2]  }
0x1d: {  	[tilespmem:s2], [sflag:$0x2] =	stream.linear.gather [hbm4b:s0+s2], $0x60, $0x38;
	[tilespmem:$0x12200] =	vst v63  }
0x1e: {  	_ =	swait.ge [sflag:s5], $0x60  }
0x1f: {  	[sflag:s5] =	ssyncset.done $0x0  }
0x20: {  	[sflag:s5] =	ssyncadd.s32 $0xFFFFFFA0  }
0x21: {  	v3 =	vld [tilespmem:$0x0];
	_ =	sdelay $0x4  }
0x22: {  	v4 =	vshll.u32 v3, $0x1  }
0x23: {  	v3 =	vand.u32 $0x7, v3;
	v4 =	vand.u32 $0xFFFFFFF0, v4  }
0x24: {  	v3 =	vor.u32 v3, v4  }
0x25: {  	v4 =	vperm.xlane v3, v0;
	_ =	sdelay $0x1  }
0x26: {  	v3 =	vperm.xlane v3, v2;
	v4 =	vadd.s32 v1, v4;
	_ =	sdelay $0x1  }
0x27: {  	v3 =	vadd.s32 v1, v3;
	_ =	sdelay $0x2  }
0x28: {  	[tilespmem:s6], [sflag:$0x1] =	stream.indirect_vreg.gather [hbm4b:s3+s2], $0x80, v4, vm0, $0xb8;
	[tilespmem:$0x12200] =	vst v63  }
0x29: {  	s7 =	rddreg [dreg:$0x6]  }
0x2a: {  	[tilespmem:s7], [sflag:$0x1] =	stream.indirect_vreg.gather [hbm4b:s3+s2], $0x80, v3, vm0, $0xb8;
	[tilespmem:$0x12200] =	vst v63  }
0x2b: {  	v3 =	vld [tilespmem:$0x10];
	_ =	sdelay $0x4  }
0x2c: {  	v47 =	vshll.u32 v3, $0x1  }
0x2d: {  	v3 =	vand.u32 $0x7, v3;
	v4 =	vand.u32 $0xFFFFFFF0, v47  }
0x2e: {  	v3 =	vor.u32 v3, v4  }
0x2f: {  	v4 =	vperm.xlane v3, v0;
	_ =	sdelay $0x1  }
0x30: {  	v3 =	vperm.xlane v3, v2;
	v4 =	vadd.s32 v1, v4;
	_ =	sdelay $0x1  }
0x31: {  	v3 =	vadd.s32 v1, v3;
	_ =	sdelay $0x1  }
0x32: {  	s8 =	rddreg [dreg:$0x7]  }
0x33: {  	[tilespmem:s8], [sflag:$0x1] =	stream.indirect_vreg.gather [hbm4b:s3+s2], $0x80, v4, vm0, $0xb8;
	[tilespmem:$0x12200] =	vst v63  }
0x34: {  	s7 =	rddreg [dreg:$0x8]  }
0x35: {  	[tilespmem:s7], [sflag:$0x1] =	stream.indirect_vreg.gather [hbm4b:s3+s2], $0x80, v3, vm0, $0xb8;
	[tilespmem:$0x12200] =	vst v63  }
0x36: {  	v3 =	vld [tilespmem:$0x20];
	_ =	sdelay $0x4  }
0x37: {  	v48 =	vshll.u32 v3, $0x1  }
0x38: {  	v3 =	vand.u32 $0x7, v3;
	v4 =	vand.u32 $0xFFFFFFF0, v48  }
0x39: {  	v3 =	vor.u32 v3, v4  }
0x3a: {  	v4 =	vperm.xlane v3, v0;
	_ =	sdelay $0x1  }
0x3b: {  	v3 =	vperm.xlane v3, v2;
	v4 =	vadd.s32 v1, v4;
	_ =	sdelay $0x1  }
0x3c: {  	v3 =	vadd.s32 v1, v3;
	_ =	sdelay $0x1  }
0x3d: {  	s7 =	rddreg [dreg:$0x9]  }
0x3e: {  	[tilespmem:s7], [sflag:$0x1] =	stream.indirect_vreg.gather [hbm4b:s3+s2], $0x80, v4, vm0, $0xb8;
	[tilespmem:$0x12200] =	vst v63  }
0x3f: {  	s8 =	rddreg [dreg:$0xa]  }
0x40: {  	[tilespmem:s8], [sflag:$0x1] =	stream.indirect_vreg.gather [hbm4b:s3+s2], $0x80, v3, vm0, $0xb8;
	[tilespmem:$0x12200] =	vst v63  }
0x41: {  	v3 =	vld [tilespmem:$0x30];
	_ =	sdelay $0x4  }
0x42: {  	v49 =	vshll.u32 v3, $0x1  }
0x43: {  	v3 =	vand.u32 $0x7, v3;
	v4 =	vand.u32 $0xFFFFFFF0, v49  }
0x44: {  	v3 =	vor.u32 v3, v4  }
0x45: {  	v4 =	vperm.xlane v3, v0;
	_ =	sdelay $0x1  }
0x46: {  	v3 =	vperm.xlane v3, v2;
	v4 =	vadd.s32 v1, v4;
	_ =	sdelay $0x1  }
0x47: {  	v3 =	vadd.s32 v1, v3;
	_ =	sdelay $0x1  }
0x48: {  	s7 =	rddreg [dreg:$0xb]  }
0x49: {  	[tilespmem:s7], [sflag:$0x1] =	stream.indirect_vreg.gather [hbm4b:s3+s2], $0x80, v4, vm0, $0xb8;
	[tilespmem:$0x12200] =	vst v63  }
0x4a: {  	s8 =	rddreg [dreg:$0xc]  }
0x4b: {  	[tilespmem:s8], [sflag:$0x1] =	stream.indirect_vreg.gather [hbm4b:s3+s2], $0x80, v3, vm0, $0xb8;
	[tilespmem:$0x12200] =	vst v63  }
0x4c: {  	v3 =	vld [tilespmem:$0x40];
	_ =	sdelay $0x4  }
0x4d: {  	v50 =	vshll.u32 v3, $0x1  }
0x4e: {  	v3 =	vand.u32 $0x7, v3;
	v4 =	vand.u32 $0xFFFFFFF0, v50  }
0x4f: {  	v3 =	vor.u32 v3, v4  }
0x50: {  	v4 =	vperm.xlane v3, v0;
	_ =	sdelay $0x1  }
0x51: {  	v3 =	vperm.xlane v3, v2;
	v4 =	vadd.s32 v1, v4;
	_ =	sdelay $0x1  }
0x52: {  	v3 =	vadd.s32 v1, v3;
	_ =	sdelay $0x1  }
0x53: {  	s7 =	rddreg [dreg:$0xd]  }
0x54: {  	[tilespmem:s7], [sflag:$0x1] =	stream.indirect_vreg.gather [hbm4b:s3+s2], $0x80, v4, vm0, $0xb8;
	[tilespmem:$0x12200] =	vst v63  }
0x55: {  	s8 =	rddreg [dreg:$0xe]  }
0x56: {  	[tilespmem:s8], [sflag:$0x1] =	stream.indirect_vreg.gather [hbm4b:s3+s2], $0x80, v3, vm0, $0xb8;
	[tilespmem:$0x12200] =	vst v63  }
0x57: {  	v3 =	vld [tilespmem:$0x50];
	_ =	sdelay $0x4  }
0x58: {  	v51 =	vshll.u32 v3, $0x1  }
0x59: {  	v3 =	vand.u32 $0x7, v3;
	v4 =	vand.u32 $0xFFFFFFF0, v51  }
0x5a: {  	v3 =	vor.u32 v3, v4  }
0x5b: {  	v4 =	vperm.xlane v3, v0;
	_ =	sdelay $0x1  }
0x5c: {  	v3 =	vperm.xlane v3, v2;
	v4 =	vadd.s32 v1, v4;
	_ =	sdelay $0x1  }
0x5d: {  	v3 =	vadd.s32 v1, v3  }
0x5e: {  	s0 =	rddreg [dreg:$0x10]  }
0x5f: {  	s7 =	rddreg [dreg:$0xf]  }
0x60: {  	[tilespmem:s7], [sflag:$0x1] =	stream.indirect_vreg.gather [hbm4b:s3+s2], $0x80, v4, vm0, $0xb8;
	[tilespmem:$0x12200] =	vst v63  }
0x61: {  	s8 =	rddreg [dreg:$0x11]  }
0x62: {  	[tilespmem:s0], [sflag:$0x1] =	stream.indirect_vreg.gather [hbm4b:s3+s2], $0x80, v3, vm0, $0xb8;
	[tilespmem:$0x12200] =	vst v63  }
0x63: {  	s7 =	rddreg [dreg:$0x3]  }
0x64: {  	[tilespmem:s8], [sflag:$0x2] =	stream.linear.gather [hbm4b:s7+s2], $0x60, $0x38;
	[tilespmem:$0x12200] =	vst v63  }
0x65: {  	_ =	swait.ge [sflag:s5], $0x60  }
0x66: {  	[sflag:s5] =	ssyncset.done $0x0  }
0x67: {  	[sflag:s5] =	ssyncadd.s32 $0xFFFFFFA0  }
0x68: {  	v3 =	vld [tilespmem:$0x80];
	_ =	sdelay $0x4  }
0x69: {  	v52 =	vshll.u32 v3, $0x1  }
0x6a: {  	v3 =	vand.u32 $0x7, v3;
	v4 =	vand.u32 $0xFFFFFFF0, v52  }
0x6b: {  	v3 =	vor.u32 v3, v4  }
0x6c: {  	v4 =	vperm.xlane v3, v0;
	_ =	sdelay $0x1  }
0x6d: {  	v3 =	vperm.xlane v3, v2;
	v4 =	vadd.s32 v1, v4;
	_ =	sdelay $0x1  }
0x6e: {  	v3 =	vadd.s32 v1, v3;
	_ =	sdelay $0x1  }
0x6f: {  	s8 =	rddreg [dreg:$0x12]  }
0x70: {  	[tilespmem:s8], [sflag:$0x1] =	stream.indirect_vreg.gather [hbm4b:s3+s2], $0x80, v4, vm0, $0xb8;
	[tilespmem:$0x12200] =	vst v63  }
0x71: {  	s7 =	simm.s32 $0x6A00  }
0x72: {  	[tilespmem:s7], [sflag:$0x1] =	stream.indirect_vreg.gather [hbm4b:s3+s2], $0x80, v3, vm0, $0xb8;
	[tilespmem:$0x12200] =	vst v63  }
0x73: {  	v3 =	vld [tilespmem:$0x90];
	_ =	sdelay $0x4  }
0x74: {  	v53 =	vshll.u32 v3, $0x1  }
0x75: {  	v3 =	vand.u32 $0x7, v3;
	v4 =	vand.u32 $0xFFFFFFF0, v53  }
0x76: {  	v3 =	vor.u32 v3, v4  }
0x77: {  	v4 =	vperm.xlane v3, v0;
	_ =	sdelay $0x1  }
0x78: {  	v3 =	vperm.xlane v3, v2;
	v4 =	vadd.s32 v1, v4;
	_ =	sdelay $0x1  }
0x79: {  	v3 =	vadd.s32 v1, v3;
	_ =	sdelay $0x1  }
0x7a: {  	s8 =	simm.s32 $0x7200  }
0x7b: {  	[tilespmem:s8], [sflag:$0x1] =	stream.indirect_vreg.gather [hbm4b:s3+s2], $0x80, v4, vm0, $0xb8;
	[tilespmem:$0x12200] =	vst v63  }
0x7c: {  	_ = 	snop  }
0x7d: {  	[tilespmem:s9], [sflag:$0x1] =	stream.indirect_vreg.gather [hbm4b:s3+s2], $0x80, v3, vm0, $0xb8;
	[tilespmem:$0x12200] =	vst v63  }
0x7e: {  	v3 =	vld [tilespmem:$0xA0];
	_ =	sdelay $0x4  }
0x7f: {  	v54 =	vshll.u32 v3, $0x1  }
0x80: {  	v3 =	vand.u32 $0x7, v3;
	v4 =	vand.u32 $0xFFFFFFF0, v54  }
0x81: {  	v3 =	vor.u32 v3, v4  }
0x82: {  	v4 =	vperm.xlane v3, v0;
	_ =	sdelay $0x1  }
0x83: {  	v3 =	vperm.xlane v3, v2;
	v4 =	vadd.s32 v1, v4;
	_ =	sdelay $0x1  }
0x84: {  	v3 =	vadd.s32 v1, v3;
	_ =	sdelay $0x2  }
0x85: {  	[tilespmem:s10], [sflag:$0x1] =	stream.indirect_vreg.gather [hbm4b:s3+s2], $0x80, v4, vm0, $0xb8;
	[tilespmem:$0x12200] =	vst v63  }
0x86: {  	_ = 	snop  }
0x87: {  	[tilespmem:s11], [sflag:$0x1] =	stream.indirect_vreg.gather [hbm4b:s3+s2], $0x80, v3, vm0, $0xb8;
	[tilespmem:$0x12200] =	vst v63  }
0x88: {  	v3 =	vld [tilespmem:$0xB0];
	_ =	sdelay $0x4  }
0x89: {  	v55 =	vshll.u32 v3, $0x1  }
0x8a: {  	v3 =	vand.u32 $0x7, v3;
	v4 =	vand.u32 $0xFFFFFFF0, v55  }
0x8b: {  	v3 =	vor.u32 v3, v4  }
0x8c: {  	v4 =	vperm.xlane v3, v0;
	_ =	sdelay $0x1  }
0x8d: {  	v3 =	vperm.xlane v3, v2;
	v4 =	vadd.s32 v1, v4;
	_ =	sdelay $0x1  }
0x8e: {  	v3 =	vadd.s32 v1, v3;
	_ =	sdelay $0x2  }
0x8f: {  	[tilespmem:s12], [sflag:$0x1] =	stream.indirect_vreg.gather [hbm4b:s3+s2], $0x80, v4, vm0, $0xb8;
	[tilespmem:$0x12200] =	vst v63  }
0x90: {  	_ = 	snop  }
0x91: {  	[tilespmem:s13], [sflag:$0x1] =	stream.indirect_vreg.gather [hbm4b:s3+s2], $0x80, v3, vm0, $0xb8;
	[tilespmem:$0x12200] =	vst v63  }
0x92: {  	v3 =	vld [tilespmem:$0xC0];
	_ =	sdelay $0x4  }
0x93: {  	v56 =	vshll.u32 v3, $0x1  }
0x94: {  	v3 =	vand.u32 $0x7, v3;
	v4 =	vand.u32 $0xFFFFFFF0, v56  }
0x95: {  	v3 =	vor.u32 v3, v4  }
0x96: {  	v4 =	vperm.xlane v3, v0;
	_ =	sdelay $0x1  }
0x97: {  	v3 =	vperm.xlane v3, v2;
	v4 =	vadd.s32 v1, v4;
	_ =	sdelay $0x1  }
0x98: {  	v3 =	vadd.s32 v1, v3;
	_ =	sdelay $0x2  }
0x99: {  	[tilespmem:s14], [sflag:$0x1] =	stream.indirect_vreg.gather [hbm4b:s3+s2], $0x80, v4, vm0, $0xb8;
	[tilespmem:$0x12200] =	vst v63  }
0x9a: {  	_ = 	snop  }
0x9b: {  	[tilespmem:s15], [sflag:$0x1] =	stream.indirect_vreg.gather [hbm4b:s3+s2], $0x80, v3, vm0, $0xb8;
	[tilespmem:$0x12200] =	vst v63  }
0x9c: {  	v3 =	vld [tilespmem:$0xD0];
	_ =	sdelay $0x4  }
0x9d: {  	v57 =	vshll.u32 v3, $0x1  }
0x9e: {  	v3 =	vand.u32 $0x7, v3;
	v4 =	vand.u32 $0xFFFFFFF0, v57  }
0x9f: {  	v3 =	vor.u32 v3, v4  }
0xa0: {  	v4 =	vperm.xlane v3, v0;
	_ =	sdelay $0x1  }
0xa1: {  	v3 =	vperm.xlane v3, v2;
	v4 =	vadd.s32 v1, v4;
	_ =	sdelay $0x1  }
0xa2: {  	v3 =	vadd.s32 v1, v3;
	_ =	sdelay $0x2  }
0xa3: {  	[tilespmem:s16], [sflag:$0x1] =	stream.indirect_vreg.gather [hbm4b:s3+s2], $0x80, v4, vm0, $0xb8;
	[tilespmem:$0x12200] =	vst v63  }
0xa4: {  	_ = 	snop  }
0xa5: {  	[tilespmem:s17], [sflag:$0x1] =	stream.indirect_vreg.gather [hbm4b:s3+s2], $0x80, v3, vm0, $0xb8;
	[tilespmem:$0x12200] =	vst v63  }
0xa6: {  	s7 =	rddreg [dreg:$0x4]  }
0xa7: {  	[tilespmem:s18], [sflag:$0x2] =	stream.linear.gather [hbm4b:s7+s2], $0x60, $0x38;
	[tilespmem:$0x12200] =	vst v63  }
0xa8: {  	_ =	swait.ge [sflag:s5], $0x60  }
0xa9: {  	[sflag:s5] =	ssyncset.done $0x0  }
0xaa: {  	[sflag:s5] =	ssyncadd.s32 $0xFFFFFFA0  }
0xab: {  	v3 =	vld [tilespmem:$0x100];
	_ =	sdelay $0x4  }
0xac: {  	v58 =	vshll.u32 v3, $0x1  }
0xad: {  	v3 =	vand.u32 $0x7, v3;
	v4 =	vand.u32 $0xFFFFFFF0, v58  }
0xae: {  	v3 =	vor.u32 v3, v4  }
0xaf: {  	v4 =	vperm.xlane v3, v0;
	_ =	sdelay $0x1  }
0xb0: {  	v3 =	vperm.xlane v3, v2;
	v4 =	vadd.s32 v1, v4;
	_ =	sdelay $0x1  }
0xb1: {  	v3 =	vadd.s32 v1, v3;
	_ =	sdelay $0x2  }
0xb2: {  	[tilespmem:s19], [sflag:$0x1] =	stream.indirect_vreg.gather [hbm4b:s3+s2], $0x80, v4, vm0, $0xb8;
	[tilespmem:$0x12200] =	vst v63  }
0xb3: {  	_ = 	snop  }
0xb4: {  	[tilespmem:s20], [sflag:$0x1] =	stream.indirect_vreg.gather [hbm4b:s3+s2], $0x80, v3, vm0, $0xb8;
	[tilespmem:$0x12200] =	vst v63  }
0xb5: {  	v3 =	vld [tilespmem:$0x110];
	_ =	sdelay $0x4  }
0xb6: {  	v59 =	vshll.u32 v3, $0x1  }
0xb7: {  	v3 =	vand.u32 $0x7, v3;
	v4 =	vand.u32 $0xFFFFFFF0, v59  }
0xb8: {  	v3 =	vor.u32 v3, v4  }
0xb9: {  	v4 =	vperm.xlane v3, v0;
	_ =	sdelay $0x1  }
0xba: {  	v3 =	vperm.xlane v3, v2;
	v4 =	vadd.s32 v1, v4;
	_ =	sdelay $0x1  }
0xbb: {  	v3 =	vadd.s32 v1, v3;
	_ =	sdelay $0x2  }
0xbc: {  	[tilespmem:s21], [sflag:$0x1] =	stream.indirect_vreg.gather [hbm4b:s3+s2], $0x80, v4, vm0, $0xb8;
	[tilespmem:$0x12200] =	vst v63  }
0xbd: {  	_ = 	snop  }
0xbe: {  	[tilespmem:s22], [sflag:$0x1] =	stream.indirect_vreg.gather [hbm4b:s3+s2], $0x80, v3, vm0, $0xb8;
	[tilespmem:$0x12200] =	vst v63  }
0xbf: {  	v3 =	vld [tilespmem:$0x120];
	_ =	sdelay $0x4  }
0xc0: {  	v60 =	vshll.u32 v3, $0x1  }
0xc1: {  	v3 =	vand.u32 $0x7, v3;
	v4 =	vand.u32 $0xFFFFFFF0, v60  }
0xc2: {  	v3 =	vor.u32 v3, v4  }
0xc3: {  	v4 =	vperm.xlane v3, v0;
	_ =	sdelay $0x1  }
0xc4: {  	v3 =	vperm.xlane v3, v2;
	v4 =	vadd.s32 v1, v4;
	_ =	sdelay $0x1  }
0xc5: {  	v3 =	vadd.s32 v1, v3;
	_ =	sdelay $0x2  }
0xc6: {  	[tilespmem:s23], [sflag:$0x1] =	stream.indirect_vreg.gather [hbm4b:s3+s2], $0x80, v4, vm0, $0xb8;
	[tilespmem:$0x12200] =	vst v63  }
0xc7: {  	_ = 	snop  }
0xc8: {  	[tilespmem:s24], [sflag:$0x1] =	stream.indirect_vreg.gather [hbm4b:s3+s2], $0x80, v3, vm0, $0xb8;
	[tilespmem:$0x12200] =	vst v63  }
0xc9: {  	v3 =	vld [tilespmem:$0x130];
	_ =	sdelay $0x4  }
0xca: {  	v61 =	vshll.u32 v3, $0x1  }
0xcb: {  	v3 =	vand.u32 $0x7, v3;
	v4 =	vand.u32 $0xFFFFFFF0, v61  }
0xcc: {  	v3 =	vor.u32 v3, v4  }
0xcd: {  	v4 =	vperm.xlane v3, v0;
	_ =	sdelay $0x1  }
0xce: {  	v3 =	vperm.xlane v3, v2;
	v4 =	vadd.s32 v1, v4;
	_ =	sdelay $0x1  }
0xcf: {  	v3 =	vadd.s32 v1, v3;
	_ =	sdelay $0x2  }
0xd0: {  	[tilespmem:s25], [sflag:$0x1] =	stream.indirect_vreg.gather [hbm4b:s3+s2], $0x80, v4, vm0, $0xb8;
	[tilespmem:$0x12200] =	vst v63  }
0xd1: {  	_ = 	snop  }
0xd2: {  	[tilespmem:s26], [sflag:$0x1] =	stream.indirect_vreg.gather [hbm4b:s3+s2], $0x80, v3, vm0, $0xb8;
	[tilespmem:$0x12200] =	vst v63  }
0xd3: {  	v3 =	vld [tilespmem:$0x140];
	_ =	sdelay $0x4  }
0xd4: {  	v62 =	vshll.u32 v3, $0x1  }
0xd5: {  	v3 =	vand.u32 $0x7, v3;
	v4 =	vand.u32 $0xFFFFFFF0, v62  }
0xd6: {  	v3 =	vor.u32 v3, v4  }
0xd7: {  	v4 =	vperm.xlane v3, v0;
	_ =	sdelay $0x1  }
0xd8: {  	v3 =	vperm.xlane v3, v2;
	v4 =	vadd.s32 v1, v4;
	_ =	sdelay $0x1  }
0xd9: {  	v3 =	vadd.s32 v1, v3;
	_ =	sdelay $0x2  }
0xda: {  	[tilespmem:s28], [sflag:$0x1] =	stream.indirect_vreg.gather [hbm4b:s3+s2], $0x80, v4, vm0, $0xb8;
	[tilespmem:$0x12200] =	vst v63  }
0xdb: {  	_ = 	snop  }
0xdc: {  	[tilespmem:s29], [sflag:$0x1] =	stream.indirect_vreg.gather [hbm4b:s3+s2], $0x80, v3, vm0, $0xb8;
	[tilespmem:$0x12200] =	vst v63  }
0xdd: {  	v3 =	vld [tilespmem:$0x150];
	_ =	sdelay $0x4  }
0xde: {  	v63 =	vshll.u32 v3, $0x1  }
0xdf: {  	v3 =	vand.u32 $0x7, v3;
	v4 =	vand.u32 $0xFFFFFFF0, v63  }
0xe0: {  	v3 =	vor.u32 v3, v4  }
0xe1: {  	v4 =	vperm.xlane v3, v0;
	_ =	sdelay $0x1  }
0xe2: {  	v3 =	vperm.xlane v3, v2;
	v4 =	vadd.s32 v1, v4;
	_ =	sdelay $0x1  }
0xe3: {  	v3 =	vadd.s32 v1, v3;
	_ =	sdelay $0x2  }
0xe4: {  	[tilespmem:s30], [sflag:$0x1] =	stream.indirect_vreg.gather [hbm4b:s3+s2], $0x80, v4, vm0, $0xb8;
	[tilespmem:$0x12200] =	vst v63  }
0xe5: {  	_ = 	snop  }
0xe6: {  	[tilespmem:s31], [sflag:$0x1] =	stream.indirect_vreg.gather [hbm4b:s3+s2], $0x80, v3, vm0, $0xb8;
	[tilespmem:$0x12200] =	vst v63  }
0xe7: {  	_ =	swait.ge [sflag:s1], $0x6000  }
0xe8: {  	[sflag:s1] =	ssyncset.done $0x0  }
0xe9: {  	[sflag:s1] =	ssyncadd.s32 $0xFFFFA000  }
0xea: {  	_ =	swait.ge [sflag:s1], $0x6000  }
0xeb: {  	[sflag:s1] =	ssyncset.done $0x0  }
0xec: {  	[sflag:s1] =	ssyncadd.s32 $0xFFFFA000  }
0xed: {  	_ =	swait.ge [sflag:s1], $0x6000  }
0xee: {  	p0 =	sne.s32 s4, $0x1;
	[sflag:s1] =	ssyncset.done $0x0  }
.Ltmp0:
0xef: {  	s8 =	rddreg [dreg:$0x5];
	[sflag:s1] =	ssyncadd.s32 $0xFFFFA000;
	(pc) =	sbr.rel @p0 .LBB2_1-.Ltmp0, $4  }
0xf0: {  	[hbm4b:s8+s2] =	stream.linear.scatter [tilespmem:s6], [sflag:$0x2], $0x12000, $0x38;
	[tilespmem:$0x12200] =	vst v63  }
0xf1: {  	_ =	swait.ge [sflag:s5], $0x12000  }
0xf2: {  	[sflag:s5] =	ssyncset.done $0x0  }
0xf3: {  	s4 =	sadd.s32 $0xFFFFFFFF, s4;
	[sflag:s5] =	ssyncadd.s32 $0xFFFEE000  }
0xf4: {  	_ =	sfence.sel $0x180000  }
0xf5: {  	[bflag:$0x0] =	sbarrier.arrive $0xFFFF  }
0xf6: {  	_ =	strace $0x90000050  }
0xf7: {  	s0 =	stileid.u32;
	[bflag:$0x2] =	sbarrier.arrive $0xFFFF  }
0xf8: {  	p0 =	sne.s32 s0, $0x0;
	s0 =	rddreg [dreg:$0x1]  }
0xf9: {  	s0 =	sadd.s32 @!p0 $0x100000, s0  }
0xfa: {  	[sflag:s0] =	ssyncadd.tile.s32 @!p0 $0x1;
	_ =	shalt  }
.Lfunc_end2:
_tile_overlayer_lowered:
.L_overlay_start_2:
0xfb: {  	(tag) =	ssettag $0x2  }
0xfc: {  	s0 =	rddreg [dreg:$0x0];
	s2 =	stileid.u32  }
0xfd: {  	s1 =	rddreg [dreg:$0x1];
	p0 =	sne.s32 s2, $0x0  }
0xfe: {  	s3 =	rddreg [dreg:$0x2];
	[bflag:$0x3] =	sbarrier.arrive $0xFFFF;
	s2 =	simm.s32 @!p0 $0x1C02  }
0xff: {  	[timem:s3], [sflag:s2] =	dma.local @!p0 [hbm:s0], s1  }
0x100: {  	s0 =	simm.s32 @!p0 $0x2  }
0x101: {  	_ =	swait.ge @!p0 [sflag:s0], s1  }
0x102: {  	s1 =	ssub.s32 @!p0 $0x0, s1;
	[sflag:s0] =	ssyncset.done @!p0 $0x0  }
0x103: {  	[sflag:s0] =	ssyncadd.s32 @!p0 s1  }
0x104: {  	[bflag:$0x3] =	sbarrier.arrive $0xFFFF  }
0x105: {  	_ =	shalt  }

</sc_bundles>
